<compile_context>
chip_gen: v7x
topology: tpu7x:2x2x1
jax: 0.10.2.dev20260603
libtpu: 0.0.44.dev20260713+nightly
codegen_flags: <defaults>
</compile_context>

<pallas_src>
import functools

import jax
import jax.numpy as jnp
from jax import lax
from jax.experimental import pallas as pl
from jax.experimental.pallas import tpu as pltpu
from jax.experimental.pallas import tpu_sc as plsc

_B = 16384
_D = 64
_NC = 2
_NS = 16
_L = 16
_NW = _NC * _NS
_NCLS = 1000000
_SW = 128
_NSTRIP = (_NCLS + _SW - 1) // _SW
_SPW = (_NSTRIP + _NW - 1) // _NW
_LAST = _NSTRIP - 1
_CAP = 4096
_CHUNK = 2048
_NCHUNK = _B // _CHUNK
_NBUF = 6


@functools.partial(
    pl.kernel,
    out_type=jax.ShapeDtypeStruct((_NW, 128), jnp.float32),
    mesh=plsc.VectorSubcoreMesh(core_axis_name="c", subcore_axis_name="s"),
    compiler_params=pltpu.CompilerParams(
        use_tc_tiling_on_sc=True,
        needs_layout_passes=False,
        disable_bounds_checks=True,
    ),
    scratch_types=[
        pltpu.VMEM((_CHUNK,), jnp.int32),
        pltpu.VMEM((_CAP,), jnp.int32),
        pltpu.VMEM((_CAP,), jnp.int32),
        pltpu.SMEM((_SPW + 8,), jnp.int32),
        pltpu.SMEM((_SPW + 8,), jnp.int32),
        [pltpu.VMEM((_D, _SW), jnp.float32) for _ in range(_NBUF)],
        pltpu.VMEM((128,), jnp.float32),
        pltpu.VMEM((128,), jnp.float32),
        pltpu.VMEM_SHARED((_B // 16, 8, 128), jnp.float32),
        pltpu.SemaphoreType.DMA,
        pltpu.SemaphoreType.DMA,
    ],
)
def _center_loss_partials(label_hbm, feat_hbm, centers_t_hbm, out_hbm,
                          lab_v, mpk_v, bpk_v, cnt_s, slist_s, bufs,
                          fbuf_v, acc_v, feat_sh, sem, sem2):
    cid = lax.axis_index("c")
    sid = lax.axis_index("s")
    wid = sid * _NC + cid
    lanes = lax.iota(jnp.int32, _L)
    lane0 = lanes == 0

    @pl.when(sid == 0)
    def _():
        pltpu.sync_copy(feat_hbm, feat_sh)

    plsc.subcore_barrier()

    lo_strip = wid * _SPW
    lo = lo_strip * _SW
    hi = lo + _SPW * _SW
    zero = jnp.zeros((_L,), jnp.float32)

    def strip_src(s):
        s_eff = jnp.minimum(lo_strip + s, _LAST)
        off = pl.multiple_of(s_eff * _SW, _SW)
        return centers_t_hbm.at[:, pl.ds(off, _SW)]

    def wait_strip(buf):
        pltpu.make_async_copy(strip_src(jnp.int32(0)), buf, sem).wait()

    def segment(carry):
        h0, accs = carry

        def scan_chunk_cond(c):
            h, pos = c
            return (h < _NCHUNK) & (pos <= _CAP - _CHUNK)

        def scan_chunk(c):
            h, pos = c
            pltpu.sync_copy(label_hbm.at[pl.ds(h * _CHUNK, _CHUNK)], lab_v)

            def scan_body(k, pos):
                lv = lab_v[pl.ds(k * _L, _L)]
                m = (lv >= lo) & (lv < hi)
                pk = ((lv - lo) << 14) | (lanes + (h * _CHUNK + k * _L))
                plsc.store_compressed(mpk_v.at[pl.ds(pos, _L)], pk, mask=m)
                return pos + plsc.all_reduce_population_count(m)[0]

            pos = lax.fori_loop(0, _CHUNK // _L, scan_body, pos)
            return h + 1, pos

        h1, nm = lax.while_loop(scan_chunk_cond, scan_chunk,
                                (h0, jnp.int32(0)))

        def zero_body(s, carry):
            cnt_s[s] = 0
            return carry

        lax.fori_loop(0, _SPW + 1, zero_body, 0)

        def hist_body(m, carry):
            s = mpk_v[pl.ds(m, _L)][0] >> 21
            cnt_s[s] = cnt_s[s] + 1
            return carry

        lax.fori_loop(0, nm, hist_body, 0)

        def pfx_body(s, run):
            t = cnt_s[s]
            cnt_s[s] = run
            return run + t

        lax.fori_loop(0, _SPW + 1, pfx_body, jnp.int32(0))

        def ins_body(m, carry):
            pk = mpk_v[pl.ds(m, _L)][0]
            s = pk >> 21
            p = cnt_s[s]
            cnt_s[s] = p + 1
            plsc.store_scatter(bpk_v, [jnp.broadcast_to(p, (_L,))],
                               jnp.broadcast_to(pk, (_L,)), mask=lane0)
            return carry

        lax.fori_loop(0, nm, ins_body, 0)

        def build_body(s, carry):
            nu, prev = carry
            ce = cnt_s[s]

            @pl.when(ce > prev)
            def _():
                slist_s[nu] = s

            return jnp.where(ce > prev, nu + 1, nu), ce

        nu, _ = lax.fori_loop(0, _SPW, build_body,
                              (jnp.int32(0), jnp.int32(0)))

        @pl.when(nu == 0)
        def _():
            slist_s[0] = 0

        nu = jnp.maximum(nu, 1)

        def process(strip_v, ce, pe, accs):

            def mbody(m, accs):
                pk = bpk_v[pl.ds(m, _L)][0]
                r = pk & (_B - 1)
                cm = jnp.broadcast_to((pk >> 14) & (_SW - 1), (_L,))
                pltpu.sync_copy(feat_sh.at[r // 16, (r // 2) % 8], fbuf_v)
                foff = (r % 2) * _D
                new = []
                for q in range(_D // _L):
                    c = plsc.load_gather(strip_v, [lanes + q * _L, cm])
                    f = fbuf_v[pl.ds(foff + q * _L, _L)]
                    d = f - c
                    new.append(accs[q] + d * d)
                return tuple(new)

            accs = lax.fori_loop(pe, ce, mbody, accs)
            return ce, accs

        def sget(u):
            return slist_s[jnp.minimum(u, nu - 1)]

        for j in range(_NBUF):
            pltpu.async_copy(strip_src(sget(jnp.int32(j))), bufs[j], sem)

        def pipe_body(i, carry):
            pe, accs = carry
            u0 = i * _NBUF
            for j in range(_NBUF):
                wait_strip(bufs[j])
                pe, accs = process(bufs[j], cnt_s[sget(u0 + j)], pe, accs)
                pltpu.async_copy(strip_src(sget(u0 + j + _NBUF)), bufs[j],
                                 sem)
            return pe, accs

        ntr = (nu + _NBUF - 1) // _NBUF
        pe, accs = lax.fori_loop(0, ntr, pipe_body, (jnp.int32(0), accs))
        for j in range(_NBUF):
            wait_strip(bufs[j])

        return h1, accs

    def seg_cond(carry):
        h, _ = carry
        return h < _NCHUNK

    _, accs = lax.while_loop(seg_cond, segment,
                             (jnp.int32(0), (zero, zero, zero, zero)))

    zero16 = jnp.zeros((_L,), jnp.float32)
    for z in range(8):
        acc_v[pl.ds(z * _L, _L)] = zero16
    acc_v[pl.ds(0, _L)] = (accs[0] + accs[1]) + (accs[2] + accs[3])
    pltpu.sync_copy(acc_v, out_hbm.at[wid])


def kernel(label, feat, centers):
    feat2 = feat.reshape(_B // 16, 8, 128)
    partials = _center_loss_partials(label, feat2, centers.T)
    return jnp.sum(partials) * (0.5 / _B)

# --- scband reference (transcript-rebuilt; emitter-appended) ---
"""Pipeline reference for scband-center-loss-54357106098840 (READ-ONLY COPY).

The authoritative reference and input builder live on the scoring server;
editing this copy changes nothing except your own understanding.
"""

import jax, jax.numpy as jnp
import numpy as np

NUM_CLASSES = 1000000
FEAT_DIM = 64
BATCH = 16384

def setup_inputs(seed: int = 0) -> dict:
    key = jax.random.key(seed)
    k1, k2, k3 = jax.random.split(key, 3)
    label = jax.random.randint(k1, (BATCH,), 0, NUM_CLASSES, dtype=jnp.int32)
    feat = jax.random.normal(k2, (BATCH, FEAT_DIM), dtype=jnp.float32)
    centers = jax.random.normal(k3, (NUM_CLASSES, FEAT_DIM), dtype=jnp.float32)
    return {"label": label, "feat": feat, "centers": centers}

def reference(label, feat, centers):
    batch_size = feat.shape[0]
    feat = feat.reshape(batch_size, -1)
    # size_average=True -> divide by batch_size
    centers_batch = jnp.take(centers, label, axis=0)
    loss = jnp.sum(jnp.square(feat - centers_batch)) / 2.0 / batch_size
    return loss

if __name__ == "__main__":
    import jax
    _d = setup_inputs()
    print(jax.jit(kernel)(*tuple(_d.values())))

</pallas_src>

<mosaic_0001>
#map = affine_map<(d0, d1) -> (0)>
#map1 = affine_map<(d0, d1) -> (0, 0, 0)>
#map2 = affine_map<(d0, d1) -> (0, 0)>
module attributes {stable_mosaic.version = 14 : i64} {
  func.func @_center_loss_partials(%arg0: i32, %arg1: i32, %arg2: memref<16384xi32, #tpu.memory_space<hbm>>, %arg3: memref<1024x8x128xf32, #tpu.memory_space<hbm>>, %arg4: memref<64x1000000xf32, #tpu.memory_space<hbm>>, %arg5: memref<32x128xf32, #tpu.memory_space<hbm>>, %arg6: memref<2048xi32, #tpu.memory_space<vmem>>, %arg7: memref<4096xi32, #tpu.memory_space<vmem>>, %arg8: memref<4096xi32, #tpu.memory_space<vmem>>, %arg9: memref<253xi32, #tpu.memory_space<smem>>, %arg10: memref<253xi32, #tpu.memory_space<smem>>, %arg11: memref<64x128xf32, #tpu.memory_space<vmem>>, %arg12: memref<64x128xf32, #tpu.memory_space<vmem>>, %arg13: memref<64x128xf32, #tpu.memory_space<vmem>>, %arg14: memref<64x128xf32, #tpu.memory_space<vmem>>, %arg15: memref<64x128xf32, #tpu.memory_space<vmem>>, %arg16: memref<64x128xf32, #tpu.memory_space<vmem>>, %arg17: memref<128xf32, #tpu.memory_space<vmem>>, %arg18: memref<128xf32, #tpu.memory_space<vmem>>, %arg19: memref<1024x8x128xf32, #tpu.memory_space<vmem_shared>>, %arg20: memref<!tpu.dma_semaphore, #tpu.memory_space<semaphore_mem>>, %arg21: memref<!tpu.dma_semaphore, #tpu.memory_space<semaphore_mem>>) attributes {dimension_semantics = [#tpu.dimension_semantics<core_parallel>, #tpu.dimension_semantics<subcore_parallel>], iteration_bounds = array<i64: 2, 16>, scalar_prefetch = 0 : i64, scratch_operands = 16 : i64, tpu.core_type = #tpu.core_type<sc_vector_subcore>, window_params = [{transform_indices = #map}, {transform_indices = #map1}, {transform_indices = #map2}, {transform_indices = #map2}]} {
    %mul3A = arith.constant 2 : i32
    %mul3A_0 = arith.muli %arg1, %mul3A : i32
    %add3A = arith.addi %mul3A_0, %arg0 : i32
    %iota3A = tpu.iota {dimensions = array<i32: 0>} : vector<16xi32>
    %eq3A = arith.constant 0 : i32
    %eq3A_1 = vector.broadcast %eq3A : i32 to vector<16xi32>
    %eq3A_2 = arith.cmpi eq, %iota3A, %eq3A_1 : vector<16xi32>
    %eq3A_3 = arith.constant 0 : i32
    %eq3A_4 = arith.cmpi eq, %arg1, %eq3A_3 : i32
    %convert_element_type3A = arith.extui %eq3A_4 : i1 to i32
    %cond3A = arith.constant 0 : i32
    %cond3A_5 = arith.cmpi ne, %convert_element_type3A, %cond3A : i32
    scf.if %cond3A_5 {
      "tpu.region"() ({
        %run_scoped3A = tpu.sem_alloc : memref<!tpu.dma_semaphore, #tpu.memory_space<semaphore_mem>>
        tpu.enqueue_dma source(%arg3 : memref<1024x8x128xf32, #tpu.memory_space<hbm>>) target(%arg19 : memref<1024x8x128xf32, #tpu.memory_space<vmem_shared>>) target_semaphore(%run_scoped3A : memref<!tpu.dma_semaphore, #tpu.memory_space<semaphore_mem>>)
        tpu.wait_dma2 semaphore(%run_scoped3A : memref<!tpu.dma_semaphore, #tpu.memory_space<semaphore_mem>>) src(%arg3 : memref<1024x8x128xf32, #tpu.memory_space<hbm>>) dst(%arg19 : memref<1024x8x128xf32, #tpu.memory_space<vmem_shared>>)
        tpu.yield
      }) : () -> ()
    } else {
    }
    %barrier3A = arith.constant 0 : index
    tpu.barrier barrier_id(%barrier3A)
    %mul3A_6 = arith.constant 245 : i32
    %mul3A_7 = arith.muli %add3A, %mul3A_6 : i32
    %mul3A_8 = arith.constant 128 : i32
    %mul3A_9 = arith.muli %mul3A_7, %mul3A_8 : i32
    %add3A_10 = arith.constant 31360 : i32
    %add3A_11 = arith.addi %mul3A_9, %add3A_10 : i32
    %broadcast_in_dim3A = arith.constant 0.000000e+00 : f32
    %broadcast_in_dim3A_12 = vector.broadcast %broadcast_in_dim3A : f32 to vector<16xf32>
    %while3A = arith.constant 0 : i32
    %while3A_13:5 = scf.while (%while3A_36 = %while3A, %while3A_37 = %broadcast_in_dim3A_12, %while3A_38 = %broadcast_in_dim3A_12, %while3A_39 = %broadcast_in_dim3A_12, %while3A_40 = %broadcast_in_dim3A_12) : (i32, vector<16xf32>, vector<16xf32>, vector<16xf32>, vector<16xf32>) -> (i32, vector<16xf32>, vector<16xf32>, vector<16xf32>, vector<16xf32>) {
      %lt3A = arith.constant 8 : i32
      %lt3A_41 = arith.cmpi slt, %while3A_36, %lt3A : i32
      scf.condition(%lt3A_41) %while3A_36, %while3A_37, %while3A_38, %while3A_39, %while3A_40 : i32, vector<16xf32>, vector<16xf32>, vector<16xf32>, vector<16xf32>
    } do {
    ^bb0(%while3A_36: i32, %while3A_37: vector<16xf32>, %while3A_38: vector<16xf32>, %while3A_39: vector<16xf32>, %while3A_40: vector<16xf32>):
      %while3A_41 = arith.constant 0 : i32
      %while3A_42:2 = scf.while (%while3A_278 = %while3A_36, %while3A_279 = %while3A_41) : (i32, i32) -> (i32, i32) {
        %lt3A = arith.constant 8 : i32
        %lt3A_280 = arith.cmpi slt, %while3A_278, %lt3A : i32
        %le3A = arith.constant 2048 : i32
        %le3A_281 = arith.cmpi sle, %while3A_279, %le3A : i32
        %and3A_282 = arith.andi %lt3A_280, %le3A_281 : i1
        scf.condition(%and3A_282) %while3A_278, %while3A_279 : i32, i32
      } do {
      ^bb0(%while3A_278: i32, %while3A_279: i32):
        %mul3A_280 = arith.constant 2048 : i32
        %mul3A_281 = arith.muli %while3A_278, %mul3A_280 : i32
        "tpu.region"() ({
          %run_scoped3A = tpu.sem_alloc : memref<!tpu.dma_semaphore, #tpu.memory_space<semaphore_mem>>
          %dma_start3A_290 = tpu.memref_slice %arg2[%mul3A_281] : memref<16384xi32, #tpu.memory_space<hbm>> -> memref<2048xi32, #tpu.memory_space<hbm>>
          %dma_start3A_291 = tpu.memref_slice %arg2[%mul3A_281] : memref<16384xi32, #tpu.memory_space<hbm>> -> memref<2048xi32, #tpu.memory_space<hbm>>
          tpu.enqueue_dma source(%dma_start3A_291 : memref<2048xi32, #tpu.memory_space<hbm>>) target(%arg6 : memref<2048xi32, #tpu.memory_space<vmem>>) target_semaphore(%run_scoped3A : memref<!tpu.dma_semaphore, #tpu.memory_space<semaphore_mem>>)
          %dma_wait3A_292 = tpu.memref_slice %arg2[%mul3A_281] : memref<16384xi32, #tpu.memory_space<hbm>> -> memref<2048xi32, #tpu.memory_space<hbm>>
          %dma_wait3A_293 = tpu.memref_slice %arg2[%mul3A_281] : memref<16384xi32, #tpu.memory_space<hbm>> -> memref<2048xi32, #tpu.memory_space<hbm>>
          tpu.wait_dma2 semaphore(%run_scoped3A : memref<!tpu.dma_semaphore, #tpu.memory_space<semaphore_mem>>) src(%dma_wait3A_293 : memref<2048xi32, #tpu.memory_space<hbm>>) dst(%arg6 : memref<2048xi32, #tpu.memory_space<vmem>>)
          tpu.yield
        }) : () -> ()
        %scan3A_282 = arith.constant 0 : i32
        %scan3A_283 = arith.constant 128 : i32
        %scan3A_284 = arith.addi %scan3A_282, %scan3A_283 : i32
        %scan3A_285 = arith.constant 1 : i32
        %scan3A_286 = scf.for %scan3A_290 = %scan3A_282 to %scan3A_284 step %scan3A_285 iter_args(%scan3A_291 = %while3A_279) -> (i32)  : i32 {
          %mul3A_292 = arith.constant 16 : i32
          %mul3A_293 = arith.muli %scan3A_290, %mul3A_292 : i32
          %get3A_294 = arith.index_cast %mul3A_293 : i32 to index
          %get3A_295 = tpu.vector_load %arg6[%get3A_294] {strides = array<i32>} : memref<2048xi32, #tpu.memory_space<vmem>>, vector<16xi32>,
          %ge3A = vector.broadcast %mul3A_9 : i32 to vector<16xi32>
          %ge3A_296 = arith.cmpi sge, %get3A_295, %ge3A : vector<16xi32>
          %lt3A = vector.broadcast %add3A_11 : i32 to vector<16xi32>
          %lt3A_297 = arith.cmpi slt, %get3A_295, %lt3A : vector<16xi32>
          %and3A_298 = arith.andi %ge3A_296, %lt3A_297 : vector<16xi1>
          %sub3A_299 = vector.broadcast %mul3A_9 : i32 to vector<16xi32>
          %sub3A_300 = arith.subi %get3A_295, %sub3A_299 : vector<16xi32>
          %shift_left3A = arith.constant 14 : i32
          %shift_left3A_301 = vector.broadcast %shift_left3A : i32 to vector<16xi32>
          %shift_left3A_302 = arith.shli %sub3A_300, %shift_left3A_301 : vector<16xi32>
          %mul3A_303 = arith.constant 2048 : i32
          %mul3A_304 = arith.muli %while3A_278, %mul3A_303 : i32
          %mul3A_305 = arith.constant 16 : i32
          %mul3A_306 = arith.muli %scan3A_290, %mul3A_305 : i32
          %add3A_307 = arith.addi %mul3A_304, %mul3A_306 : i32
          %add3A_308 = vector.broadcast %add3A_307 : i32 to vector<16xi32>
          %add3A_309 = arith.addi %iota3A, %add3A_308 : vector<16xi32>
          %or3A = arith.ori %shift_left3A_302, %add3A_309 : vector<16xi32>
          %swap3A_310 = arith.index_cast %scan3A_291 : i32 to index
          %swap3A_311 = tpu.vector_load %arg7[%swap3A_310] masked %and3A_298 {strides = array<i32>} : memref<4096xi32, #tpu.memory_space<vmem>>, vector<16xi32>, vector<16xi1>
          tpu.vector_store %arg7[%swap3A_310], %or3A masked %and3A_298 {strides = array<i32>} : memref<4096xi32, #tpu.memory_space<vmem>>, vector<16xi32>, vector<16xi1>
          %all_reduce_population_count3A = tpu.all_reduce %and3A_298 {dim = 0 : i64, kind = #tpu.reduction_kind<sum>} : vector<16xi1> -> vector<16xi32>
          %slice3A = vector.extract_strided_slice %all_reduce_population_count3A {offsets = [0], sizes = [1], strides = [1]} : vector<16xi32> to vector<1xi32>
          %squeeze3A = vector.extract %slice3A[0] : i32 from vector<1xi32>
          %add3A_312 = arith.addi %scan3A_291, %squeeze3A : i32
          scf.yield %add3A_312 : i32
        }
        %scan3A_287 = arith.constant 128 : i32
        %add3A_288 = arith.constant 1 : i32
        %add3A_289 = arith.addi %while3A_278, %add3A_288 : i32
        scf.yield %add3A_289, %scan3A_286 : i32, i32
      }
      %scan3A = arith.constant 0 : i32
      %scan3A_43 = arith.constant 0 : i32
      %scan3A_44 = arith.constant 246 : i32
      %scan3A_45 = arith.addi %scan3A_43, %scan3A_44 : i32
      %scan3A_46 = arith.constant 1 : i32
      scf.for %scan3A_278 = %scan3A_43 to %scan3A_45 step %scan3A_46  : i32 {
        %swap3A_279 = arith.constant 0 : i32
        %swap3A_280 = arith.index_cast %scan3A_278 : i32 to index
        %swap3A_281 = memref.load %arg9[%swap3A_280] : memref<253xi32, #tpu.memory_space<smem>>
        memref.store %swap3A_279, %arg9[%swap3A_280] : memref<253xi32, #tpu.memory_space<smem>>
      }
      %scan3A_47 = arith.constant 246 : i32
      %while3A_48 = arith.constant 0 : i32
      %while3A_49 = arith.constant 0 : i32
      %while3A_50 = arith.subi %while3A_42#1, %while3A_49 : i32
      %while3A_51 = arith.addi %while3A_49, %while3A_50 : i32
      %while3A_52 = arith.constant 1 : i32
      %while3A_53 = arith.divsi %while3A_50, %while3A_52 : i32
      %while3A_54 = arith.muli %while3A_53, %while3A_52 : i32
      %while3A_55 = arith.addi %while3A_49, %while3A_54 : i32
      %while3A_56 = arith.constant 1 : i32
      scf.for %while3A_278 = %while3A_49 to %while3A_55 step %while3A_56  : i32 {
        %get3A_279 = arith.index_cast %while3A_278 : i32 to index
        %get3A_280 = tpu.vector_load %arg7[%get3A_279] {strides = array<i32>} : memref<4096xi32, #tpu.memory_space<vmem>>, vector<16xi32>,
        %slice3A = vector.extract_strided_slice %get3A_280 {offsets = [0], sizes = [1], strides = [1]} : vector<16xi32> to vector<1xi32>
        %squeeze3A = vector.extract %slice3A[0] : i32 from vector<1xi32>
        %shift_right_arithmetic3A = arith.constant 21 : i32
        %shift_right_arithmetic3A_281 = arith.shrsi %squeeze3A, %shift_right_arithmetic3A : i32
        %get3A_282 = arith.index_cast %shift_right_arithmetic3A_281 : i32 to index
        %get3A_283 = memref.load %arg9[%get3A_282] : memref<253xi32, #tpu.memory_space<smem>>
        %add3A_284 = arith.constant 1 : i32
        %add3A_285 = arith.addi %get3A_283, %add3A_284 : i32
        %swap3A_286 = arith.index_cast %shift_right_arithmetic3A_281 : i32 to index
        %swap3A_287 = memref.load %arg9[%swap3A_286] : memref<253xi32, #tpu.memory_space<smem>>
        memref.store %add3A_285, %arg9[%swap3A_286] : memref<253xi32, #tpu.memory_space<smem>>
      }
      %while3A_57 = arith.constant 1 : i32
      scf.for %while3A_278 = %while3A_55 to %while3A_51 step %while3A_57  : i32 {
        %get3A_279 = arith.index_cast %while3A_278 : i32 to index
        %get3A_280 = tpu.vector_load %arg7[%get3A_279] {strides = array<i32>} : memref<4096xi32, #tpu.memory_space<vmem>>, vector<16xi32>,
        %slice3A = vector.extract_strided_slice %get3A_280 {offsets = [0], sizes = [1], strides = [1]} : vector<16xi32> to vector<1xi32>
        %squeeze3A = vector.extract %slice3A[0] : i32 from vector<1xi32>
        %shift_right_arithmetic3A = arith.constant 21 : i32
        %shift_right_arithmetic3A_281 = arith.shrsi %squeeze3A, %shift_right_arithmetic3A : i32
        %get3A_282 = arith.index_cast %shift_right_arithmetic3A_281 : i32 to index
        %get3A_283 = memref.load %arg9[%get3A_282] : memref<253xi32, #tpu.memory_space<smem>>
        %add3A_284 = arith.constant 1 : i32
        %add3A_285 = arith.addi %get3A_283, %add3A_284 : i32
        %swap3A_286 = arith.index_cast %shift_right_arithmetic3A_281 : i32 to index
        %swap3A_287 = memref.load %arg9[%swap3A_286] : memref<253xi32, #tpu.memory_space<smem>>
        memref.store %add3A_285, %arg9[%swap3A_286] : memref<253xi32, #tpu.memory_space<smem>>
      }
      %scan3A_58 = arith.constant 0 : i32
      %scan3A_59 = arith.constant 0 : i32
      %scan3A_60 = arith.constant 246 : i32
      %scan3A_61 = arith.addi %scan3A_59, %scan3A_60 : i32
      %scan3A_62 = arith.constant 1 : i32
      %scan3A_63 = scf.for %scan3A_278 = %scan3A_59 to %scan3A_61 step %scan3A_62 iter_args(%scan3A_279 = %scan3A_58) -> (i32)  : i32 {
        %get3A_280 = arith.index_cast %scan3A_278 : i32 to index
        %get3A_281 = memref.load %arg9[%get3A_280] : memref<253xi32, #tpu.memory_space<smem>>
        %swap3A_282 = arith.index_cast %scan3A_278 : i32 to index
        %swap3A_283 = memref.load %arg9[%swap3A_282] : memref<253xi32, #tpu.memory_space<smem>>
        memref.store %scan3A_279, %arg9[%swap3A_282] : memref<253xi32, #tpu.memory_space<smem>>
        %add3A_284 = arith.addi %scan3A_279, %get3A_281 : i32
        scf.yield %add3A_284 : i32
      }
      %scan3A_64 = arith.constant 246 : i32
      %while3A_65 = arith.constant 0 : i32
      %while3A_66 = arith.constant 0 : i32
      %while3A_67 = arith.subi %while3A_42#1, %while3A_66 : i32
      %while3A_68 = arith.addi %while3A_66, %while3A_67 : i32
      %while3A_69 = arith.constant 1 : i32
      %while3A_70 = arith.divsi %while3A_67, %while3A_69 : i32
      %while3A_71 = arith.muli %while3A_70, %while3A_69 : i32
      %while3A_72 = arith.addi %while3A_66, %while3A_71 : i32
      %while3A_73 = arith.constant 1 : i32
      scf.for %while3A_278 = %while3A_66 to %while3A_72 step %while3A_73  : i32 {
        %get3A_279 = arith.index_cast %while3A_278 : i32 to index
        %get3A_280 = tpu.vector_load %arg7[%get3A_279] {strides = array<i32>} : memref<4096xi32, #tpu.memory_space<vmem>>, vector<16xi32>,
        %slice3A = vector.extract_strided_slice %get3A_280 {offsets = [0], sizes = [1], strides = [1]} : vector<16xi32> to vector<1xi32>
        %squeeze3A = vector.extract %slice3A[0] : i32 from vector<1xi32>
        %shift_right_arithmetic3A = arith.constant 21 : i32
        %shift_right_arithmetic3A_281 = arith.shrsi %squeeze3A, %shift_right_arithmetic3A : i32
        %get3A_282 = arith.index_cast %shift_right_arithmetic3A_281 : i32 to index
        %get3A_283 = memref.load %arg9[%get3A_282] : memref<253xi32, #tpu.memory_space<smem>>
        %add3A_284 = arith.constant 1 : i32
        %add3A_285 = arith.addi %get3A_283, %add3A_284 : i32
        %swap3A_286 = arith.index_cast %shift_right_arithmetic3A_281 : i32 to index
        %swap3A_287 = memref.load %arg9[%swap3A_286] : memref<253xi32, #tpu.memory_space<smem>>
        memref.store %add3A_285, %arg9[%swap3A_286] : memref<253xi32, #tpu.memory_space<smem>>
        %broadcast_in_dim3A_288 = vector.broadcast %get3A_283 : i32 to vector<16xi32>
        %broadcast_in_dim3A_289 = vector.broadcast %squeeze3A : i32 to vector<16xi32>
        tpu.vector_store_idx %arg8[%broadcast_in_dim3A_288], %broadcast_in_dim3A_289 masked %eq3A_2 : memref<4096xi32, #tpu.memory_space<vmem>>[vector<16xi32>], vector<16xi32>, vector<16xi1>
      }
      %while3A_74 = arith.constant 1 : i32
      scf.for %while3A_278 = %while3A_72 to %while3A_68 step %while3A_74  : i32 {
        %get3A_279 = arith.index_cast %while3A_278 : i32 to index
        %get3A_280 = tpu.vector_load %arg7[%get3A_279] {strides = array<i32>} : memref<4096xi32, #tpu.memory_space<vmem>>, vector<16xi32>,
        %slice3A = vector.extract_strided_slice %get3A_280 {offsets = [0], sizes = [1], strides = [1]} : vector<16xi32> to vector<1xi32>
        %squeeze3A = vector.extract %slice3A[0] : i32 from vector<1xi32>
        %shift_right_arithmetic3A = arith.constant 21 : i32
        %shift_right_arithmetic3A_281 = arith.shrsi %squeeze3A, %shift_right_arithmetic3A : i32
        %get3A_282 = arith.index_cast %shift_right_arithmetic3A_281 : i32 to index
        %get3A_283 = memref.load %arg9[%get3A_282] : memref<253xi32, #tpu.memory_space<smem>>
        %add3A_284 = arith.constant 1 : i32
        %add3A_285 = arith.addi %get3A_283, %add3A_284 : i32
        %swap3A_286 = arith.index_cast %shift_right_arithmetic3A_281 : i32 to index
        %swap3A_287 = memref.load %arg9[%swap3A_286] : memref<253xi32, #tpu.memory_space<smem>>
        memref.store %add3A_285, %arg9[%swap3A_286] : memref<253xi32, #tpu.memory_space<smem>>
        %broadcast_in_dim3A_288 = vector.broadcast %get3A_283 : i32 to vector<16xi32>
        %broadcast_in_dim3A_289 = vector.broadcast %squeeze3A : i32 to vector<16xi32>
        tpu.vector_store_idx %arg8[%broadcast_in_dim3A_288], %broadcast_in_dim3A_289 masked %eq3A_2 : memref<4096xi32, #tpu.memory_space<vmem>>[vector<16xi32>], vector<16xi32>, vector<16xi1>
      }
      %scan3A_75 = arith.constant 0 : i32
      %scan3A_76 = arith.constant 0 : i32
      %scan3A_77 = arith.constant 0 : i32
      %scan3A_78 = arith.constant 245 : i32
      %scan3A_79 = arith.addi %scan3A_77, %scan3A_78 : i32
      %scan3A_80 = arith.constant 1 : i32
      %scan3A_81:2 = scf.for %scan3A_278 = %scan3A_77 to %scan3A_79 step %scan3A_80 iter_args(%scan3A_279 = %scan3A_75, %scan3A_280 = %scan3A_76) -> (i32, i32)  : i32 {
        %get3A_281 = arith.index_cast %scan3A_278 : i32 to index
        %get3A_282 = memref.load %arg9[%get3A_281] : memref<253xi32, #tpu.memory_space<smem>>
        %gt3A = arith.cmpi sgt, %get3A_282, %scan3A_280 : i32
        %convert_element_type3A_283 = arith.extui %gt3A : i1 to i32
        %cond3A_284 = arith.constant 0 : i32
        %cond3A_285 = arith.cmpi ne, %convert_element_type3A_283, %cond3A_284 : i32
        scf.if %cond3A_285 {
          %swap3A_290 = arith.index_cast %scan3A_279 : i32 to index
          %swap3A_291 = memref.load %arg10[%swap3A_290] : memref<253xi32, #tpu.memory_space<smem>>
          memref.store %scan3A_278, %arg10[%swap3A_290] : memref<253xi32, #tpu.memory_space<smem>>
        } else {
        }
        %gt3A_286 = arith.cmpi sgt, %get3A_282, %scan3A_280 : i32
        %add3A_287 = arith.constant 1 : i32
        %add3A_288 = arith.addi %scan3A_279, %add3A_287 : i32
        %select_n3A_289 = arith.select %gt3A_286, %add3A_288, %scan3A_279 : i32
        scf.yield %select_n3A_289, %get3A_282 : i32, i32
      }
      %scan3A_82 = arith.constant 245 : i32
      %eq3A_83 = arith.constant 0 : i32
      %eq3A_84 = arith.cmpi eq, %scan3A_81#0, %eq3A_83 : i32
      %convert_element_type3A_85 = arith.extui %eq3A_84 : i1 to i32
      %cond3A_86 = arith.constant 0 : i32
      %cond3A_87 = arith.cmpi ne, %convert_element_type3A_85, %cond3A_86 : i32
      scf.if %cond3A_87 {
        %swap3A_278 = arith.constant 0 : i32
        %swap3A_279 = arith.constant 0 : i32
        %swap3A_280 = arith.index_cast %swap3A_279 : i32 to index
        %swap3A_281 = memref.load %arg10[%swap3A_280] : memref<253xi32, #tpu.memory_space<smem>>
        memref.store %swap3A_278, %arg10[%swap3A_280] : memref<253xi32, #tpu.memory_space<smem>>
      } else {
      }
      %max3A = arith.constant 1 : i32
      %max3A_88 = arith.maxsi %scan3A_81#0, %max3A : i32
      %sub3A = arith.constant 1 : i32
      %sub3A_89 = arith.subi %max3A_88, %sub3A : i32
      %min3A = arith.constant 0 : i32
      %min3A_90 = arith.minsi %min3A, %sub3A_89 : i32
      %get3A = arith.index_cast %min3A_90 : i32 to index
      %get3A_91 = memref.load %arg10[%get3A] : memref<253xi32, #tpu.memory_space<smem>>
      %add3A_92 = arith.addi %mul3A_7, %get3A_91 : i32
      %min3A_93 = arith.constant 7812 : i32
      %min3A_94 = arith.minsi %add3A_92, %min3A_93 : i32
      %mul3A_95 = arith.constant 128 : i32
      %mul3A_96 = arith.muli %min3A_94, %mul3A_95 : i32
      %multiple_of3A = tpu.assume_multiple %mul3A_96, 128 : i32
      %dma_start3A = arith.constant 0 : i32
      %dma_start3A_97 = tpu.memref_slice %arg4[%dma_start3A, %multiple_of3A] : memref<64x1000000xf32, #tpu.memory_space<hbm>> -> memref<64x128xf32, #tpu.memory_space<hbm>>
      %dma_start3A_98 = arith.constant 0 : i32
      %dma_start3A_99 = tpu.memref_slice %arg4[%dma_start3A_98, %multiple_of3A] : memref<64x1000000xf32, #tpu.memory_space<hbm>> -> memref<64x128xf32, #tpu.memory_space<hbm>>
      tpu.enqueue_dma source(%dma_start3A_99 : memref<64x128xf32, #tpu.memory_space<hbm>>) target(%arg11 : memref<64x128xf32, #tpu.memory_space<vmem>>) target_semaphore(%arg20 : memref<!tpu.dma_semaphore, #tpu.memory_space<semaphore_mem>>)
      %sub3A_100 = arith.constant 1 : i32
      %sub3A_101 = arith.subi %max3A_88, %sub3A_100 : i32
      %min3A_102 = arith.constant 1 : i32
      %min3A_103 = arith.minsi %min3A_102, %sub3A_101 : i32
      %get3A_104 = arith.index_cast %min3A_103 : i32 to index
      %get3A_105 = memref.load %arg10[%get3A_104] : memref<253xi32, #tpu.memory_space<smem>>
      %add3A_106 = arith.addi %mul3A_7, %get3A_105 : i32
      %min3A_107 = arith.constant 7812 : i32
      %min3A_108 = arith.minsi %add3A_106, %min3A_107 : i32
      %mul3A_109 = arith.constant 128 : i32
      %mul3A_110 = arith.muli %min3A_108, %mul3A_109 : i32
      %multiple_of3A_111 = tpu.assume_multiple %mul3A_110, 128 : i32
      %dma_start3A_112 = arith.constant 0 : i32
      %dma_start3A_113 = tpu.memref_slice %arg4[%dma_start3A_112, %multiple_of3A_111] : memref<64x1000000xf32, #tpu.memory_space<hbm>> -> memref<64x128xf32, #tpu.memory_space<hbm>>
      %dma_start3A_114 = arith.constant 0 : i32
      %dma_start3A_115 = tpu.memref_slice %arg4[%dma_start3A_114, %multiple_of3A_111] : memref<64x1000000xf32, #tpu.memory_space<hbm>> -> memref<64x128xf32, #tpu.memory_space<hbm>>
      tpu.enqueue_dma source(%dma_start3A_115 : memref<64x128xf32, #tpu.memory_space<hbm>>) target(%arg12 : memref<64x128xf32, #tpu.memory_space<vmem>>) target_semaphore(%arg20 : memref<!tpu.dma_semaphore, #tpu.memory_space<semaphore_mem>>)
      %sub3A_116 = arith.constant 1 : i32
      %sub3A_117 = arith.subi %max3A_88, %sub3A_116 : i32
      %min3A_118 = arith.constant 2 : i32
      %min3A_119 = arith.minsi %min3A_118, %sub3A_117 : i32
      %get3A_120 = arith.index_cast %min3A_119 : i32 to index
      %get3A_121 = memref.load %arg10[%get3A_120] : memref<253xi32, #tpu.memory_space<smem>>
      %add3A_122 = arith.addi %mul3A_7, %get3A_121 : i32
      %min3A_123 = arith.constant 7812 : i32
      %min3A_124 = arith.minsi %add3A_122, %min3A_123 : i32
      %mul3A_125 = arith.constant 128 : i32
      %mul3A_126 = arith.muli %min3A_124, %mul3A_125 : i32
      %multiple_of3A_127 = tpu.assume_multiple %mul3A_126, 128 : i32
      %dma_start3A_128 = arith.constant 0 : i32
      %dma_start3A_129 = tpu.memref_slice %arg4[%dma_start3A_128, %multiple_of3A_127] : memref<64x1000000xf32, #tpu.memory_space<hbm>> -> memref<64x128xf32, #tpu.memory_space<hbm>>
      %dma_start3A_130 = arith.constant 0 : i32
      %dma_start3A_131 = tpu.memref_slice %arg4[%dma_start3A_130, %multiple_of3A_127] : memref<64x1000000xf32, #tpu.memory_space<hbm>> -> memref<64x128xf32, #tpu.memory_space<hbm>>
      tpu.enqueue_dma source(%dma_start3A_131 : memref<64x128xf32, #tpu.memory_space<hbm>>) target(%arg13 : memref<64x128xf32, #tpu.memory_space<vmem>>) target_semaphore(%arg20 : memref<!tpu.dma_semaphore, #tpu.memory_space<semaphore_mem>>)
      %sub3A_132 = arith.constant 1 : i32
      %sub3A_133 = arith.subi %max3A_88, %sub3A_132 : i32
      %min3A_134 = arith.constant 3 : i32
      %min3A_135 = arith.minsi %min3A_134, %sub3A_133 : i32
      %get3A_136 = arith.index_cast %min3A_135 : i32 to index
      %get3A_137 = memref.load %arg10[%get3A_136] : memref<253xi32, #tpu.memory_space<smem>>
      %add3A_138 = arith.addi %mul3A_7, %get3A_137 : i32
      %min3A_139 = arith.constant 7812 : i32
      %min3A_140 = arith.minsi %add3A_138, %min3A_139 : i32
      %mul3A_141 = arith.constant 128 : i32
      %mul3A_142 = arith.muli %min3A_140, %mul3A_141 : i32
      %multiple_of3A_143 = tpu.assume_multiple %mul3A_142, 128 : i32
      %dma_start3A_144 = arith.constant 0 : i32
      %dma_start3A_145 = tpu.memref_slice %arg4[%dma_start3A_144, %multiple_of3A_143] : memref<64x1000000xf32, #tpu.memory_space<hbm>> -> memref<64x128xf32, #tpu.memory_space<hbm>>
      %dma_start3A_146 = arith.constant 0 : i32
      %dma_start3A_147 = tpu.memref_slice %arg4[%dma_start3A_146, %multiple_of3A_143] : memref<64x1000000xf32, #tpu.memory_space<hbm>> -> memref<64x128xf32, #tpu.memory_space<hbm>>
      tpu.enqueue_dma source(%dma_start3A_147 : memref<64x128xf32, #tpu.memory_space<hbm>>) target(%arg14 : memref<64x128xf32, #tpu.memory_space<vmem>>) target_semaphore(%arg20 : memref<!tpu.dma_semaphore, #tpu.memory_space<semaphore_mem>>)
      %sub3A_148 = arith.constant 1 : i32
      %sub3A_149 = arith.subi %max3A_88, %sub3A_148 : i32
      %min3A_150 = arith.constant 4 : i32
      %min3A_151 = arith.minsi %min3A_150, %sub3A_149 : i32
      %get3A_152 = arith.index_cast %min3A_151 : i32 to index
      %get3A_153 = memref.load %arg10[%get3A_152] : memref<253xi32, #tpu.memory_space<smem>>
      %add3A_154 = arith.addi %mul3A_7, %get3A_153 : i32
      %min3A_155 = arith.constant 7812 : i32
      %min3A_156 = arith.minsi %add3A_154, %min3A_155 : i32
      %mul3A_157 = arith.constant 128 : i32
      %mul3A_158 = arith.muli %min3A_156, %mul3A_157 : i32
      %multiple_of3A_159 = tpu.assume_multiple %mul3A_158, 128 : i32
      %dma_start3A_160 = arith.constant 0 : i32
      %dma_start3A_161 = tpu.memref_slice %arg4[%dma_start3A_160, %multiple_of3A_159] : memref<64x1000000xf32, #tpu.memory_space<hbm>> -> memref<64x128xf32, #tpu.memory_space<hbm>>
      %dma_start3A_162 = arith.constant 0 : i32
      %dma_start3A_163 = tpu.memref_slice %arg4[%dma_start3A_162, %multiple_of3A_159] : memref<64x1000000xf32, #tpu.memory_space<hbm>> -> memref<64x128xf32, #tpu.memory_space<hbm>>
      tpu.enqueue_dma source(%dma_start3A_163 : memref<64x128xf32, #tpu.memory_space<hbm>>) target(%arg15 : memref<64x128xf32, #tpu.memory_space<vmem>>) target_semaphore(%arg20 : memref<!tpu.dma_semaphore, #tpu.memory_space<semaphore_mem>>)
      %sub3A_164 = arith.constant 1 : i32
      %sub3A_165 = arith.subi %max3A_88, %sub3A_164 : i32
      %min3A_166 = arith.constant 5 : i32
      %min3A_167 = arith.minsi %min3A_166, %sub3A_165 : i32
      %get3A_168 = arith.index_cast %min3A_167 : i32 to index
      %get3A_169 = memref.load %arg10[%get3A_168] : memref<253xi32, #tpu.memory_space<smem>>
      %add3A_170 = arith.addi %mul3A_7, %get3A_169 : i32
      %min3A_171 = arith.constant 7812 : i32
      %min3A_172 = arith.minsi %add3A_170, %min3A_171 : i32
      %mul3A_173 = arith.constant 128 : i32
      %mul3A_174 = arith.muli %min3A_172, %mul3A_173 : i32
      %multiple_of3A_175 = tpu.assume_multiple %mul3A_174, 128 : i32
      %dma_start3A_176 = arith.constant 0 : i32
      %dma_start3A_177 = tpu.memref_slice %arg4[%dma_start3A_176, %multiple_of3A_175] : memref<64x1000000xf32, #tpu.memory_space<hbm>> -> memref<64x128xf32, #tpu.memory_space<hbm>>
      %dma_start3A_178 = arith.constant 0 : i32
      %dma_start3A_179 = tpu.memref_slice %arg4[%dma_start3A_178, %multiple_of3A_175] : memref<64x1000000xf32, #tpu.memory_space<hbm>> -> memref<64x128xf32, #tpu.memory_space<hbm>>
      tpu.enqueue_dma source(%dma_start3A_179 : memref<64x128xf32, #tpu.memory_space<hbm>>) target(%arg16 : memref<64x128xf32, #tpu.memory_space<vmem>>) target_semaphore(%arg20 : memref<!tpu.dma_semaphore, #tpu.memory_space<semaphore_mem>>)
      %add3A_180 = arith.constant 6 : i32
      %add3A_181 = arith.addi %max3A_88, %add3A_180 : i32
      %sub3A_182 = arith.constant 1 : i32
      %sub3A_183 = arith.subi %add3A_181, %sub3A_182 : i32
      %jit3A = arith.constant 6 : i32
      %div3A = arith.divsi %sub3A_183, %jit3A : i32
      %sign3A = arith.constant 0 : i32
      %sign3A_184 = arith.cmpi sgt, %sub3A_183, %sign3A : i32
      %sign3A_185 = arith.extui %sign3A_184 : i1 to i32
      %sign3A_186 = arith.constant 0 : i32
      %sign3A_187 = arith.cmpi slt, %sub3A_183, %sign3A_186 : i32
      %sign3A_188 = arith.extui %sign3A_187 : i1 to i32
      %sign3A_189 = arith.subi %sign3A_185, %sign3A_188 : i32
      %sign3A_190 = arith.constant 0 : i32
      %sign3A_191 = arith.cmpi sgt, %jit3A, %sign3A_190 : i32
      %sign3A_192 = arith.extui %sign3A_191 : i1 to i32
      %sign3A_193 = arith.constant 0 : i32
      %sign3A_194 = arith.cmpi slt, %jit3A, %sign3A_193 : i32
      %sign3A_195 = arith.extui %sign3A_194 : i1 to i32
      %sign3A_196 = arith.subi %sign3A_192, %sign3A_195 : i32
      %ne3A = arith.cmpi ne, %sign3A_189, %sign3A_196 : i32
      %rem3A = arith.remsi %sub3A_183, %jit3A : i32
      %ne3A_197 = arith.constant 0 : i32
      %ne3A_198 = arith.cmpi ne, %rem3A, %ne3A_197 : i32
      %and3A = arith.andi %ne3A, %ne3A_198 : i1
      %sub3A_199 = arith.constant 1 : i32
      %sub3A_200 = arith.subi %div3A, %sub3A_199 : i32
      %select_n3A = arith.select %and3A, %sub3A_200, %div3A : i32
      %while3A_201 = arith.constant 0 : i32
      %while3A_202 = arith.constant 0 : i32
      %while3A_203 = arith.subi %select_n3A, %while3A_201 : i32
      %while3A_204 = arith.addi %while3A_201, %while3A_203 : i32
      %while3A_205 = arith.constant 1 : i32
      %while3A_206 = arith.divsi %while3A_203, %while3A_205 : i32
      %while3A_207 = arith.muli %while3A_206, %while3A_205 : i32
      %while3A_208 = arith.addi %while3A_201, %while3A_207 : i32
      %while3A_209 = arith.constant 1 : i32
      %while3A_210:5 = scf.for %while3A_278 = %while3A_201 to %while3A_208 step %while3A_209 iter_args(%while3A_279 = %while3A_202, %while3A_280 = %while3A_37, %while3A_281 = %while3A_38, %while3A_282 = %while3A_39, %while3A_283 = %while3A_40) -> (i32, vector<16xf32>, vector<16xf32>, vector<16xf32>, vector<16xf32>)  : i32 {
        %mul3A_284 = arith.constant 6 : i32
        %mul3A_285 = arith.muli %while3A_278, %mul3A_284 : i32
        %add3A_286 = arith.constant 0 : i32
        %add3A_287 = arith.addi %mul3A_7, %add3A_286 : i32
        %min3A_288 = arith.constant 7812 : i32
        %min3A_289 = arith.minsi %add3A_287, %min3A_288 : i32
        %mul3A_290 = arith.constant 128 : i32
        %mul3A_291 = arith.muli %min3A_289, %mul3A_290 : i32
        %multiple_of3A_292 = tpu.assume_multiple %mul3A_291, 128 : i32
        %dma_wait3A_293 = arith.constant 0 : i32
        %dma_wait3A_294 = tpu.memref_slice %arg4[%dma_wait3A_293, %multiple_of3A_292] : memref<64x1000000xf32, #tpu.memory_space<hbm>> -> memref<64x128xf32, #tpu.memory_space<hbm>>
        %dma_wait3A_295 = arith.constant 0 : i32
        %dma_wait3A_296 = tpu.memref_slice %arg4[%dma_wait3A_295, %multiple_of3A_292] : memref<64x1000000xf32, #tpu.memory_space<hbm>> -> memref<64x128xf32, #tpu.memory_space<hbm>>
        tpu.wait_dma2 semaphore(%arg20 : memref<!tpu.dma_semaphore, #tpu.memory_space<semaphore_mem>>) src(%dma_wait3A_296 : memref<64x128xf32, #tpu.memory_space<hbm>>) dst(%arg11 : memref<64x128xf32, #tpu.memory_space<vmem>>)
        %add3A_297 = arith.constant 0 : i32
        %add3A_298 = arith.addi %mul3A_285, %add3A_297 : i32
        %sub3A_299 = arith.constant 1 : i32
        %sub3A_300 = arith.subi %max3A_88, %sub3A_299 : i32
        %min3A_301 = arith.minsi %add3A_298, %sub3A_300 : i32
        %get3A_302 = arith.index_cast %min3A_301 : i32 to index
        %get3A_303 = memref.load %arg10[%get3A_302] : memref<253xi32, #tpu.memory_space<smem>>
        %get3A_304 = arith.index_cast %get3A_303 : i32 to index
        %get3A_305 = memref.load %arg9[%get3A_304] : memref<253xi32, #tpu.memory_space<smem>>
        %while3A_306 = arith.subi %get3A_305, %while3A_279 : i32
        %while3A_307 = arith.addi %while3A_279, %while3A_306 : i32
        %while3A_308 = arith.constant 1 : i32
        %while3A_309 = arith.divsi %while3A_306, %while3A_308 : i32
        %while3A_310 = arith.muli %while3A_309, %while3A_308 : i32
        %while3A_311 = arith.addi %while3A_279, %while3A_310 : i32
        %while3A_312 = arith.constant 1 : i32
        %while3A_313:4 = scf.for %while3A_580 = %while3A_279 to %while3A_311 step %while3A_312 iter_args(%while3A_581 = %while3A_280, %while3A_582 = %while3A_281, %while3A_583 = %while3A_282, %while3A_584 = %while3A_283) -> (vector<16xf32>, vector<16xf32>, vector<16xf32>, vector<16xf32>)  : i32 {
          %get3A_585 = arith.index_cast %while3A_580 : i32 to index
          %get3A_586 = tpu.vector_load %arg8[%get3A_585] {strides = array<i32>} : memref<4096xi32, #tpu.memory_space<vmem>>, vector<16xi32>,
          %slice3A = vector.extract_strided_slice %get3A_586 {offsets = [0], sizes = [1], strides = [1]} : vector<16xi32> to vector<1xi32>
          %squeeze3A = vector.extract %slice3A[0] : i32 from vector<1xi32>
          %and3A_587 = arith.constant 16383 : i32
          %and3A_588 = arith.andi %squeeze3A, %and3A_587 : i32
          %shift_right_arithmetic3A = arith.constant 14 : i32
          %shift_right_arithmetic3A_589 = arith.shrsi %squeeze3A, %shift_right_arithmetic3A : i32
          %and3A_590 = arith.constant 127 : i32
          %and3A_591 = arith.andi %shift_right_arithmetic3A_589, %and3A_590 : i32
          %broadcast_in_dim3A_592 = vector.broadcast %and3A_591 : i32 to vector<16xi32>
          %jit3A_593 = arith.constant 16 : i32
          %div3A_594 = arith.divsi %and3A_588, %jit3A_593 : i32
          %sign3A_595 = arith.constant 0 : i32
          %sign3A_596 = arith.cmpi sgt, %and3A_588, %sign3A_595 : i32
          %sign3A_597 = arith.extui %sign3A_596 : i1 to i32
          %sign3A_598 = arith.constant 0 : i32
          %sign3A_599 = arith.cmpi slt, %and3A_588, %sign3A_598 : i32
          %sign3A_600 = arith.extui %sign3A_599 : i1 to i32
          %sign3A_601 = arith.subi %sign3A_597, %sign3A_600 : i32
          %sign3A_602 = arith.constant 0 : i32
          %sign3A_603 = arith.cmpi sgt, %jit3A_593, %sign3A_602 : i32
          %sign3A_604 = arith.extui %sign3A_603 : i1 to i32
          %sign3A_605 = arith.constant 0 : i32
          %sign3A_606 = arith.cmpi slt, %jit3A_593, %sign3A_605 : i32
          %sign3A_607 = arith.extui %sign3A_606 : i1 to i32
          %sign3A_608 = arith.subi %sign3A_604, %sign3A_607 : i32
          %ne3A_609 = arith.cmpi ne, %sign3A_601, %sign3A_608 : i32
          %rem3A_610 = arith.remsi %and3A_588, %jit3A_593 : i32
          %ne3A_611 = arith.constant 0 : i32
          %ne3A_612 = arith.cmpi ne, %rem3A_610, %ne3A_611 : i32
          %and3A_613 = arith.andi %ne3A_609, %ne3A_612 : i1
          %sub3A_614 = arith.constant 1 : i32
          %sub3A_615 = arith.subi %div3A_594, %sub3A_614 : i32
          %select_n3A_616 = arith.select %and3A_613, %sub3A_615, %div3A_594 : i32
          %jit3A_617 = arith.constant 2 : i32
          %div3A_618 = arith.divsi %and3A_588, %jit3A_617 : i32
          %sign3A_619 = arith.constant 0 : i32
          %sign3A_620 = arith.cmpi sgt, %and3A_588, %sign3A_619 : i32
          %sign3A_621 = arith.extui %sign3A_620 : i1 to i32
          %sign3A_622 = arith.constant 0 : i32
          %sign3A_623 = arith.cmpi slt, %and3A_588, %sign3A_622 : i32
          %sign3A_624 = arith.extui %sign3A_623 : i1 to i32
          %sign3A_625 = arith.subi %sign3A_621, %sign3A_624 : i32
          %sign3A_626 = arith.constant 0 : i32
          %sign3A_627 = arith.cmpi sgt, %jit3A_617, %sign3A_626 : i32
          %sign3A_628 = arith.extui %sign3A_627 : i1 to i32
          %sign3A_629 = arith.constant 0 : i32
          %sign3A_630 = arith.cmpi slt, %jit3A_617, %sign3A_629 : i32
          %sign3A_631 = arith.extui %sign3A_630 : i1 to i32
          %sign3A_632 = arith.subi %sign3A_628, %sign3A_631 : i32
          %ne3A_633 = arith.cmpi ne, %sign3A_625, %sign3A_632 : i32
          %rem3A_634 = arith.remsi %and3A_588, %jit3A_617 : i32
          %ne3A_635 = arith.constant 0 : i32
          %ne3A_636 = arith.cmpi ne, %rem3A_634, %ne3A_635 : i32
          %and3A_637 = arith.andi %ne3A_633, %ne3A_636 : i1
          %sub3A_638 = arith.constant 1 : i32
          %sub3A_639 = arith.subi %div3A_618, %sub3A_638 : i32
          %select_n3A_640 = arith.select %and3A_637, %sub3A_639, %div3A_618 : i32
          %jit3A_641 = arith.constant 8 : i32
          %eq3A_642 = arith.constant 0 : i32
          %eq3A_643 = arith.cmpi eq, %jit3A_641, %eq3A_642 : i32
          %jit3A_644 = arith.constant 1 : i32
          %select_n3A_645 = arith.select %eq3A_643, %jit3A_644, %jit3A_641 : i32
          %rem3A_646 = arith.remsi %select_n3A_640, %select_n3A_645 : i32
          %ne3A_647 = arith.constant 0 : i32
          %ne3A_648 = arith.cmpi ne, %rem3A_646, %ne3A_647 : i32
          %lt3A = arith.constant 0 : i32
          %lt3A_649 = arith.cmpi slt, %rem3A_646, %lt3A : i32
          %lt3A_650 = arith.constant 0 : i32
          %lt3A_651 = arith.cmpi slt, %select_n3A_645, %lt3A_650 : i32
          %ne3A_652 = arith.xori %lt3A_649, %lt3A_651 : i1
          %and3A_653 = arith.andi %ne3A_652, %ne3A_648 : i1
          %add3A_654 = arith.addi %rem3A_646, %select_n3A_645 : i32
          %select_n3A_655 = arith.select %and3A_653, %add3A_654, %rem3A_646 : i32
          "tpu.region"() ({
            %run_scoped3A = tpu.sem_alloc : memref<!tpu.dma_semaphore, #tpu.memory_space<semaphore_mem>>
            %dma_start3A_717 = arith.constant 0 : i32
            %dma_start3A_718 = tpu.memref_slice %arg19[%select_n3A_616, %select_n3A_655, %dma_start3A_717] : memref<1024x8x128xf32, #tpu.memory_space<vmem_shared>> -> memref<1x1x128xf32, #tpu.memory_space<vmem_shared>>
            %dma_start3A_719 = tpu.memref_squeeze %dma_start3A_718 : memref<1x1x128xf32, #tpu.memory_space<vmem_shared>> -> memref<128xf32, #tpu.memory_space<vmem_shared>>
            %dma_start3A_720 = arith.constant 0 : i32
            %dma_start3A_721 = tpu.memref_slice %arg19[%select_n3A_616, %select_n3A_655, %dma_start3A_720] : memref<1024x8x128xf32, #tpu.memory_space<vmem_shared>> -> memref<1x1x128xf32, #tpu.memory_space<vmem_shared>>
            %dma_start3A_722 = tpu.memref_squeeze %dma_start3A_721 : memref<1x1x128xf32, #tpu.memory_space<vmem_shared>> -> memref<128xf32, #tpu.memory_space<vmem_shared>>
            tpu.enqueue_dma source(%dma_start3A_722 : memref<128xf32, #tpu.memory_space<vmem_shared>>) target(%arg17 : memref<128xf32, #tpu.memory_space<vmem>>) target_semaphore(%run_scoped3A : memref<!tpu.dma_semaphore, #tpu.memory_space<semaphore_mem>>)
            %dma_wait3A_723 = arith.constant 0 : i32
            %dma_wait3A_724 = tpu.memref_slice %arg19[%select_n3A_616, %select_n3A_655, %dma_wait3A_723] : memref<1024x8x128xf32, #tpu.memory_space<vmem_shared>> -> memref<1x1x128xf32, #tpu.memory_space<vmem_shared>>
            %dma_wait3A_725 = tpu.memref_squeeze %dma_wait3A_724 : memref<1x1x128xf32, #tpu.memory_space<vmem_shared>> -> memref<128xf32, #tpu.memory_space<vmem_shared>>
            %dma_wait3A_726 = arith.constant 0 : i32
            %dma_wait3A_727 = tpu.memref_slice %arg19[%select_n3A_616, %select_n3A_655, %dma_wait3A_726] : memref<1024x8x128xf32, #tpu.memory_space<vmem_shared>> -> memref<1x1x128xf32, #tpu.memory_space<vmem_shared>>
            %dma_wait3A_728 = tpu.memref_squeeze %dma_wait3A_727 : memref<1x1x128xf32, #tpu.memory_space<vmem_shared>> -> memref<128xf32, #tpu.memory_space<vmem_shared>>
            tpu.wait_dma2 semaphore(%run_scoped3A : memref<!tpu.dma_semaphore, #tpu.memory_space<semaphore_mem>>) src(%dma_wait3A_728 : memref<128xf32, #tpu.memory_space<vmem_shared>>) dst(%arg17 : memref<128xf32, #tpu.memory_space<vmem>>)
            tpu.yield
          }) : () -> ()
          %jit3A_656 = arith.constant 2 : i32
          %eq3A_657 = arith.constant 0 : i32
          %eq3A_658 = arith.cmpi eq, %jit3A_656, %eq3A_657 : i32
          %jit3A_659 = arith.constant 1 : i32
          %select_n3A_660 = arith.select %eq3A_658, %jit3A_659, %jit3A_656 : i32
          %rem3A_661 = arith.remsi %and3A_588, %select_n3A_660 : i32
          %ne3A_662 = arith.constant 0 : i32
          %ne3A_663 = arith.cmpi ne, %rem3A_661, %ne3A_662 : i32
          %lt3A_664 = arith.constant 0 : i32
          %lt3A_665 = arith.cmpi slt, %rem3A_661, %lt3A_664 : i32
          %lt3A_666 = arith.constant 0 : i32
          %lt3A_667 = arith.cmpi slt, %select_n3A_660, %lt3A_666 : i32
          %ne3A_668 = arith.xori %lt3A_665, %lt3A_667 : i1
          %and3A_669 = arith.andi %ne3A_668, %ne3A_663 : i1
          %add3A_670 = arith.addi %rem3A_661, %select_n3A_660 : i32
          %select_n3A_671 = arith.select %and3A_669, %add3A_670, %rem3A_661 : i32
          %mul3A_672 = arith.constant 64 : i32
          %mul3A_673 = arith.muli %select_n3A_671, %mul3A_672 : i32
          %add3A_674 = arith.constant 0 : i32
          %add3A_675 = vector.broadcast %add3A_674 : i32 to vector<16xi32>
          %add3A_676 = arith.addi %iota3A, %add3A_675 : vector<16xi32>
          %gather3A = tpu.vector_load_idx %arg11[%add3A_676, %broadcast_in_dim3A_592] : memref<64x128xf32, #tpu.memory_space<vmem>>[vector<16xi32>, vector<16xi32>], vector<16xf32>,
          %add3A_677 = arith.constant 0 : i32
          %add3A_678 = arith.addi %mul3A_673, %add3A_677 : i32
          %get3A_679 = arith.index_cast %add3A_678 : i32 to index
          %get3A_680 = tpu.vector_load %arg17[%get3A_679] {strides = array<i32>} : memref<128xf32, #tpu.memory_space<vmem>>, vector<16xf32>,
          %sub3A_681 = arith.subf %get3A_680, %gather3A : vector<16xf32>
          %mul3A_682 = arith.mulf %sub3A_681, %sub3A_681 : vector<16xf32>
          %add3A_683 = arith.addf %while3A_581, %mul3A_682 : vector<16xf32>
          %add3A_684 = arith.constant 16 : i32
          %add3A_685 = vector.broadcast %add3A_684 : i32 to vector<16xi32>
          %add3A_686 = arith.addi %iota3A, %add3A_685 : vector<16xi32>
          %gather3A_687 = tpu.vector_load_idx %arg11[%add3A_686, %broadcast_in_dim3A_592] : memref<64x128xf32, #tpu.memory_space<vmem>>[vector<16xi32>, vector<16xi32>], vector<16xf32>,
          %add3A_688 = arith.constant 16 : i32
          %add3A_689 = arith.addi %mul3A_673, %add3A_688 : i32
          %get3A_690 = arith.index_cast %add3A_689 : i32 to index
          %get3A_691 = tpu.vector_load %arg17[%get3A_690] {strides = array<i32>} : memref<128xf32, #tpu.memory_space<vmem>>, vector<16xf32>,
          %sub3A_692 = arith.subf %get3A_691, %gather3A_687 : vector<16xf32>
          %mul3A_693 = arith.mulf %sub3A_692, %sub3A_692 : vector<16xf32>
          %add3A_694 = arith.addf %while3A_582, %mul3A_693 : vector<16xf32>
          %add3A_695 = arith.constant 32 : i32
          %add3A_696 = vector.broadcast %add3A_695 : i32 to vector<16xi32>
          %add3A_697 = arith.addi %iota3A, %add3A_696 : vector<16xi32>
          %gather3A_698 = tpu.vector_load_idx %arg11[%add3A_697, %broadcast_in_dim3A_592] : memref<64x128xf32, #tpu.memory_space<vmem>>[vector<16xi32>, vector<16xi32>], vector<16xf32>,
          %add3A_699 = arith.constant 32 : i32
          %add3A_700 = arith.addi %mul3A_673, %add3A_699 : i32
          %get3A_701 = arith.index_cast %add3A_700 : i32 to index
          %get3A_702 = tpu.vector_load %arg17[%get3A_701] {strides = array<i32>} : memref<128xf32, #tpu.memory_space<vmem>>, vector<16xf32>,
          %sub3A_703 = arith.subf %get3A_702, %gather3A_698 : vector<16xf32>
          %mul3A_704 = arith.mulf %sub3A_703, %sub3A_703 : vector<16xf32>
          %add3A_705 = arith.addf %while3A_583, %mul3A_704 : vector<16xf32>
          %add3A_706 = arith.constant 48 : i32
          %add3A_707 = vector.broadcast %add3A_706 : i32 to vector<16xi32>
          %add3A_708 = arith.addi %iota3A, %add3A_707 : vector<16xi32>
          %gather3A_709 = tpu.vector_load_idx %arg11[%add3A_708, %broadcast_in_dim3A_592] : memref<64x128xf32, #tpu.memory_space<vmem>>[vector<16xi32>, vector<16xi32>], vector<16xf32>,
          %add3A_710 = arith.constant 48 : i32
          %add3A_711 = arith.addi %mul3A_673, %add3A_710 : i32
          %get3A_712 = arith.index_cast %add3A_711 : i32 to index
          %get3A_713 = tpu.vector_load %arg17[%get3A_712] {strides = array<i32>} : memref<128xf32, #tpu.memory_space<vmem>>, vector<16xf32>,
          %sub3A_714 = arith.subf %get3A_713, %gather3A_709 : vector<16xf32>
          %mul3A_715 = arith.mulf %sub3A_714, %sub3A_714 : vector<16xf32>
          %add3A_716 = arith.addf %while3A_584, %mul3A_715 : vector<16xf32>
          scf.yield %add3A_683, %add3A_694, %add3A_705, %add3A_716 : vector<16xf32>, vector<16xf32>, vector<16xf32>, vector<16xf32>
        }
        %while3A_314 = arith.constant 1 : i32
        %while3A_315:4 = scf.for %while3A_580 = %while3A_311 to %while3A_307 step %while3A_314 iter_args(%while3A_581 = %while3A_313#0, %while3A_582 = %while3A_313#1, %while3A_583 = %while3A_313#2, %while3A_584 = %while3A_313#3) -> (vector<16xf32>, vector<16xf32>, vector<16xf32>, vector<16xf32>)  : i32 {
          %get3A_585 = arith.index_cast %while3A_580 : i32 to index
          %get3A_586 = tpu.vector_load %arg8[%get3A_585] {strides = array<i32>} : memref<4096xi32, #tpu.memory_space<vmem>>, vector<16xi32>,
          %slice3A = vector.extract_strided_slice %get3A_586 {offsets = [0], sizes = [1], strides = [1]} : vector<16xi32> to vector<1xi32>
          %squeeze3A = vector.extract %slice3A[0] : i32 from vector<1xi32>
          %and3A_587 = arith.constant 16383 : i32
          %and3A_588 = arith.andi %squeeze3A, %and3A_587 : i32
          %shift_right_arithmetic3A = arith.constant 14 : i32
          %shift_right_arithmetic3A_589 = arith.shrsi %squeeze3A, %shift_right_arithmetic3A : i32
          %and3A_590 = arith.constant 127 : i32
          %and3A_591 = arith.andi %shift_right_arithmetic3A_589, %and3A_590 : i32
          %broadcast_in_dim3A_592 = vector.broadcast %and3A_591 : i32 to vector<16xi32>
          %jit3A_593 = arith.constant 16 : i32
          %div3A_594 = arith.divsi %and3A_588, %jit3A_593 : i32
          %sign3A_595 = arith.constant 0 : i32
          %sign3A_596 = arith.cmpi sgt, %and3A_588, %sign3A_595 : i32
          %sign3A_597 = arith.extui %sign3A_596 : i1 to i32
          %sign3A_598 = arith.constant 0 : i32
          %sign3A_599 = arith.cmpi slt, %and3A_588, %sign3A_598 : i32
          %sign3A_600 = arith.extui %sign3A_599 : i1 to i32
          %sign3A_601 = arith.subi %sign3A_597, %sign3A_600 : i32
          %sign3A_602 = arith.constant 0 : i32
          %sign3A_603 = arith.cmpi sgt, %jit3A_593, %sign3A_602 : i32
          %sign3A_604 = arith.extui %sign3A_603 : i1 to i32
          %sign3A_605 = arith.constant 0 : i32
          %sign3A_606 = arith.cmpi slt, %jit3A_593, %sign3A_605 : i32
          %sign3A_607 = arith.extui %sign3A_606 : i1 to i32
          %sign3A_608 = arith.subi %sign3A_604, %sign3A_607 : i32
          %ne3A_609 = arith.cmpi ne, %sign3A_601, %sign3A_608 : i32
          %rem3A_610 = arith.remsi %and3A_588, %jit3A_593 : i32
          %ne3A_611 = arith.constant 0 : i32
          %ne3A_612 = arith.cmpi ne, %rem3A_610, %ne3A_611 : i32
          %and3A_613 = arith.andi %ne3A_609, %ne3A_612 : i1
          %sub3A_614 = arith.constant 1 : i32
          %sub3A_615 = arith.subi %div3A_594, %sub3A_614 : i32
          %select_n3A_616 = arith.select %and3A_613, %sub3A_615, %div3A_594 : i32
          %jit3A_617 = arith.constant 2 : i32
          %div3A_618 = arith.divsi %and3A_588, %jit3A_617 : i32
          %sign3A_619 = arith.constant 0 : i32
          %sign3A_620 = arith.cmpi sgt, %and3A_588, %sign3A_619 : i32
          %sign3A_621 = arith.extui %sign3A_620 : i1 to i32
          %sign3A_622 = arith.constant 0 : i32
          %sign3A_623 = arith.cmpi slt, %and3A_588, %sign3A_622 : i32
          %sign3A_624 = arith.extui %sign3A_623 : i1 to i32
          %sign3A_625 = arith.subi %sign3A_621, %sign3A_624 : i32
          %sign3A_626 = arith.constant 0 : i32
          %sign3A_627 = arith.cmpi sgt, %jit3A_617, %sign3A_626 : i32
          %sign3A_628 = arith.extui %sign3A_627 : i1 to i32
          %sign3A_629 = arith.constant 0 : i32
          %sign3A_630 = arith.cmpi slt, %jit3A_617, %sign3A_629 : i32
          %sign3A_631 = arith.extui %sign3A_630 : i1 to i32
          %sign3A_632 = arith.subi %sign3A_628, %sign3A_631 : i32
          %ne3A_633 = arith.cmpi ne, %sign3A_625, %sign3A_632 : i32
          %rem3A_634 = arith.remsi %and3A_588, %jit3A_617 : i32
          %ne3A_635 = arith.constant 0 : i32
          %ne3A_636 = arith.cmpi ne, %rem3A_634, %ne3A_635 : i32
          %and3A_637 = arith.andi %ne3A_633, %ne3A_636 : i1
          %sub3A_638 = arith.constant 1 : i32
          %sub3A_639 = arith.subi %div3A_618, %sub3A_638 : i32
          %select_n3A_640 = arith.select %and3A_637, %sub3A_639, %div3A_618 : i32
          %jit3A_641 = arith.constant 8 : i32
          %eq3A_642 = arith.constant 0 : i32
          %eq3A_643 = arith.cmpi eq, %jit3A_641, %eq3A_642 : i32
          %jit3A_644 = arith.constant 1 : i32
          %select_n3A_645 = arith.select %eq3A_643, %jit3A_644, %jit3A_641 : i32
          %rem3A_646 = arith.remsi %select_n3A_640, %select_n3A_645 : i32
          %ne3A_647 = arith.constant 0 : i32
          %ne3A_648 = arith.cmpi ne, %rem3A_646, %ne3A_647 : i32
          %lt3A = arith.constant 0 : i32
          %lt3A_649 = arith.cmpi slt, %rem3A_646, %lt3A : i32
          %lt3A_650 = arith.constant 0 : i32
          %lt3A_651 = arith.cmpi slt, %select_n3A_645, %lt3A_650 : i32
          %ne3A_652 = arith.xori %lt3A_649, %lt3A_651 : i1
          %and3A_653 = arith.andi %ne3A_652, %ne3A_648 : i1
          %add3A_654 = arith.addi %rem3A_646, %select_n3A_645 : i32
          %select_n3A_655 = arith.select %and3A_653, %add3A_654, %rem3A_646 : i32
          "tpu.region"() ({
            %run_scoped3A = tpu.sem_alloc : memref<!tpu.dma_semaphore, #tpu.memory_space<semaphore_mem>>
            %dma_start3A_717 = arith.constant 0 : i32
            %dma_start3A_718 = tpu.memref_slice %arg19[%select_n3A_616, %select_n3A_655, %dma_start3A_717] : memref<1024x8x128xf32, #tpu.memory_space<vmem_shared>> -> memref<1x1x128xf32, #tpu.memory_space<vmem_shared>>
            %dma_start3A_719 = tpu.memref_squeeze %dma_start3A_718 : memref<1x1x128xf32, #tpu.memory_space<vmem_shared>> -> memref<128xf32, #tpu.memory_space<vmem_shared>>
            %dma_start3A_720 = arith.constant 0 : i32
            %dma_start3A_721 = tpu.memref_slice %arg19[%select_n3A_616, %select_n3A_655, %dma_start3A_720] : memref<1024x8x128xf32, #tpu.memory_space<vmem_shared>> -> memref<1x1x128xf32, #tpu.memory_space<vmem_shared>>
            %dma_start3A_722 = tpu.memref_squeeze %dma_start3A_721 : memref<1x1x128xf32, #tpu.memory_space<vmem_shared>> -> memref<128xf32, #tpu.memory_space<vmem_shared>>
            tpu.enqueue_dma source(%dma_start3A_722 : memref<128xf32, #tpu.memory_space<vmem_shared>>) target(%arg17 : memref<128xf32, #tpu.memory_space<vmem>>) target_semaphore(%run_scoped3A : memref<!tpu.dma_semaphore, #tpu.memory_space<semaphore_mem>>)
            %dma_wait3A_723 = arith.constant 0 : i32
            %dma_wait3A_724 = tpu.memref_slice %arg19[%select_n3A_616, %select_n3A_655, %dma_wait3A_723] : memref<1024x8x128xf32, #tpu.memory_space<vmem_shared>> -> memref<1x1x128xf32, #tpu.memory_space<vmem_shared>>
            %dma_wait3A_725 = tpu.memref_squeeze %dma_wait3A_724 : memref<1x1x128xf32, #tpu.memory_space<vmem_shared>> -> memref<128xf32, #tpu.memory_space<vmem_shared>>
            %dma_wait3A_726 = arith.constant 0 : i32
            %dma_wait3A_727 = tpu.memref_slice %arg19[%select_n3A_616, %select_n3A_655, %dma_wait3A_726] : memref<1024x8x128xf32, #tpu.memory_space<vmem_shared>> -> memref<1x1x128xf32, #tpu.memory_space<vmem_shared>>
            %dma_wait3A_728 = tpu.memref_squeeze %dma_wait3A_727 : memref<1x1x128xf32, #tpu.memory_space<vmem_shared>> -> memref<128xf32, #tpu.memory_space<vmem_shared>>
            tpu.wait_dma2 semaphore(%run_scoped3A : memref<!tpu.dma_semaphore, #tpu.memory_space<semaphore_mem>>) src(%dma_wait3A_728 : memref<128xf32, #tpu.memory_space<vmem_shared>>) dst(%arg17 : memref<128xf32, #tpu.memory_space<vmem>>)
            tpu.yield
          }) : () -> ()
          %jit3A_656 = arith.constant 2 : i32
          %eq3A_657 = arith.constant 0 : i32
          %eq3A_658 = arith.cmpi eq, %jit3A_656, %eq3A_657 : i32
          %jit3A_659 = arith.constant 1 : i32
          %select_n3A_660 = arith.select %eq3A_658, %jit3A_659, %jit3A_656 : i32
          %rem3A_661 = arith.remsi %and3A_588, %select_n3A_660 : i32
          %ne3A_662 = arith.constant 0 : i32
          %ne3A_663 = arith.cmpi ne, %rem3A_661, %ne3A_662 : i32
          %lt3A_664 = arith.constant 0 : i32
          %lt3A_665 = arith.cmpi slt, %rem3A_661, %lt3A_664 : i32
          %lt3A_666 = arith.constant 0 : i32
          %lt3A_667 = arith.cmpi slt, %select_n3A_660, %lt3A_666 : i32
          %ne3A_668 = arith.xori %lt3A_665, %lt3A_667 : i1
          %and3A_669 = arith.andi %ne3A_668, %ne3A_663 : i1
          %add3A_670 = arith.addi %rem3A_661, %select_n3A_660 : i32
          %select_n3A_671 = arith.select %and3A_669, %add3A_670, %rem3A_661 : i32
          %mul3A_672 = arith.constant 64 : i32
          %mul3A_673 = arith.muli %select_n3A_671, %mul3A_672 : i32
          %add3A_674 = arith.constant 0 : i32
          %add3A_675 = vector.broadcast %add3A_674 : i32 to vector<16xi32>
          %add3A_676 = arith.addi %iota3A, %add3A_675 : vector<16xi32>
          %gather3A = tpu.vector_load_idx %arg11[%add3A_676, %broadcast_in_dim3A_592] : memref<64x128xf32, #tpu.memory_space<vmem>>[vector<16xi32>, vector<16xi32>], vector<16xf32>,
          %add3A_677 = arith.constant 0 : i32
          %add3A_678 = arith.addi %mul3A_673, %add3A_677 : i32
          %get3A_679 = arith.index_cast %add3A_678 : i32 to index
          %get3A_680 = tpu.vector_load %arg17[%get3A_679] {strides = array<i32>} : memref<128xf32, #tpu.memory_space<vmem>>, vector<16xf32>,
          %sub3A_681 = arith.subf %get3A_680, %gather3A : vector<16xf32>
          %mul3A_682 = arith.mulf %sub3A_681, %sub3A_681 : vector<16xf32>
          %add3A_683 = arith.addf %while3A_581, %mul3A_682 : vector<16xf32>
          %add3A_684 = arith.constant 16 : i32
          %add3A_685 = vector.broadcast %add3A_684 : i32 to vector<16xi32>
          %add3A_686 = arith.addi %iota3A, %add3A_685 : vector<16xi32>
          %gather3A_687 = tpu.vector_load_idx %arg11[%add3A_686, %broadcast_in_dim3A_592] : memref<64x128xf32, #tpu.memory_space<vmem>>[vector<16xi32>, vector<16xi32>], vector<16xf32>,
          %add3A_688 = arith.constant 16 : i32
          %add3A_689 = arith.addi %mul3A_673, %add3A_688 : i32
          %get3A_690 = arith.index_cast %add3A_689 : i32 to index
          %get3A_691 = tpu.vector_load %arg17[%get3A_690] {strides = array<i32>} : memref<128xf32, #tpu.memory_space<vmem>>, vector<16xf32>,
          %sub3A_692 = arith.subf %get3A_691, %gather3A_687 : vector<16xf32>
          %mul3A_693 = arith.mulf %sub3A_692, %sub3A_692 : vector<16xf32>
          %add3A_694 = arith.addf %while3A_582, %mul3A_693 : vector<16xf32>
          %add3A_695 = arith.constant 32 : i32
          %add3A_696 = vector.broadcast %add3A_695 : i32 to vector<16xi32>
          %add3A_697 = arith.addi %iota3A, %add3A_696 : vector<16xi32>
          %gather3A_698 = tpu.vector_load_idx %arg11[%add3A_697, %broadcast_in_dim3A_592] : memref<64x128xf32, #tpu.memory_space<vmem>>[vector<16xi32>, vector<16xi32>], vector<16xf32>,
          %add3A_699 = arith.constant 32 : i32
          %add3A_700 = arith.addi %mul3A_673, %add3A_699 : i32
          %get3A_701 = arith.index_cast %add3A_700 : i32 to index
          %get3A_702 = tpu.vector_load %arg17[%get3A_701] {strides = array<i32>} : memref<128xf32, #tpu.memory_space<vmem>>, vector<16xf32>,
          %sub3A_703 = arith.subf %get3A_702, %gather3A_698 : vector<16xf32>
          %mul3A_704 = arith.mulf %sub3A_703, %sub3A_703 : vector<16xf32>
          %add3A_705 = arith.addf %while3A_583, %mul3A_704 : vector<16xf32>
          %add3A_706 = arith.constant 48 : i32
          %add3A_707 = vector.broadcast %add3A_706 : i32 to vector<16xi32>
          %add3A_708 = arith.addi %iota3A, %add3A_707 : vector<16xi32>
          %gather3A_709 = tpu.vector_load_idx %arg11[%add3A_708, %broadcast_in_dim3A_592] : memref<64x128xf32, #tpu.memory_space<vmem>>[vector<16xi32>, vector<16xi32>], vector<16xf32>,
          %add3A_710 = arith.constant 48 : i32
          %add3A_711 = arith.addi %mul3A_673, %add3A_710 : i32
          %get3A_712 = arith.index_cast %add3A_711 : i32 to index
          %get3A_713 = tpu.vector_load %arg17[%get3A_712] {strides = array<i32>} : memref<128xf32, #tpu.memory_space<vmem>>, vector<16xf32>,
          %sub3A_714 = arith.subf %get3A_713, %gather3A_709 : vector<16xf32>
          %mul3A_715 = arith.mulf %sub3A_714, %sub3A_714 : vector<16xf32>
          %add3A_716 = arith.addf %while3A_584, %mul3A_715 : vector<16xf32>
          scf.yield %add3A_683, %add3A_694, %add3A_705, %add3A_716 : vector<16xf32>, vector<16xf32>, vector<16xf32>, vector<16xf32>
        }
        %add3A_316 = arith.constant 0 : i32
        %add3A_317 = arith.addi %mul3A_285, %add3A_316 : i32
        %add3A_318 = arith.constant 6 : i32
        %add3A_319 = arith.addi %add3A_317, %add3A_318 : i32
        %sub3A_320 = arith.constant 1 : i32
        %sub3A_321 = arith.subi %max3A_88, %sub3A_320 : i32
        %min3A_322 = arith.minsi %add3A_319, %sub3A_321 : i32
        %get3A_323 = arith.index_cast %min3A_322 : i32 to index
        %get3A_324 = memref.load %arg10[%get3A_323] : memref<253xi32, #tpu.memory_space<smem>>
        %add3A_325 = arith.addi %mul3A_7, %get3A_324 : i32
        %min3A_326 = arith.constant 7812 : i32
        %min3A_327 = arith.minsi %add3A_325, %min3A_326 : i32
        %mul3A_328 = arith.constant 128 : i32
        %mul3A_329 = arith.muli %min3A_327, %mul3A_328 : i32
        %multiple_of3A_330 = tpu.assume_multiple %mul3A_329, 128 : i32
        %dma_start3A_331 = arith.constant 0 : i32
        %dma_start3A_332 = tpu.memref_slice %arg4[%dma_start3A_331, %multiple_of3A_330] : memref<64x1000000xf32, #tpu.memory_space<hbm>> -> memref<64x128xf32, #tpu.memory_space<hbm>>
        %dma_start3A_333 = arith.constant 0 : i32
        %dma_start3A_334 = tpu.memref_slice %arg4[%dma_start3A_333, %multiple_of3A_330] : memref<64x1000000xf32, #tpu.memory_space<hbm>> -> memref<64x128xf32, #tpu.memory_space<hbm>>
        tpu.enqueue_dma source(%dma_start3A_334 : memref<64x128xf32, #tpu.memory_space<hbm>>) target(%arg11 : memref<64x128xf32, #tpu.memory_space<vmem>>) target_semaphore(%arg20 : memref<!tpu.dma_semaphore, #tpu.memory_space<semaphore_mem>>)
        %add3A_335 = arith.constant 0 : i32
        %add3A_336 = arith.addi %mul3A_7, %add3A_335 : i32
        %min3A_337 = arith.constant 7812 : i32
        %min3A_338 = arith.minsi %add3A_336, %min3A_337 : i32
        %mul3A_339 = arith.constant 128 : i32
        %mul3A_340 = arith.muli %min3A_338, %mul3A_339 : i32
        %multiple_of3A_341 = tpu.assume_multiple %mul3A_340, 128 : i32
        %dma_wait3A_342 = arith.constant 0 : i32
        %dma_wait3A_343 = tpu.memref_slice %arg4[%dma_wait3A_342, %multiple_of3A_341] : memref<64x1000000xf32, #tpu.memory_space<hbm>> -> memref<64x128xf32, #tpu.memory_space<hbm>>
        %dma_wait3A_344 = arith.constant 0 : i32
        %dma_wait3A_345 = tpu.memref_slice %arg4[%dma_wait3A_344, %multiple_of3A_341] : memref<64x1000000xf32, #tpu.memory_space<hbm>> -> memref<64x128xf32, #tpu.memory_space<hbm>>
        tpu.wait_dma2 semaphore(%arg20 : memref<!tpu.dma_semaphore, #tpu.memory_space<semaphore_mem>>) src(%dma_wait3A_345 : memref<64x128xf32, #tpu.memory_space<hbm>>) dst(%arg12 : memref<64x128xf32, #tpu.memory_space<vmem>>)
        %add3A_346 = arith.constant 1 : i32
        %add3A_347 = arith.addi %mul3A_285, %add3A_346 : i32
        %sub3A_348 = arith.constant 1 : i32
        %sub3A_349 = arith.subi %max3A_88, %sub3A_348 : i32
        %min3A_350 = arith.minsi %add3A_347, %sub3A_349 : i32
        %get3A_351 = arith.index_cast %min3A_350 : i32 to index
        %get3A_352 = memref.load %arg10[%get3A_351] : memref<253xi32, #tpu.memory_space<smem>>
        %get3A_353 = arith.index_cast %get3A_352 : i32 to index
        %get3A_354 = memref.load %arg9[%get3A_353] : memref<253xi32, #tpu.memory_space<smem>>
        %while3A_355 = arith.subi %get3A_354, %get3A_305 : i32
        %while3A_356 = arith.addi %get3A_305, %while3A_355 : i32
        %while3A_357 = arith.constant 1 : i32
        %while3A_358 = arith.divsi %while3A_355, %while3A_357 : i32
        %while3A_359 = arith.muli %while3A_358, %while3A_357 : i32
        %while3A_360 = arith.addi %get3A_305, %while3A_359 : i32
        %while3A_361 = arith.constant 1 : i32
        %while3A_362:4 = scf.for %while3A_580 = %get3A_305 to %while3A_360 step %while3A_361 iter_args(%while3A_581 = %while3A_315#0, %while3A_582 = %while3A_315#1, %while3A_583 = %while3A_315#2, %while3A_584 = %while3A_315#3) -> (vector<16xf32>, vector<16xf32>, vector<16xf32>, vector<16xf32>)  : i32 {
          %get3A_585 = arith.index_cast %while3A_580 : i32 to index
          %get3A_586 = tpu.vector_load %arg8[%get3A_585] {strides = array<i32>} : memref<4096xi32, #tpu.memory_space<vmem>>, vector<16xi32>,
          %slice3A = vector.extract_strided_slice %get3A_586 {offsets = [0], sizes = [1], strides = [1]} : vector<16xi32> to vector<1xi32>
          %squeeze3A = vector.extract %slice3A[0] : i32 from vector<1xi32>
          %and3A_587 = arith.constant 16383 : i32
          %and3A_588 = arith.andi %squeeze3A, %and3A_587 : i32
          %shift_right_arithmetic3A = arith.constant 14 : i32
          %shift_right_arithmetic3A_589 = arith.shrsi %squeeze3A, %shift_right_arithmetic3A : i32
          %and3A_590 = arith.constant 127 : i32
          %and3A_591 = arith.andi %shift_right_arithmetic3A_589, %and3A_590 : i32
          %broadcast_in_dim3A_592 = vector.broadcast %and3A_591 : i32 to vector<16xi32>
          %jit3A_593 = arith.constant 16 : i32
          %div3A_594 = arith.divsi %and3A_588, %jit3A_593 : i32
          %sign3A_595 = arith.constant 0 : i32
          %sign3A_596 = arith.cmpi sgt, %and3A_588, %sign3A_595 : i32
          %sign3A_597 = arith.extui %sign3A_596 : i1 to i32
          %sign3A_598 = arith.constant 0 : i32
          %sign3A_599 = arith.cmpi slt, %and3A_588, %sign3A_598 : i32
          %sign3A_600 = arith.extui %sign3A_599 : i1 to i32
          %sign3A_601 = arith.subi %sign3A_597, %sign3A_600 : i32
          %sign3A_602 = arith.constant 0 : i32
          %sign3A_603 = arith.cmpi sgt, %jit3A_593, %sign3A_602 : i32
          %sign3A_604 = arith.extui %sign3A_603 : i1 to i32
          %sign3A_605 = arith.constant 0 : i32
          %sign3A_606 = arith.cmpi slt, %jit3A_593, %sign3A_605 : i32
          %sign3A_607 = arith.extui %sign3A_606 : i1 to i32
          %sign3A_608 = arith.subi %sign3A_604, %sign3A_607 : i32
          %ne3A_609 = arith.cmpi ne, %sign3A_601, %sign3A_608 : i32
          %rem3A_610 = arith.remsi %and3A_588, %jit3A_593 : i32
          %ne3A_611 = arith.constant 0 : i32
          %ne3A_612 = arith.cmpi ne, %rem3A_610, %ne3A_611 : i32
          %and3A_613 = arith.andi %ne3A_609, %ne3A_612 : i1
          %sub3A_614 = arith.constant 1 : i32
          %sub3A_615 = arith.subi %div3A_594, %sub3A_614 : i32
          %select_n3A_616 = arith.select %and3A_613, %sub3A_615, %div3A_594 : i32
          %jit3A_617 = arith.constant 2 : i32
          %div3A_618 = arith.divsi %and3A_588, %jit3A_617 : i32
          %sign3A_619 = arith.constant 0 : i32
          %sign3A_620 = arith.cmpi sgt, %and3A_588, %sign3A_619 : i32
          %sign3A_621 = arith.extui %sign3A_620 : i1 to i32
          %sign3A_622 = arith.constant 0 : i32
          %sign3A_623 = arith.cmpi slt, %and3A_588, %sign3A_622 : i32
          %sign3A_624 = arith.extui %sign3A_623 : i1 to i32
          %sign3A_625 = arith.subi %sign3A_621, %sign3A_624 : i32
          %sign3A_626 = arith.constant 0 : i32
          %sign3A_627 = arith.cmpi sgt, %jit3A_617, %sign3A_626 : i32
          %sign3A_628 = arith.extui %sign3A_627 : i1 to i32
          %sign3A_629 = arith.constant 0 : i32
          %sign3A_630 = arith.cmpi slt, %jit3A_617, %sign3A_629 : i32
          %sign3A_631 = arith.extui %sign3A_630 : i1 to i32
          %sign3A_632 = arith.subi %sign3A_628, %sign3A_631 : i32
          %ne3A_633 = arith.cmpi ne, %sign3A_625, %sign3A_632 : i32
          %rem3A_634 = arith.remsi %and3A_588, %jit3A_617 : i32
          %ne3A_635 = arith.constant 0 : i32
          %ne3A_636 = arith.cmpi ne, %rem3A_634, %ne3A_635 : i32
          %and3A_637 = arith.andi %ne3A_633, %ne3A_636 : i1
          %sub3A_638 = arith.constant 1 : i32
          %sub3A_639 = arith.subi %div3A_618, %sub3A_638 : i32
          %select_n3A_640 = arith.select %and3A_637, %sub3A_639, %div3A_618 : i32
          %jit3A_641 = arith.constant 8 : i32
          %eq3A_642 = arith.constant 0 : i32
          %eq3A_643 = arith.cmpi eq, %jit3A_641, %eq3A_642 : i32
          %jit3A_644 = arith.constant 1 : i32
          %select_n3A_645 = arith.select %eq3A_643, %jit3A_644, %jit3A_641 : i32
          %rem3A_646 = arith.remsi %select_n3A_640, %select_n3A_645 : i32
          %ne3A_647 = arith.constant 0 : i32
          %ne3A_648 = arith.cmpi ne, %rem3A_646, %ne3A_647 : i32
          %lt3A = arith.constant 0 : i32
          %lt3A_649 = arith.cmpi slt, %rem3A_646, %lt3A : i32
          %lt3A_650 = arith.constant 0 : i32
          %lt3A_651 = arith.cmpi slt, %select_n3A_645, %lt3A_650 : i32
          %ne3A_652 = arith.xori %lt3A_649, %lt3A_651 : i1
          %and3A_653 = arith.andi %ne3A_652, %ne3A_648 : i1
          %add3A_654 = arith.addi %rem3A_646, %select_n3A_645 : i32
          %select_n3A_655 = arith.select %and3A_653, %add3A_654, %rem3A_646 : i32
          "tpu.region"() ({
            %run_scoped3A = tpu.sem_alloc : memref<!tpu.dma_semaphore, #tpu.memory_space<semaphore_mem>>
            %dma_start3A_717 = arith.constant 0 : i32
            %dma_start3A_718 = tpu.memref_slice %arg19[%select_n3A_616, %select_n3A_655, %dma_start3A_717] : memref<1024x8x128xf32, #tpu.memory_space<vmem_shared>> -> memref<1x1x128xf32, #tpu.memory_space<vmem_shared>>
            %dma_start3A_719 = tpu.memref_squeeze %dma_start3A_718 : memref<1x1x128xf32, #tpu.memory_space<vmem_shared>> -> memref<128xf32, #tpu.memory_space<vmem_shared>>
            %dma_start3A_720 = arith.constant 0 : i32
            %dma_start3A_721 = tpu.memref_slice %arg19[%select_n3A_616, %select_n3A_655, %dma_start3A_720] : memref<1024x8x128xf32, #tpu.memory_space<vmem_shared>> -> memref<1x1x128xf32, #tpu.memory_space<vmem_shared>>
            %dma_start3A_722 = tpu.memref_squeeze %dma_start3A_721 : memref<1x1x128xf32, #tpu.memory_space<vmem_shared>> -> memref<128xf32, #tpu.memory_space<vmem_shared>>
            tpu.enqueue_dma source(%dma_start3A_722 : memref<128xf32, #tpu.memory_space<vmem_shared>>) target(%arg17 : memref<128xf32, #tpu.memory_space<vmem>>) target_semaphore(%run_scoped3A : memref<!tpu.dma_semaphore, #tpu.memory_space<semaphore_mem>>)
            %dma_wait3A_723 = arith.constant 0 : i32
            %dma_wait3A_724 = tpu.memref_slice %arg19[%select_n3A_616, %select_n3A_655, %dma_wait3A_723] : memref<1024x8x128xf32, #tpu.memory_space<vmem_shared>> -> memref<1x1x128xf32, #tpu.memory_space<vmem_shared>>
            %dma_wait3A_725 = tpu.memref_squeeze %dma_wait3A_724 : memref<1x1x128xf32, #tpu.memory_space<vmem_shared>> -> memref<128xf32, #tpu.memory_space<vmem_shared>>
            %dma_wait3A_726 = arith.constant 0 : i32
            %dma_wait3A_727 = tpu.memref_slice %arg19[%select_n3A_616, %select_n3A_655, %dma_wait3A_726] : memref<1024x8x128xf32, #tpu.memory_space<vmem_shared>> -> memref<1x1x128xf32, #tpu.memory_space<vmem_shared>>
            %dma_wait3A_728 = tpu.memref_squeeze %dma_wait3A_727 : memref<1x1x128xf32, #tpu.memory_space<vmem_shared>> -> memref<128xf32, #tpu.memory_space<vmem_shared>>
            tpu.wait_dma2 semaphore(%run_scoped3A : memref<!tpu.dma_semaphore, #tpu.memory_space<semaphore_mem>>) src(%dma_wait3A_728 : memref<128xf32, #tpu.memory_space<vmem_shared>>) dst(%arg17 : memref<128xf32, #tpu.memory_space<vmem>>)
            tpu.yield
          }) : () -> ()
          %jit3A_656 = arith.constant 2 : i32
          %eq3A_657 = arith.constant 0 : i32
          %eq3A_658 = arith.cmpi eq, %jit3A_656, %eq3A_657 : i32
          %jit3A_659 = arith.constant 1 : i32
          %select_n3A_660 = arith.select %eq3A_658, %jit3A_659, %jit3A_656 : i32
          %rem3A_661 = arith.remsi %and3A_588, %select_n3A_660 : i32
          %ne3A_662 = arith.constant 0 : i32
          %ne3A_663 = arith.cmpi ne, %rem3A_661, %ne3A_662 : i32
          %lt3A_664 = arith.constant 0 : i32
          %lt3A_665 = arith.cmpi slt, %rem3A_661, %lt3A_664 : i32
          %lt3A_666 = arith.constant 0 : i32
          %lt3A_667 = arith.cmpi slt, %select_n3A_660, %lt3A_666 : i32
          %ne3A_668 = arith.xori %lt3A_665, %lt3A_667 : i1
          %and3A_669 = arith.andi %ne3A_668, %ne3A_663 : i1
          %add3A_670 = arith.addi %rem3A_661, %select_n3A_660 : i32
          %select_n3A_671 = arith.select %and3A_669, %add3A_670, %rem3A_661 : i32
          %mul3A_672 = arith.constant 64 : i32
          %mul3A_673 = arith.muli %select_n3A_671, %mul3A_672 : i32
          %add3A_674 = arith.constant 0 : i32
          %add3A_675 = vector.broadcast %add3A_674 : i32 to vector<16xi32>
          %add3A_676 = arith.addi %iota3A, %add3A_675 : vector<16xi32>
          %gather3A = tpu.vector_load_idx %arg12[%add3A_676, %broadcast_in_dim3A_592] : memref<64x128xf32, #tpu.memory_space<vmem>>[vector<16xi32>, vector<16xi32>], vector<16xf32>,
          %add3A_677 = arith.constant 0 : i32
          %add3A_678 = arith.addi %mul3A_673, %add3A_677 : i32
          %get3A_679 = arith.index_cast %add3A_678 : i32 to index
          %get3A_680 = tpu.vector_load %arg17[%get3A_679] {strides = array<i32>} : memref<128xf32, #tpu.memory_space<vmem>>, vector<16xf32>,
          %sub3A_681 = arith.subf %get3A_680, %gather3A : vector<16xf32>
          %mul3A_682 = arith.mulf %sub3A_681, %sub3A_681 : vector<16xf32>
          %add3A_683 = arith.addf %while3A_581, %mul3A_682 : vector<16xf32>
          %add3A_684 = arith.constant 16 : i32
          %add3A_685 = vector.broadcast %add3A_684 : i32 to vector<16xi32>
          %add3A_686 = arith.addi %iota3A, %add3A_685 : vector<16xi32>
          %gather3A_687 = tpu.vector_load_idx %arg12[%add3A_686, %broadcast_in_dim3A_592] : memref<64x128xf32, #tpu.memory_space<vmem>>[vector<16xi32>, vector<16xi32>], vector<16xf32>,
          %add3A_688 = arith.constant 16 : i32
          %add3A_689 = arith.addi %mul3A_673, %add3A_688 : i32
          %get3A_690 = arith.index_cast %add3A_689 : i32 to index
          %get3A_691 = tpu.vector_load %arg17[%get3A_690] {strides = array<i32>} : memref<128xf32, #tpu.memory_space<vmem>>, vector<16xf32>,
          %sub3A_692 = arith.subf %get3A_691, %gather3A_687 : vector<16xf32>
          %mul3A_693 = arith.mulf %sub3A_692, %sub3A_692 : vector<16xf32>
          %add3A_694 = arith.addf %while3A_582, %mul3A_693 : vector<16xf32>
          %add3A_695 = arith.constant 32 : i32
          %add3A_696 = vector.broadcast %add3A_695 : i32 to vector<16xi32>
          %add3A_697 = arith.addi %iota3A, %add3A_696 : vector<16xi32>
          %gather3A_698 = tpu.vector_load_idx %arg12[%add3A_697, %broadcast_in_dim3A_592] : memref<64x128xf32, #tpu.memory_space<vmem>>[vector<16xi32>, vector<16xi32>], vector<16xf32>,
          %add3A_699 = arith.constant 32 : i32
          %add3A_700 = arith.addi %mul3A_673, %add3A_699 : i32
          %get3A_701 = arith.index_cast %add3A_700 : i32 to index
          %get3A_702 = tpu.vector_load %arg17[%get3A_701] {strides = array<i32>} : memref<128xf32, #tpu.memory_space<vmem>>, vector<16xf32>,
          %sub3A_703 = arith.subf %get3A_702, %gather3A_698 : vector<16xf32>
          %mul3A_704 = arith.mulf %sub3A_703, %sub3A_703 : vector<16xf32>
          %add3A_705 = arith.addf %while3A_583, %mul3A_704 : vector<16xf32>
          %add3A_706 = arith.constant 48 : i32
          %add3A_707 = vector.broadcast %add3A_706 : i32 to vector<16xi32>
          %add3A_708 = arith.addi %iota3A, %add3A_707 : vector<16xi32>
          %gather3A_709 = tpu.vector_load_idx %arg12[%add3A_708, %broadcast_in_dim3A_592] : memref<64x128xf32, #tpu.memory_space<vmem>>[vector<16xi32>, vector<16xi32>], vector<16xf32>,
          %add3A_710 = arith.constant 48 : i32
          %add3A_711 = arith.addi %mul3A_673, %add3A_710 : i32
          %get3A_712 = arith.index_cast %add3A_711 : i32 to index
          %get3A_713 = tpu.vector_load %arg17[%get3A_712] {strides = array<i32>} : memref<128xf32, #tpu.memory_space<vmem>>, vector<16xf32>,
          %sub3A_714 = arith.subf %get3A_713, %gather3A_709 : vector<16xf32>
          %mul3A_715 = arith.mulf %sub3A_714, %sub3A_714 : vector<16xf32>
          %add3A_716 = arith.addf %while3A_584, %mul3A_715 : vector<16xf32>
          scf.yield %add3A_683, %add3A_694, %add3A_705, %add3A_716 : vector<16xf32>, vector<16xf32>, vector<16xf32>, vector<16xf32>
        }
        %while3A_363 = arith.constant 1 : i32
        %while3A_364:4 = scf.for %while3A_580 = %while3A_360 to %while3A_356 step %while3A_363 iter_args(%while3A_581 = %while3A_362#0, %while3A_582 = %while3A_362#1, %while3A_583 = %while3A_362#2, %while3A_584 = %while3A_362#3) -> (vector<16xf32>, vector<16xf32>, vector<16xf32>, vector<16xf32>)  : i32 {
          %get3A_585 = arith.index_cast %while3A_580 : i32 to index
          %get3A_586 = tpu.vector_load %arg8[%get3A_585] {strides = array<i32>} : memref<4096xi32, #tpu.memory_space<vmem>>, vector<16xi32>,
          %slice3A = vector.extract_strided_slice %get3A_586 {offsets = [0], sizes = [1], strides = [1]} : vector<16xi32> to vector<1xi32>
          %squeeze3A = vector.extract %slice3A[0] : i32 from vector<1xi32>
          %and3A_587 = arith.constant 16383 : i32
          %and3A_588 = arith.andi %squeeze3A, %and3A_587 : i32
          %shift_right_arithmetic3A = arith.constant 14 : i32
          %shift_right_arithmetic3A_589 = arith.shrsi %squeeze3A, %shift_right_arithmetic3A : i32
          %and3A_590 = arith.constant 127 : i32
          %and3A_591 = arith.andi %shift_right_arithmetic3A_589, %and3A_590 : i32
          %broadcast_in_dim3A_592 = vector.broadcast %and3A_591 : i32 to vector<16xi32>
          %jit3A_593 = arith.constant 16 : i32
          %div3A_594 = arith.divsi %and3A_588, %jit3A_593 : i32
          %sign3A_595 = arith.constant 0 : i32
          %sign3A_596 = arith.cmpi sgt, %and3A_588, %sign3A_595 : i32
          %sign3A_597 = arith.extui %sign3A_596 : i1 to i32
          %sign3A_598 = arith.constant 0 : i32
          %sign3A_599 = arith.cmpi slt, %and3A_588, %sign3A_598 : i32
          %sign3A_600 = arith.extui %sign3A_599 : i1 to i32
          %sign3A_601 = arith.subi %sign3A_597, %sign3A_600 : i32
          %sign3A_602 = arith.constant 0 : i32
          %sign3A_603 = arith.cmpi sgt, %jit3A_593, %sign3A_602 : i32
          %sign3A_604 = arith.extui %sign3A_603 : i1 to i32
          %sign3A_605 = arith.constant 0 : i32
          %sign3A_606 = arith.cmpi slt, %jit3A_593, %sign3A_605 : i32
          %sign3A_607 = arith.extui %sign3A_606 : i1 to i32
          %sign3A_608 = arith.subi %sign3A_604, %sign3A_607 : i32
          %ne3A_609 = arith.cmpi ne, %sign3A_601, %sign3A_608 : i32
          %rem3A_610 = arith.remsi %and3A_588, %jit3A_593 : i32
          %ne3A_611 = arith.constant 0 : i32
          %ne3A_612 = arith.cmpi ne, %rem3A_610, %ne3A_611 : i32
          %and3A_613 = arith.andi %ne3A_609, %ne3A_612 : i1
          %sub3A_614 = arith.constant 1 : i32
          %sub3A_615 = arith.subi %div3A_594, %sub3A_614 : i32
          %select_n3A_616 = arith.select %and3A_613, %sub3A_615, %div3A_594 : i32
          %jit3A_617 = arith.constant 2 : i32
          %div3A_618 = arith.divsi %and3A_588, %jit3A_617 : i32
          %sign3A_619 = arith.constant 0 : i32
          %sign3A_620 = arith.cmpi sgt, %and3A_588, %sign3A_619 : i32
          %sign3A_621 = arith.extui %sign3A_620 : i1 to i32
          %sign3A_622 = arith.constant 0 : i32
          %sign3A_623 = arith.cmpi slt, %and3A_588, %sign3A_622 : i32
          %sign3A_624 = arith.extui %sign3A_623 : i1 to i32
          %sign3A_625 = arith.subi %sign3A_621, %sign3A_624 : i32
          %sign3A_626 = arith.constant 0 : i32
          %sign3A_627 = arith.cmpi sgt, %jit3A_617, %sign3A_626 : i32
          %sign3A_628 = arith.extui %sign3A_627 : i1 to i32
          %sign3A_629 = arith.constant 0 : i32
          %sign3A_630 = arith.cmpi slt, %jit3A_617, %sign3A_629 : i32
          %sign3A_631 = arith.extui %sign3A_630 : i1 to i32
          %sign3A_632 = arith.subi %sign3A_628, %sign3A_631 : i32
          %ne3A_633 = arith.cmpi ne, %sign3A_625, %sign3A_632 : i32
          %rem3A_634 = arith.remsi %and3A_588, %jit3A_617 : i32
          %ne3A_635 = arith.constant 0 : i32
          %ne3A_636 = arith.cmpi ne, %rem3A_634, %ne3A_635 : i32
          %and3A_637 = arith.andi %ne3A_633, %ne3A_636 : i1
          %sub3A_638 = arith.constant 1 : i32
          %sub3A_639 = arith.subi %div3A_618, %sub3A_638 : i32
          %select_n3A_640 = arith.select %and3A_637, %sub3A_639, %div3A_618 : i32
          %jit3A_641 = arith.constant 8 : i32
          %eq3A_642 = arith.constant 0 : i32
          %eq3A_643 = arith.cmpi eq, %jit3A_641, %eq3A_642 : i32
          %jit3A_644 = arith.constant 1 : i32
          %select_n3A_645 = arith.select %eq3A_643, %jit3A_644, %jit3A_641 : i32
          %rem3A_646 = arith.remsi %select_n3A_640, %select_n3A_645 : i32
          %ne3A_647 = arith.constant 0 : i32
          %ne3A_648 = arith.cmpi ne, %rem3A_646, %ne3A_647 : i32
          %lt3A = arith.constant 0 : i32
          %lt3A_649 = arith.cmpi slt, %rem3A_646, %lt3A : i32
          %lt3A_650 = arith.constant 0 : i32
          %lt3A_651 = arith.cmpi slt, %select_n3A_645, %lt3A_650 : i32
          %ne3A_652 = arith.xori %lt3A_649, %lt3A_651 : i1
          %and3A_653 = arith.andi %ne3A_652, %ne3A_648 : i1
          %add3A_654 = arith.addi %rem3A_646, %select_n3A_645 : i32
          %select_n3A_655 = arith.select %and3A_653, %add3A_654, %rem3A_646 : i32
          "tpu.region"() ({
            %run_scoped3A = tpu.sem_alloc : memref<!tpu.dma_semaphore, #tpu.memory_space<semaphore_mem>>
            %dma_start3A_717 = arith.constant 0 : i32
            %dma_start3A_718 = tpu.memref_slice %arg19[%select_n3A_616, %select_n3A_655, %dma_start3A_717] : memref<1024x8x128xf32, #tpu.memory_space<vmem_shared>> -> memref<1x1x128xf32, #tpu.memory_space<vmem_shared>>
            %dma_start3A_719 = tpu.memref_squeeze %dma_start3A_718 : memref<1x1x128xf32, #tpu.memory_space<vmem_shared>> -> memref<128xf32, #tpu.memory_space<vmem_shared>>
            %dma_start3A_720 = arith.constant 0 : i32
            %dma_start3A_721 = tpu.memref_slice %arg19[%select_n3A_616, %select_n3A_655, %dma_start3A_720] : memref<1024x8x128xf32, #tpu.memory_space<vmem_shared>> -> memref<1x1x128xf32, #tpu.memory_space<vmem_shared>>
            %dma_start3A_722 = tpu.memref_squeeze %dma_start3A_721 : memref<1x1x128xf32, #tpu.memory_space<vmem_shared>> -> memref<128xf32, #tpu.memory_space<vmem_shared>>
            tpu.enqueue_dma source(%dma_start3A_722 : memref<128xf32, #tpu.memory_space<vmem_shared>>) target(%arg17 : memref<128xf32, #tpu.memory_space<vmem>>) target_semaphore(%run_scoped3A : memref<!tpu.dma_semaphore, #tpu.memory_space<semaphore_mem>>)
            %dma_wait3A_723 = arith.constant 0 : i32
            %dma_wait3A_724 = tpu.memref_slice %arg19[%select_n3A_616, %select_n3A_655, %dma_wait3A_723] : memref<1024x8x128xf32, #tpu.memory_space<vmem_shared>> -> memref<1x1x128xf32, #tpu.memory_space<vmem_shared>>
            %dma_wait3A_725 = tpu.memref_squeeze %dma_wait3A_724 : memref<1x1x128xf32, #tpu.memory_space<vmem_shared>> -> memref<128xf32, #tpu.memory_space<vmem_shared>>
            %dma_wait3A_726 = arith.constant 0 : i32
            %dma_wait3A_727 = tpu.memref_slice %arg19[%select_n3A_616, %select_n3A_655, %dma_wait3A_726] : memref<1024x8x128xf32, #tpu.memory_space<vmem_shared>> -> memref<1x1x128xf32, #tpu.memory_space<vmem_shared>>
            %dma_wait3A_728 = tpu.memref_squeeze %dma_wait3A_727 : memref<1x1x128xf32, #tpu.memory_space<vmem_shared>> -> memref<128xf32, #tpu.memory_space<vmem_shared>>
            tpu.wait_dma2 semaphore(%run_scoped3A : memref<!tpu.dma_semaphore, #tpu.memory_space<semaphore_mem>>) src(%dma_wait3A_728 : memref<128xf32, #tpu.memory_space<vmem_shared>>) dst(%arg17 : memref<128xf32, #tpu.memory_space<vmem>>)
            tpu.yield
          }) : () -> ()
          %jit3A_656 = arith.constant 2 : i32
          %eq3A_657 = arith.constant 0 : i32
          %eq3A_658 = arith.cmpi eq, %jit3A_656, %eq3A_657 : i32
          %jit3A_659 = arith.constant 1 : i32
          %select_n3A_660 = arith.select %eq3A_658, %jit3A_659, %jit3A_656 : i32
          %rem3A_661 = arith.remsi %and3A_588, %select_n3A_660 : i32
          %ne3A_662 = arith.constant 0 : i32
          %ne3A_663 = arith.cmpi ne, %rem3A_661, %ne3A_662 : i32
          %lt3A_664 = arith.constant 0 : i32
          %lt3A_665 = arith.cmpi slt, %rem3A_661, %lt3A_664 : i32
          %lt3A_666 = arith.constant 0 : i32
          %lt3A_667 = arith.cmpi slt, %select_n3A_660, %lt3A_666 : i32
          %ne3A_668 = arith.xori %lt3A_665, %lt3A_667 : i1
          %and3A_669 = arith.andi %ne3A_668, %ne3A_663 : i1
          %add3A_670 = arith.addi %rem3A_661, %select_n3A_660 : i32
          %select_n3A_671 = arith.select %and3A_669, %add3A_670, %rem3A_661 : i32
          %mul3A_672 = arith.constant 64 : i32
          %mul3A_673 = arith.muli %select_n3A_671, %mul3A_672 : i32
          %add3A_674 = arith.constant 0 : i32
          %add3A_675 = vector.broadcast %add3A_674 : i32 to vector<16xi32>
          %add3A_676 = arith.addi %iota3A, %add3A_675 : vector<16xi32>
          %gather3A = tpu.vector_load_idx %arg12[%add3A_676, %broadcast_in_dim3A_592] : memref<64x128xf32, #tpu.memory_space<vmem>>[vector<16xi32>, vector<16xi32>], vector<16xf32>,
          %add3A_677 = arith.constant 0 : i32
          %add3A_678 = arith.addi %mul3A_673, %add3A_677 : i32
          %get3A_679 = arith.index_cast %add3A_678 : i32 to index
          %get3A_680 = tpu.vector_load %arg17[%get3A_679] {strides = array<i32>} : memref<128xf32, #tpu.memory_space<vmem>>, vector<16xf32>,
          %sub3A_681 = arith.subf %get3A_680, %gather3A : vector<16xf32>
          %mul3A_682 = arith.mulf %sub3A_681, %sub3A_681 : vector<16xf32>
          %add3A_683 = arith.addf %while3A_581, %mul3A_682 : vector<16xf32>
          %add3A_684 = arith.constant 16 : i32
          %add3A_685 = vector.broadcast %add3A_684 : i32 to vector<16xi32>
          %add3A_686 = arith.addi %iota3A, %add3A_685 : vector<16xi32>
          %gather3A_687 = tpu.vector_load_idx %arg12[%add3A_686, %broadcast_in_dim3A_592] : memref<64x128xf32, #tpu.memory_space<vmem>>[vector<16xi32>, vector<16xi32>], vector<16xf32>,
          %add3A_688 = arith.constant 16 : i32
          %add3A_689 = arith.addi %mul3A_673, %add3A_688 : i32
          %get3A_690 = arith.index_cast %add3A_689 : i32 to index
          %get3A_691 = tpu.vector_load %arg17[%get3A_690] {strides = array<i32>} : memref<128xf32, #tpu.memory_space<vmem>>, vector<16xf32>,
          %sub3A_692 = arith.subf %get3A_691, %gather3A_687 : vector<16xf32>
          %mul3A_693 = arith.mulf %sub3A_692, %sub3A_692 : vector<16xf32>
          %add3A_694 = arith.addf %while3A_582, %mul3A_693 : vector<16xf32>
          %add3A_695 = arith.constant 32 : i32
          %add3A_696 = vector.broadcast %add3A_695 : i32 to vector<16xi32>
          %add3A_697 = arith.addi %iota3A, %add3A_696 : vector<16xi32>
          %gather3A_698 = tpu.vector_load_idx %arg12[%add3A_697, %broadcast_in_dim3A_592] : memref<64x128xf32, #tpu.memory_space<vmem>>[vector<16xi32>, vector<16xi32>], vector<16xf32>,
          %add3A_699 = arith.constant 32 : i32
          %add3A_700 = arith.addi %mul3A_673, %add3A_699 : i32
          %get3A_701 = arith.index_cast %add3A_700 : i32 to index
          %get3A_702 = tpu.vector_load %arg17[%get3A_701] {strides = array<i32>} : memref<128xf32, #tpu.memory_space<vmem>>, vector<16xf32>,
          %sub3A_703 = arith.subf %get3A_702, %gather3A_698 : vector<16xf32>
          %mul3A_704 = arith.mulf %sub3A_703, %sub3A_703 : vector<16xf32>
          %add3A_705 = arith.addf %while3A_583, %mul3A_704 : vector<16xf32>
          %add3A_706 = arith.constant 48 : i32
          %add3A_707 = vector.broadcast %add3A_706 : i32 to vector<16xi32>
          %add3A_708 = arith.addi %iota3A, %add3A_707 : vector<16xi32>
          %gather3A_709 = tpu.vector_load_idx %arg12[%add3A_708, %broadcast_in_dim3A_592] : memref<64x128xf32, #tpu.memory_space<vmem>>[vector<16xi32>, vector<16xi32>], vector<16xf32>,
          %add3A_710 = arith.constant 48 : i32
          %add3A_711 = arith.addi %mul3A_673, %add3A_710 : i32
          %get3A_712 = arith.index_cast %add3A_711 : i32 to index
          %get3A_713 = tpu.vector_load %arg17[%get3A_712] {strides = array<i32>} : memref<128xf32, #tpu.memory_space<vmem>>, vector<16xf32>,
          %sub3A_714 = arith.subf %get3A_713, %gather3A_709 : vector<16xf32>
          %mul3A_715 = arith.mulf %sub3A_714, %sub3A_714 : vector<16xf32>
          %add3A_716 = arith.addf %while3A_584, %mul3A_715 : vector<16xf32>
          scf.yield %add3A_683, %add3A_694, %add3A_705, %add3A_716 : vector<16xf32>, vector<16xf32>, vector<16xf32>, vector<16xf32>
        }
        %add3A_365 = arith.constant 1 : i32
        %add3A_366 = arith.addi %mul3A_285, %add3A_365 : i32
        %add3A_367 = arith.constant 6 : i32
        %add3A_368 = arith.addi %add3A_366, %add3A_367 : i32
        %sub3A_369 = arith.constant 1 : i32
        %sub3A_370 = arith.subi %max3A_88, %sub3A_369 : i32
        %min3A_371 = arith.minsi %add3A_368, %sub3A_370 : i32
        %get3A_372 = arith.index_cast %min3A_371 : i32 to index
        %get3A_373 = memref.load %arg10[%get3A_372] : memref<253xi32, #tpu.memory_space<smem>>
        %add3A_374 = arith.addi %mul3A_7, %get3A_373 : i32
        %min3A_375 = arith.constant 7812 : i32
        %min3A_376 = arith.minsi %add3A_374, %min3A_375 : i32
        %mul3A_377 = arith.constant 128 : i32
        %mul3A_378 = arith.muli %min3A_376, %mul3A_377 : i32
        %multiple_of3A_379 = tpu.assume_multiple %mul3A_378, 128 : i32
        %dma_start3A_380 = arith.constant 0 : i32
        %dma_start3A_381 = tpu.memref_slice %arg4[%dma_start3A_380, %multiple_of3A_379] : memref<64x1000000xf32, #tpu.memory_space<hbm>> -> memref<64x128xf32, #tpu.memory_space<hbm>>
        %dma_start3A_382 = arith.constant 0 : i32
        %dma_start3A_383 = tpu.memref_slice %arg4[%dma_start3A_382, %multiple_of3A_379] : memref<64x1000000xf32, #tpu.memory_space<hbm>> -> memref<64x128xf32, #tpu.memory_space<hbm>>
        tpu.enqueue_dma source(%dma_start3A_383 : memref<64x128xf32, #tpu.memory_space<hbm>>) target(%arg12 : memref<64x128xf32, #tpu.memory_space<vmem>>) target_semaphore(%arg20 : memref<!tpu.dma_semaphore, #tpu.memory_space<semaphore_mem>>)
        %add3A_384 = arith.constant 0 : i32
        %add3A_385 = arith.addi %mul3A_7, %add3A_384 : i32
        %min3A_386 = arith.constant 7812 : i32
        %min3A_387 = arith.minsi %add3A_385, %min3A_386 : i32
        %mul3A_388 = arith.constant 128 : i32
        %mul3A_389 = arith.muli %min3A_387, %mul3A_388 : i32
        %multiple_of3A_390 = tpu.assume_multiple %mul3A_389, 128 : i32
        %dma_wait3A_391 = arith.constant 0 : i32
        %dma_wait3A_392 = tpu.memref_slice %arg4[%dma_wait3A_391, %multiple_of3A_390] : memref<64x1000000xf32, #tpu.memory_space<hbm>> -> memref<64x128xf32, #tpu.memory_space<hbm>>
        %dma_wait3A_393 = arith.constant 0 : i32
        %dma_wait3A_394 = tpu.memref_slice %arg4[%dma_wait3A_393, %multiple_of3A_390] : memref<64x1000000xf32, #tpu.memory_space<hbm>> -> memref<64x128xf32, #tpu.memory_space<hbm>>
        tpu.wait_dma2 semaphore(%arg20 : memref<!tpu.dma_semaphore, #tpu.memory_space<semaphore_mem>>) src(%dma_wait3A_394 : memref<64x128xf32, #tpu.memory_space<hbm>>) dst(%arg13 : memref<64x128xf32, #tpu.memory_space<vmem>>)
        %add3A_395 = arith.constant 2 : i32
        %add3A_396 = arith.addi %mul3A_285, %add3A_395 : i32
        %sub3A_397 = arith.constant 1 : i32
        %sub3A_398 = arith.subi %max3A_88, %sub3A_397 : i32
        %min3A_399 = arith.minsi %add3A_396, %sub3A_398 : i32
        %get3A_400 = arith.index_cast %min3A_399 : i32 to index
        %get3A_401 = memref.load %arg10[%get3A_400] : memref<253xi32, #tpu.memory_space<smem>>
        %get3A_402 = arith.index_cast %get3A_401 : i32 to index
        %get3A_403 = memref.load %arg9[%get3A_402] : memref<253xi32, #tpu.memory_space<smem>>
        %while3A_404 = arith.subi %get3A_403, %get3A_354 : i32
        %while3A_405 = arith.addi %get3A_354, %while3A_404 : i32
        %while3A_406 = arith.constant 1 : i32
        %while3A_407 = arith.divsi %while3A_404, %while3A_406 : i32
        %while3A_408 = arith.muli %while3A_407, %while3A_406 : i32
        %while3A_409 = arith.addi %get3A_354, %while3A_408 : i32
        %while3A_410 = arith.constant 1 : i32
        %while3A_411:4 = scf.for %while3A_580 = %get3A_354 to %while3A_409 step %while3A_410 iter_args(%while3A_581 = %while3A_364#0, %while3A_582 = %while3A_364#1, %while3A_583 = %while3A_364#2, %while3A_584 = %while3A_364#3) -> (vector<16xf32>, vector<16xf32>, vector<16xf32>, vector<16xf32>)  : i32 {
          %get3A_585 = arith.index_cast %while3A_580 : i32 to index
          %get3A_586 = tpu.vector_load %arg8[%get3A_585] {strides = array<i32>} : memref<4096xi32, #tpu.memory_space<vmem>>, vector<16xi32>,
          %slice3A = vector.extract_strided_slice %get3A_586 {offsets = [0], sizes = [1], strides = [1]} : vector<16xi32> to vector<1xi32>
          %squeeze3A = vector.extract %slice3A[0] : i32 from vector<1xi32>
          %and3A_587 = arith.constant 16383 : i32
          %and3A_588 = arith.andi %squeeze3A, %and3A_587 : i32
          %shift_right_arithmetic3A = arith.constant 14 : i32
          %shift_right_arithmetic3A_589 = arith.shrsi %squeeze3A, %shift_right_arithmetic3A : i32
          %and3A_590 = arith.constant 127 : i32
          %and3A_591 = arith.andi %shift_right_arithmetic3A_589, %and3A_590 : i32
          %broadcast_in_dim3A_592 = vector.broadcast %and3A_591 : i32 to vector<16xi32>
          %jit3A_593 = arith.constant 16 : i32
          %div3A_594 = arith.divsi %and3A_588, %jit3A_593 : i32
          %sign3A_595 = arith.constant 0 : i32
          %sign3A_596 = arith.cmpi sgt, %and3A_588, %sign3A_595 : i32
          %sign3A_597 = arith.extui %sign3A_596 : i1 to i32
          %sign3A_598 = arith.constant 0 : i32
          %sign3A_599 = arith.cmpi slt, %and3A_588, %sign3A_598 : i32
          %sign3A_600 = arith.extui %sign3A_599 : i1 to i32
          %sign3A_601 = arith.subi %sign3A_597, %sign3A_600 : i32
          %sign3A_602 = arith.constant 0 : i32
          %sign3A_603 = arith.cmpi sgt, %jit3A_593, %sign3A_602 : i32
          %sign3A_604 = arith.extui %sign3A_603 : i1 to i32
          %sign3A_605 = arith.constant 0 : i32
          %sign3A_606 = arith.cmpi slt, %jit3A_593, %sign3A_605 : i32
          %sign3A_607 = arith.extui %sign3A_606 : i1 to i32
          %sign3A_608 = arith.subi %sign3A_604, %sign3A_607 : i32
          %ne3A_609 = arith.cmpi ne, %sign3A_601, %sign3A_608 : i32
          %rem3A_610 = arith.remsi %and3A_588, %jit3A_593 : i32
          %ne3A_611 = arith.constant 0 : i32
          %ne3A_612 = arith.cmpi ne, %rem3A_610, %ne3A_611 : i32
          %and3A_613 = arith.andi %ne3A_609, %ne3A_612 : i1
          %sub3A_614 = arith.constant 1 : i32
          %sub3A_615 = arith.subi %div3A_594, %sub3A_614 : i32
          %select_n3A_616 = arith.select %and3A_613, %sub3A_615, %div3A_594 : i32
          %jit3A_617 = arith.constant 2 : i32
          %div3A_618 = arith.divsi %and3A_588, %jit3A_617 : i32
          %sign3A_619 = arith.constant 0 : i32
          %sign3A_620 = arith.cmpi sgt, %and3A_588, %sign3A_619 : i32
          %sign3A_621 = arith.extui %sign3A_620 : i1 to i32
          %sign3A_622 = arith.constant 0 : i32
          %sign3A_623 = arith.cmpi slt, %and3A_588, %sign3A_622 : i32
          %sign3A_624 = arith.extui %sign3A_623 : i1 to i32
          %sign3A_625 = arith.subi %sign3A_621, %sign3A_624 : i32
          %sign3A_626 = arith.constant 0 : i32
          %sign3A_627 = arith.cmpi sgt, %jit3A_617, %sign3A_626 : i32
          %sign3A_628 = arith.extui %sign3A_627 : i1 to i32
          %sign3A_629 = arith.constant 0 : i32
          %sign3A_630 = arith.cmpi slt, %jit3A_617, %sign3A_629 : i32
          %sign3A_631 = arith.extui %sign3A_630 : i1 to i32
          %sign3A_632 = arith.subi %sign3A_628, %sign3A_631 : i32
          %ne3A_633 = arith.cmpi ne, %sign3A_625, %sign3A_632 : i32
          %rem3A_634 = arith.remsi %and3A_588, %jit3A_617 : i32
          %ne3A_635 = arith.constant 0 : i32
          %ne3A_636 = arith.cmpi ne, %rem3A_634, %ne3A_635 : i32
          %and3A_637 = arith.andi %ne3A_633, %ne3A_636 : i1
          %sub3A_638 = arith.constant 1 : i32
          %sub3A_639 = arith.subi %div3A_618, %sub3A_638 : i32
          %select_n3A_640 = arith.select %and3A_637, %sub3A_639, %div3A_618 : i32
          %jit3A_641 = arith.constant 8 : i32
          %eq3A_642 = arith.constant 0 : i32
          %eq3A_643 = arith.cmpi eq, %jit3A_641, %eq3A_642 : i32
          %jit3A_644 = arith.constant 1 : i32
          %select_n3A_645 = arith.select %eq3A_643, %jit3A_644, %jit3A_641 : i32
          %rem3A_646 = arith.remsi %select_n3A_640, %select_n3A_645 : i32
          %ne3A_647 = arith.constant 0 : i32
          %ne3A_648 = arith.cmpi ne, %rem3A_646, %ne3A_647 : i32
          %lt3A = arith.constant 0 : i32
          %lt3A_649 = arith.cmpi slt, %rem3A_646, %lt3A : i32
          %lt3A_650 = arith.constant 0 : i32
          %lt3A_651 = arith.cmpi slt, %select_n3A_645, %lt3A_650 : i32
          %ne3A_652 = arith.xori %lt3A_649, %lt3A_651 : i1
          %and3A_653 = arith.andi %ne3A_652, %ne3A_648 : i1
          %add3A_654 = arith.addi %rem3A_646, %select_n3A_645 : i32
          %select_n3A_655 = arith.select %and3A_653, %add3A_654, %rem3A_646 : i32
          "tpu.region"() ({
            %run_scoped3A = tpu.sem_alloc : memref<!tpu.dma_semaphore, #tpu.memory_space<semaphore_mem>>
            %dma_start3A_717 = arith.constant 0 : i32
            %dma_start3A_718 = tpu.memref_slice %arg19[%select_n3A_616, %select_n3A_655, %dma_start3A_717] : memref<1024x8x128xf32, #tpu.memory_space<vmem_shared>> -> memref<1x1x128xf32, #tpu.memory_space<vmem_shared>>
            %dma_start3A_719 = tpu.memref_squeeze %dma_start3A_718 : memref<1x1x128xf32, #tpu.memory_space<vmem_shared>> -> memref<128xf32, #tpu.memory_space<vmem_shared>>
            %dma_start3A_720 = arith.constant 0 : i32
            %dma_start3A_721 = tpu.memref_slice %arg19[%select_n3A_616, %select_n3A_655, %dma_start3A_720] : memref<1024x8x128xf32, #tpu.memory_space<vmem_shared>> -> memref<1x1x128xf32, #tpu.memory_space<vmem_shared>>
            %dma_start3A_722 = tpu.memref_squeeze %dma_start3A_721 : memref<1x1x128xf32, #tpu.memory_space<vmem_shared>> -> memref<128xf32, #tpu.memory_space<vmem_shared>>
            tpu.enqueue_dma source(%dma_start3A_722 : memref<128xf32, #tpu.memory_space<vmem_shared>>) target(%arg17 : memref<128xf32, #tpu.memory_space<vmem>>) target_semaphore(%run_scoped3A : memref<!tpu.dma_semaphore, #tpu.memory_space<semaphore_mem>>)
            %dma_wait3A_723 = arith.constant 0 : i32
            %dma_wait3A_724 = tpu.memref_slice %arg19[%select_n3A_616, %select_n3A_655, %dma_wait3A_723] : memref<1024x8x128xf32, #tpu.memory_space<vmem_shared>> -> memref<1x1x128xf32, #tpu.memory_space<vmem_shared>>
            %dma_wait3A_725 = tpu.memref_squeeze %dma_wait3A_724 : memref<1x1x128xf32, #tpu.memory_space<vmem_shared>> -> memref<128xf32, #tpu.memory_space<vmem_shared>>
            %dma_wait3A_726 = arith.constant 0 : i32
            %dma_wait3A_727 = tpu.memref_slice %arg19[%select_n3A_616, %select_n3A_655, %dma_wait3A_726] : memref<1024x8x128xf32, #tpu.memory_space<vmem_shared>> -> memref<1x1x128xf32, #tpu.memory_space<vmem_shared>>
            %dma_wait3A_728 = tpu.memref_squeeze %dma_wait3A_727 : memref<1x1x128xf32, #tpu.memory_space<vmem_shared>> -> memref<128xf32, #tpu.memory_space<vmem_shared>>
            tpu.wait_dma2 semaphore(%run_scoped3A : memref<!tpu.dma_semaphore, #tpu.memory_space<semaphore_mem>>) src(%dma_wait3A_728 : memref<128xf32, #tpu.memory_space<vmem_shared>>) dst(%arg17 : memref<128xf32, #tpu.memory_space<vmem>>)
            tpu.yield
          }) : () -> ()
          %jit3A_656 = arith.constant 2 : i32
          %eq3A_657 = arith.constant 0 : i32
          %eq3A_658 = arith.cmpi eq, %jit3A_656, %eq3A_657 : i32
          %jit3A_659 = arith.constant 1 : i32
          %select_n3A_660 = arith.select %eq3A_658, %jit3A_659, %jit3A_656 : i32
          %rem3A_661 = arith.remsi %and3A_588, %select_n3A_660 : i32
          %ne3A_662 = arith.constant 0 : i32
          %ne3A_663 = arith.cmpi ne, %rem3A_661, %ne3A_662 : i32
          %lt3A_664 = arith.constant 0 : i32
          %lt3A_665 = arith.cmpi slt, %rem3A_661, %lt3A_664 : i32
          %lt3A_666 = arith.constant 0 : i32
          %lt3A_667 = arith.cmpi slt, %select_n3A_660, %lt3A_666 : i32
          %ne3A_668 = arith.xori %lt3A_665, %lt3A_667 : i1
          %and3A_669 = arith.andi %ne3A_668, %ne3A_663 : i1
          %add3A_670 = arith.addi %rem3A_661, %select_n3A_660 : i32
          %select_n3A_671 = arith.select %and3A_669, %add3A_670, %rem3A_661 : i32
          %mul3A_672 = arith.constant 64 : i32
          %mul3A_673 = arith.muli %select_n3A_671, %mul3A_672 : i32
          %add3A_674 = arith.constant 0 : i32
          %add3A_675 = vector.broadcast %add3A_674 : i32 to vector<16xi32>
          %add3A_676 = arith.addi %iota3A, %add3A_675 : vector<16xi32>
          %gather3A = tpu.vector_load_idx %arg13[%add3A_676, %broadcast_in_dim3A_592] : memref<64x128xf32, #tpu.memory_space<vmem>>[vector<16xi32>, vector<16xi32>], vector<16xf32>,
          %add3A_677 = arith.constant 0 : i32
          %add3A_678 = arith.addi %mul3A_673, %add3A_677 : i32
          %get3A_679 = arith.index_cast %add3A_678 : i32 to index
          %get3A_680 = tpu.vector_load %arg17[%get3A_679] {strides = array<i32>} : memref<128xf32, #tpu.memory_space<vmem>>, vector<16xf32>,
          %sub3A_681 = arith.subf %get3A_680, %gather3A : vector<16xf32>
          %mul3A_682 = arith.mulf %sub3A_681, %sub3A_681 : vector<16xf32>
          %add3A_683 = arith.addf %while3A_581, %mul3A_682 : vector<16xf32>
          %add3A_684 = arith.constant 16 : i32
          %add3A_685 = vector.broadcast %add3A_684 : i32 to vector<16xi32>
          %add3A_686 = arith.addi %iota3A, %add3A_685 : vector<16xi32>
          %gather3A_687 = tpu.vector_load_idx %arg13[%add3A_686, %broadcast_in_dim3A_592] : memref<64x128xf32, #tpu.memory_space<vmem>>[vector<16xi32>, vector<16xi32>], vector<16xf32>,
          %add3A_688 = arith.constant 16 : i32
          %add3A_689 = arith.addi %mul3A_673, %add3A_688 : i32
          %get3A_690 = arith.index_cast %add3A_689 : i32 to index
          %get3A_691 = tpu.vector_load %arg17[%get3A_690] {strides = array<i32>} : memref<128xf32, #tpu.memory_space<vmem>>, vector<16xf32>,
          %sub3A_692 = arith.subf %get3A_691, %gather3A_687 : vector<16xf32>
          %mul3A_693 = arith.mulf %sub3A_692, %sub3A_692 : vector<16xf32>
          %add3A_694 = arith.addf %while3A_582, %mul3A_693 : vector<16xf32>
          %add3A_695 = arith.constant 32 : i32
          %add3A_696 = vector.broadcast %add3A_695 : i32 to vector<16xi32>
          %add3A_697 = arith.addi %iota3A, %add3A_696 : vector<16xi32>
          %gather3A_698 = tpu.vector_load_idx %arg13[%add3A_697, %broadcast_in_dim3A_592] : memref<64x128xf32, #tpu.memory_space<vmem>>[vector<16xi32>, vector<16xi32>], vector<16xf32>,
          %add3A_699 = arith.constant 32 : i32
          %add3A_700 = arith.addi %mul3A_673, %add3A_699 : i32
          %get3A_701 = arith.index_cast %add3A_700 : i32 to index
          %get3A_702 = tpu.vector_load %arg17[%get3A_701] {strides = array<i32>} : memref<128xf32, #tpu.memory_space<vmem>>, vector<16xf32>,
          %sub3A_703 = arith.subf %get3A_702, %gather3A_698 : vector<16xf32>
          %mul3A_704 = arith.mulf %sub3A_703, %sub3A_703 : vector<16xf32>
          %add3A_705 = arith.addf %while3A_583, %mul3A_704 : vector<16xf32>
          %add3A_706 = arith.constant 48 : i32
          %add3A_707 = vector.broadcast %add3A_706 : i32 to vector<16xi32>
          %add3A_708 = arith.addi %iota3A, %add3A_707 : vector<16xi32>
          %gather3A_709 = tpu.vector_load_idx %arg13[%add3A_708, %broadcast_in_dim3A_592] : memref<64x128xf32, #tpu.memory_space<vmem>>[vector<16xi32>, vector<16xi32>], vector<16xf32>,
          %add3A_710 = arith.constant 48 : i32
          %add3A_711 = arith.addi %mul3A_673, %add3A_710 : i32
          %get3A_712 = arith.index_cast %add3A_711 : i32 to index
          %get3A_713 = tpu.vector_load %arg17[%get3A_712] {strides = array<i32>} : memref<128xf32, #tpu.memory_space<vmem>>, vector<16xf32>,
          %sub3A_714 = arith.subf %get3A_713, %gather3A_709 : vector<16xf32>
          %mul3A_715 = arith.mulf %sub3A_714, %sub3A_714 : vector<16xf32>
          %add3A_716 = arith.addf %while3A_584, %mul3A_715 : vector<16xf32>
          scf.yield %add3A_683, %add3A_694, %add3A_705, %add3A_716 : vector<16xf32>, vector<16xf32>, vector<16xf32>, vector<16xf32>
        }
        %while3A_412 = arith.constant 1 : i32
        %while3A_413:4 = scf.for %while3A_580 = %while3A_409 to %while3A_405 step %while3A_412 iter_args(%while3A_581 = %while3A_411#0, %while3A_582 = %while3A_411#1, %while3A_583 = %while3A_411#2, %while3A_584 = %while3A_411#3) -> (vector<16xf32>, vector<16xf32>, vector<16xf32>, vector<16xf32>)  : i32 {
          %get3A_585 = arith.index_cast %while3A_580 : i32 to index
          %get3A_586 = tpu.vector_load %arg8[%get3A_585] {strides = array<i32>} : memref<4096xi32, #tpu.memory_space<vmem>>, vector<16xi32>,
          %slice3A = vector.extract_strided_slice %get3A_586 {offsets = [0], sizes = [1], strides = [1]} : vector<16xi32> to vector<1xi32>
          %squeeze3A = vector.extract %slice3A[0] : i32 from vector<1xi32>
          %and3A_587 = arith.constant 16383 : i32
          %and3A_588 = arith.andi %squeeze3A, %and3A_587 : i32
          %shift_right_arithmetic3A = arith.constant 14 : i32
          %shift_right_arithmetic3A_589 = arith.shrsi %squeeze3A, %shift_right_arithmetic3A : i32
          %and3A_590 = arith.constant 127 : i32
          %and3A_591 = arith.andi %shift_right_arithmetic3A_589, %and3A_590 : i32
          %broadcast_in_dim3A_592 = vector.broadcast %and3A_591 : i32 to vector<16xi32>
          %jit3A_593 = arith.constant 16 : i32
          %div3A_594 = arith.divsi %and3A_588, %jit3A_593 : i32
          %sign3A_595 = arith.constant 0 : i32
          %sign3A_596 = arith.cmpi sgt, %and3A_588, %sign3A_595 : i32
          %sign3A_597 = arith.extui %sign3A_596 : i1 to i32
          %sign3A_598 = arith.constant 0 : i32
          %sign3A_599 = arith.cmpi slt, %and3A_588, %sign3A_598 : i32
          %sign3A_600 = arith.extui %sign3A_599 : i1 to i32
          %sign3A_601 = arith.subi %sign3A_597, %sign3A_600 : i32
          %sign3A_602 = arith.constant 0 : i32
          %sign3A_603 = arith.cmpi sgt, %jit3A_593, %sign3A_602 : i32
          %sign3A_604 = arith.extui %sign3A_603 : i1 to i32
          %sign3A_605 = arith.constant 0 : i32
          %sign3A_606 = arith.cmpi slt, %jit3A_593, %sign3A_605 : i32
          %sign3A_607 = arith.extui %sign3A_606 : i1 to i32
          %sign3A_608 = arith.subi %sign3A_604, %sign3A_607 : i32
          %ne3A_609 = arith.cmpi ne, %sign3A_601, %sign3A_608 : i32
          %rem3A_610 = arith.remsi %and3A_588, %jit3A_593 : i32
          %ne3A_611 = arith.constant 0 : i32
          %ne3A_612 = arith.cmpi ne, %rem3A_610, %ne3A_611 : i32
          %and3A_613 = arith.andi %ne3A_609, %ne3A_612 : i1
          %sub3A_614 = arith.constant 1 : i32
          %sub3A_615 = arith.subi %div3A_594, %sub3A_614 : i32
          %select_n3A_616 = arith.select %and3A_613, %sub3A_615, %div3A_594 : i32
          %jit3A_617 = arith.constant 2 : i32
          %div3A_618 = arith.divsi %and3A_588, %jit3A_617 : i32
          %sign3A_619 = arith.constant 0 : i32
          %sign3A_620 = arith.cmpi sgt, %and3A_588, %sign3A_619 : i32
          %sign3A_621 = arith.extui %sign3A_620 : i1 to i32
          %sign3A_622 = arith.constant 0 : i32
          %sign3A_623 = arith.cmpi slt, %and3A_588, %sign3A_622 : i32
          %sign3A_624 = arith.extui %sign3A_623 : i1 to i32
          %sign3A_625 = arith.subi %sign3A_621, %sign3A_624 : i32
          %sign3A_626 = arith.constant 0 : i32
          %sign3A_627 = arith.cmpi sgt, %jit3A_617, %sign3A_626 : i32
          %sign3A_628 = arith.extui %sign3A_627 : i1 to i32
          %sign3A_629 = arith.constant 0 : i32
          %sign3A_630 = arith.cmpi slt, %jit3A_617, %sign3A_629 : i32
          %sign3A_631 = arith.extui %sign3A_630 : i1 to i32
          %sign3A_632 = arith.subi %sign3A_628, %sign3A_631 : i32
          %ne3A_633 = arith.cmpi ne, %sign3A_625, %sign3A_632 : i32
          %rem3A_634 = arith.remsi %and3A_588, %jit3A_617 : i32
          %ne3A_635 = arith.constant 0 : i32
          %ne3A_636 = arith.cmpi ne, %rem3A_634, %ne3A_635 : i32
          %and3A_637 = arith.andi %ne3A_633, %ne3A_636 : i1
          %sub3A_638 = arith.constant 1 : i32
          %sub3A_639 = arith.subi %div3A_618, %sub3A_638 : i32
          %select_n3A_640 = arith.select %and3A_637, %sub3A_639, %div3A_618 : i32
          %jit3A_641 = arith.constant 8 : i32
          %eq3A_642 = arith.constant 0 : i32
          %eq3A_643 = arith.cmpi eq, %jit3A_641, %eq3A_642 : i32
          %jit3A_644 = arith.constant 1 : i32
          %select_n3A_645 = arith.select %eq3A_643, %jit3A_644, %jit3A_641 : i32
          %rem3A_646 = arith.remsi %select_n3A_640, %select_n3A_645 : i32
          %ne3A_647 = arith.constant 0 : i32
          %ne3A_648 = arith.cmpi ne, %rem3A_646, %ne3A_647 : i32
          %lt3A = arith.constant 0 : i32
          %lt3A_649 = arith.cmpi slt, %rem3A_646, %lt3A : i32
          %lt3A_650 = arith.constant 0 : i32
          %lt3A_651 = arith.cmpi slt, %select_n3A_645, %lt3A_650 : i32
          %ne3A_652 = arith.xori %lt3A_649, %lt3A_651 : i1
          %and3A_653 = arith.andi %ne3A_652, %ne3A_648 : i1
          %add3A_654 = arith.addi %rem3A_646, %select_n3A_645 : i32
          %select_n3A_655 = arith.select %and3A_653, %add3A_654, %rem3A_646 : i32
          "tpu.region"() ({
            %run_scoped3A = tpu.sem_alloc : memref<!tpu.dma_semaphore, #tpu.memory_space<semaphore_mem>>
            %dma_start3A_717 = arith.constant 0 : i32
            %dma_start3A_718 = tpu.memref_slice %arg19[%select_n3A_616, %select_n3A_655, %dma_start3A_717] : memref<1024x8x128xf32, #tpu.memory_space<vmem_shared>> -> memref<1x1x128xf32, #tpu.memory_space<vmem_shared>>
            %dma_start3A_719 = tpu.memref_squeeze %dma_start3A_718 : memref<1x1x128xf32, #tpu.memory_space<vmem_shared>> -> memref<128xf32, #tpu.memory_space<vmem_shared>>
            %dma_start3A_720 = arith.constant 0 : i32
            %dma_start3A_721 = tpu.memref_slice %arg19[%select_n3A_616, %select_n3A_655, %dma_start3A_720] : memref<1024x8x128xf32, #tpu.memory_space<vmem_shared>> -> memref<1x1x128xf32, #tpu.memory_space<vmem_shared>>
            %dma_start3A_722 = tpu.memref_squeeze %dma_start3A_721 : memref<1x1x128xf32, #tpu.memory_space<vmem_shared>> -> memref<128xf32, #tpu.memory_space<vmem_shared>>
            tpu.enqueue_dma source(%dma_start3A_722 : memref<128xf32, #tpu.memory_space<vmem_shared>>) target(%arg17 : memref<128xf32, #tpu.memory_space<vmem>>) target_semaphore(%run_scoped3A : memref<!tpu.dma_semaphore, #tpu.memory_space<semaphore_mem>>)
            %dma_wait3A_723 = arith.constant 0 : i32
            %dma_wait3A_724 = tpu.memref_slice %arg19[%select_n3A_616, %select_n3A_655, %dma_wait3A_723] : memref<1024x8x128xf32, #tpu.memory_space<vmem_shared>> -> memref<1x1x128xf32, #tpu.memory_space<vmem_shared>>
            %dma_wait3A_725 = tpu.memref_squeeze %dma_wait3A_724 : memref<1x1x128xf32, #tpu.memory_space<vmem_shared>> -> memref<128xf32, #tpu.memory_space<vmem_shared>>
            %dma_wait3A_726 = arith.constant 0 : i32
            %dma_wait3A_727 = tpu.memref_slice %arg19[%select_n3A_616, %select_n3A_655, %dma_wait3A_726] : memref<1024x8x128xf32, #tpu.memory_space<vmem_shared>> -> memref<1x1x128xf32, #tpu.memory_space<vmem_shared>>
            %dma_wait3A_728 = tpu.memref_squeeze %dma_wait3A_727 : memref<1x1x128xf32, #tpu.memory_space<vmem_shared>> -> memref<128xf32, #tpu.memory_space<vmem_shared>>
            tpu.wait_dma2 semaphore(%run_scoped3A : memref<!tpu.dma_semaphore, #tpu.memory_space<semaphore_mem>>) src(%dma_wait3A_728 : memref<128xf32, #tpu.memory_space<vmem_shared>>) dst(%arg17 : memref<128xf32, #tpu.memory_space<vmem>>)
            tpu.yield
          }) : () -> ()
          %jit3A_656 = arith.constant 2 : i32
          %eq3A_657 = arith.constant 0 : i32
          %eq3A_658 = arith.cmpi eq, %jit3A_656, %eq3A_657 : i32
          %jit3A_659 = arith.constant 1 : i32
          %select_n3A_660 = arith.select %eq3A_658, %jit3A_659, %jit3A_656 : i32
          %rem3A_661 = arith.remsi %and3A_588, %select_n3A_660 : i32
          %ne3A_662 = arith.constant 0 : i32
          %ne3A_663 = arith.cmpi ne, %rem3A_661, %ne3A_662 : i32
          %lt3A_664 = arith.constant 0 : i32
          %lt3A_665 = arith.cmpi slt, %rem3A_661, %lt3A_664 : i32
          %lt3A_666 = arith.constant 0 : i32
          %lt3A_667 = arith.cmpi slt, %select_n3A_660, %lt3A_666 : i32
          %ne3A_668 = arith.xori %lt3A_665, %lt3A_667 : i1
          %and3A_669 = arith.andi %ne3A_668, %ne3A_663 : i1
          %add3A_670 = arith.addi %rem3A_661, %select_n3A_660 : i32
          %select_n3A_671 = arith.select %and3A_669, %add3A_670, %rem3A_661 : i32
          %mul3A_672 = arith.constant 64 : i32
          %mul3A_673 = arith.muli %select_n3A_671, %mul3A_672 : i32
          %add3A_674 = arith.constant 0 : i32
          %add3A_675 = vector.broadcast %add3A_674 : i32 to vector<16xi32>
          %add3A_676 = arith.addi %iota3A, %add3A_675 : vector<16xi32>
          %gather3A = tpu.vector_load_idx %arg13[%add3A_676, %broadcast_in_dim3A_592] : memref<64x128xf32, #tpu.memory_space<vmem>>[vector<16xi32>, vector<16xi32>], vector<16xf32>,
          %add3A_677 = arith.constant 0 : i32
          %add3A_678 = arith.addi %mul3A_673, %add3A_677 : i32
          %get3A_679 = arith.index_cast %add3A_678 : i32 to index
          %get3A_680 = tpu.vector_load %arg17[%get3A_679] {strides = array<i32>} : memref<128xf32, #tpu.memory_space<vmem>>, vector<16xf32>,
          %sub3A_681 = arith.subf %get3A_680, %gather3A : vector<16xf32>
          %mul3A_682 = arith.mulf %sub3A_681, %sub3A_681 : vector<16xf32>
          %add3A_683 = arith.addf %while3A_581, %mul3A_682 : vector<16xf32>
          %add3A_684 = arith.constant 16 : i32
          %add3A_685 = vector.broadcast %add3A_684 : i32 to vector<16xi32>
          %add3A_686 = arith.addi %iota3A, %add3A_685 : vector<16xi32>
          %gather3A_687 = tpu.vector_load_idx %arg13[%add3A_686, %broadcast_in_dim3A_592] : memref<64x128xf32, #tpu.memory_space<vmem>>[vector<16xi32>, vector<16xi32>], vector<16xf32>,
          %add3A_688 = arith.constant 16 : i32
          %add3A_689 = arith.addi %mul3A_673, %add3A_688 : i32
          %get3A_690 = arith.index_cast %add3A_689 : i32 to index
          %get3A_691 = tpu.vector_load %arg17[%get3A_690] {strides = array<i32>} : memref<128xf32, #tpu.memory_space<vmem>>, vector<16xf32>,
          %sub3A_692 = arith.subf %get3A_691, %gather3A_687 : vector<16xf32>
          %mul3A_693 = arith.mulf %sub3A_692, %sub3A_692 : vector<16xf32>
          %add3A_694 = arith.addf %while3A_582, %mul3A_693 : vector<16xf32>
          %add3A_695 = arith.constant 32 : i32
          %add3A_696 = vector.broadcast %add3A_695 : i32 to vector<16xi32>
          %add3A_697 = arith.addi %iota3A, %add3A_696 : vector<16xi32>
          %gather3A_698 = tpu.vector_load_idx %arg13[%add3A_697, %broadcast_in_dim3A_592] : memref<64x128xf32, #tpu.memory_space<vmem>>[vector<16xi32>, vector<16xi32>], vector<16xf32>,
          %add3A_699 = arith.constant 32 : i32
          %add3A_700 = arith.addi %mul3A_673, %add3A_699 : i32
          %get3A_701 = arith.index_cast %add3A_700 : i32 to index
          %get3A_702 = tpu.vector_load %arg17[%get3A_701] {strides = array<i32>} : memref<128xf32, #tpu.memory_space<vmem>>, vector<16xf32>,
          %sub3A_703 = arith.subf %get3A_702, %gather3A_698 : vector<16xf32>
          %mul3A_704 = arith.mulf %sub3A_703, %sub3A_703 : vector<16xf32>
          %add3A_705 = arith.addf %while3A_583, %mul3A_704 : vector<16xf32>
          %add3A_706 = arith.constant 48 : i32
          %add3A_707 = vector.broadcast %add3A_706 : i32 to vector<16xi32>
          %add3A_708 = arith.addi %iota3A, %add3A_707 : vector<16xi32>
          %gather3A_709 = tpu.vector_load_idx %arg13[%add3A_708, %broadcast_in_dim3A_592] : memref<64x128xf32, #tpu.memory_space<vmem>>[vector<16xi32>, vector<16xi32>], vector<16xf32>,
          %add3A_710 = arith.constant 48 : i32
          %add3A_711 = arith.addi %mul3A_673, %add3A_710 : i32
          %get3A_712 = arith.index_cast %add3A_711 : i32 to index
          %get3A_713 = tpu.vector_load %arg17[%get3A_712] {strides = array<i32>} : memref<128xf32, #tpu.memory_space<vmem>>, vector<16xf32>,
          %sub3A_714 = arith.subf %get3A_713, %gather3A_709 : vector<16xf32>
          %mul3A_715 = arith.mulf %sub3A_714, %sub3A_714 : vector<16xf32>
          %add3A_716 = arith.addf %while3A_584, %mul3A_715 : vector<16xf32>
          scf.yield %add3A_683, %add3A_694, %add3A_705, %add3A_716 : vector<16xf32>, vector<16xf32>, vector<16xf32>, vector<16xf32>
        }
        %add3A_414 = arith.constant 2 : i32
        %add3A_415 = arith.addi %mul3A_285, %add3A_414 : i32
        %add3A_416 = arith.constant 6 : i32
        %add3A_417 = arith.addi %add3A_415, %add3A_416 : i32
        %sub3A_418 = arith.constant 1 : i32
        %sub3A_419 = arith.subi %max3A_88, %sub3A_418 : i32
        %min3A_420 = arith.minsi %add3A_417, %sub3A_419 : i32
        %get3A_421 = arith.index_cast %min3A_420 : i32 to index
        %get3A_422 = memref.load %arg10[%get3A_421] : memref<253xi32, #tpu.memory_space<smem>>
        %add3A_423 = arith.addi %mul3A_7, %get3A_422 : i32
        %min3A_424 = arith.constant 7812 : i32
        %min3A_425 = arith.minsi %add3A_423, %min3A_424 : i32
        %mul3A_426 = arith.constant 128 : i32
        %mul3A_427 = arith.muli %min3A_425, %mul3A_426 : i32
        %multiple_of3A_428 = tpu.assume_multiple %mul3A_427, 128 : i32
        %dma_start3A_429 = arith.constant 0 : i32
        %dma_start3A_430 = tpu.memref_slice %arg4[%dma_start3A_429, %multiple_of3A_428] : memref<64x1000000xf32, #tpu.memory_space<hbm>> -> memref<64x128xf32, #tpu.memory_space<hbm>>
        %dma_start3A_431 = arith.constant 0 : i32
        %dma_start3A_432 = tpu.memref_slice %arg4[%dma_start3A_431, %multiple_of3A_428] : memref<64x1000000xf32, #tpu.memory_space<hbm>> -> memref<64x128xf32, #tpu.memory_space<hbm>>
        tpu.enqueue_dma source(%dma_start3A_432 : memref<64x128xf32, #tpu.memory_space<hbm>>) target(%arg13 : memref<64x128xf32, #tpu.memory_space<vmem>>) target_semaphore(%arg20 : memref<!tpu.dma_semaphore, #tpu.memory_space<semaphore_mem>>)
        %add3A_433 = arith.constant 0 : i32
        %add3A_434 = arith.addi %mul3A_7, %add3A_433 : i32
        %min3A_435 = arith.constant 7812 : i32
        %min3A_436 = arith.minsi %add3A_434, %min3A_435 : i32
        %mul3A_437 = arith.constant 128 : i32
        %mul3A_438 = arith.muli %min3A_436, %mul3A_437 : i32
        %multiple_of3A_439 = tpu.assume_multiple %mul3A_438, 128 : i32
        %dma_wait3A_440 = arith.constant 0 : i32
        %dma_wait3A_441 = tpu.memref_slice %arg4[%dma_wait3A_440, %multiple_of3A_439] : memref<64x1000000xf32, #tpu.memory_space<hbm>> -> memref<64x128xf32, #tpu.memory_space<hbm>>
        %dma_wait3A_442 = arith.constant 0 : i32
        %dma_wait3A_443 = tpu.memref_slice %arg4[%dma_wait3A_442, %multiple_of3A_439] : memref<64x1000000xf32, #tpu.memory_space<hbm>> -> memref<64x128xf32, #tpu.memory_space<hbm>>
        tpu.wait_dma2 semaphore(%arg20 : memref<!tpu.dma_semaphore, #tpu.memory_space<semaphore_mem>>) src(%dma_wait3A_443 : memref<64x128xf32, #tpu.memory_space<hbm>>) dst(%arg14 : memref<64x128xf32, #tpu.memory_space<vmem>>)
        %add3A_444 = arith.constant 3 : i32
        %add3A_445 = arith.addi %mul3A_285, %add3A_444 : i32
        %sub3A_446 = arith.constant 1 : i32
        %sub3A_447 = arith.subi %max3A_88, %sub3A_446 : i32
        %min3A_448 = arith.minsi %add3A_445, %sub3A_447 : i32
        %get3A_449 = arith.index_cast %min3A_448 : i32 to index
        %get3A_450 = memref.load %arg10[%get3A_449] : memref<253xi32, #tpu.memory_space<smem>>
        %get3A_451 = arith.index_cast %get3A_450 : i32 to index
        %get3A_452 = memref.load %arg9[%get3A_451] : memref<253xi32, #tpu.memory_space<smem>>
        %while3A_453 = arith.subi %get3A_452, %get3A_403 : i32
        %while3A_454 = arith.addi %get3A_403, %while3A_453 : i32
        %while3A_455 = arith.constant 1 : i32
        %while3A_456 = arith.divsi %while3A_453, %while3A_455 : i32
        %while3A_457 = arith.muli %while3A_456, %while3A_455 : i32
        %while3A_458 = arith.addi %get3A_403, %while3A_457 : i32
        %while3A_459 = arith.constant 1 : i32
        %while3A_460:4 = scf.for %while3A_580 = %get3A_403 to %while3A_458 step %while3A_459 iter_args(%while3A_581 = %while3A_413#0, %while3A_582 = %while3A_413#1, %while3A_583 = %while3A_413#2, %while3A_584 = %while3A_413#3) -> (vector<16xf32>, vector<16xf32>, vector<16xf32>, vector<16xf32>)  : i32 {
          %get3A_585 = arith.index_cast %while3A_580 : i32 to index
          %get3A_586 = tpu.vector_load %arg8[%get3A_585] {strides = array<i32>} : memref<4096xi32, #tpu.memory_space<vmem>>, vector<16xi32>,
          %slice3A = vector.extract_strided_slice %get3A_586 {offsets = [0], sizes = [1], strides = [1]} : vector<16xi32> to vector<1xi32>
          %squeeze3A = vector.extract %slice3A[0] : i32 from vector<1xi32>
          %and3A_587 = arith.constant 16383 : i32
          %and3A_588 = arith.andi %squeeze3A, %and3A_587 : i32
          %shift_right_arithmetic3A = arith.constant 14 : i32
          %shift_right_arithmetic3A_589 = arith.shrsi %squeeze3A, %shift_right_arithmetic3A : i32
          %and3A_590 = arith.constant 127 : i32
          %and3A_591 = arith.andi %shift_right_arithmetic3A_589, %and3A_590 : i32
          %broadcast_in_dim3A_592 = vector.broadcast %and3A_591 : i32 to vector<16xi32>
          %jit3A_593 = arith.constant 16 : i32
          %div3A_594 = arith.divsi %and3A_588, %jit3A_593 : i32
          %sign3A_595 = arith.constant 0 : i32
          %sign3A_596 = arith.cmpi sgt, %and3A_588, %sign3A_595 : i32
          %sign3A_597 = arith.extui %sign3A_596 : i1 to i32
          %sign3A_598 = arith.constant 0 : i32
          %sign3A_599 = arith.cmpi slt, %and3A_588, %sign3A_598 : i32
          %sign3A_600 = arith.extui %sign3A_599 : i1 to i32
          %sign3A_601 = arith.subi %sign3A_597, %sign3A_600 : i32
          %sign3A_602 = arith.constant 0 : i32
          %sign3A_603 = arith.cmpi sgt, %jit3A_593, %sign3A_602 : i32
          %sign3A_604 = arith.extui %sign3A_603 : i1 to i32
          %sign3A_605 = arith.constant 0 : i32
          %sign3A_606 = arith.cmpi slt, %jit3A_593, %sign3A_605 : i32
          %sign3A_607 = arith.extui %sign3A_606 : i1 to i32
          %sign3A_608 = arith.subi %sign3A_604, %sign3A_607 : i32
          %ne3A_609 = arith.cmpi ne, %sign3A_601, %sign3A_608 : i32
          %rem3A_610 = arith.remsi %and3A_588, %jit3A_593 : i32
          %ne3A_611 = arith.constant 0 : i32
          %ne3A_612 = arith.cmpi ne, %rem3A_610, %ne3A_611 : i32
          %and3A_613 = arith.andi %ne3A_609, %ne3A_612 : i1
          %sub3A_614 = arith.constant 1 : i32
          %sub3A_615 = arith.subi %div3A_594, %sub3A_614 : i32
          %select_n3A_616 = arith.select %and3A_613, %sub3A_615, %div3A_594 : i32
          %jit3A_617 = arith.constant 2 : i32
          %div3A_618 = arith.divsi %and3A_588, %jit3A_617 : i32
          %sign3A_619 = arith.constant 0 : i32
          %sign3A_620 = arith.cmpi sgt, %and3A_588, %sign3A_619 : i32
          %sign3A_621 = arith.extui %sign3A_620 : i1 to i32
          %sign3A_622 = arith.constant 0 : i32
          %sign3A_623 = arith.cmpi slt, %and3A_588, %sign3A_622 : i32
          %sign3A_624 = arith.extui %sign3A_623 : i1 to i32
          %sign3A_625 = arith.subi %sign3A_621, %sign3A_624 : i32
          %sign3A_626 = arith.constant 0 : i32
          %sign3A_627 = arith.cmpi sgt, %jit3A_617, %sign3A_626 : i32
          %sign3A_628 = arith.extui %sign3A_627 : i1 to i32
          %sign3A_629 = arith.constant 0 : i32
          %sign3A_630 = arith.cmpi slt, %jit3A_617, %sign3A_629 : i32
          %sign3A_631 = arith.extui %sign3A_630 : i1 to i32
          %sign3A_632 = arith.subi %sign3A_628, %sign3A_631 : i32
          %ne3A_633 = arith.cmpi ne, %sign3A_625, %sign3A_632 : i32
          %rem3A_634 = arith.remsi %and3A_588, %jit3A_617 : i32
          %ne3A_635 = arith.constant 0 : i32
          %ne3A_636 = arith.cmpi ne, %rem3A_634, %ne3A_635 : i32
          %and3A_637 = arith.andi %ne3A_633, %ne3A_636 : i1
          %sub3A_638 = arith.constant 1 : i32
          %sub3A_639 = arith.subi %div3A_618, %sub3A_638 : i32
          %select_n3A_640 = arith.select %and3A_637, %sub3A_639, %div3A_618 : i32
          %jit3A_641 = arith.constant 8 : i32
          %eq3A_642 = arith.constant 0 : i32
          %eq3A_643 = arith.cmpi eq, %jit3A_641, %eq3A_642 : i32
          %jit3A_644 = arith.constant 1 : i32
          %select_n3A_645 = arith.select %eq3A_643, %jit3A_644, %jit3A_641 : i32
          %rem3A_646 = arith.remsi %select_n3A_640, %select_n3A_645 : i32
          %ne3A_647 = arith.constant 0 : i32
          %ne3A_648 = arith.cmpi ne, %rem3A_646, %ne3A_647 : i32
          %lt3A = arith.constant 0 : i32
          %lt3A_649 = arith.cmpi slt, %rem3A_646, %lt3A : i32
          %lt3A_650 = arith.constant 0 : i32
          %lt3A_651 = arith.cmpi slt, %select_n3A_645, %lt3A_650 : i32
          %ne3A_652 = arith.xori %lt3A_649, %lt3A_651 : i1
          %and3A_653 = arith.andi %ne3A_652, %ne3A_648 : i1
          %add3A_654 = arith.addi %rem3A_646, %select_n3A_645 : i32
          %select_n3A_655 = arith.select %and3A_653, %add3A_654, %rem3A_646 : i32
          "tpu.region"() ({
            %run_scoped3A = tpu.sem_alloc : memref<!tpu.dma_semaphore, #tpu.memory_space<semaphore_mem>>
            %dma_start3A_717 = arith.constant 0 : i32
            %dma_start3A_718 = tpu.memref_slice %arg19[%select_n3A_616, %select_n3A_655, %dma_start3A_717] : memref<1024x8x128xf32, #tpu.memory_space<vmem_shared>> -> memref<1x1x128xf32, #tpu.memory_space<vmem_shared>>
            %dma_start3A_719 = tpu.memref_squeeze %dma_start3A_718 : memref<1x1x128xf32, #tpu.memory_space<vmem_shared>> -> memref<128xf32, #tpu.memory_space<vmem_shared>>
            %dma_start3A_720 = arith.constant 0 : i32
            %dma_start3A_721 = tpu.memref_slice %arg19[%select_n3A_616, %select_n3A_655, %dma_start3A_720] : memref<1024x8x128xf32, #tpu.memory_space<vmem_shared>> -> memref<1x1x128xf32, #tpu.memory_space<vmem_shared>>
            %dma_start3A_722 = tpu.memref_squeeze %dma_start3A_721 : memref<1x1x128xf32, #tpu.memory_space<vmem_shared>> -> memref<128xf32, #tpu.memory_space<vmem_shared>>
            tpu.enqueue_dma source(%dma_start3A_722 : memref<128xf32, #tpu.memory_space<vmem_shared>>) target(%arg17 : memref<128xf32, #tpu.memory_space<vmem>>) target_semaphore(%run_scoped3A : memref<!tpu.dma_semaphore, #tpu.memory_space<semaphore_mem>>)
            %dma_wait3A_723 = arith.constant 0 : i32
            %dma_wait3A_724 = tpu.memref_slice %arg19[%select_n3A_616, %select_n3A_655, %dma_wait3A_723] : memref<1024x8x128xf32, #tpu.memory_space<vmem_shared>> -> memref<1x1x128xf32, #tpu.memory_space<vmem_shared>>
            %dma_wait3A_725 = tpu.memref_squeeze %dma_wait3A_724 : memref<1x1x128xf32, #tpu.memory_space<vmem_shared>> -> memref<128xf32, #tpu.memory_space<vmem_shared>>
            %dma_wait3A_726 = arith.constant 0 : i32
            %dma_wait3A_727 = tpu.memref_slice %arg19[%select_n3A_616, %select_n3A_655, %dma_wait3A_726] : memref<1024x8x128xf32, #tpu.memory_space<vmem_shared>> -> memref<1x1x128xf32, #tpu.memory_space<vmem_shared>>
            %dma_wait3A_728 = tpu.memref_squeeze %dma_wait3A_727 : memref<1x1x128xf32, #tpu.memory_space<vmem_shared>> -> memref<128xf32, #tpu.memory_space<vmem_shared>>
            tpu.wait_dma2 semaphore(%run_scoped3A : memref<!tpu.dma_semaphore, #tpu.memory_space<semaphore_mem>>) src(%dma_wait3A_728 : memref<128xf32, #tpu.memory_space<vmem_shared>>) dst(%arg17 : memref<128xf32, #tpu.memory_space<vmem>>)
            tpu.yield
          }) : () -> ()
          %jit3A_656 = arith.constant 2 : i32
          %eq3A_657 = arith.constant 0 : i32
          %eq3A_658 = arith.cmpi eq, %jit3A_656, %eq3A_657 : i32
          %jit3A_659 = arith.constant 1 : i32
          %select_n3A_660 = arith.select %eq3A_658, %jit3A_659, %jit3A_656 : i32
          %rem3A_661 = arith.remsi %and3A_588, %select_n3A_660 : i32
          %ne3A_662 = arith.constant 0 : i32
          %ne3A_663 = arith.cmpi ne, %rem3A_661, %ne3A_662 : i32
          %lt3A_664 = arith.constant 0 : i32
          %lt3A_665 = arith.cmpi slt, %rem3A_661, %lt3A_664 : i32
          %lt3A_666 = arith.constant 0 : i32
          %lt3A_667 = arith.cmpi slt, %select_n3A_660, %lt3A_666 : i32
          %ne3A_668 = arith.xori %lt3A_665, %lt3A_667 : i1
          %and3A_669 = arith.andi %ne3A_668, %ne3A_663 : i1
          %add3A_670 = arith.addi %rem3A_661, %select_n3A_660 : i32
          %select_n3A_671 = arith.select %and3A_669, %add3A_670, %rem3A_661 : i32
          %mul3A_672 = arith.constant 64 : i32
          %mul3A_673 = arith.muli %select_n3A_671, %mul3A_672 : i32
          %add3A_674 = arith.constant 0 : i32
          %add3A_675 = vector.broadcast %add3A_674 : i32 to vector<16xi32>
          %add3A_676 = arith.addi %iota3A, %add3A_675 : vector<16xi32>
          %gather3A = tpu.vector_load_idx %arg14[%add3A_676, %broadcast_in_dim3A_592] : memref<64x128xf32, #tpu.memory_space<vmem>>[vector<16xi32>, vector<16xi32>], vector<16xf32>,
          %add3A_677 = arith.constant 0 : i32
          %add3A_678 = arith.addi %mul3A_673, %add3A_677 : i32
          %get3A_679 = arith.index_cast %add3A_678 : i32 to index
          %get3A_680 = tpu.vector_load %arg17[%get3A_679] {strides = array<i32>} : memref<128xf32, #tpu.memory_space<vmem>>, vector<16xf32>,
          %sub3A_681 = arith.subf %get3A_680, %gather3A : vector<16xf32>
          %mul3A_682 = arith.mulf %sub3A_681, %sub3A_681 : vector<16xf32>
          %add3A_683 = arith.addf %while3A_581, %mul3A_682 : vector<16xf32>
          %add3A_684 = arith.constant 16 : i32
          %add3A_685 = vector.broadcast %add3A_684 : i32 to vector<16xi32>
          %add3A_686 = arith.addi %iota3A, %add3A_685 : vector<16xi32>
          %gather3A_687 = tpu.vector_load_idx %arg14[%add3A_686, %broadcast_in_dim3A_592] : memref<64x128xf32, #tpu.memory_space<vmem>>[vector<16xi32>, vector<16xi32>], vector<16xf32>,
          %add3A_688 = arith.constant 16 : i32
          %add3A_689 = arith.addi %mul3A_673, %add3A_688 : i32
          %get3A_690 = arith.index_cast %add3A_689 : i32 to index
          %get3A_691 = tpu.vector_load %arg17[%get3A_690] {strides = array<i32>} : memref<128xf32, #tpu.memory_space<vmem>>, vector<16xf32>,
          %sub3A_692 = arith.subf %get3A_691, %gather3A_687 : vector<16xf32>
          %mul3A_693 = arith.mulf %sub3A_692, %sub3A_692 : vector<16xf32>
          %add3A_694 = arith.addf %while3A_582, %mul3A_693 : vector<16xf32>
          %add3A_695 = arith.constant 32 : i32
          %add3A_696 = vector.broadcast %add3A_695 : i32 to vector<16xi32>
          %add3A_697 = arith.addi %iota3A, %add3A_696 : vector<16xi32>
          %gather3A_698 = tpu.vector_load_idx %arg14[%add3A_697, %broadcast_in_dim3A_592] : memref<64x128xf32, #tpu.memory_space<vmem>>[vector<16xi32>, vector<16xi32>], vector<16xf32>,
          %add3A_699 = arith.constant 32 : i32
          %add3A_700 = arith.addi %mul3A_673, %add3A_699 : i32
          %get3A_701 = arith.index_cast %add3A_700 : i32 to index
          %get3A_702 = tpu.vector_load %arg17[%get3A_701] {strides = array<i32>} : memref<128xf32, #tpu.memory_space<vmem>>, vector<16xf32>,
          %sub3A_703 = arith.subf %get3A_702, %gather3A_698 : vector<16xf32>
          %mul3A_704 = arith.mulf %sub3A_703, %sub3A_703 : vector<16xf32>
          %add3A_705 = arith.addf %while3A_583, %mul3A_704 : vector<16xf32>
          %add3A_706 = arith.constant 48 : i32
          %add3A_707 = vector.broadcast %add3A_706 : i32 to vector<16xi32>
          %add3A_708 = arith.addi %iota3A, %add3A_707 : vector<16xi32>
          %gather3A_709 = tpu.vector_load_idx %arg14[%add3A_708, %broadcast_in_dim3A_592] : memref<64x128xf32, #tpu.memory_space<vmem>>[vector<16xi32>, vector<16xi32>], vector<16xf32>,
          %add3A_710 = arith.constant 48 : i32
          %add3A_711 = arith.addi %mul3A_673, %add3A_710 : i32
          %get3A_712 = arith.index_cast %add3A_711 : i32 to index
          %get3A_713 = tpu.vector_load %arg17[%get3A_712] {strides = array<i32>} : memref<128xf32, #tpu.memory_space<vmem>>, vector<16xf32>,
          %sub3A_714 = arith.subf %get3A_713, %gather3A_709 : vector<16xf32>
          %mul3A_715 = arith.mulf %sub3A_714, %sub3A_714 : vector<16xf32>
          %add3A_716 = arith.addf %while3A_584, %mul3A_715 : vector<16xf32>
          scf.yield %add3A_683, %add3A_694, %add3A_705, %add3A_716 : vector<16xf32>, vector<16xf32>, vector<16xf32>, vector<16xf32>
        }
        %while3A_461 = arith.constant 1 : i32
        %while3A_462:4 = scf.for %while3A_580 = %while3A_458 to %while3A_454 step %while3A_461 iter_args(%while3A_581 = %while3A_460#0, %while3A_582 = %while3A_460#1, %while3A_583 = %while3A_460#2, %while3A_584 = %while3A_460#3) -> (vector<16xf32>, vector<16xf32>, vector<16xf32>, vector<16xf32>)  : i32 {
          %get3A_585 = arith.index_cast %while3A_580 : i32 to index
          %get3A_586 = tpu.vector_load %arg8[%get3A_585] {strides = array<i32>} : memref<4096xi32, #tpu.memory_space<vmem>>, vector<16xi32>,
          %slice3A = vector.extract_strided_slice %get3A_586 {offsets = [0], sizes = [1], strides = [1]} : vector<16xi32> to vector<1xi32>
          %squeeze3A = vector.extract %slice3A[0] : i32 from vector<1xi32>
          %and3A_587 = arith.constant 16383 : i32
          %and3A_588 = arith.andi %squeeze3A, %and3A_587 : i32
          %shift_right_arithmetic3A = arith.constant 14 : i32
          %shift_right_arithmetic3A_589 = arith.shrsi %squeeze3A, %shift_right_arithmetic3A : i32
          %and3A_590 = arith.constant 127 : i32
          %and3A_591 = arith.andi %shift_right_arithmetic3A_589, %and3A_590 : i32
          %broadcast_in_dim3A_592 = vector.broadcast %and3A_591 : i32 to vector<16xi32>
          %jit3A_593 = arith.constant 16 : i32
          %div3A_594 = arith.divsi %and3A_588, %jit3A_593 : i32
          %sign3A_595 = arith.constant 0 : i32
          %sign3A_596 = arith.cmpi sgt, %and3A_588, %sign3A_595 : i32
          %sign3A_597 = arith.extui %sign3A_596 : i1 to i32
          %sign3A_598 = arith.constant 0 : i32
          %sign3A_599 = arith.cmpi slt, %and3A_588, %sign3A_598 : i32
          %sign3A_600 = arith.extui %sign3A_599 : i1 to i32
          %sign3A_601 = arith.subi %sign3A_597, %sign3A_600 : i32
          %sign3A_602 = arith.constant 0 : i32
          %sign3A_603 = arith.cmpi sgt, %jit3A_593, %sign3A_602 : i32
          %sign3A_604 = arith.extui %sign3A_603 : i1 to i32
          %sign3A_605 = arith.constant 0 : i32
          %sign3A_606 = arith.cmpi slt, %jit3A_593, %sign3A_605 : i32
          %sign3A_607 = arith.extui %sign3A_606 : i1 to i32
          %sign3A_608 = arith.subi %sign3A_604, %sign3A_607 : i32
          %ne3A_609 = arith.cmpi ne, %sign3A_601, %sign3A_608 : i32
          %rem3A_610 = arith.remsi %and3A_588, %jit3A_593 : i32
          %ne3A_611 = arith.constant 0 : i32
          %ne3A_612 = arith.cmpi ne, %rem3A_610, %ne3A_611 : i32
          %and3A_613 = arith.andi %ne3A_609, %ne3A_612 : i1
          %sub3A_614 = arith.constant 1 : i32
          %sub3A_615 = arith.subi %div3A_594, %sub3A_614 : i32
          %select_n3A_616 = arith.select %and3A_613, %sub3A_615, %div3A_594 : i32
          %jit3A_617 = arith.constant 2 : i32
          %div3A_618 = arith.divsi %and3A_588, %jit3A_617 : i32
          %sign3A_619 = arith.constant 0 : i32
          %sign3A_620 = arith.cmpi sgt, %and3A_588, %sign3A_619 : i32
          %sign3A_621 = arith.extui %sign3A_620 : i1 to i32
          %sign3A_622 = arith.constant 0 : i32
          %sign3A_623 = arith.cmpi slt, %and3A_588, %sign3A_622 : i32
          %sign3A_624 = arith.extui %sign3A_623 : i1 to i32
          %sign3A_625 = arith.subi %sign3A_621, %sign3A_624 : i32
          %sign3A_626 = arith.constant 0 : i32
          %sign3A_627 = arith.cmpi sgt, %jit3A_617, %sign3A_626 : i32
          %sign3A_628 = arith.extui %sign3A_627 : i1 to i32
          %sign3A_629 = arith.constant 0 : i32
          %sign3A_630 = arith.cmpi slt, %jit3A_617, %sign3A_629 : i32
          %sign3A_631 = arith.extui %sign3A_630 : i1 to i32
          %sign3A_632 = arith.subi %sign3A_628, %sign3A_631 : i32
          %ne3A_633 = arith.cmpi ne, %sign3A_625, %sign3A_632 : i32
          %rem3A_634 = arith.remsi %and3A_588, %jit3A_617 : i32
          %ne3A_635 = arith.constant 0 : i32
          %ne3A_636 = arith.cmpi ne, %rem3A_634, %ne3A_635 : i32
          %and3A_637 = arith.andi %ne3A_633, %ne3A_636 : i1
          %sub3A_638 = arith.constant 1 : i32
          %sub3A_639 = arith.subi %div3A_618, %sub3A_638 : i32
          %select_n3A_640 = arith.select %and3A_637, %sub3A_639, %div3A_618 : i32
          %jit3A_641 = arith.constant 8 : i32
          %eq3A_642 = arith.constant 0 : i32
          %eq3A_643 = arith.cmpi eq, %jit3A_641, %eq3A_642 : i32
          %jit3A_644 = arith.constant 1 : i32
          %select_n3A_645 = arith.select %eq3A_643, %jit3A_644, %jit3A_641 : i32
          %rem3A_646 = arith.remsi %select_n3A_640, %select_n3A_645 : i32
          %ne3A_647 = arith.constant 0 : i32
          %ne3A_648 = arith.cmpi ne, %rem3A_646, %ne3A_647 : i32
          %lt3A = arith.constant 0 : i32
          %lt3A_649 = arith.cmpi slt, %rem3A_646, %lt3A : i32
          %lt3A_650 = arith.constant 0 : i32
          %lt3A_651 = arith.cmpi slt, %select_n3A_645, %lt3A_650 : i32
          %ne3A_652 = arith.xori %lt3A_649, %lt3A_651 : i1
          %and3A_653 = arith.andi %ne3A_652, %ne3A_648 : i1
          %add3A_654 = arith.addi %rem3A_646, %select_n3A_645 : i32
          %select_n3A_655 = arith.select %and3A_653, %add3A_654, %rem3A_646 : i32
          "tpu.region"() ({
            %run_scoped3A = tpu.sem_alloc : memref<!tpu.dma_semaphore, #tpu.memory_space<semaphore_mem>>
            %dma_start3A_717 = arith.constant 0 : i32
            %dma_start3A_718 = tpu.memref_slice %arg19[%select_n3A_616, %select_n3A_655, %dma_start3A_717] : memref<1024x8x128xf32, #tpu.memory_space<vmem_shared>> -> memref<1x1x128xf32, #tpu.memory_space<vmem_shared>>
            %dma_start3A_719 = tpu.memref_squeeze %dma_start3A_718 : memref<1x1x128xf32, #tpu.memory_space<vmem_shared>> -> memref<128xf32, #tpu.memory_space<vmem_shared>>
            %dma_start3A_720 = arith.constant 0 : i32
            %dma_start3A_721 = tpu.memref_slice %arg19[%select_n3A_616, %select_n3A_655, %dma_start3A_720] : memref<1024x8x128xf32, #tpu.memory_space<vmem_shared>> -> memref<1x1x128xf32, #tpu.memory_space<vmem_shared>>
            %dma_start3A_722 = tpu.memref_squeeze %dma_start3A_721 : memref<1x1x128xf32, #tpu.memory_space<vmem_shared>> -> memref<128xf32, #tpu.memory_space<vmem_shared>>
            tpu.enqueue_dma source(%dma_start3A_722 : memref<128xf32, #tpu.memory_space<vmem_shared>>) target(%arg17 : memref<128xf32, #tpu.memory_space<vmem>>) target_semaphore(%run_scoped3A : memref<!tpu.dma_semaphore, #tpu.memory_space<semaphore_mem>>)
            %dma_wait3A_723 = arith.constant 0 : i32
            %dma_wait3A_724 = tpu.memref_slice %arg19[%select_n3A_616, %select_n3A_655, %dma_wait3A_723] : memref<1024x8x128xf32, #tpu.memory_space<vmem_shared>> -> memref<1x1x128xf32, #tpu.memory_space<vmem_shared>>
            %dma_wait3A_725 = tpu.memref_squeeze %dma_wait3A_724 : memref<1x1x128xf32, #tpu.memory_space<vmem_shared>> -> memref<128xf32, #tpu.memory_space<vmem_shared>>
            %dma_wait3A_726 = arith.constant 0 : i32
            %dma_wait3A_727 = tpu.memref_slice %arg19[%select_n3A_616, %select_n3A_655, %dma_wait3A_726] : memref<1024x8x128xf32, #tpu.memory_space<vmem_shared>> -> memref<1x1x128xf32, #tpu.memory_space<vmem_shared>>
            %dma_wait3A_728 = tpu.memref_squeeze %dma_wait3A_727 : memref<1x1x128xf32, #tpu.memory_space<vmem_shared>> -> memref<128xf32, #tpu.memory_space<vmem_shared>>
            tpu.wait_dma2 semaphore(%run_scoped3A : memref<!tpu.dma_semaphore, #tpu.memory_space<semaphore_mem>>) src(%dma_wait3A_728 : memref<128xf32, #tpu.memory_space<vmem_shared>>) dst(%arg17 : memref<128xf32, #tpu.memory_space<vmem>>)
            tpu.yield
          }) : () -> ()
          %jit3A_656 = arith.constant 2 : i32
          %eq3A_657 = arith.constant 0 : i32
          %eq3A_658 = arith.cmpi eq, %jit3A_656, %eq3A_657 : i32
          %jit3A_659 = arith.constant 1 : i32
          %select_n3A_660 = arith.select %eq3A_658, %jit3A_659, %jit3A_656 : i32
          %rem3A_661 = arith.remsi %and3A_588, %select_n3A_660 : i32
          %ne3A_662 = arith.constant 0 : i32
          %ne3A_663 = arith.cmpi ne, %rem3A_661, %ne3A_662 : i32
          %lt3A_664 = arith.constant 0 : i32
          %lt3A_665 = arith.cmpi slt, %rem3A_661, %lt3A_664 : i32
          %lt3A_666 = arith.constant 0 : i32
          %lt3A_667 = arith.cmpi slt, %select_n3A_660, %lt3A_666 : i32
          %ne3A_668 = arith.xori %lt3A_665, %lt3A_667 : i1
          %and3A_669 = arith.andi %ne3A_668, %ne3A_663 : i1
          %add3A_670 = arith.addi %rem3A_661, %select_n3A_660 : i32
          %select_n3A_671 = arith.select %and3A_669, %add3A_670, %rem3A_661 : i32
          %mul3A_672 = arith.constant 64 : i32
          %mul3A_673 = arith.muli %select_n3A_671, %mul3A_672 : i32
          %add3A_674 = arith.constant 0 : i32
          %add3A_675 = vector.broadcast %add3A_674 : i32 to vector<16xi32>
          %add3A_676 = arith.addi %iota3A, %add3A_675 : vector<16xi32>
          %gather3A = tpu.vector_load_idx %arg14[%add3A_676, %broadcast_in_dim3A_592] : memref<64x128xf32, #tpu.memory_space<vmem>>[vector<16xi32>, vector<16xi32>], vector<16xf32>,
          %add3A_677 = arith.constant 0 : i32
          %add3A_678 = arith.addi %mul3A_673, %add3A_677 : i32
          %get3A_679 = arith.index_cast %add3A_678 : i32 to index
          %get3A_680 = tpu.vector_load %arg17[%get3A_679] {strides = array<i32>} : memref<128xf32, #tpu.memory_space<vmem>>, vector<16xf32>,
          %sub3A_681 = arith.subf %get3A_680, %gather3A : vector<16xf32>
          %mul3A_682 = arith.mulf %sub3A_681, %sub3A_681 : vector<16xf32>
          %add3A_683 = arith.addf %while3A_581, %mul3A_682 : vector<16xf32>
          %add3A_684 = arith.constant 16 : i32
          %add3A_685 = vector.broadcast %add3A_684 : i32 to vector<16xi32>
          %add3A_686 = arith.addi %iota3A, %add3A_685 : vector<16xi32>
          %gather3A_687 = tpu.vector_load_idx %arg14[%add3A_686, %broadcast_in_dim3A_592] : memref<64x128xf32, #tpu.memory_space<vmem>>[vector<16xi32>, vector<16xi32>], vector<16xf32>,
          %add3A_688 = arith.constant 16 : i32
          %add3A_689 = arith.addi %mul3A_673, %add3A_688 : i32
          %get3A_690 = arith.index_cast %add3A_689 : i32 to index
          %get3A_691 = tpu.vector_load %arg17[%get3A_690] {strides = array<i32>} : memref<128xf32, #tpu.memory_space<vmem>>, vector<16xf32>,
          %sub3A_692 = arith.subf %get3A_691, %gather3A_687 : vector<16xf32>
          %mul3A_693 = arith.mulf %sub3A_692, %sub3A_692 : vector<16xf32>
          %add3A_694 = arith.addf %while3A_582, %mul3A_693 : vector<16xf32>
          %add3A_695 = arith.constant 32 : i32
          %add3A_696 = vector.broadcast %add3A_695 : i32 to vector<16xi32>
          %add3A_697 = arith.addi %iota3A, %add3A_696 : vector<16xi32>
          %gather3A_698 = tpu.vector_load_idx %arg14[%add3A_697, %broadcast_in_dim3A_592] : memref<64x128xf32, #tpu.memory_space<vmem>>[vector<16xi32>, vector<16xi32>], vector<16xf32>,
          %add3A_699 = arith.constant 32 : i32
          %add3A_700 = arith.addi %mul3A_673, %add3A_699 : i32
          %get3A_701 = arith.index_cast %add3A_700 : i32 to index
          %get3A_702 = tpu.vector_load %arg17[%get3A_701] {strides = array<i32>} : memref<128xf32, #tpu.memory_space<vmem>>, vector<16xf32>,
          %sub3A_703 = arith.subf %get3A_702, %gather3A_698 : vector<16xf32>
          %mul3A_704 = arith.mulf %sub3A_703, %sub3A_703 : vector<16xf32>
          %add3A_705 = arith.addf %while3A_583, %mul3A_704 : vector<16xf32>
          %add3A_706 = arith.constant 48 : i32
          %add3A_707 = vector.broadcast %add3A_706 : i32 to vector<16xi32>
          %add3A_708 = arith.addi %iota3A, %add3A_707 : vector<16xi32>
          %gather3A_709 = tpu.vector_load_idx %arg14[%add3A_708, %broadcast_in_dim3A_592] : memref<64x128xf32, #tpu.memory_space<vmem>>[vector<16xi32>, vector<16xi32>], vector<16xf32>,
          %add3A_710 = arith.constant 48 : i32
          %add3A_711 = arith.addi %mul3A_673, %add3A_710 : i32
          %get3A_712 = arith.index_cast %add3A_711 : i32 to index
          %get3A_713 = tpu.vector_load %arg17[%get3A_712] {strides = array<i32>} : memref<128xf32, #tpu.memory_space<vmem>>, vector<16xf32>,
          %sub3A_714 = arith.subf %get3A_713, %gather3A_709 : vector<16xf32>
          %mul3A_715 = arith.mulf %sub3A_714, %sub3A_714 : vector<16xf32>
          %add3A_716 = arith.addf %while3A_584, %mul3A_715 : vector<16xf32>
          scf.yield %add3A_683, %add3A_694, %add3A_705, %add3A_716 : vector<16xf32>, vector<16xf32>, vector<16xf32>, vector<16xf32>
        }
        %add3A_463 = arith.constant 3 : i32
        %add3A_464 = arith.addi %mul3A_285, %add3A_463 : i32
        %add3A_465 = arith.constant 6 : i32
        %add3A_466 = arith.addi %add3A_464, %add3A_465 : i32
        %sub3A_467 = arith.constant 1 : i32
        %sub3A_468 = arith.subi %max3A_88, %sub3A_467 : i32
        %min3A_469 = arith.minsi %add3A_466, %sub3A_468 : i32
        %get3A_470 = arith.index_cast %min3A_469 : i32 to index
        %get3A_471 = memref.load %arg10[%get3A_470] : memref<253xi32, #tpu.memory_space<smem>>
        %add3A_472 = arith.addi %mul3A_7, %get3A_471 : i32
        %min3A_473 = arith.constant 7812 : i32
        %min3A_474 = arith.minsi %add3A_472, %min3A_473 : i32
        %mul3A_475 = arith.constant 128 : i32
        %mul3A_476 = arith.muli %min3A_474, %mul3A_475 : i32
        %multiple_of3A_477 = tpu.assume_multiple %mul3A_476, 128 : i32
        %dma_start3A_478 = arith.constant 0 : i32
        %dma_start3A_479 = tpu.memref_slice %arg4[%dma_start3A_478, %multiple_of3A_477] : memref<64x1000000xf32, #tpu.memory_space<hbm>> -> memref<64x128xf32, #tpu.memory_space<hbm>>
        %dma_start3A_480 = arith.constant 0 : i32
        %dma_start3A_481 = tpu.memref_slice %arg4[%dma_start3A_480, %multiple_of3A_477] : memref<64x1000000xf32, #tpu.memory_space<hbm>> -> memref<64x128xf32, #tpu.memory_space<hbm>>
        tpu.enqueue_dma source(%dma_start3A_481 : memref<64x128xf32, #tpu.memory_space<hbm>>) target(%arg14 : memref<64x128xf32, #tpu.memory_space<vmem>>) target_semaphore(%arg20 : memref<!tpu.dma_semaphore, #tpu.memory_space<semaphore_mem>>)
        %add3A_482 = arith.constant 0 : i32
        %add3A_483 = arith.addi %mul3A_7, %add3A_482 : i32
        %min3A_484 = arith.constant 7812 : i32
        %min3A_485 = arith.minsi %add3A_483, %min3A_484 : i32
        %mul3A_486 = arith.constant 128 : i32
        %mul3A_487 = arith.muli %min3A_485, %mul3A_486 : i32
        %multiple_of3A_488 = tpu.assume_multiple %mul3A_487, 128 : i32
        %dma_wait3A_489 = arith.constant 0 : i32
        %dma_wait3A_490 = tpu.memref_slice %arg4[%dma_wait3A_489, %multiple_of3A_488] : memref<64x1000000xf32, #tpu.memory_space<hbm>> -> memref<64x128xf32, #tpu.memory_space<hbm>>
        %dma_wait3A_491 = arith.constant 0 : i32
        %dma_wait3A_492 = tpu.memref_slice %arg4[%dma_wait3A_491, %multiple_of3A_488] : memref<64x1000000xf32, #tpu.memory_space<hbm>> -> memref<64x128xf32, #tpu.memory_space<hbm>>
        tpu.wait_dma2 semaphore(%arg20 : memref<!tpu.dma_semaphore, #tpu.memory_space<semaphore_mem>>) src(%dma_wait3A_492 : memref<64x128xf32, #tpu.memory_space<hbm>>) dst(%arg15 : memref<64x128xf32, #tpu.memory_space<vmem>>)
        %add3A_493 = arith.constant 4 : i32
        %add3A_494 = arith.addi %mul3A_285, %add3A_493 : i32
        %sub3A_495 = arith.constant 1 : i32
        %sub3A_496 = arith.subi %max3A_88, %sub3A_495 : i32
        %min3A_497 = arith.minsi %add3A_494, %sub3A_496 : i32
        %get3A_498 = arith.index_cast %min3A_497 : i32 to index
        %get3A_499 = memref.load %arg10[%get3A_498] : memref<253xi32, #tpu.memory_space<smem>>
        %get3A_500 = arith.index_cast %get3A_499 : i32 to index
        %get3A_501 = memref.load %arg9[%get3A_500] : memref<253xi32, #tpu.memory_space<smem>>
        %while3A_502 = arith.subi %get3A_501, %get3A_452 : i32
        %while3A_503 = arith.addi %get3A_452, %while3A_502 : i32
        %while3A_504 = arith.constant 1 : i32
        %while3A_505 = arith.divsi %while3A_502, %while3A_504 : i32
        %while3A_506 = arith.muli %while3A_505, %while3A_504 : i32
        %while3A_507 = arith.addi %get3A_452, %while3A_506 : i32
        %while3A_508 = arith.constant 1 : i32
        %while3A_509:4 = scf.for %while3A_580 = %get3A_452 to %while3A_507 step %while3A_508 iter_args(%while3A_581 = %while3A_462#0, %while3A_582 = %while3A_462#1, %while3A_583 = %while3A_462#2, %while3A_584 = %while3A_462#3) -> (vector<16xf32>, vector<16xf32>, vector<16xf32>, vector<16xf32>)  : i32 {
          %get3A_585 = arith.index_cast %while3A_580 : i32 to index
          %get3A_586 = tpu.vector_load %arg8[%get3A_585] {strides = array<i32>} : memref<4096xi32, #tpu.memory_space<vmem>>, vector<16xi32>,
          %slice3A = vector.extract_strided_slice %get3A_586 {offsets = [0], sizes = [1], strides = [1]} : vector<16xi32> to vector<1xi32>
          %squeeze3A = vector.extract %slice3A[0] : i32 from vector<1xi32>
          %and3A_587 = arith.constant 16383 : i32
          %and3A_588 = arith.andi %squeeze3A, %and3A_587 : i32
          %shift_right_arithmetic3A = arith.constant 14 : i32
          %shift_right_arithmetic3A_589 = arith.shrsi %squeeze3A, %shift_right_arithmetic3A : i32
          %and3A_590 = arith.constant 127 : i32
          %and3A_591 = arith.andi %shift_right_arithmetic3A_589, %and3A_590 : i32
          %broadcast_in_dim3A_592 = vector.broadcast %and3A_591 : i32 to vector<16xi32>
          %jit3A_593 = arith.constant 16 : i32
          %div3A_594 = arith.divsi %and3A_588, %jit3A_593 : i32
          %sign3A_595 = arith.constant 0 : i32
          %sign3A_596 = arith.cmpi sgt, %and3A_588, %sign3A_595 : i32
          %sign3A_597 = arith.extui %sign3A_596 : i1 to i32
          %sign3A_598 = arith.constant 0 : i32
          %sign3A_599 = arith.cmpi slt, %and3A_588, %sign3A_598 : i32
          %sign3A_600 = arith.extui %sign3A_599 : i1 to i32
          %sign3A_601 = arith.subi %sign3A_597, %sign3A_600 : i32
          %sign3A_602 = arith.constant 0 : i32
          %sign3A_603 = arith.cmpi sgt, %jit3A_593, %sign3A_602 : i32
          %sign3A_604 = arith.extui %sign3A_603 : i1 to i32
          %sign3A_605 = arith.constant 0 : i32
          %sign3A_606 = arith.cmpi slt, %jit3A_593, %sign3A_605 : i32
          %sign3A_607 = arith.extui %sign3A_606 : i1 to i32
          %sign3A_608 = arith.subi %sign3A_604, %sign3A_607 : i32
          %ne3A_609 = arith.cmpi ne, %sign3A_601, %sign3A_608 : i32
          %rem3A_610 = arith.remsi %and3A_588, %jit3A_593 : i32
          %ne3A_611 = arith.constant 0 : i32
          %ne3A_612 = arith.cmpi ne, %rem3A_610, %ne3A_611 : i32
          %and3A_613 = arith.andi %ne3A_609, %ne3A_612 : i1
          %sub3A_614 = arith.constant 1 : i32
          %sub3A_615 = arith.subi %div3A_594, %sub3A_614 : i32
          %select_n3A_616 = arith.select %and3A_613, %sub3A_615, %div3A_594 : i32
          %jit3A_617 = arith.constant 2 : i32
          %div3A_618 = arith.divsi %and3A_588, %jit3A_617 : i32
          %sign3A_619 = arith.constant 0 : i32
          %sign3A_620 = arith.cmpi sgt, %and3A_588, %sign3A_619 : i32
          %sign3A_621 = arith.extui %sign3A_620 : i1 to i32
          %sign3A_622 = arith.constant 0 : i32
          %sign3A_623 = arith.cmpi slt, %and3A_588, %sign3A_622 : i32
          %sign3A_624 = arith.extui %sign3A_623 : i1 to i32
          %sign3A_625 = arith.subi %sign3A_621, %sign3A_624 : i32
          %sign3A_626 = arith.constant 0 : i32
          %sign3A_627 = arith.cmpi sgt, %jit3A_617, %sign3A_626 : i32
          %sign3A_628 = arith.extui %sign3A_627 : i1 to i32
          %sign3A_629 = arith.constant 0 : i32
          %sign3A_630 = arith.cmpi slt, %jit3A_617, %sign3A_629 : i32
          %sign3A_631 = arith.extui %sign3A_630 : i1 to i32
          %sign3A_632 = arith.subi %sign3A_628, %sign3A_631 : i32
          %ne3A_633 = arith.cmpi ne, %sign3A_625, %sign3A_632 : i32
          %rem3A_634 = arith.remsi %and3A_588, %jit3A_617 : i32
          %ne3A_635 = arith.constant 0 : i32
          %ne3A_636 = arith.cmpi ne, %rem3A_634, %ne3A_635 : i32
          %and3A_637 = arith.andi %ne3A_633, %ne3A_636 : i1
          %sub3A_638 = arith.constant 1 : i32
          %sub3A_639 = arith.subi %div3A_618, %sub3A_638 : i32
          %select_n3A_640 = arith.select %and3A_637, %sub3A_639, %div3A_618 : i32
          %jit3A_641 = arith.constant 8 : i32
          %eq3A_642 = arith.constant 0 : i32
          %eq3A_643 = arith.cmpi eq, %jit3A_641, %eq3A_642 : i32
          %jit3A_644 = arith.constant 1 : i32
          %select_n3A_645 = arith.select %eq3A_643, %jit3A_644, %jit3A_641 : i32
          %rem3A_646 = arith.remsi %select_n3A_640, %select_n3A_645 : i32
          %ne3A_647 = arith.constant 0 : i32
          %ne3A_648 = arith.cmpi ne, %rem3A_646, %ne3A_647 : i32
          %lt3A = arith.constant 0 : i32
          %lt3A_649 = arith.cmpi slt, %rem3A_646, %lt3A : i32
          %lt3A_650 = arith.constant 0 : i32
          %lt3A_651 = arith.cmpi slt, %select_n3A_645, %lt3A_650 : i32
          %ne3A_652 = arith.xori %lt3A_649, %lt3A_651 : i1
          %and3A_653 = arith.andi %ne3A_652, %ne3A_648 : i1
          %add3A_654 = arith.addi %rem3A_646, %select_n3A_645 : i32
          %select_n3A_655 = arith.select %and3A_653, %add3A_654, %rem3A_646 : i32
          "tpu.region"() ({
            %run_scoped3A = tpu.sem_alloc : memref<!tpu.dma_semaphore, #tpu.memory_space<semaphore_mem>>
            %dma_start3A_717 = arith.constant 0 : i32
            %dma_start3A_718 = tpu.memref_slice %arg19[%select_n3A_616, %select_n3A_655, %dma_start3A_717] : memref<1024x8x128xf32, #tpu.memory_space<vmem_shared>> -> memref<1x1x128xf32, #tpu.memory_space<vmem_shared>>
            %dma_start3A_719 = tpu.memref_squeeze %dma_start3A_718 : memref<1x1x128xf32, #tpu.memory_space<vmem_shared>> -> memref<128xf32, #tpu.memory_space<vmem_shared>>
            %dma_start3A_720 = arith.constant 0 : i32
            %dma_start3A_721 = tpu.memref_slice %arg19[%select_n3A_616, %select_n3A_655, %dma_start3A_720] : memref<1024x8x128xf32, #tpu.memory_space<vmem_shared>> -> memref<1x1x128xf32, #tpu.memory_space<vmem_shared>>
            %dma_start3A_722 = tpu.memref_squeeze %dma_start3A_721 : memref<1x1x128xf32, #tpu.memory_space<vmem_shared>> -> memref<128xf32, #tpu.memory_space<vmem_shared>>
            tpu.enqueue_dma source(%dma_start3A_722 : memref<128xf32, #tpu.memory_space<vmem_shared>>) target(%arg17 : memref<128xf32, #tpu.memory_space<vmem>>) target_semaphore(%run_scoped3A : memref<!tpu.dma_semaphore, #tpu.memory_space<semaphore_mem>>)
            %dma_wait3A_723 = arith.constant 0 : i32
            %dma_wait3A_724 = tpu.memref_slice %arg19[%select_n3A_616, %select_n3A_655, %dma_wait3A_723] : memref<1024x8x128xf32, #tpu.memory_space<vmem_shared>> -> memref<1x1x128xf32, #tpu.memory_space<vmem_shared>>
            %dma_wait3A_725 = tpu.memref_squeeze %dma_wait3A_724 : memref<1x1x128xf32, #tpu.memory_space<vmem_shared>> -> memref<128xf32, #tpu.memory_space<vmem_shared>>
            %dma_wait3A_726 = arith.constant 0 : i32
            %dma_wait3A_727 = tpu.memref_slice %arg19[%select_n3A_616, %select_n3A_655, %dma_wait3A_726] : memref<1024x8x128xf32, #tpu.memory_space<vmem_shared>> -> memref<1x1x128xf32, #tpu.memory_space<vmem_shared>>
            %dma_wait3A_728 = tpu.memref_squeeze %dma_wait3A_727 : memref<1x1x128xf32, #tpu.memory_space<vmem_shared>> -> memref<128xf32, #tpu.memory_space<vmem_shared>>
            tpu.wait_dma2 semaphore(%run_scoped3A : memref<!tpu.dma_semaphore, #tpu.memory_space<semaphore_mem>>) src(%dma_wait3A_728 : memref<128xf32, #tpu.memory_space<vmem_shared>>) dst(%arg17 : memref<128xf32, #tpu.memory_space<vmem>>)
            tpu.yield
          }) : () -> ()
          %jit3A_656 = arith.constant 2 : i32
          %eq3A_657 = arith.constant 0 : i32
          %eq3A_658 = arith.cmpi eq, %jit3A_656, %eq3A_657 : i32
          %jit3A_659 = arith.constant 1 : i32
          %select_n3A_660 = arith.select %eq3A_658, %jit3A_659, %jit3A_656 : i32
          %rem3A_661 = arith.remsi %and3A_588, %select_n3A_660 : i32
          %ne3A_662 = arith.constant 0 : i32
          %ne3A_663 = arith.cmpi ne, %rem3A_661, %ne3A_662 : i32
          %lt3A_664 = arith.constant 0 : i32
          %lt3A_665 = arith.cmpi slt, %rem3A_661, %lt3A_664 : i32
          %lt3A_666 = arith.constant 0 : i32
          %lt3A_667 = arith.cmpi slt, %select_n3A_660, %lt3A_666 : i32
          %ne3A_668 = arith.xori %lt3A_665, %lt3A_667 : i1
          %and3A_669 = arith.andi %ne3A_668, %ne3A_663 : i1
          %add3A_670 = arith.addi %rem3A_661, %select_n3A_660 : i32
          %select_n3A_671 = arith.select %and3A_669, %add3A_670, %rem3A_661 : i32
          %mul3A_672 = arith.constant 64 : i32
          %mul3A_673 = arith.muli %select_n3A_671, %mul3A_672 : i32
          %add3A_674 = arith.constant 0 : i32
          %add3A_675 = vector.broadcast %add3A_674 : i32 to vector<16xi32>
          %add3A_676 = arith.addi %iota3A, %add3A_675 : vector<16xi32>
          %gather3A = tpu.vector_load_idx %arg15[%add3A_676, %broadcast_in_dim3A_592] : memref<64x128xf32, #tpu.memory_space<vmem>>[vector<16xi32>, vector<16xi32>], vector<16xf32>,
          %add3A_677 = arith.constant 0 : i32
          %add3A_678 = arith.addi %mul3A_673, %add3A_677 : i32
          %get3A_679 = arith.index_cast %add3A_678 : i32 to index
          %get3A_680 = tpu.vector_load %arg17[%get3A_679] {strides = array<i32>} : memref<128xf32, #tpu.memory_space<vmem>>, vector<16xf32>,
          %sub3A_681 = arith.subf %get3A_680, %gather3A : vector<16xf32>
          %mul3A_682 = arith.mulf %sub3A_681, %sub3A_681 : vector<16xf32>
          %add3A_683 = arith.addf %while3A_581, %mul3A_682 : vector<16xf32>
          %add3A_684 = arith.constant 16 : i32
          %add3A_685 = vector.broadcast %add3A_684 : i32 to vector<16xi32>
          %add3A_686 = arith.addi %iota3A, %add3A_685 : vector<16xi32>
          %gather3A_687 = tpu.vector_load_idx %arg15[%add3A_686, %broadcast_in_dim3A_592] : memref<64x128xf32, #tpu.memory_space<vmem>>[vector<16xi32>, vector<16xi32>], vector<16xf32>,
          %add3A_688 = arith.constant 16 : i32
          %add3A_689 = arith.addi %mul3A_673, %add3A_688 : i32
          %get3A_690 = arith.index_cast %add3A_689 : i32 to index
          %get3A_691 = tpu.vector_load %arg17[%get3A_690] {strides = array<i32>} : memref<128xf32, #tpu.memory_space<vmem>>, vector<16xf32>,
          %sub3A_692 = arith.subf %get3A_691, %gather3A_687 : vector<16xf32>
          %mul3A_693 = arith.mulf %sub3A_692, %sub3A_692 : vector<16xf32>
          %add3A_694 = arith.addf %while3A_582, %mul3A_693 : vector<16xf32>
          %add3A_695 = arith.constant 32 : i32
          %add3A_696 = vector.broadcast %add3A_695 : i32 to vector<16xi32>
          %add3A_697 = arith.addi %iota3A, %add3A_696 : vector<16xi32>
          %gather3A_698 = tpu.vector_load_idx %arg15[%add3A_697, %broadcast_in_dim3A_592] : memref<64x128xf32, #tpu.memory_space<vmem>>[vector<16xi32>, vector<16xi32>], vector<16xf32>,
          %add3A_699 = arith.constant 32 : i32
          %add3A_700 = arith.addi %mul3A_673, %add3A_699 : i32
          %get3A_701 = arith.index_cast %add3A_700 : i32 to index
          %get3A_702 = tpu.vector_load %arg17[%get3A_701] {strides = array<i32>} : memref<128xf32, #tpu.memory_space<vmem>>, vector<16xf32>,
          %sub3A_703 = arith.subf %get3A_702, %gather3A_698 : vector<16xf32>
          %mul3A_704 = arith.mulf %sub3A_703, %sub3A_703 : vector<16xf32>
          %add3A_705 = arith.addf %while3A_583, %mul3A_704 : vector<16xf32>
          %add3A_706 = arith.constant 48 : i32
          %add3A_707 = vector.broadcast %add3A_706 : i32 to vector<16xi32>
          %add3A_708 = arith.addi %iota3A, %add3A_707 : vector<16xi32>
          %gather3A_709 = tpu.vector_load_idx %arg15[%add3A_708, %broadcast_in_dim3A_592] : memref<64x128xf32, #tpu.memory_space<vmem>>[vector<16xi32>, vector<16xi32>], vector<16xf32>,
          %add3A_710 = arith.constant 48 : i32
          %add3A_711 = arith.addi %mul3A_673, %add3A_710 : i32
          %get3A_712 = arith.index_cast %add3A_711 : i32 to index
          %get3A_713 = tpu.vector_load %arg17[%get3A_712] {strides = array<i32>} : memref<128xf32, #tpu.memory_space<vmem>>, vector<16xf32>,
          %sub3A_714 = arith.subf %get3A_713, %gather3A_709 : vector<16xf32>
          %mul3A_715 = arith.mulf %sub3A_714, %sub3A_714 : vector<16xf32>
          %add3A_716 = arith.addf %while3A_584, %mul3A_715 : vector<16xf32>
          scf.yield %add3A_683, %add3A_694, %add3A_705, %add3A_716 : vector<16xf32>, vector<16xf32>, vector<16xf32>, vector<16xf32>
        }
        %while3A_510 = arith.constant 1 : i32
        %while3A_511:4 = scf.for %while3A_580 = %while3A_507 to %while3A_503 step %while3A_510 iter_args(%while3A_581 = %while3A_509#0, %while3A_582 = %while3A_509#1, %while3A_583 = %while3A_509#2, %while3A_584 = %while3A_509#3) -> (vector<16xf32>, vector<16xf32>, vector<16xf32>, vector<16xf32>)  : i32 {
          %get3A_585 = arith.index_cast %while3A_580 : i32 to index
          %get3A_586 = tpu.vector_load %arg8[%get3A_585] {strides = array<i32>} : memref<4096xi32, #tpu.memory_space<vmem>>, vector<16xi32>,
          %slice3A = vector.extract_strided_slice %get3A_586 {offsets = [0], sizes = [1], strides = [1]} : vector<16xi32> to vector<1xi32>
          %squeeze3A = vector.extract %slice3A[0] : i32 from vector<1xi32>
          %and3A_587 = arith.constant 16383 : i32
          %and3A_588 = arith.andi %squeeze3A, %and3A_587 : i32
          %shift_right_arithmetic3A = arith.constant 14 : i32
          %shift_right_arithmetic3A_589 = arith.shrsi %squeeze3A, %shift_right_arithmetic3A : i32
          %and3A_590 = arith.constant 127 : i32
          %and3A_591 = arith.andi %shift_right_arithmetic3A_589, %and3A_590 : i32
          %broadcast_in_dim3A_592 = vector.broadcast %and3A_591 : i32 to vector<16xi32>
          %jit3A_593 = arith.constant 16 : i32
          %div3A_594 = arith.divsi %and3A_588, %jit3A_593 : i32
          %sign3A_595 = arith.constant 0 : i32
          %sign3A_596 = arith.cmpi sgt, %and3A_588, %sign3A_595 : i32
          %sign3A_597 = arith.extui %sign3A_596 : i1 to i32
          %sign3A_598 = arith.constant 0 : i32
          %sign3A_599 = arith.cmpi slt, %and3A_588, %sign3A_598 : i32
          %sign3A_600 = arith.extui %sign3A_599 : i1 to i32
          %sign3A_601 = arith.subi %sign3A_597, %sign3A_600 : i32
          %sign3A_602 = arith.constant 0 : i32
          %sign3A_603 = arith.cmpi sgt, %jit3A_593, %sign3A_602 : i32
          %sign3A_604 = arith.extui %sign3A_603 : i1 to i32
          %sign3A_605 = arith.constant 0 : i32
          %sign3A_606 = arith.cmpi slt, %jit3A_593, %sign3A_605 : i32
          %sign3A_607 = arith.extui %sign3A_606 : i1 to i32
          %sign3A_608 = arith.subi %sign3A_604, %sign3A_607 : i32
          %ne3A_609 = arith.cmpi ne, %sign3A_601, %sign3A_608 : i32
          %rem3A_610 = arith.remsi %and3A_588, %jit3A_593 : i32
          %ne3A_611 = arith.constant 0 : i32
          %ne3A_612 = arith.cmpi ne, %rem3A_610, %ne3A_611 : i32
          %and3A_613 = arith.andi %ne3A_609, %ne3A_612 : i1
          %sub3A_614 = arith.constant 1 : i32
          %sub3A_615 = arith.subi %div3A_594, %sub3A_614 : i32
          %select_n3A_616 = arith.select %and3A_613, %sub3A_615, %div3A_594 : i32
          %jit3A_617 = arith.constant 2 : i32
          %div3A_618 = arith.divsi %and3A_588, %jit3A_617 : i32
          %sign3A_619 = arith.constant 0 : i32
          %sign3A_620 = arith.cmpi sgt, %and3A_588, %sign3A_619 : i32
          %sign3A_621 = arith.extui %sign3A_620 : i1 to i32
          %sign3A_622 = arith.constant 0 : i32
          %sign3A_623 = arith.cmpi slt, %and3A_588, %sign3A_622 : i32
          %sign3A_624 = arith.extui %sign3A_623 : i1 to i32
          %sign3A_625 = arith.subi %sign3A_621, %sign3A_624 : i32
          %sign3A_626 = arith.constant 0 : i32
          %sign3A_627 = arith.cmpi sgt, %jit3A_617, %sign3A_626 : i32
          %sign3A_628 = arith.extui %sign3A_627 : i1 to i32
          %sign3A_629 = arith.constant 0 : i32
          %sign3A_630 = arith.cmpi slt, %jit3A_617, %sign3A_629 : i32
          %sign3A_631 = arith.extui %sign3A_630 : i1 to i32
          %sign3A_632 = arith.subi %sign3A_628, %sign3A_631 : i32
          %ne3A_633 = arith.cmpi ne, %sign3A_625, %sign3A_632 : i32
          %rem3A_634 = arith.remsi %and3A_588, %jit3A_617 : i32
          %ne3A_635 = arith.constant 0 : i32
          %ne3A_636 = arith.cmpi ne, %rem3A_634, %ne3A_635 : i32
          %and3A_637 = arith.andi %ne3A_633, %ne3A_636 : i1
          %sub3A_638 = arith.constant 1 : i32
          %sub3A_639 = arith.subi %div3A_618, %sub3A_638 : i32
          %select_n3A_640 = arith.select %and3A_637, %sub3A_639, %div3A_618 : i32
          %jit3A_641 = arith.constant 8 : i32
          %eq3A_642 = arith.constant 0 : i32
          %eq3A_643 = arith.cmpi eq, %jit3A_641, %eq3A_642 : i32
          %jit3A_644 = arith.constant 1 : i32
          %select_n3A_645 = arith.select %eq3A_643, %jit3A_644, %jit3A_641 : i32
          %rem3A_646 = arith.remsi %select_n3A_640, %select_n3A_645 : i32
          %ne3A_647 = arith.constant 0 : i32
          %ne3A_648 = arith.cmpi ne, %rem3A_646, %ne3A_647 : i32
          %lt3A = arith.constant 0 : i32
          %lt3A_649 = arith.cmpi slt, %rem3A_646, %lt3A : i32
          %lt3A_650 = arith.constant 0 : i32
          %lt3A_651 = arith.cmpi slt, %select_n3A_645, %lt3A_650 : i32
          %ne3A_652 = arith.xori %lt3A_649, %lt3A_651 : i1
          %and3A_653 = arith.andi %ne3A_652, %ne3A_648 : i1
          %add3A_654 = arith.addi %rem3A_646, %select_n3A_645 : i32
          %select_n3A_655 = arith.select %and3A_653, %add3A_654, %rem3A_646 : i32
          "tpu.region"() ({
            %run_scoped3A = tpu.sem_alloc : memref<!tpu.dma_semaphore, #tpu.memory_space<semaphore_mem>>
            %dma_start3A_717 = arith.constant 0 : i32
            %dma_start3A_718 = tpu.memref_slice %arg19[%select_n3A_616, %select_n3A_655, %dma_start3A_717] : memref<1024x8x128xf32, #tpu.memory_space<vmem_shared>> -> memref<1x1x128xf32, #tpu.memory_space<vmem_shared>>
            %dma_start3A_719 = tpu.memref_squeeze %dma_start3A_718 : memref<1x1x128xf32, #tpu.memory_space<vmem_shared>> -> memref<128xf32, #tpu.memory_space<vmem_shared>>
            %dma_start3A_720 = arith.constant 0 : i32
            %dma_start3A_721 = tpu.memref_slice %arg19[%select_n3A_616, %select_n3A_655, %dma_start3A_720] : memref<1024x8x128xf32, #tpu.memory_space<vmem_shared>> -> memref<1x1x128xf32, #tpu.memory_space<vmem_shared>>
            %dma_start3A_722 = tpu.memref_squeeze %dma_start3A_721 : memref<1x1x128xf32, #tpu.memory_space<vmem_shared>> -> memref<128xf32, #tpu.memory_space<vmem_shared>>
            tpu.enqueue_dma source(%dma_start3A_722 : memref<128xf32, #tpu.memory_space<vmem_shared>>) target(%arg17 : memref<128xf32, #tpu.memory_space<vmem>>) target_semaphore(%run_scoped3A : memref<!tpu.dma_semaphore, #tpu.memory_space<semaphore_mem>>)
            %dma_wait3A_723 = arith.constant 0 : i32
            %dma_wait3A_724 = tpu.memref_slice %arg19[%select_n3A_616, %select_n3A_655, %dma_wait3A_723] : memref<1024x8x128xf32, #tpu.memory_space<vmem_shared>> -> memref<1x1x128xf32, #tpu.memory_space<vmem_shared>>
            %dma_wait3A_725 = tpu.memref_squeeze %dma_wait3A_724 : memref<1x1x128xf32, #tpu.memory_space<vmem_shared>> -> memref<128xf32, #tpu.memory_space<vmem_shared>>
            %dma_wait3A_726 = arith.constant 0 : i32
            %dma_wait3A_727 = tpu.memref_slice %arg19[%select_n3A_616, %select_n3A_655, %dma_wait3A_726] : memref<1024x8x128xf32, #tpu.memory_space<vmem_shared>> -> memref<1x1x128xf32, #tpu.memory_space<vmem_shared>>
            %dma_wait3A_728 = tpu.memref_squeeze %dma_wait3A_727 : memref<1x1x128xf32, #tpu.memory_space<vmem_shared>> -> memref<128xf32, #tpu.memory_space<vmem_shared>>
            tpu.wait_dma2 semaphore(%run_scoped3A : memref<!tpu.dma_semaphore, #tpu.memory_space<semaphore_mem>>) src(%dma_wait3A_728 : memref<128xf32, #tpu.memory_space<vmem_shared>>) dst(%arg17 : memref<128xf32, #tpu.memory_space<vmem>>)
            tpu.yield
          }) : () -> ()
          %jit3A_656 = arith.constant 2 : i32
          %eq3A_657 = arith.constant 0 : i32
          %eq3A_658 = arith.cmpi eq, %jit3A_656, %eq3A_657 : i32
          %jit3A_659 = arith.constant 1 : i32
          %select_n3A_660 = arith.select %eq3A_658, %jit3A_659, %jit3A_656 : i32
          %rem3A_661 = arith.remsi %and3A_588, %select_n3A_660 : i32
          %ne3A_662 = arith.constant 0 : i32
          %ne3A_663 = arith.cmpi ne, %rem3A_661, %ne3A_662 : i32
          %lt3A_664 = arith.constant 0 : i32
          %lt3A_665 = arith.cmpi slt, %rem3A_661, %lt3A_664 : i32
          %lt3A_666 = arith.constant 0 : i32
          %lt3A_667 = arith.cmpi slt, %select_n3A_660, %lt3A_666 : i32
          %ne3A_668 = arith.xori %lt3A_665, %lt3A_667 : i1
          %and3A_669 = arith.andi %ne3A_668, %ne3A_663 : i1
          %add3A_670 = arith.addi %rem3A_661, %select_n3A_660 : i32
          %select_n3A_671 = arith.select %and3A_669, %add3A_670, %rem3A_661 : i32
          %mul3A_672 = arith.constant 64 : i32
          %mul3A_673 = arith.muli %select_n3A_671, %mul3A_672 : i32
          %add3A_674 = arith.constant 0 : i32
          %add3A_675 = vector.broadcast %add3A_674 : i32 to vector<16xi32>
          %add3A_676 = arith.addi %iota3A, %add3A_675 : vector<16xi32>
          %gather3A = tpu.vector_load_idx %arg15[%add3A_676, %broadcast_in_dim3A_592] : memref<64x128xf32, #tpu.memory_space<vmem>>[vector<16xi32>, vector<16xi32>], vector<16xf32>,
          %add3A_677 = arith.constant 0 : i32
          %add3A_678 = arith.addi %mul3A_673, %add3A_677 : i32
          %get3A_679 = arith.index_cast %add3A_678 : i32 to index
          %get3A_680 = tpu.vector_load %arg17[%get3A_679] {strides = array<i32>} : memref<128xf32, #tpu.memory_space<vmem>>, vector<16xf32>,
          %sub3A_681 = arith.subf %get3A_680, %gather3A : vector<16xf32>
          %mul3A_682 = arith.mulf %sub3A_681, %sub3A_681 : vector<16xf32>
          %add3A_683 = arith.addf %while3A_581, %mul3A_682 : vector<16xf32>
          %add3A_684 = arith.constant 16 : i32
          %add3A_685 = vector.broadcast %add3A_684 : i32 to vector<16xi32>
          %add3A_686 = arith.addi %iota3A, %add3A_685 : vector<16xi32>
          %gather3A_687 = tpu.vector_load_idx %arg15[%add3A_686, %broadcast_in_dim3A_592] : memref<64x128xf32, #tpu.memory_space<vmem>>[vector<16xi32>, vector<16xi32>], vector<16xf32>,
          %add3A_688 = arith.constant 16 : i32
          %add3A_689 = arith.addi %mul3A_673, %add3A_688 : i32
          %get3A_690 = arith.index_cast %add3A_689 : i32 to index
          %get3A_691 = tpu.vector_load %arg17[%get3A_690] {strides = array<i32>} : memref<128xf32, #tpu.memory_space<vmem>>, vector<16xf32>,
          %sub3A_692 = arith.subf %get3A_691, %gather3A_687 : vector<16xf32>
          %mul3A_693 = arith.mulf %sub3A_692, %sub3A_692 : vector<16xf32>
          %add3A_694 = arith.addf %while3A_582, %mul3A_693 : vector<16xf32>
          %add3A_695 = arith.constant 32 : i32
          %add3A_696 = vector.broadcast %add3A_695 : i32 to vector<16xi32>
          %add3A_697 = arith.addi %iota3A, %add3A_696 : vector<16xi32>
          %gather3A_698 = tpu.vector_load_idx %arg15[%add3A_697, %broadcast_in_dim3A_592] : memref<64x128xf32, #tpu.memory_space<vmem>>[vector<16xi32>, vector<16xi32>], vector<16xf32>,
          %add3A_699 = arith.constant 32 : i32
          %add3A_700 = arith.addi %mul3A_673, %add3A_699 : i32
          %get3A_701 = arith.index_cast %add3A_700 : i32 to index
          %get3A_702 = tpu.vector_load %arg17[%get3A_701] {strides = array<i32>} : memref<128xf32, #tpu.memory_space<vmem>>, vector<16xf32>,
          %sub3A_703 = arith.subf %get3A_702, %gather3A_698 : vector<16xf32>
          %mul3A_704 = arith.mulf %sub3A_703, %sub3A_703 : vector<16xf32>
          %add3A_705 = arith.addf %while3A_583, %mul3A_704 : vector<16xf32>
          %add3A_706 = arith.constant 48 : i32
          %add3A_707 = vector.broadcast %add3A_706 : i32 to vector<16xi32>
          %add3A_708 = arith.addi %iota3A, %add3A_707 : vector<16xi32>
          %gather3A_709 = tpu.vector_load_idx %arg15[%add3A_708, %broadcast_in_dim3A_592] : memref<64x128xf32, #tpu.memory_space<vmem>>[vector<16xi32>, vector<16xi32>], vector<16xf32>,
          %add3A_710 = arith.constant 48 : i32
          %add3A_711 = arith.addi %mul3A_673, %add3A_710 : i32
          %get3A_712 = arith.index_cast %add3A_711 : i32 to index
          %get3A_713 = tpu.vector_load %arg17[%get3A_712] {strides = array<i32>} : memref<128xf32, #tpu.memory_space<vmem>>, vector<16xf32>,
          %sub3A_714 = arith.subf %get3A_713, %gather3A_709 : vector<16xf32>
          %mul3A_715 = arith.mulf %sub3A_714, %sub3A_714 : vector<16xf32>
          %add3A_716 = arith.addf %while3A_584, %mul3A_715 : vector<16xf32>
          scf.yield %add3A_683, %add3A_694, %add3A_705, %add3A_716 : vector<16xf32>, vector<16xf32>, vector<16xf32>, vector<16xf32>
        }
        %add3A_512 = arith.constant 4 : i32
        %add3A_513 = arith.addi %mul3A_285, %add3A_512 : i32
        %add3A_514 = arith.constant 6 : i32
        %add3A_515 = arith.addi %add3A_513, %add3A_514 : i32
        %sub3A_516 = arith.constant 1 : i32
        %sub3A_517 = arith.subi %max3A_88, %sub3A_516 : i32
        %min3A_518 = arith.minsi %add3A_515, %sub3A_517 : i32
        %get3A_519 = arith.index_cast %min3A_518 : i32 to index
        %get3A_520 = memref.load %arg10[%get3A_519] : memref<253xi32, #tpu.memory_space<smem>>
        %add3A_521 = arith.addi %mul3A_7, %get3A_520 : i32
        %min3A_522 = arith.constant 7812 : i32
        %min3A_523 = arith.minsi %add3A_521, %min3A_522 : i32
        %mul3A_524 = arith.constant 128 : i32
        %mul3A_525 = arith.muli %min3A_523, %mul3A_524 : i32
        %multiple_of3A_526 = tpu.assume_multiple %mul3A_525, 128 : i32
        %dma_start3A_527 = arith.constant 0 : i32
        %dma_start3A_528 = tpu.memref_slice %arg4[%dma_start3A_527, %multiple_of3A_526] : memref<64x1000000xf32, #tpu.memory_space<hbm>> -> memref<64x128xf32, #tpu.memory_space<hbm>>
        %dma_start3A_529 = arith.constant 0 : i32
        %dma_start3A_530 = tpu.memref_slice %arg4[%dma_start3A_529, %multiple_of3A_526] : memref<64x1000000xf32, #tpu.memory_space<hbm>> -> memref<64x128xf32, #tpu.memory_space<hbm>>
        tpu.enqueue_dma source(%dma_start3A_530 : memref<64x128xf32, #tpu.memory_space<hbm>>) target(%arg15 : memref<64x128xf32, #tpu.memory_space<vmem>>) target_semaphore(%arg20 : memref<!tpu.dma_semaphore, #tpu.memory_space<semaphore_mem>>)
        %add3A_531 = arith.constant 0 : i32
        %add3A_532 = arith.addi %mul3A_7, %add3A_531 : i32
        %min3A_533 = arith.constant 7812 : i32
        %min3A_534 = arith.minsi %add3A_532, %min3A_533 : i32
        %mul3A_535 = arith.constant 128 : i32
        %mul3A_536 = arith.muli %min3A_534, %mul3A_535 : i32
        %multiple_of3A_537 = tpu.assume_multiple %mul3A_536, 128 : i32
        %dma_wait3A_538 = arith.constant 0 : i32
        %dma_wait3A_539 = tpu.memref_slice %arg4[%dma_wait3A_538, %multiple_of3A_537] : memref<64x1000000xf32, #tpu.memory_space<hbm>> -> memref<64x128xf32, #tpu.memory_space<hbm>>
        %dma_wait3A_540 = arith.constant 0 : i32
        %dma_wait3A_541 = tpu.memref_slice %arg4[%dma_wait3A_540, %multiple_of3A_537] : memref<64x1000000xf32, #tpu.memory_space<hbm>> -> memref<64x128xf32, #tpu.memory_space<hbm>>
        tpu.wait_dma2 semaphore(%arg20 : memref<!tpu.dma_semaphore, #tpu.memory_space<semaphore_mem>>) src(%dma_wait3A_541 : memref<64x128xf32, #tpu.memory_space<hbm>>) dst(%arg16 : memref<64x128xf32, #tpu.memory_space<vmem>>)
        %add3A_542 = arith.constant 5 : i32
        %add3A_543 = arith.addi %mul3A_285, %add3A_542 : i32
        %sub3A_544 = arith.constant 1 : i32
        %sub3A_545 = arith.subi %max3A_88, %sub3A_544 : i32
        %min3A_546 = arith.minsi %add3A_543, %sub3A_545 : i32
        %get3A_547 = arith.index_cast %min3A_546 : i32 to index
        %get3A_548 = memref.load %arg10[%get3A_547] : memref<253xi32, #tpu.memory_space<smem>>
        %get3A_549 = arith.index_cast %get3A_548 : i32 to index
        %get3A_550 = memref.load %arg9[%get3A_549] : memref<253xi32, #tpu.memory_space<smem>>
        %while3A_551 = arith.subi %get3A_550, %get3A_501 : i32
        %while3A_552 = arith.addi %get3A_501, %while3A_551 : i32
        %while3A_553 = arith.constant 1 : i32
        %while3A_554 = arith.divsi %while3A_551, %while3A_553 : i32
        %while3A_555 = arith.muli %while3A_554, %while3A_553 : i32
        %while3A_556 = arith.addi %get3A_501, %while3A_555 : i32
        %while3A_557 = arith.constant 1 : i32
        %while3A_558:4 = scf.for %while3A_580 = %get3A_501 to %while3A_556 step %while3A_557 iter_args(%while3A_581 = %while3A_511#0, %while3A_582 = %while3A_511#1, %while3A_583 = %while3A_511#2, %while3A_584 = %while3A_511#3) -> (vector<16xf32>, vector<16xf32>, vector<16xf32>, vector<16xf32>)  : i32 {
          %get3A_585 = arith.index_cast %while3A_580 : i32 to index
          %get3A_586 = tpu.vector_load %arg8[%get3A_585] {strides = array<i32>} : memref<4096xi32, #tpu.memory_space<vmem>>, vector<16xi32>,
          %slice3A = vector.extract_strided_slice %get3A_586 {offsets = [0], sizes = [1], strides = [1]} : vector<16xi32> to vector<1xi32>
          %squeeze3A = vector.extract %slice3A[0] : i32 from vector<1xi32>
          %and3A_587 = arith.constant 16383 : i32
          %and3A_588 = arith.andi %squeeze3A, %and3A_587 : i32
          %shift_right_arithmetic3A = arith.constant 14 : i32
          %shift_right_arithmetic3A_589 = arith.shrsi %squeeze3A, %shift_right_arithmetic3A : i32
          %and3A_590 = arith.constant 127 : i32
          %and3A_591 = arith.andi %shift_right_arithmetic3A_589, %and3A_590 : i32
          %broadcast_in_dim3A_592 = vector.broadcast %and3A_591 : i32 to vector<16xi32>
          %jit3A_593 = arith.constant 16 : i32
          %div3A_594 = arith.divsi %and3A_588, %jit3A_593 : i32
          %sign3A_595 = arith.constant 0 : i32
          %sign3A_596 = arith.cmpi sgt, %and3A_588, %sign3A_595 : i32
          %sign3A_597 = arith.extui %sign3A_596 : i1 to i32
          %sign3A_598 = arith.constant 0 : i32
          %sign3A_599 = arith.cmpi slt, %and3A_588, %sign3A_598 : i32
          %sign3A_600 = arith.extui %sign3A_599 : i1 to i32
          %sign3A_601 = arith.subi %sign3A_597, %sign3A_600 : i32
          %sign3A_602 = arith.constant 0 : i32
          %sign3A_603 = arith.cmpi sgt, %jit3A_593, %sign3A_602 : i32
          %sign3A_604 = arith.extui %sign3A_603 : i1 to i32
          %sign3A_605 = arith.constant 0 : i32
          %sign3A_606 = arith.cmpi slt, %jit3A_593, %sign3A_605 : i32
          %sign3A_607 = arith.extui %sign3A_606 : i1 to i32
          %sign3A_608 = arith.subi %sign3A_604, %sign3A_607 : i32
          %ne3A_609 = arith.cmpi ne, %sign3A_601, %sign3A_608 : i32
          %rem3A_610 = arith.remsi %and3A_588, %jit3A_593 : i32
          %ne3A_611 = arith.constant 0 : i32
          %ne3A_612 = arith.cmpi ne, %rem3A_610, %ne3A_611 : i32
          %and3A_613 = arith.andi %ne3A_609, %ne3A_612 : i1
          %sub3A_614 = arith.constant 1 : i32
          %sub3A_615 = arith.subi %div3A_594, %sub3A_614 : i32
          %select_n3A_616 = arith.select %and3A_613, %sub3A_615, %div3A_594 : i32
          %jit3A_617 = arith.constant 2 : i32
          %div3A_618 = arith.divsi %and3A_588, %jit3A_617 : i32
          %sign3A_619 = arith.constant 0 : i32
          %sign3A_620 = arith.cmpi sgt, %and3A_588, %sign3A_619 : i32
          %sign3A_621 = arith.extui %sign3A_620 : i1 to i32
          %sign3A_622 = arith.constant 0 : i32
          %sign3A_623 = arith.cmpi slt, %and3A_588, %sign3A_622 : i32
          %sign3A_624 = arith.extui %sign3A_623 : i1 to i32
          %sign3A_625 = arith.subi %sign3A_621, %sign3A_624 : i32
          %sign3A_626 = arith.constant 0 : i32
          %sign3A_627 = arith.cmpi sgt, %jit3A_617, %sign3A_626 : i32
          %sign3A_628 = arith.extui %sign3A_627 : i1 to i32
          %sign3A_629 = arith.constant 0 : i32
          %sign3A_630 = arith.cmpi slt, %jit3A_617, %sign3A_629 : i32
          %sign3A_631 = arith.extui %sign3A_630 : i1 to i32
          %sign3A_632 = arith.subi %sign3A_628, %sign3A_631 : i32
          %ne3A_633 = arith.cmpi ne, %sign3A_625, %sign3A_632 : i32
          %rem3A_634 = arith.remsi %and3A_588, %jit3A_617 : i32
          %ne3A_635 = arith.constant 0 : i32
          %ne3A_636 = arith.cmpi ne, %rem3A_634, %ne3A_635 : i32
          %and3A_637 = arith.andi %ne3A_633, %ne3A_636 : i1
          %sub3A_638 = arith.constant 1 : i32
          %sub3A_639 = arith.subi %div3A_618, %sub3A_638 : i32
          %select_n3A_640 = arith.select %and3A_637, %sub3A_639, %div3A_618 : i32
          %jit3A_641 = arith.constant 8 : i32
          %eq3A_642 = arith.constant 0 : i32
          %eq3A_643 = arith.cmpi eq, %jit3A_641, %eq3A_642 : i32
          %jit3A_644 = arith.constant 1 : i32
          %select_n3A_645 = arith.select %eq3A_643, %jit3A_644, %jit3A_641 : i32
          %rem3A_646 = arith.remsi %select_n3A_640, %select_n3A_645 : i32
          %ne3A_647 = arith.constant 0 : i32
          %ne3A_648 = arith.cmpi ne, %rem3A_646, %ne3A_647 : i32
          %lt3A = arith.constant 0 : i32
          %lt3A_649 = arith.cmpi slt, %rem3A_646, %lt3A : i32
          %lt3A_650 = arith.constant 0 : i32
          %lt3A_651 = arith.cmpi slt, %select_n3A_645, %lt3A_650 : i32
          %ne3A_652 = arith.xori %lt3A_649, %lt3A_651 : i1
          %and3A_653 = arith.andi %ne3A_652, %ne3A_648 : i1
          %add3A_654 = arith.addi %rem3A_646, %select_n3A_645 : i32
          %select_n3A_655 = arith.select %and3A_653, %add3A_654, %rem3A_646 : i32
          "tpu.region"() ({
            %run_scoped3A = tpu.sem_alloc : memref<!tpu.dma_semaphore, #tpu.memory_space<semaphore_mem>>
            %dma_start3A_717 = arith.constant 0 : i32
            %dma_start3A_718 = tpu.memref_slice %arg19[%select_n3A_616, %select_n3A_655, %dma_start3A_717] : memref<1024x8x128xf32, #tpu.memory_space<vmem_shared>> -> memref<1x1x128xf32, #tpu.memory_space<vmem_shared>>
            %dma_start3A_719 = tpu.memref_squeeze %dma_start3A_718 : memref<1x1x128xf32, #tpu.memory_space<vmem_shared>> -> memref<128xf32, #tpu.memory_space<vmem_shared>>
            %dma_start3A_720 = arith.constant 0 : i32
            %dma_start3A_721 = tpu.memref_slice %arg19[%select_n3A_616, %select_n3A_655, %dma_start3A_720] : memref<1024x8x128xf32, #tpu.memory_space<vmem_shared>> -> memref<1x1x128xf32, #tpu.memory_space<vmem_shared>>
            %dma_start3A_722 = tpu.memref_squeeze %dma_start3A_721 : memref<1x1x128xf32, #tpu.memory_space<vmem_shared>> -> memref<128xf32, #tpu.memory_space<vmem_shared>>
            tpu.enqueue_dma source(%dma_start3A_722 : memref<128xf32, #tpu.memory_space<vmem_shared>>) target(%arg17 : memref<128xf32, #tpu.memory_space<vmem>>) target_semaphore(%run_scoped3A : memref<!tpu.dma_semaphore, #tpu.memory_space<semaphore_mem>>)
            %dma_wait3A_723 = arith.constant 0 : i32
            %dma_wait3A_724 = tpu.memref_slice %arg19[%select_n3A_616, %select_n3A_655, %dma_wait3A_723] : memref<1024x8x128xf32, #tpu.memory_space<vmem_shared>> -> memref<1x1x128xf32, #tpu.memory_space<vmem_shared>>
            %dma_wait3A_725 = tpu.memref_squeeze %dma_wait3A_724 : memref<1x1x128xf32, #tpu.memory_space<vmem_shared>> -> memref<128xf32, #tpu.memory_space<vmem_shared>>
            %dma_wait3A_726 = arith.constant 0 : i32
            %dma_wait3A_727 = tpu.memref_slice %arg19[%select_n3A_616, %select_n3A_655, %dma_wait3A_726] : memref<1024x8x128xf32, #tpu.memory_space<vmem_shared>> -> memref<1x1x128xf32, #tpu.memory_space<vmem_shared>>
            %dma_wait3A_728 = tpu.memref_squeeze %dma_wait3A_727 : memref<1x1x128xf32, #tpu.memory_space<vmem_shared>> -> memref<128xf32, #tpu.memory_space<vmem_shared>>
            tpu.wait_dma2 semaphore(%run_scoped3A : memref<!tpu.dma_semaphore, #tpu.memory_space<semaphore_mem>>) src(%dma_wait3A_728 : memref<128xf32, #tpu.memory_space<vmem_shared>>) dst(%arg17 : memref<128xf32, #tpu.memory_space<vmem>>)
            tpu.yield
          }) : () -> ()
          %jit3A_656 = arith.constant 2 : i32
          %eq3A_657 = arith.constant 0 : i32
          %eq3A_658 = arith.cmpi eq, %jit3A_656, %eq3A_657 : i32
          %jit3A_659 = arith.constant 1 : i32
          %select_n3A_660 = arith.select %eq3A_658, %jit3A_659, %jit3A_656 : i32
          %rem3A_661 = arith.remsi %and3A_588, %select_n3A_660 : i32
          %ne3A_662 = arith.constant 0 : i32
          %ne3A_663 = arith.cmpi ne, %rem3A_661, %ne3A_662 : i32
          %lt3A_664 = arith.constant 0 : i32
          %lt3A_665 = arith.cmpi slt, %rem3A_661, %lt3A_664 : i32
          %lt3A_666 = arith.constant 0 : i32
          %lt3A_667 = arith.cmpi slt, %select_n3A_660, %lt3A_666 : i32
          %ne3A_668 = arith.xori %lt3A_665, %lt3A_667 : i1
          %and3A_669 = arith.andi %ne3A_668, %ne3A_663 : i1
          %add3A_670 = arith.addi %rem3A_661, %select_n3A_660 : i32
          %select_n3A_671 = arith.select %and3A_669, %add3A_670, %rem3A_661 : i32
          %mul3A_672 = arith.constant 64 : i32
          %mul3A_673 = arith.muli %select_n3A_671, %mul3A_672 : i32
          %add3A_674 = arith.constant 0 : i32
          %add3A_675 = vector.broadcast %add3A_674 : i32 to vector<16xi32>
          %add3A_676 = arith.addi %iota3A, %add3A_675 : vector<16xi32>
          %gather3A = tpu.vector_load_idx %arg16[%add3A_676, %broadcast_in_dim3A_592] : memref<64x128xf32, #tpu.memory_space<vmem>>[vector<16xi32>, vector<16xi32>], vector<16xf32>,
          %add3A_677 = arith.constant 0 : i32
          %add3A_678 = arith.addi %mul3A_673, %add3A_677 : i32
          %get3A_679 = arith.index_cast %add3A_678 : i32 to index
          %get3A_680 = tpu.vector_load %arg17[%get3A_679] {strides = array<i32>} : memref<128xf32, #tpu.memory_space<vmem>>, vector<16xf32>,
          %sub3A_681 = arith.subf %get3A_680, %gather3A : vector<16xf32>
          %mul3A_682 = arith.mulf %sub3A_681, %sub3A_681 : vector<16xf32>
          %add3A_683 = arith.addf %while3A_581, %mul3A_682 : vector<16xf32>
          %add3A_684 = arith.constant 16 : i32
          %add3A_685 = vector.broadcast %add3A_684 : i32 to vector<16xi32>
          %add3A_686 = arith.addi %iota3A, %add3A_685 : vector<16xi32>
          %gather3A_687 = tpu.vector_load_idx %arg16[%add3A_686, %broadcast_in_dim3A_592] : memref<64x128xf32, #tpu.memory_space<vmem>>[vector<16xi32>, vector<16xi32>], vector<16xf32>,
          %add3A_688 = arith.constant 16 : i32
          %add3A_689 = arith.addi %mul3A_673, %add3A_688 : i32
          %get3A_690 = arith.index_cast %add3A_689 : i32 to index
          %get3A_691 = tpu.vector_load %arg17[%get3A_690] {strides = array<i32>} : memref<128xf32, #tpu.memory_space<vmem>>, vector<16xf32>,
          %sub3A_692 = arith.subf %get3A_691, %gather3A_687 : vector<16xf32>
          %mul3A_693 = arith.mulf %sub3A_692, %sub3A_692 : vector<16xf32>
          %add3A_694 = arith.addf %while3A_582, %mul3A_693 : vector<16xf32>
          %add3A_695 = arith.constant 32 : i32
          %add3A_696 = vector.broadcast %add3A_695 : i32 to vector<16xi32>
          %add3A_697 = arith.addi %iota3A, %add3A_696 : vector<16xi32>
          %gather3A_698 = tpu.vector_load_idx %arg16[%add3A_697, %broadcast_in_dim3A_592] : memref<64x128xf32, #tpu.memory_space<vmem>>[vector<16xi32>, vector<16xi32>], vector<16xf32>,
          %add3A_699 = arith.constant 32 : i32
          %add3A_700 = arith.addi %mul3A_673, %add3A_699 : i32
          %get3A_701 = arith.index_cast %add3A_700 : i32 to index
          %get3A_702 = tpu.vector_load %arg17[%get3A_701] {strides = array<i32>} : memref<128xf32, #tpu.memory_space<vmem>>, vector<16xf32>,
          %sub3A_703 = arith.subf %get3A_702, %gather3A_698 : vector<16xf32>
          %mul3A_704 = arith.mulf %sub3A_703, %sub3A_703 : vector<16xf32>
          %add3A_705 = arith.addf %while3A_583, %mul3A_704 : vector<16xf32>
          %add3A_706 = arith.constant 48 : i32
          %add3A_707 = vector.broadcast %add3A_706 : i32 to vector<16xi32>
          %add3A_708 = arith.addi %iota3A, %add3A_707 : vector<16xi32>
          %gather3A_709 = tpu.vector_load_idx %arg16[%add3A_708, %broadcast_in_dim3A_592] : memref<64x128xf32, #tpu.memory_space<vmem>>[vector<16xi32>, vector<16xi32>], vector<16xf32>,
          %add3A_710 = arith.constant 48 : i32
          %add3A_711 = arith.addi %mul3A_673, %add3A_710 : i32
          %get3A_712 = arith.index_cast %add3A_711 : i32 to index
          %get3A_713 = tpu.vector_load %arg17[%get3A_712] {strides = array<i32>} : memref<128xf32, #tpu.memory_space<vmem>>, vector<16xf32>,
          %sub3A_714 = arith.subf %get3A_713, %gather3A_709 : vector<16xf32>
          %mul3A_715 = arith.mulf %sub3A_714, %sub3A_714 : vector<16xf32>
          %add3A_716 = arith.addf %while3A_584, %mul3A_715 : vector<16xf32>
          scf.yield %add3A_683, %add3A_694, %add3A_705, %add3A_716 : vector<16xf32>, vector<16xf32>, vector<16xf32>, vector<16xf32>
        }
        %while3A_559 = arith.constant 1 : i32
        %while3A_560:4 = scf.for %while3A_580 = %while3A_556 to %while3A_552 step %while3A_559 iter_args(%while3A_581 = %while3A_558#0, %while3A_582 = %while3A_558#1, %while3A_583 = %while3A_558#2, %while3A_584 = %while3A_558#3) -> (vector<16xf32>, vector<16xf32>, vector<16xf32>, vector<16xf32>)  : i32 {
          %get3A_585 = arith.index_cast %while3A_580 : i32 to index
          %get3A_586 = tpu.vector_load %arg8[%get3A_585] {strides = array<i32>} : memref<4096xi32, #tpu.memory_space<vmem>>, vector<16xi32>,
          %slice3A = vector.extract_strided_slice %get3A_586 {offsets = [0], sizes = [1], strides = [1]} : vector<16xi32> to vector<1xi32>
          %squeeze3A = vector.extract %slice3A[0] : i32 from vector<1xi32>
          %and3A_587 = arith.constant 16383 : i32
          %and3A_588 = arith.andi %squeeze3A, %and3A_587 : i32
          %shift_right_arithmetic3A = arith.constant 14 : i32
          %shift_right_arithmetic3A_589 = arith.shrsi %squeeze3A, %shift_right_arithmetic3A : i32
          %and3A_590 = arith.constant 127 : i32
          %and3A_591 = arith.andi %shift_right_arithmetic3A_589, %and3A_590 : i32
          %broadcast_in_dim3A_592 = vector.broadcast %and3A_591 : i32 to vector<16xi32>
          %jit3A_593 = arith.constant 16 : i32
          %div3A_594 = arith.divsi %and3A_588, %jit3A_593 : i32
          %sign3A_595 = arith.constant 0 : i32
          %sign3A_596 = arith.cmpi sgt, %and3A_588, %sign3A_595 : i32
          %sign3A_597 = arith.extui %sign3A_596 : i1 to i32
          %sign3A_598 = arith.constant 0 : i32
          %sign3A_599 = arith.cmpi slt, %and3A_588, %sign3A_598 : i32
          %sign3A_600 = arith.extui %sign3A_599 : i1 to i32
          %sign3A_601 = arith.subi %sign3A_597, %sign3A_600 : i32
          %sign3A_602 = arith.constant 0 : i32
          %sign3A_603 = arith.cmpi sgt, %jit3A_593, %sign3A_602 : i32
          %sign3A_604 = arith.extui %sign3A_603 : i1 to i32
          %sign3A_605 = arith.constant 0 : i32
          %sign3A_606 = arith.cmpi slt, %jit3A_593, %sign3A_605 : i32
          %sign3A_607 = arith.extui %sign3A_606 : i1 to i32
          %sign3A_608 = arith.subi %sign3A_604, %sign3A_607 : i32
          %ne3A_609 = arith.cmpi ne, %sign3A_601, %sign3A_608 : i32
          %rem3A_610 = arith.remsi %and3A_588, %jit3A_593 : i32
          %ne3A_611 = arith.constant 0 : i32
          %ne3A_612 = arith.cmpi ne, %rem3A_610, %ne3A_611 : i32
          %and3A_613 = arith.andi %ne3A_609, %ne3A_612 : i1
          %sub3A_614 = arith.constant 1 : i32
          %sub3A_615 = arith.subi %div3A_594, %sub3A_614 : i32
          %select_n3A_616 = arith.select %and3A_613, %sub3A_615, %div3A_594 : i32
          %jit3A_617 = arith.constant 2 : i32
          %div3A_618 = arith.divsi %and3A_588, %jit3A_617 : i32
          %sign3A_619 = arith.constant 0 : i32
          %sign3A_620 = arith.cmpi sgt, %and3A_588, %sign3A_619 : i32
          %sign3A_621 = arith.extui %sign3A_620 : i1 to i32
          %sign3A_622 = arith.constant 0 : i32
          %sign3A_623 = arith.cmpi slt, %and3A_588, %sign3A_622 : i32
          %sign3A_624 = arith.extui %sign3A_623 : i1 to i32
          %sign3A_625 = arith.subi %sign3A_621, %sign3A_624 : i32
          %sign3A_626 = arith.constant 0 : i32
          %sign3A_627 = arith.cmpi sgt, %jit3A_617, %sign3A_626 : i32
          %sign3A_628 = arith.extui %sign3A_627 : i1 to i32
          %sign3A_629 = arith.constant 0 : i32
          %sign3A_630 = arith.cmpi slt, %jit3A_617, %sign3A_629 : i32
          %sign3A_631 = arith.extui %sign3A_630 : i1 to i32
          %sign3A_632 = arith.subi %sign3A_628, %sign3A_631 : i32
          %ne3A_633 = arith.cmpi ne, %sign3A_625, %sign3A_632 : i32
          %rem3A_634 = arith.remsi %and3A_588, %jit3A_617 : i32
          %ne3A_635 = arith.constant 0 : i32
          %ne3A_636 = arith.cmpi ne, %rem3A_634, %ne3A_635 : i32
          %and3A_637 = arith.andi %ne3A_633, %ne3A_636 : i1
          %sub3A_638 = arith.constant 1 : i32
          %sub3A_639 = arith.subi %div3A_618, %sub3A_638 : i32
          %select_n3A_640 = arith.select %and3A_637, %sub3A_639, %div3A_618 : i32
          %jit3A_641 = arith.constant 8 : i32
          %eq3A_642 = arith.constant 0 : i32
          %eq3A_643 = arith.cmpi eq, %jit3A_641, %eq3A_642 : i32
          %jit3A_644 = arith.constant 1 : i32
          %select_n3A_645 = arith.select %eq3A_643, %jit3A_644, %jit3A_641 : i32
          %rem3A_646 = arith.remsi %select_n3A_640, %select_n3A_645 : i32
          %ne3A_647 = arith.constant 0 : i32
          %ne3A_648 = arith.cmpi ne, %rem3A_646, %ne3A_647 : i32
          %lt3A = arith.constant 0 : i32
          %lt3A_649 = arith.cmpi slt, %rem3A_646, %lt3A : i32
          %lt3A_650 = arith.constant 0 : i32
          %lt3A_651 = arith.cmpi slt, %select_n3A_645, %lt3A_650 : i32
          %ne3A_652 = arith.xori %lt3A_649, %lt3A_651 : i1
          %and3A_653 = arith.andi %ne3A_652, %ne3A_648 : i1
          %add3A_654 = arith.addi %rem3A_646, %select_n3A_645 : i32
          %select_n3A_655 = arith.select %and3A_653, %add3A_654, %rem3A_646 : i32
          "tpu.region"() ({
            %run_scoped3A = tpu.sem_alloc : memref<!tpu.dma_semaphore, #tpu.memory_space<semaphore_mem>>
            %dma_start3A_717 = arith.constant 0 : i32
            %dma_start3A_718 = tpu.memref_slice %arg19[%select_n3A_616, %select_n3A_655, %dma_start3A_717] : memref<1024x8x128xf32, #tpu.memory_space<vmem_shared>> -> memref<1x1x128xf32, #tpu.memory_space<vmem_shared>>
            %dma_start3A_719 = tpu.memref_squeeze %dma_start3A_718 : memref<1x1x128xf32, #tpu.memory_space<vmem_shared>> -> memref<128xf32, #tpu.memory_space<vmem_shared>>
            %dma_start3A_720 = arith.constant 0 : i32
            %dma_start3A_721 = tpu.memref_slice %arg19[%select_n3A_616, %select_n3A_655, %dma_start3A_720] : memref<1024x8x128xf32, #tpu.memory_space<vmem_shared>> -> memref<1x1x128xf32, #tpu.memory_space<vmem_shared>>
            %dma_start3A_722 = tpu.memref_squeeze %dma_start3A_721 : memref<1x1x128xf32, #tpu.memory_space<vmem_shared>> -> memref<128xf32, #tpu.memory_space<vmem_shared>>
            tpu.enqueue_dma source(%dma_start3A_722 : memref<128xf32, #tpu.memory_space<vmem_shared>>) target(%arg17 : memref<128xf32, #tpu.memory_space<vmem>>) target_semaphore(%run_scoped3A : memref<!tpu.dma_semaphore, #tpu.memory_space<semaphore_mem>>)
            %dma_wait3A_723 = arith.constant 0 : i32
            %dma_wait3A_724 = tpu.memref_slice %arg19[%select_n3A_616, %select_n3A_655, %dma_wait3A_723] : memref<1024x8x128xf32, #tpu.memory_space<vmem_shared>> -> memref<1x1x128xf32, #tpu.memory_space<vmem_shared>>
            %dma_wait3A_725 = tpu.memref_squeeze %dma_wait3A_724 : memref<1x1x128xf32, #tpu.memory_space<vmem_shared>> -> memref<128xf32, #tpu.memory_space<vmem_shared>>
            %dma_wait3A_726 = arith.constant 0 : i32
            %dma_wait3A_727 = tpu.memref_slice %arg19[%select_n3A_616, %select_n3A_655, %dma_wait3A_726] : memref<1024x8x128xf32, #tpu.memory_space<vmem_shared>> -> memref<1x1x128xf32, #tpu.memory_space<vmem_shared>>
            %dma_wait3A_728 = tpu.memref_squeeze %dma_wait3A_727 : memref<1x1x128xf32, #tpu.memory_space<vmem_shared>> -> memref<128xf32, #tpu.memory_space<vmem_shared>>
            tpu.wait_dma2 semaphore(%run_scoped3A : memref<!tpu.dma_semaphore, #tpu.memory_space<semaphore_mem>>) src(%dma_wait3A_728 : memref<128xf32, #tpu.memory_space<vmem_shared>>) dst(%arg17 : memref<128xf32, #tpu.memory_space<vmem>>)
            tpu.yield
          }) : () -> ()
          %jit3A_656 = arith.constant 2 : i32
          %eq3A_657 = arith.constant 0 : i32
          %eq3A_658 = arith.cmpi eq, %jit3A_656, %eq3A_657 : i32
          %jit3A_659 = arith.constant 1 : i32
          %select_n3A_660 = arith.select %eq3A_658, %jit3A_659, %jit3A_656 : i32
          %rem3A_661 = arith.remsi %and3A_588, %select_n3A_660 : i32
          %ne3A_662 = arith.constant 0 : i32
          %ne3A_663 = arith.cmpi ne, %rem3A_661, %ne3A_662 : i32
          %lt3A_664 = arith.constant 0 : i32
          %lt3A_665 = arith.cmpi slt, %rem3A_661, %lt3A_664 : i32
          %lt3A_666 = arith.constant 0 : i32
          %lt3A_667 = arith.cmpi slt, %select_n3A_660, %lt3A_666 : i32
          %ne3A_668 = arith.xori %lt3A_665, %lt3A_667 : i1
          %and3A_669 = arith.andi %ne3A_668, %ne3A_663 : i1
          %add3A_670 = arith.addi %rem3A_661, %select_n3A_660 : i32
          %select_n3A_671 = arith.select %and3A_669, %add3A_670, %rem3A_661 : i32
          %mul3A_672 = arith.constant 64 : i32
          %mul3A_673 = arith.muli %select_n3A_671, %mul3A_672 : i32
          %add3A_674 = arith.constant 0 : i32
          %add3A_675 = vector.broadcast %add3A_674 : i32 to vector<16xi32>
          %add3A_676 = arith.addi %iota3A, %add3A_675 : vector<16xi32>
          %gather3A = tpu.vector_load_idx %arg16[%add3A_676, %broadcast_in_dim3A_592] : memref<64x128xf32, #tpu.memory_space<vmem>>[vector<16xi32>, vector<16xi32>], vector<16xf32>,
          %add3A_677 = arith.constant 0 : i32
          %add3A_678 = arith.addi %mul3A_673, %add3A_677 : i32
          %get3A_679 = arith.index_cast %add3A_678 : i32 to index
          %get3A_680 = tpu.vector_load %arg17[%get3A_679] {strides = array<i32>} : memref<128xf32, #tpu.memory_space<vmem>>, vector<16xf32>,
          %sub3A_681 = arith.subf %get3A_680, %gather3A : vector<16xf32>
          %mul3A_682 = arith.mulf %sub3A_681, %sub3A_681 : vector<16xf32>
          %add3A_683 = arith.addf %while3A_581, %mul3A_682 : vector<16xf32>
          %add3A_684 = arith.constant 16 : i32
          %add3A_685 = vector.broadcast %add3A_684 : i32 to vector<16xi32>
          %add3A_686 = arith.addi %iota3A, %add3A_685 : vector<16xi32>
          %gather3A_687 = tpu.vector_load_idx %arg16[%add3A_686, %broadcast_in_dim3A_592] : memref<64x128xf32, #tpu.memory_space<vmem>>[vector<16xi32>, vector<16xi32>], vector<16xf32>,
          %add3A_688 = arith.constant 16 : i32
          %add3A_689 = arith.addi %mul3A_673, %add3A_688 : i32
          %get3A_690 = arith.index_cast %add3A_689 : i32 to index
          %get3A_691 = tpu.vector_load %arg17[%get3A_690] {strides = array<i32>} : memref<128xf32, #tpu.memory_space<vmem>>, vector<16xf32>,
          %sub3A_692 = arith.subf %get3A_691, %gather3A_687 : vector<16xf32>
          %mul3A_693 = arith.mulf %sub3A_692, %sub3A_692 : vector<16xf32>
          %add3A_694 = arith.addf %while3A_582, %mul3A_693 : vector<16xf32>
          %add3A_695 = arith.constant 32 : i32
          %add3A_696 = vector.broadcast %add3A_695 : i32 to vector<16xi32>
          %add3A_697 = arith.addi %iota3A, %add3A_696 : vector<16xi32>
          %gather3A_698 = tpu.vector_load_idx %arg16[%add3A_697, %broadcast_in_dim3A_592] : memref<64x128xf32, #tpu.memory_space<vmem>>[vector<16xi32>, vector<16xi32>], vector<16xf32>,
          %add3A_699 = arith.constant 32 : i32
          %add3A_700 = arith.addi %mul3A_673, %add3A_699 : i32
          %get3A_701 = arith.index_cast %add3A_700 : i32 to index
          %get3A_702 = tpu.vector_load %arg17[%get3A_701] {strides = array<i32>} : memref<128xf32, #tpu.memory_space<vmem>>, vector<16xf32>,
          %sub3A_703 = arith.subf %get3A_702, %gather3A_698 : vector<16xf32>
          %mul3A_704 = arith.mulf %sub3A_703, %sub3A_703 : vector<16xf32>
          %add3A_705 = arith.addf %while3A_583, %mul3A_704 : vector<16xf32>
          %add3A_706 = arith.constant 48 : i32
          %add3A_707 = vector.broadcast %add3A_706 : i32 to vector<16xi32>
          %add3A_708 = arith.addi %iota3A, %add3A_707 : vector<16xi32>
          %gather3A_709 = tpu.vector_load_idx %arg16[%add3A_708, %broadcast_in_dim3A_592] : memref<64x128xf32, #tpu.memory_space<vmem>>[vector<16xi32>, vector<16xi32>], vector<16xf32>,
          %add3A_710 = arith.constant 48 : i32
          %add3A_711 = arith.addi %mul3A_673, %add3A_710 : i32
          %get3A_712 = arith.index_cast %add3A_711 : i32 to index
          %get3A_713 = tpu.vector_load %arg17[%get3A_712] {strides = array<i32>} : memref<128xf32, #tpu.memory_space<vmem>>, vector<16xf32>,
          %sub3A_714 = arith.subf %get3A_713, %gather3A_709 : vector<16xf32>
          %mul3A_715 = arith.mulf %sub3A_714, %sub3A_714 : vector<16xf32>
          %add3A_716 = arith.addf %while3A_584, %mul3A_715 : vector<16xf32>
          scf.yield %add3A_683, %add3A_694, %add3A_705, %add3A_716 : vector<16xf32>, vector<16xf32>, vector<16xf32>, vector<16xf32>
        }
        %add3A_561 = arith.constant 5 : i32
        %add3A_562 = arith.addi %mul3A_285, %add3A_561 : i32
        %add3A_563 = arith.constant 6 : i32
        %add3A_564 = arith.addi %add3A_562, %add3A_563 : i32
        %sub3A_565 = arith.constant 1 : i32
        %sub3A_566 = arith.subi %max3A_88, %sub3A_565 : i32
        %min3A_567 = arith.minsi %add3A_564, %sub3A_566 : i32
        %get3A_568 = arith.index_cast %min3A_567 : i32 to index
        %get3A_569 = memref.load %arg10[%get3A_568] : memref<253xi32, #tpu.memory_space<smem>>
        %add3A_570 = arith.addi %mul3A_7, %get3A_569 : i32
        %min3A_571 = arith.constant 7812 : i32
        %min3A_572 = arith.minsi %add3A_570, %min3A_571 : i32
        %mul3A_573 = arith.constant 128 : i32
        %mul3A_574 = arith.muli %min3A_572, %mul3A_573 : i32
        %multiple_of3A_575 = tpu.assume_multiple %mul3A_574, 128 : i32
        %dma_start3A_576 = arith.constant 0 : i32
        %dma_start3A_577 = tpu.memref_slice %arg4[%dma_start3A_576, %multiple_of3A_575] : memref<64x1000000xf32, #tpu.memory_space<hbm>> -> memref<64x128xf32, #tpu.memory_space<hbm>>
        %dma_start3A_578 = arith.constant 0 : i32
        %dma_start3A_579 = tpu.memref_slice %arg4[%dma_start3A_578, %multiple_of3A_575] : memref<64x1000000xf32, #tpu.memory_space<hbm>> -> memref<64x128xf32, #tpu.memory_space<hbm>>
        tpu.enqueue_dma source(%dma_start3A_579 : memref<64x128xf32, #tpu.memory_space<hbm>>) target(%arg16 : memref<64x128xf32, #tpu.memory_space<vmem>>) target_semaphore(%arg20 : memref<!tpu.dma_semaphore, #tpu.memory_space<semaphore_mem>>)
        scf.yield %get3A_550, %while3A_560#0, %while3A_560#1, %while3A_560#2, %while3A_560#3 : i32, vector<16xf32>, vector<16xf32>, vector<16xf32>, vector<16xf32>
      }
      %while3A_211 = arith.constant 1 : i32
      %while3A_212:5 = scf.for %while3A_278 = %while3A_208 to %while3A_204 step %while3A_211 iter_args(%while3A_279 = %while3A_210#0, %while3A_280 = %while3A_210#1, %while3A_281 = %while3A_210#2, %while3A_282 = %while3A_210#3, %while3A_283 = %while3A_210#4) -> (i32, vector<16xf32>, vector<16xf32>, vector<16xf32>, vector<16xf32>)  : i32 {
        %mul3A_284 = arith.constant 6 : i32
        %mul3A_285 = arith.muli %while3A_278, %mul3A_284 : i32
        %add3A_286 = arith.constant 0 : i32
        %add3A_287 = arith.addi %mul3A_7, %add3A_286 : i32
        %min3A_288 = arith.constant 7812 : i32
        %min3A_289 = arith.minsi %add3A_287, %min3A_288 : i32
        %mul3A_290 = arith.constant 128 : i32
        %mul3A_291 = arith.muli %min3A_289, %mul3A_290 : i32
        %multiple_of3A_292 = tpu.assume_multiple %mul3A_291, 128 : i32
        %dma_wait3A_293 = arith.constant 0 : i32
        %dma_wait3A_294 = tpu.memref_slice %arg4[%dma_wait3A_293, %multiple_of3A_292] : memref<64x1000000xf32, #tpu.memory_space<hbm>> -> memref<64x128xf32, #tpu.memory_space<hbm>>
        %dma_wait3A_295 = arith.constant 0 : i32
        %dma_wait3A_296 = tpu.memref_slice %arg4[%dma_wait3A_295, %multiple_of3A_292] : memref<64x1000000xf32, #tpu.memory_space<hbm>> -> memref<64x128xf32, #tpu.memory_space<hbm>>
        tpu.wait_dma2 semaphore(%arg20 : memref<!tpu.dma_semaphore, #tpu.memory_space<semaphore_mem>>) src(%dma_wait3A_296 : memref<64x128xf32, #tpu.memory_space<hbm>>) dst(%arg11 : memref<64x128xf32, #tpu.memory_space<vmem>>)
        %add3A_297 = arith.constant 0 : i32
        %add3A_298 = arith.addi %mul3A_285, %add3A_297 : i32
        %sub3A_299 = arith.constant 1 : i32
        %sub3A_300 = arith.subi %max3A_88, %sub3A_299 : i32
        %min3A_301 = arith.minsi %add3A_298, %sub3A_300 : i32
        %get3A_302 = arith.index_cast %min3A_301 : i32 to index
        %get3A_303 = memref.load %arg10[%get3A_302] : memref<253xi32, #tpu.memory_space<smem>>
        %get3A_304 = arith.index_cast %get3A_303 : i32 to index
        %get3A_305 = memref.load %arg9[%get3A_304] : memref<253xi32, #tpu.memory_space<smem>>
        %while3A_306 = arith.subi %get3A_305, %while3A_279 : i32
        %while3A_307 = arith.addi %while3A_279, %while3A_306 : i32
        %while3A_308 = arith.constant 1 : i32
        %while3A_309 = arith.divsi %while3A_306, %while3A_308 : i32
        %while3A_310 = arith.muli %while3A_309, %while3A_308 : i32
        %while3A_311 = arith.addi %while3A_279, %while3A_310 : i32
        %while3A_312 = arith.constant 1 : i32
        %while3A_313:4 = scf.for %while3A_580 = %while3A_279 to %while3A_311 step %while3A_312 iter_args(%while3A_581 = %while3A_280, %while3A_582 = %while3A_281, %while3A_583 = %while3A_282, %while3A_584 = %while3A_283) -> (vector<16xf32>, vector<16xf32>, vector<16xf32>, vector<16xf32>)  : i32 {
          %get3A_585 = arith.index_cast %while3A_580 : i32 to index
          %get3A_586 = tpu.vector_load %arg8[%get3A_585] {strides = array<i32>} : memref<4096xi32, #tpu.memory_space<vmem>>, vector<16xi32>,
          %slice3A = vector.extract_strided_slice %get3A_586 {offsets = [0], sizes = [1], strides = [1]} : vector<16xi32> to vector<1xi32>
          %squeeze3A = vector.extract %slice3A[0] : i32 from vector<1xi32>
          %and3A_587 = arith.constant 16383 : i32
          %and3A_588 = arith.andi %squeeze3A, %and3A_587 : i32
          %shift_right_arithmetic3A = arith.constant 14 : i32
          %shift_right_arithmetic3A_589 = arith.shrsi %squeeze3A, %shift_right_arithmetic3A : i32
          %and3A_590 = arith.constant 127 : i32
          %and3A_591 = arith.andi %shift_right_arithmetic3A_589, %and3A_590 : i32
          %broadcast_in_dim3A_592 = vector.broadcast %and3A_591 : i32 to vector<16xi32>
          %jit3A_593 = arith.constant 16 : i32
          %div3A_594 = arith.divsi %and3A_588, %jit3A_593 : i32
          %sign3A_595 = arith.constant 0 : i32
          %sign3A_596 = arith.cmpi sgt, %and3A_588, %sign3A_595 : i32
          %sign3A_597 = arith.extui %sign3A_596 : i1 to i32
          %sign3A_598 = arith.constant 0 : i32
          %sign3A_599 = arith.cmpi slt, %and3A_588, %sign3A_598 : i32
          %sign3A_600 = arith.extui %sign3A_599 : i1 to i32
          %sign3A_601 = arith.subi %sign3A_597, %sign3A_600 : i32
          %sign3A_602 = arith.constant 0 : i32
          %sign3A_603 = arith.cmpi sgt, %jit3A_593, %sign3A_602 : i32
          %sign3A_604 = arith.extui %sign3A_603 : i1 to i32
          %sign3A_605 = arith.constant 0 : i32
          %sign3A_606 = arith.cmpi slt, %jit3A_593, %sign3A_605 : i32
          %sign3A_607 = arith.extui %sign3A_606 : i1 to i32
          %sign3A_608 = arith.subi %sign3A_604, %sign3A_607 : i32
          %ne3A_609 = arith.cmpi ne, %sign3A_601, %sign3A_608 : i32
          %rem3A_610 = arith.remsi %and3A_588, %jit3A_593 : i32
          %ne3A_611 = arith.constant 0 : i32
          %ne3A_612 = arith.cmpi ne, %rem3A_610, %ne3A_611 : i32
          %and3A_613 = arith.andi %ne3A_609, %ne3A_612 : i1
          %sub3A_614 = arith.constant 1 : i32
          %sub3A_615 = arith.subi %div3A_594, %sub3A_614 : i32
          %select_n3A_616 = arith.select %and3A_613, %sub3A_615, %div3A_594 : i32
          %jit3A_617 = arith.constant 2 : i32
          %div3A_618 = arith.divsi %and3A_588, %jit3A_617 : i32
          %sign3A_619 = arith.constant 0 : i32
          %sign3A_620 = arith.cmpi sgt, %and3A_588, %sign3A_619 : i32
          %sign3A_621 = arith.extui %sign3A_620 : i1 to i32
          %sign3A_622 = arith.constant 0 : i32
          %sign3A_623 = arith.cmpi slt, %and3A_588, %sign3A_622 : i32
          %sign3A_624 = arith.extui %sign3A_623 : i1 to i32
          %sign3A_625 = arith.subi %sign3A_621, %sign3A_624 : i32
          %sign3A_626 = arith.constant 0 : i32
          %sign3A_627 = arith.cmpi sgt, %jit3A_617, %sign3A_626 : i32
          %sign3A_628 = arith.extui %sign3A_627 : i1 to i32
          %sign3A_629 = arith.constant 0 : i32
          %sign3A_630 = arith.cmpi slt, %jit3A_617, %sign3A_629 : i32
          %sign3A_631 = arith.extui %sign3A_630 : i1 to i32
          %sign3A_632 = arith.subi %sign3A_628, %sign3A_631 : i32
          %ne3A_633 = arith.cmpi ne, %sign3A_625, %sign3A_632 : i32
          %rem3A_634 = arith.remsi %and3A_588, %jit3A_617 : i32
          %ne3A_635 = arith.constant 0 : i32
          %ne3A_636 = arith.cmpi ne, %rem3A_634, %ne3A_635 : i32
          %and3A_637 = arith.andi %ne3A_633, %ne3A_636 : i1
          %sub3A_638 = arith.constant 1 : i32
          %sub3A_639 = arith.subi %div3A_618, %sub3A_638 : i32
          %select_n3A_640 = arith.select %and3A_637, %sub3A_639, %div3A_618 : i32
          %jit3A_641 = arith.constant 8 : i32
          %eq3A_642 = arith.constant 0 : i32
          %eq3A_643 = arith.cmpi eq, %jit3A_641, %eq3A_642 : i32
          %jit3A_644 = arith.constant 1 : i32
          %select_n3A_645 = arith.select %eq3A_643, %jit3A_644, %jit3A_641 : i32
          %rem3A_646 = arith.remsi %select_n3A_640, %select_n3A_645 : i32
          %ne3A_647 = arith.constant 0 : i32
          %ne3A_648 = arith.cmpi ne, %rem3A_646, %ne3A_647 : i32
          %lt3A = arith.constant 0 : i32
          %lt3A_649 = arith.cmpi slt, %rem3A_646, %lt3A : i32
          %lt3A_650 = arith.constant 0 : i32
          %lt3A_651 = arith.cmpi slt, %select_n3A_645, %lt3A_650 : i32
          %ne3A_652 = arith.xori %lt3A_649, %lt3A_651 : i1
          %and3A_653 = arith.andi %ne3A_652, %ne3A_648 : i1
          %add3A_654 = arith.addi %rem3A_646, %select_n3A_645 : i32
          %select_n3A_655 = arith.select %and3A_653, %add3A_654, %rem3A_646 : i32
          "tpu.region"() ({
            %run_scoped3A = tpu.sem_alloc : memref<!tpu.dma_semaphore, #tpu.memory_space<semaphore_mem>>
            %dma_start3A_717 = arith.constant 0 : i32
            %dma_start3A_718 = tpu.memref_slice %arg19[%select_n3A_616, %select_n3A_655, %dma_start3A_717] : memref<1024x8x128xf32, #tpu.memory_space<vmem_shared>> -> memref<1x1x128xf32, #tpu.memory_space<vmem_shared>>
            %dma_start3A_719 = tpu.memref_squeeze %dma_start3A_718 : memref<1x1x128xf32, #tpu.memory_space<vmem_shared>> -> memref<128xf32, #tpu.memory_space<vmem_shared>>
            %dma_start3A_720 = arith.constant 0 : i32
            %dma_start3A_721 = tpu.memref_slice %arg19[%select_n3A_616, %select_n3A_655, %dma_start3A_720] : memref<1024x8x128xf32, #tpu.memory_space<vmem_shared>> -> memref<1x1x128xf32, #tpu.memory_space<vmem_shared>>
            %dma_start3A_722 = tpu.memref_squeeze %dma_start3A_721 : memref<1x1x128xf32, #tpu.memory_space<vmem_shared>> -> memref<128xf32, #tpu.memory_space<vmem_shared>>
            tpu.enqueue_dma source(%dma_start3A_722 : memref<128xf32, #tpu.memory_space<vmem_shared>>) target(%arg17 : memref<128xf32, #tpu.memory_space<vmem>>) target_semaphore(%run_scoped3A : memref<!tpu.dma_semaphore, #tpu.memory_space<semaphore_mem>>)
            %dma_wait3A_723 = arith.constant 0 : i32
            %dma_wait3A_724 = tpu.memref_slice %arg19[%select_n3A_616, %select_n3A_655, %dma_wait3A_723] : memref<1024x8x128xf32, #tpu.memory_space<vmem_shared>> -> memref<1x1x128xf32, #tpu.memory_space<vmem_shared>>
            %dma_wait3A_725 = tpu.memref_squeeze %dma_wait3A_724 : memref<1x1x128xf32, #tpu.memory_space<vmem_shared>> -> memref<128xf32, #tpu.memory_space<vmem_shared>>
            %dma_wait3A_726 = arith.constant 0 : i32
            %dma_wait3A_727 = tpu.memref_slice %arg19[%select_n3A_616, %select_n3A_655, %dma_wait3A_726] : memref<1024x8x128xf32, #tpu.memory_space<vmem_shared>> -> memref<1x1x128xf32, #tpu.memory_space<vmem_shared>>
            %dma_wait3A_728 = tpu.memref_squeeze %dma_wait3A_727 : memref<1x1x128xf32, #tpu.memory_space<vmem_shared>> -> memref<128xf32, #tpu.memory_space<vmem_shared>>
            tpu.wait_dma2 semaphore(%run_scoped3A : memref<!tpu.dma_semaphore, #tpu.memory_space<semaphore_mem>>) src(%dma_wait3A_728 : memref<128xf32, #tpu.memory_space<vmem_shared>>) dst(%arg17 : memref<128xf32, #tpu.memory_space<vmem>>)
            tpu.yield
          }) : () -> ()
          %jit3A_656 = arith.constant 2 : i32
          %eq3A_657 = arith.constant 0 : i32
          %eq3A_658 = arith.cmpi eq, %jit3A_656, %eq3A_657 : i32
          %jit3A_659 = arith.constant 1 : i32
          %select_n3A_660 = arith.select %eq3A_658, %jit3A_659, %jit3A_656 : i32
          %rem3A_661 = arith.remsi %and3A_588, %select_n3A_660 : i32
          %ne3A_662 = arith.constant 0 : i32
          %ne3A_663 = arith.cmpi ne, %rem3A_661, %ne3A_662 : i32
          %lt3A_664 = arith.constant 0 : i32
          %lt3A_665 = arith.cmpi slt, %rem3A_661, %lt3A_664 : i32
          %lt3A_666 = arith.constant 0 : i32
          %lt3A_667 = arith.cmpi slt, %select_n3A_660, %lt3A_666 : i32
          %ne3A_668 = arith.xori %lt3A_665, %lt3A_667 : i1
          %and3A_669 = arith.andi %ne3A_668, %ne3A_663 : i1
          %add3A_670 = arith.addi %rem3A_661, %select_n3A_660 : i32
          %select_n3A_671 = arith.select %and3A_669, %add3A_670, %rem3A_661 : i32
          %mul3A_672 = arith.constant 64 : i32
          %mul3A_673 = arith.muli %select_n3A_671, %mul3A_672 : i32
          %add3A_674 = arith.constant 0 : i32
          %add3A_675 = vector.broadcast %add3A_674 : i32 to vector<16xi32>
          %add3A_676 = arith.addi %iota3A, %add3A_675 : vector<16xi32>
          %gather3A = tpu.vector_load_idx %arg11[%add3A_676, %broadcast_in_dim3A_592] : memref<64x128xf32, #tpu.memory_space<vmem>>[vector<16xi32>, vector<16xi32>], vector<16xf32>,
          %add3A_677 = arith.constant 0 : i32
          %add3A_678 = arith.addi %mul3A_673, %add3A_677 : i32
          %get3A_679 = arith.index_cast %add3A_678 : i32 to index
          %get3A_680 = tpu.vector_load %arg17[%get3A_679] {strides = array<i32>} : memref<128xf32, #tpu.memory_space<vmem>>, vector<16xf32>,
          %sub3A_681 = arith.subf %get3A_680, %gather3A : vector<16xf32>
          %mul3A_682 = arith.mulf %sub3A_681, %sub3A_681 : vector<16xf32>
          %add3A_683 = arith.addf %while3A_581, %mul3A_682 : vector<16xf32>
          %add3A_684 = arith.constant 16 : i32
          %add3A_685 = vector.broadcast %add3A_684 : i32 to vector<16xi32>
          %add3A_686 = arith.addi %iota3A, %add3A_685 : vector<16xi32>
          %gather3A_687 = tpu.vector_load_idx %arg11[%add3A_686, %broadcast_in_dim3A_592] : memref<64x128xf32, #tpu.memory_space<vmem>>[vector<16xi32>, vector<16xi32>], vector<16xf32>,
          %add3A_688 = arith.constant 16 : i32
          %add3A_689 = arith.addi %mul3A_673, %add3A_688 : i32
          %get3A_690 = arith.index_cast %add3A_689 : i32 to index
          %get3A_691 = tpu.vector_load %arg17[%get3A_690] {strides = array<i32>} : memref<128xf32, #tpu.memory_space<vmem>>, vector<16xf32>,
          %sub3A_692 = arith.subf %get3A_691, %gather3A_687 : vector<16xf32>
          %mul3A_693 = arith.mulf %sub3A_692, %sub3A_692 : vector<16xf32>
          %add3A_694 = arith.addf %while3A_582, %mul3A_693 : vector<16xf32>
          %add3A_695 = arith.constant 32 : i32
          %add3A_696 = vector.broadcast %add3A_695 : i32 to vector<16xi32>
          %add3A_697 = arith.addi %iota3A, %add3A_696 : vector<16xi32>
          %gather3A_698 = tpu.vector_load_idx %arg11[%add3A_697, %broadcast_in_dim3A_592] : memref<64x128xf32, #tpu.memory_space<vmem>>[vector<16xi32>, vector<16xi32>], vector<16xf32>,
          %add3A_699 = arith.constant 32 : i32
          %add3A_700 = arith.addi %mul3A_673, %add3A_699 : i32
          %get3A_701 = arith.index_cast %add3A_700 : i32 to index
          %get3A_702 = tpu.vector_load %arg17[%get3A_701] {strides = array<i32>} : memref<128xf32, #tpu.memory_space<vmem>>, vector<16xf32>,
          %sub3A_703 = arith.subf %get3A_702, %gather3A_698 : vector<16xf32>
          %mul3A_704 = arith.mulf %sub3A_703, %sub3A_703 : vector<16xf32>
          %add3A_705 = arith.addf %while3A_583, %mul3A_704 : vector<16xf32>
          %add3A_706 = arith.constant 48 : i32
          %add3A_707 = vector.broadcast %add3A_706 : i32 to vector<16xi32>
          %add3A_708 = arith.addi %iota3A, %add3A_707 : vector<16xi32>
          %gather3A_709 = tpu.vector_load_idx %arg11[%add3A_708, %broadcast_in_dim3A_592] : memref<64x128xf32, #tpu.memory_space<vmem>>[vector<16xi32>, vector<16xi32>], vector<16xf32>,
          %add3A_710 = arith.constant 48 : i32
          %add3A_711 = arith.addi %mul3A_673, %add3A_710 : i32
          %get3A_712 = arith.index_cast %add3A_711 : i32 to index
          %get3A_713 = tpu.vector_load %arg17[%get3A_712] {strides = array<i32>} : memref<128xf32, #tpu.memory_space<vmem>>, vector<16xf32>,
          %sub3A_714 = arith.subf %get3A_713, %gather3A_709 : vector<16xf32>
          %mul3A_715 = arith.mulf %sub3A_714, %sub3A_714 : vector<16xf32>
          %add3A_716 = arith.addf %while3A_584, %mul3A_715 : vector<16xf32>
          scf.yield %add3A_683, %add3A_694, %add3A_705, %add3A_716 : vector<16xf32>, vector<16xf32>, vector<16xf32>, vector<16xf32>
        }
        %while3A_314 = arith.constant 1 : i32
        %while3A_315:4 = scf.for %while3A_580 = %while3A_311 to %while3A_307 step %while3A_314 iter_args(%while3A_581 = %while3A_313#0, %while3A_582 = %while3A_313#1, %while3A_583 = %while3A_313#2, %while3A_584 = %while3A_313#3) -> (vector<16xf32>, vector<16xf32>, vector<16xf32>, vector<16xf32>)  : i32 {
          %get3A_585 = arith.index_cast %while3A_580 : i32 to index
          %get3A_586 = tpu.vector_load %arg8[%get3A_585] {strides = array<i32>} : memref<4096xi32, #tpu.memory_space<vmem>>, vector<16xi32>,
          %slice3A = vector.extract_strided_slice %get3A_586 {offsets = [0], sizes = [1], strides = [1]} : vector<16xi32> to vector<1xi32>
          %squeeze3A = vector.extract %slice3A[0] : i32 from vector<1xi32>
          %and3A_587 = arith.constant 16383 : i32
          %and3A_588 = arith.andi %squeeze3A, %and3A_587 : i32
          %shift_right_arithmetic3A = arith.constant 14 : i32
          %shift_right_arithmetic3A_589 = arith.shrsi %squeeze3A, %shift_right_arithmetic3A : i32
          %and3A_590 = arith.constant 127 : i32
          %and3A_591 = arith.andi %shift_right_arithmetic3A_589, %and3A_590 : i32
          %broadcast_in_dim3A_592 = vector.broadcast %and3A_591 : i32 to vector<16xi32>
          %jit3A_593 = arith.constant 16 : i32
          %div3A_594 = arith.divsi %and3A_588, %jit3A_593 : i32
          %sign3A_595 = arith.constant 0 : i32
          %sign3A_596 = arith.cmpi sgt, %and3A_588, %sign3A_595 : i32
          %sign3A_597 = arith.extui %sign3A_596 : i1 to i32
          %sign3A_598 = arith.constant 0 : i32
          %sign3A_599 = arith.cmpi slt, %and3A_588, %sign3A_598 : i32
          %sign3A_600 = arith.extui %sign3A_599 : i1 to i32
          %sign3A_601 = arith.subi %sign3A_597, %sign3A_600 : i32
          %sign3A_602 = arith.constant 0 : i32
          %sign3A_603 = arith.cmpi sgt, %jit3A_593, %sign3A_602 : i32
          %sign3A_604 = arith.extui %sign3A_603 : i1 to i32
          %sign3A_605 = arith.constant 0 : i32
          %sign3A_606 = arith.cmpi slt, %jit3A_593, %sign3A_605 : i32
          %sign3A_607 = arith.extui %sign3A_606 : i1 to i32
          %sign3A_608 = arith.subi %sign3A_604, %sign3A_607 : i32
          %ne3A_609 = arith.cmpi ne, %sign3A_601, %sign3A_608 : i32
          %rem3A_610 = arith.remsi %and3A_588, %jit3A_593 : i32
          %ne3A_611 = arith.constant 0 : i32
          %ne3A_612 = arith.cmpi ne, %rem3A_610, %ne3A_611 : i32
          %and3A_613 = arith.andi %ne3A_609, %ne3A_612 : i1
          %sub3A_614 = arith.constant 1 : i32
          %sub3A_615 = arith.subi %div3A_594, %sub3A_614 : i32
          %select_n3A_616 = arith.select %and3A_613, %sub3A_615, %div3A_594 : i32
          %jit3A_617 = arith.constant 2 : i32
          %div3A_618 = arith.divsi %and3A_588, %jit3A_617 : i32
          %sign3A_619 = arith.constant 0 : i32
          %sign3A_620 = arith.cmpi sgt, %and3A_588, %sign3A_619 : i32
          %sign3A_621 = arith.extui %sign3A_620 : i1 to i32
          %sign3A_622 = arith.constant 0 : i32
          %sign3A_623 = arith.cmpi slt, %and3A_588, %sign3A_622 : i32
          %sign3A_624 = arith.extui %sign3A_623 : i1 to i32
          %sign3A_625 = arith.subi %sign3A_621, %sign3A_624 : i32
          %sign3A_626 = arith.constant 0 : i32
          %sign3A_627 = arith.cmpi sgt, %jit3A_617, %sign3A_626 : i32
          %sign3A_628 = arith.extui %sign3A_627 : i1 to i32
          %sign3A_629 = arith.constant 0 : i32
          %sign3A_630 = arith.cmpi slt, %jit3A_617, %sign3A_629 : i32
          %sign3A_631 = arith.extui %sign3A_630 : i1 to i32
          %sign3A_632 = arith.subi %sign3A_628, %sign3A_631 : i32
          %ne3A_633 = arith.cmpi ne, %sign3A_625, %sign3A_632 : i32
          %rem3A_634 = arith.remsi %and3A_588, %jit3A_617 : i32
          %ne3A_635 = arith.constant 0 : i32
          %ne3A_636 = arith.cmpi ne, %rem3A_634, %ne3A_635 : i32
          %and3A_637 = arith.andi %ne3A_633, %ne3A_636 : i1
          %sub3A_638 = arith.constant 1 : i32
          %sub3A_639 = arith.subi %div3A_618, %sub3A_638 : i32
          %select_n3A_640 = arith.select %and3A_637, %sub3A_639, %div3A_618 : i32
          %jit3A_641 = arith.constant 8 : i32
          %eq3A_642 = arith.constant 0 : i32
          %eq3A_643 = arith.cmpi eq, %jit3A_641, %eq3A_642 : i32
          %jit3A_644 = arith.constant 1 : i32
          %select_n3A_645 = arith.select %eq3A_643, %jit3A_644, %jit3A_641 : i32
          %rem3A_646 = arith.remsi %select_n3A_640, %select_n3A_645 : i32
          %ne3A_647 = arith.constant 0 : i32
          %ne3A_648 = arith.cmpi ne, %rem3A_646, %ne3A_647 : i32
          %lt3A = arith.constant 0 : i32
          %lt3A_649 = arith.cmpi slt, %rem3A_646, %lt3A : i32
          %lt3A_650 = arith.constant 0 : i32
          %lt3A_651 = arith.cmpi slt, %select_n3A_645, %lt3A_650 : i32
          %ne3A_652 = arith.xori %lt3A_649, %lt3A_651 : i1
          %and3A_653 = arith.andi %ne3A_652, %ne3A_648 : i1
          %add3A_654 = arith.addi %rem3A_646, %select_n3A_645 : i32
          %select_n3A_655 = arith.select %and3A_653, %add3A_654, %rem3A_646 : i32
          "tpu.region"() ({
            %run_scoped3A = tpu.sem_alloc : memref<!tpu.dma_semaphore, #tpu.memory_space<semaphore_mem>>
            %dma_start3A_717 = arith.constant 0 : i32
            %dma_start3A_718 = tpu.memref_slice %arg19[%select_n3A_616, %select_n3A_655, %dma_start3A_717] : memref<1024x8x128xf32, #tpu.memory_space<vmem_shared>> -> memref<1x1x128xf32, #tpu.memory_space<vmem_shared>>
            %dma_start3A_719 = tpu.memref_squeeze %dma_start3A_718 : memref<1x1x128xf32, #tpu.memory_space<vmem_shared>> -> memref<128xf32, #tpu.memory_space<vmem_shared>>
            %dma_start3A_720 = arith.constant 0 : i32
            %dma_start3A_721 = tpu.memref_slice %arg19[%select_n3A_616, %select_n3A_655, %dma_start3A_720] : memref<1024x8x128xf32, #tpu.memory_space<vmem_shared>> -> memref<1x1x128xf32, #tpu.memory_space<vmem_shared>>
            %dma_start3A_722 = tpu.memref_squeeze %dma_start3A_721 : memref<1x1x128xf32, #tpu.memory_space<vmem_shared>> -> memref<128xf32, #tpu.memory_space<vmem_shared>>
            tpu.enqueue_dma source(%dma_start3A_722 : memref<128xf32, #tpu.memory_space<vmem_shared>>) target(%arg17 : memref<128xf32, #tpu.memory_space<vmem>>) target_semaphore(%run_scoped3A : memref<!tpu.dma_semaphore, #tpu.memory_space<semaphore_mem>>)
            %dma_wait3A_723 = arith.constant 0 : i32
            %dma_wait3A_724 = tpu.memref_slice %arg19[%select_n3A_616, %select_n3A_655, %dma_wait3A_723] : memref<1024x8x128xf32, #tpu.memory_space<vmem_shared>> -> memref<1x1x128xf32, #tpu.memory_space<vmem_shared>>
            %dma_wait3A_725 = tpu.memref_squeeze %dma_wait3A_724 : memref<1x1x128xf32, #tpu.memory_space<vmem_shared>> -> memref<128xf32, #tpu.memory_space<vmem_shared>>
            %dma_wait3A_726 = arith.constant 0 : i32
            %dma_wait3A_727 = tpu.memref_slice %arg19[%select_n3A_616, %select_n3A_655, %dma_wait3A_726] : memref<1024x8x128xf32, #tpu.memory_space<vmem_shared>> -> memref<1x1x128xf32, #tpu.memory_space<vmem_shared>>
            %dma_wait3A_728 = tpu.memref_squeeze %dma_wait3A_727 : memref<1x1x128xf32, #tpu.memory_space<vmem_shared>> -> memref<128xf32, #tpu.memory_space<vmem_shared>>
            tpu.wait_dma2 semaphore(%run_scoped3A : memref<!tpu.dma_semaphore, #tpu.memory_space<semaphore_mem>>) src(%dma_wait3A_728 : memref<128xf32, #tpu.memory_space<vmem_shared>>) dst(%arg17 : memref<128xf32, #tpu.memory_space<vmem>>)
            tpu.yield
          }) : () -> ()
          %jit3A_656 = arith.constant 2 : i32
          %eq3A_657 = arith.constant 0 : i32
          %eq3A_658 = arith.cmpi eq, %jit3A_656, %eq3A_657 : i32
          %jit3A_659 = arith.constant 1 : i32
          %select_n3A_660 = arith.select %eq3A_658, %jit3A_659, %jit3A_656 : i32
          %rem3A_661 = arith.remsi %and3A_588, %select_n3A_660 : i32
          %ne3A_662 = arith.constant 0 : i32
          %ne3A_663 = arith.cmpi ne, %rem3A_661, %ne3A_662 : i32
          %lt3A_664 = arith.constant 0 : i32
          %lt3A_665 = arith.cmpi slt, %rem3A_661, %lt3A_664 : i32
          %lt3A_666 = arith.constant 0 : i32
          %lt3A_667 = arith.cmpi slt, %select_n3A_660, %lt3A_666 : i32
          %ne3A_668 = arith.xori %lt3A_665, %lt3A_667 : i1
          %and3A_669 = arith.andi %ne3A_668, %ne3A_663 : i1
          %add3A_670 = arith.addi %rem3A_661, %select_n3A_660 : i32
          %select_n3A_671 = arith.select %and3A_669, %add3A_670, %rem3A_661 : i32
          %mul3A_672 = arith.constant 64 : i32
          %mul3A_673 = arith.muli %select_n3A_671, %mul3A_672 : i32
          %add3A_674 = arith.constant 0 : i32
          %add3A_675 = vector.broadcast %add3A_674 : i32 to vector<16xi32>
          %add3A_676 = arith.addi %iota3A, %add3A_675 : vector<16xi32>
          %gather3A = tpu.vector_load_idx %arg11[%add3A_676, %broadcast_in_dim3A_592] : memref<64x128xf32, #tpu.memory_space<vmem>>[vector<16xi32>, vector<16xi32>], vector<16xf32>,
          %add3A_677 = arith.constant 0 : i32
          %add3A_678 = arith.addi %mul3A_673, %add3A_677 : i32
          %get3A_679 = arith.index_cast %add3A_678 : i32 to index
          %get3A_680 = tpu.vector_load %arg17[%get3A_679] {strides = array<i32>} : memref<128xf32, #tpu.memory_space<vmem>>, vector<16xf32>,
          %sub3A_681 = arith.subf %get3A_680, %gather3A : vector<16xf32>
          %mul3A_682 = arith.mulf %sub3A_681, %sub3A_681 : vector<16xf32>
          %add3A_683 = arith.addf %while3A_581, %mul3A_682 : vector<16xf32>
          %add3A_684 = arith.constant 16 : i32
          %add3A_685 = vector.broadcast %add3A_684 : i32 to vector<16xi32>
          %add3A_686 = arith.addi %iota3A, %add3A_685 : vector<16xi32>
          %gather3A_687 = tpu.vector_load_idx %arg11[%add3A_686, %broadcast_in_dim3A_592] : memref<64x128xf32, #tpu.memory_space<vmem>>[vector<16xi32>, vector<16xi32>], vector<16xf32>,
          %add3A_688 = arith.constant 16 : i32
          %add3A_689 = arith.addi %mul3A_673, %add3A_688 : i32
          %get3A_690 = arith.index_cast %add3A_689 : i32 to index
          %get3A_691 = tpu.vector_load %arg17[%get3A_690] {strides = array<i32>} : memref<128xf32, #tpu.memory_space<vmem>>, vector<16xf32>,
          %sub3A_692 = arith.subf %get3A_691, %gather3A_687 : vector<16xf32>
          %mul3A_693 = arith.mulf %sub3A_692, %sub3A_692 : vector<16xf32>
          %add3A_694 = arith.addf %while3A_582, %mul3A_693 : vector<16xf32>
          %add3A_695 = arith.constant 32 : i32
          %add3A_696 = vector.broadcast %add3A_695 : i32 to vector<16xi32>
          %add3A_697 = arith.addi %iota3A, %add3A_696 : vector<16xi32>
          %gather3A_698 = tpu.vector_load_idx %arg11[%add3A_697, %broadcast_in_dim3A_592] : memref<64x128xf32, #tpu.memory_space<vmem>>[vector<16xi32>, vector<16xi32>], vector<16xf32>,
          %add3A_699 = arith.constant 32 : i32
          %add3A_700 = arith.addi %mul3A_673, %add3A_699 : i32
          %get3A_701 = arith.index_cast %add3A_700 : i32 to index
          %get3A_702 = tpu.vector_load %arg17[%get3A_701] {strides = array<i32>} : memref<128xf32, #tpu.memory_space<vmem>>, vector<16xf32>,
          %sub3A_703 = arith.subf %get3A_702, %gather3A_698 : vector<16xf32>
          %mul3A_704 = arith.mulf %sub3A_703, %sub3A_703 : vector<16xf32>
          %add3A_705 = arith.addf %while3A_583, %mul3A_704 : vector<16xf32>
          %add3A_706 = arith.constant 48 : i32
          %add3A_707 = vector.broadcast %add3A_706 : i32 to vector<16xi32>
          %add3A_708 = arith.addi %iota3A, %add3A_707 : vector<16xi32>
          %gather3A_709 = tpu.vector_load_idx %arg11[%add3A_708, %broadcast_in_dim3A_592] : memref<64x128xf32, #tpu.memory_space<vmem>>[vector<16xi32>, vector<16xi32>], vector<16xf32>,
          %add3A_710 = arith.constant 48 : i32
          %add3A_711 = arith.addi %mul3A_673, %add3A_710 : i32
          %get3A_712 = arith.index_cast %add3A_711 : i32 to index
          %get3A_713 = tpu.vector_load %arg17[%get3A_712] {strides = array<i32>} : memref<128xf32, #tpu.memory_space<vmem>>, vector<16xf32>,
          %sub3A_714 = arith.subf %get3A_713, %gather3A_709 : vector<16xf32>
          %mul3A_715 = arith.mulf %sub3A_714, %sub3A_714 : vector<16xf32>
          %add3A_716 = arith.addf %while3A_584, %mul3A_715 : vector<16xf32>
          scf.yield %add3A_683, %add3A_694, %add3A_705, %add3A_716 : vector<16xf32>, vector<16xf32>, vector<16xf32>, vector<16xf32>
        }
        %add3A_316 = arith.constant 0 : i32
        %add3A_317 = arith.addi %mul3A_285, %add3A_316 : i32
        %add3A_318 = arith.constant 6 : i32
        %add3A_319 = arith.addi %add3A_317, %add3A_318 : i32
        %sub3A_320 = arith.constant 1 : i32
        %sub3A_321 = arith.subi %max3A_88, %sub3A_320 : i32
        %min3A_322 = arith.minsi %add3A_319, %sub3A_321 : i32
        %get3A_323 = arith.index_cast %min3A_322 : i32 to index
        %get3A_324 = memref.load %arg10[%get3A_323] : memref<253xi32, #tpu.memory_space<smem>>
        %add3A_325 = arith.addi %mul3A_7, %get3A_324 : i32
        %min3A_326 = arith.constant 7812 : i32
        %min3A_327 = arith.minsi %add3A_325, %min3A_326 : i32
        %mul3A_328 = arith.constant 128 : i32
        %mul3A_329 = arith.muli %min3A_327, %mul3A_328 : i32
        %multiple_of3A_330 = tpu.assume_multiple %mul3A_329, 128 : i32
        %dma_start3A_331 = arith.constant 0 : i32
        %dma_start3A_332 = tpu.memref_slice %arg4[%dma_start3A_331, %multiple_of3A_330] : memref<64x1000000xf32, #tpu.memory_space<hbm>> -> memref<64x128xf32, #tpu.memory_space<hbm>>
        %dma_start3A_333 = arith.constant 0 : i32
        %dma_start3A_334 = tpu.memref_slice %arg4[%dma_start3A_333, %multiple_of3A_330] : memref<64x1000000xf32, #tpu.memory_space<hbm>> -> memref<64x128xf32, #tpu.memory_space<hbm>>
        tpu.enqueue_dma source(%dma_start3A_334 : memref<64x128xf32, #tpu.memory_space<hbm>>) target(%arg11 : memref<64x128xf32, #tpu.memory_space<vmem>>) target_semaphore(%arg20 : memref<!tpu.dma_semaphore, #tpu.memory_space<semaphore_mem>>)
        %add3A_335 = arith.constant 0 : i32
        %add3A_336 = arith.addi %mul3A_7, %add3A_335 : i32
        %min3A_337 = arith.constant 7812 : i32
        %min3A_338 = arith.minsi %add3A_336, %min3A_337 : i32
        %mul3A_339 = arith.constant 128 : i32
        %mul3A_340 = arith.muli %min3A_338, %mul3A_339 : i32
        %multiple_of3A_341 = tpu.assume_multiple %mul3A_340, 128 : i32
        %dma_wait3A_342 = arith.constant 0 : i32
        %dma_wait3A_343 = tpu.memref_slice %arg4[%dma_wait3A_342, %multiple_of3A_341] : memref<64x1000000xf32, #tpu.memory_space<hbm>> -> memref<64x128xf32, #tpu.memory_space<hbm>>
        %dma_wait3A_344 = arith.constant 0 : i32
        %dma_wait3A_345 = tpu.memref_slice %arg4[%dma_wait3A_344, %multiple_of3A_341] : memref<64x1000000xf32, #tpu.memory_space<hbm>> -> memref<64x128xf32, #tpu.memory_space<hbm>>
        tpu.wait_dma2 semaphore(%arg20 : memref<!tpu.dma_semaphore, #tpu.memory_space<semaphore_mem>>) src(%dma_wait3A_345 : memref<64x128xf32, #tpu.memory_space<hbm>>) dst(%arg12 : memref<64x128xf32, #tpu.memory_space<vmem>>)
        %add3A_346 = arith.constant 1 : i32
        %add3A_347 = arith.addi %mul3A_285, %add3A_346 : i32
        %sub3A_348 = arith.constant 1 : i32
        %sub3A_349 = arith.subi %max3A_88, %sub3A_348 : i32
        %min3A_350 = arith.minsi %add3A_347, %sub3A_349 : i32
        %get3A_351 = arith.index_cast %min3A_350 : i32 to index
        %get3A_352 = memref.load %arg10[%get3A_351] : memref<253xi32, #tpu.memory_space<smem>>
        %get3A_353 = arith.index_cast %get3A_352 : i32 to index
        %get3A_354 = memref.load %arg9[%get3A_353] : memref<253xi32, #tpu.memory_space<smem>>
        %while3A_355 = arith.subi %get3A_354, %get3A_305 : i32
        %while3A_356 = arith.addi %get3A_305, %while3A_355 : i32
        %while3A_357 = arith.constant 1 : i32
        %while3A_358 = arith.divsi %while3A_355, %while3A_357 : i32
        %while3A_359 = arith.muli %while3A_358, %while3A_357 : i32
        %while3A_360 = arith.addi %get3A_305, %while3A_359 : i32
        %while3A_361 = arith.constant 1 : i32
        %while3A_362:4 = scf.for %while3A_580 = %get3A_305 to %while3A_360 step %while3A_361 iter_args(%while3A_581 = %while3A_315#0, %while3A_582 = %while3A_315#1, %while3A_583 = %while3A_315#2, %while3A_584 = %while3A_315#3) -> (vector<16xf32>, vector<16xf32>, vector<16xf32>, vector<16xf32>)  : i32 {
          %get3A_585 = arith.index_cast %while3A_580 : i32 to index
          %get3A_586 = tpu.vector_load %arg8[%get3A_585] {strides = array<i32>} : memref<4096xi32, #tpu.memory_space<vmem>>, vector<16xi32>,
          %slice3A = vector.extract_strided_slice %get3A_586 {offsets = [0], sizes = [1], strides = [1]} : vector<16xi32> to vector<1xi32>
          %squeeze3A = vector.extract %slice3A[0] : i32 from vector<1xi32>
          %and3A_587 = arith.constant 16383 : i32
          %and3A_588 = arith.andi %squeeze3A, %and3A_587 : i32
          %shift_right_arithmetic3A = arith.constant 14 : i32
          %shift_right_arithmetic3A_589 = arith.shrsi %squeeze3A, %shift_right_arithmetic3A : i32
          %and3A_590 = arith.constant 127 : i32
          %and3A_591 = arith.andi %shift_right_arithmetic3A_589, %and3A_590 : i32
          %broadcast_in_dim3A_592 = vector.broadcast %and3A_591 : i32 to vector<16xi32>
          %jit3A_593 = arith.constant 16 : i32
          %div3A_594 = arith.divsi %and3A_588, %jit3A_593 : i32
          %sign3A_595 = arith.constant 0 : i32
          %sign3A_596 = arith.cmpi sgt, %and3A_588, %sign3A_595 : i32
          %sign3A_597 = arith.extui %sign3A_596 : i1 to i32
          %sign3A_598 = arith.constant 0 : i32
          %sign3A_599 = arith.cmpi slt, %and3A_588, %sign3A_598 : i32
          %sign3A_600 = arith.extui %sign3A_599 : i1 to i32
          %sign3A_601 = arith.subi %sign3A_597, %sign3A_600 : i32
          %sign3A_602 = arith.constant 0 : i32
          %sign3A_603 = arith.cmpi sgt, %jit3A_593, %sign3A_602 : i32
          %sign3A_604 = arith.extui %sign3A_603 : i1 to i32
          %sign3A_605 = arith.constant 0 : i32
          %sign3A_606 = arith.cmpi slt, %jit3A_593, %sign3A_605 : i32
          %sign3A_607 = arith.extui %sign3A_606 : i1 to i32
          %sign3A_608 = arith.subi %sign3A_604, %sign3A_607 : i32
          %ne3A_609 = arith.cmpi ne, %sign3A_601, %sign3A_608 : i32
          %rem3A_610 = arith.remsi %and3A_588, %jit3A_593 : i32
          %ne3A_611 = arith.constant 0 : i32
          %ne3A_612 = arith.cmpi ne, %rem3A_610, %ne3A_611 : i32
          %and3A_613 = arith.andi %ne3A_609, %ne3A_612 : i1
          %sub3A_614 = arith.constant 1 : i32
          %sub3A_615 = arith.subi %div3A_594, %sub3A_614 : i32
          %select_n3A_616 = arith.select %and3A_613, %sub3A_615, %div3A_594 : i32
          %jit3A_617 = arith.constant 2 : i32
          %div3A_618 = arith.divsi %and3A_588, %jit3A_617 : i32
          %sign3A_619 = arith.constant 0 : i32
          %sign3A_620 = arith.cmpi sgt, %and3A_588, %sign3A_619 : i32
          %sign3A_621 = arith.extui %sign3A_620 : i1 to i32
          %sign3A_622 = arith.constant 0 : i32
          %sign3A_623 = arith.cmpi slt, %and3A_588, %sign3A_622 : i32
          %sign3A_624 = arith.extui %sign3A_623 : i1 to i32
          %sign3A_625 = arith.subi %sign3A_621, %sign3A_624 : i32
          %sign3A_626 = arith.constant 0 : i32
          %sign3A_627 = arith.cmpi sgt, %jit3A_617, %sign3A_626 : i32
          %sign3A_628 = arith.extui %sign3A_627 : i1 to i32
          %sign3A_629 = arith.constant 0 : i32
          %sign3A_630 = arith.cmpi slt, %jit3A_617, %sign3A_629 : i32
          %sign3A_631 = arith.extui %sign3A_630 : i1 to i32
          %sign3A_632 = arith.subi %sign3A_628, %sign3A_631 : i32
          %ne3A_633 = arith.cmpi ne, %sign3A_625, %sign3A_632 : i32
          %rem3A_634 = arith.remsi %and3A_588, %jit3A_617 : i32
          %ne3A_635 = arith.constant 0 : i32
          %ne3A_636 = arith.cmpi ne, %rem3A_634, %ne3A_635 : i32
          %and3A_637 = arith.andi %ne3A_633, %ne3A_636 : i1
          %sub3A_638 = arith.constant 1 : i32
          %sub3A_639 = arith.subi %div3A_618, %sub3A_638 : i32
          %select_n3A_640 = arith.select %and3A_637, %sub3A_639, %div3A_618 : i32
          %jit3A_641 = arith.constant 8 : i32
          %eq3A_642 = arith.constant 0 : i32
          %eq3A_643 = arith.cmpi eq, %jit3A_641, %eq3A_642 : i32
          %jit3A_644 = arith.constant 1 : i32
          %select_n3A_645 = arith.select %eq3A_643, %jit3A_644, %jit3A_641 : i32
          %rem3A_646 = arith.remsi %select_n3A_640, %select_n3A_645 : i32
          %ne3A_647 = arith.constant 0 : i32
          %ne3A_648 = arith.cmpi ne, %rem3A_646, %ne3A_647 : i32
          %lt3A = arith.constant 0 : i32
          %lt3A_649 = arith.cmpi slt, %rem3A_646, %lt3A : i32
          %lt3A_650 = arith.constant 0 : i32
          %lt3A_651 = arith.cmpi slt, %select_n3A_645, %lt3A_650 : i32
          %ne3A_652 = arith.xori %lt3A_649, %lt3A_651 : i1
          %and3A_653 = arith.andi %ne3A_652, %ne3A_648 : i1
          %add3A_654 = arith.addi %rem3A_646, %select_n3A_645 : i32
          %select_n3A_655 = arith.select %and3A_653, %add3A_654, %rem3A_646 : i32
          "tpu.region"() ({
            %run_scoped3A = tpu.sem_alloc : memref<!tpu.dma_semaphore, #tpu.memory_space<semaphore_mem>>
            %dma_start3A_717 = arith.constant 0 : i32
            %dma_start3A_718 = tpu.memref_slice %arg19[%select_n3A_616, %select_n3A_655, %dma_start3A_717] : memref<1024x8x128xf32, #tpu.memory_space<vmem_shared>> -> memref<1x1x128xf32, #tpu.memory_space<vmem_shared>>
            %dma_start3A_719 = tpu.memref_squeeze %dma_start3A_718 : memref<1x1x128xf32, #tpu.memory_space<vmem_shared>> -> memref<128xf32, #tpu.memory_space<vmem_shared>>
            %dma_start3A_720 = arith.constant 0 : i32
            %dma_start3A_721 = tpu.memref_slice %arg19[%select_n3A_616, %select_n3A_655, %dma_start3A_720] : memref<1024x8x128xf32, #tpu.memory_space<vmem_shared>> -> memref<1x1x128xf32, #tpu.memory_space<vmem_shared>>
            %dma_start3A_722 = tpu.memref_squeeze %dma_start3A_721 : memref<1x1x128xf32, #tpu.memory_space<vmem_shared>> -> memref<128xf32, #tpu.memory_space<vmem_shared>>
            tpu.enqueue_dma source(%dma_start3A_722 : memref<128xf32, #tpu.memory_space<vmem_shared>>) target(%arg17 : memref<128xf32, #tpu.memory_space<vmem>>) target_semaphore(%run_scoped3A : memref<!tpu.dma_semaphore, #tpu.memory_space<semaphore_mem>>)
            %dma_wait3A_723 = arith.constant 0 : i32
            %dma_wait3A_724 = tpu.memref_slice %arg19[%select_n3A_616, %select_n3A_655, %dma_wait3A_723] : memref<1024x8x128xf32, #tpu.memory_space<vmem_shared>> -> memref<1x1x128xf32, #tpu.memory_space<vmem_shared>>
            %dma_wait3A_725 = tpu.memref_squeeze %dma_wait3A_724 : memref<1x1x128xf32, #tpu.memory_space<vmem_shared>> -> memref<128xf32, #tpu.memory_space<vmem_shared>>
            %dma_wait3A_726 = arith.constant 0 : i32
            %dma_wait3A_727 = tpu.memref_slice %arg19[%select_n3A_616, %select_n3A_655, %dma_wait3A_726] : memref<1024x8x128xf32, #tpu.memory_space<vmem_shared>> -> memref<1x1x128xf32, #tpu.memory_space<vmem_shared>>
            %dma_wait3A_728 = tpu.memref_squeeze %dma_wait3A_727 : memref<1x1x128xf32, #tpu.memory_space<vmem_shared>> -> memref<128xf32, #tpu.memory_space<vmem_shared>>
            tpu.wait_dma2 semaphore(%run_scoped3A : memref<!tpu.dma_semaphore, #tpu.memory_space<semaphore_mem>>) src(%dma_wait3A_728 : memref<128xf32, #tpu.memory_space<vmem_shared>>) dst(%arg17 : memref<128xf32, #tpu.memory_space<vmem>>)
            tpu.yield
          }) : () -> ()
          %jit3A_656 = arith.constant 2 : i32
          %eq3A_657 = arith.constant 0 : i32
          %eq3A_658 = arith.cmpi eq, %jit3A_656, %eq3A_657 : i32
          %jit3A_659 = arith.constant 1 : i32
          %select_n3A_660 = arith.select %eq3A_658, %jit3A_659, %jit3A_656 : i32
          %rem3A_661 = arith.remsi %and3A_588, %select_n3A_660 : i32
          %ne3A_662 = arith.constant 0 : i32
          %ne3A_663 = arith.cmpi ne, %rem3A_661, %ne3A_662 : i32
          %lt3A_664 = arith.constant 0 : i32
          %lt3A_665 = arith.cmpi slt, %rem3A_661, %lt3A_664 : i32
          %lt3A_666 = arith.constant 0 : i32
          %lt3A_667 = arith.cmpi slt, %select_n3A_660, %lt3A_666 : i32
          %ne3A_668 = arith.xori %lt3A_665, %lt3A_667 : i1
          %and3A_669 = arith.andi %ne3A_668, %ne3A_663 : i1
          %add3A_670 = arith.addi %rem3A_661, %select_n3A_660 : i32
          %select_n3A_671 = arith.select %and3A_669, %add3A_670, %rem3A_661 : i32
          %mul3A_672 = arith.constant 64 : i32
          %mul3A_673 = arith.muli %select_n3A_671, %mul3A_672 : i32
          %add3A_674 = arith.constant 0 : i32
          %add3A_675 = vector.broadcast %add3A_674 : i32 to vector<16xi32>
          %add3A_676 = arith.addi %iota3A, %add3A_675 : vector<16xi32>
          %gather3A = tpu.vector_load_idx %arg12[%add3A_676, %broadcast_in_dim3A_592] : memref<64x128xf32, #tpu.memory_space<vmem>>[vector<16xi32>, vector<16xi32>], vector<16xf32>,
          %add3A_677 = arith.constant 0 : i32
          %add3A_678 = arith.addi %mul3A_673, %add3A_677 : i32
          %get3A_679 = arith.index_cast %add3A_678 : i32 to index
          %get3A_680 = tpu.vector_load %arg17[%get3A_679] {strides = array<i32>} : memref<128xf32, #tpu.memory_space<vmem>>, vector<16xf32>,
          %sub3A_681 = arith.subf %get3A_680, %gather3A : vector<16xf32>
          %mul3A_682 = arith.mulf %sub3A_681, %sub3A_681 : vector<16xf32>
          %add3A_683 = arith.addf %while3A_581, %mul3A_682 : vector<16xf32>
          %add3A_684 = arith.constant 16 : i32
          %add3A_685 = vector.broadcast %add3A_684 : i32 to vector<16xi32>
          %add3A_686 = arith.addi %iota3A, %add3A_685 : vector<16xi32>
          %gather3A_687 = tpu.vector_load_idx %arg12[%add3A_686, %broadcast_in_dim3A_592] : memref<64x128xf32, #tpu.memory_space<vmem>>[vector<16xi32>, vector<16xi32>], vector<16xf32>,
          %add3A_688 = arith.constant 16 : i32
          %add3A_689 = arith.addi %mul3A_673, %add3A_688 : i32
          %get3A_690 = arith.index_cast %add3A_689 : i32 to index
          %get3A_691 = tpu.vector_load %arg17[%get3A_690] {strides = array<i32>} : memref<128xf32, #tpu.memory_space<vmem>>, vector<16xf32>,
          %sub3A_692 = arith.subf %get3A_691, %gather3A_687 : vector<16xf32>
          %mul3A_693 = arith.mulf %sub3A_692, %sub3A_692 : vector<16xf32>
          %add3A_694 = arith.addf %while3A_582, %mul3A_693 : vector<16xf32>
          %add3A_695 = arith.constant 32 : i32
          %add3A_696 = vector.broadcast %add3A_695 : i32 to vector<16xi32>
          %add3A_697 = arith.addi %iota3A, %add3A_696 : vector<16xi32>
          %gather3A_698 = tpu.vector_load_idx %arg12[%add3A_697, %broadcast_in_dim3A_592] : memref<64x128xf32, #tpu.memory_space<vmem>>[vector<16xi32>, vector<16xi32>], vector<16xf32>,
          %add3A_699 = arith.constant 32 : i32
          %add3A_700 = arith.addi %mul3A_673, %add3A_699 : i32
          %get3A_701 = arith.index_cast %add3A_700 : i32 to index
          %get3A_702 = tpu.vector_load %arg17[%get3A_701] {strides = array<i32>} : memref<128xf32, #tpu.memory_space<vmem>>, vector<16xf32>,
          %sub3A_703 = arith.subf %get3A_702, %gather3A_698 : vector<16xf32>
          %mul3A_704 = arith.mulf %sub3A_703, %sub3A_703 : vector<16xf32>
          %add3A_705 = arith.addf %while3A_583, %mul3A_704 : vector<16xf32>
          %add3A_706 = arith.constant 48 : i32
          %add3A_707 = vector.broadcast %add3A_706 : i32 to vector<16xi32>
          %add3A_708 = arith.addi %iota3A, %add3A_707 : vector<16xi32>
          %gather3A_709 = tpu.vector_load_idx %arg12[%add3A_708, %broadcast_in_dim3A_592] : memref<64x128xf32, #tpu.memory_space<vmem>>[vector<16xi32>, vector<16xi32>], vector<16xf32>,
          %add3A_710 = arith.constant 48 : i32
          %add3A_711 = arith.addi %mul3A_673, %add3A_710 : i32
          %get3A_712 = arith.index_cast %add3A_711 : i32 to index
          %get3A_713 = tpu.vector_load %arg17[%get3A_712] {strides = array<i32>} : memref<128xf32, #tpu.memory_space<vmem>>, vector<16xf32>,
          %sub3A_714 = arith.subf %get3A_713, %gather3A_709 : vector<16xf32>
          %mul3A_715 = arith.mulf %sub3A_714, %sub3A_714 : vector<16xf32>
          %add3A_716 = arith.addf %while3A_584, %mul3A_715 : vector<16xf32>
          scf.yield %add3A_683, %add3A_694, %add3A_705, %add3A_716 : vector<16xf32>, vector<16xf32>, vector<16xf32>, vector<16xf32>
        }
        %while3A_363 = arith.constant 1 : i32
        %while3A_364:4 = scf.for %while3A_580 = %while3A_360 to %while3A_356 step %while3A_363 iter_args(%while3A_581 = %while3A_362#0, %while3A_582 = %while3A_362#1, %while3A_583 = %while3A_362#2, %while3A_584 = %while3A_362#3) -> (vector<16xf32>, vector<16xf32>, vector<16xf32>, vector<16xf32>)  : i32 {
          %get3A_585 = arith.index_cast %while3A_580 : i32 to index
          %get3A_586 = tpu.vector_load %arg8[%get3A_585] {strides = array<i32>} : memref<4096xi32, #tpu.memory_space<vmem>>, vector<16xi32>,
          %slice3A = vector.extract_strided_slice %get3A_586 {offsets = [0], sizes = [1], strides = [1]} : vector<16xi32> to vector<1xi32>
          %squeeze3A = vector.extract %slice3A[0] : i32 from vector<1xi32>
          %and3A_587 = arith.constant 16383 : i32
          %and3A_588 = arith.andi %squeeze3A, %and3A_587 : i32
          %shift_right_arithmetic3A = arith.constant 14 : i32
          %shift_right_arithmetic3A_589 = arith.shrsi %squeeze3A, %shift_right_arithmetic3A : i32
          %and3A_590 = arith.constant 127 : i32
          %and3A_591 = arith.andi %shift_right_arithmetic3A_589, %and3A_590 : i32
          %broadcast_in_dim3A_592 = vector.broadcast %and3A_591 : i32 to vector<16xi32>
          %jit3A_593 = arith.constant 16 : i32
          %div3A_594 = arith.divsi %and3A_588, %jit3A_593 : i32
          %sign3A_595 = arith.constant 0 : i32
          %sign3A_596 = arith.cmpi sgt, %and3A_588, %sign3A_595 : i32
          %sign3A_597 = arith.extui %sign3A_596 : i1 to i32
          %sign3A_598 = arith.constant 0 : i32
          %sign3A_599 = arith.cmpi slt, %and3A_588, %sign3A_598 : i32
          %sign3A_600 = arith.extui %sign3A_599 : i1 to i32
          %sign3A_601 = arith.subi %sign3A_597, %sign3A_600 : i32
          %sign3A_602 = arith.constant 0 : i32
          %sign3A_603 = arith.cmpi sgt, %jit3A_593, %sign3A_602 : i32
          %sign3A_604 = arith.extui %sign3A_603 : i1 to i32
          %sign3A_605 = arith.constant 0 : i32
          %sign3A_606 = arith.cmpi slt, %jit3A_593, %sign3A_605 : i32
          %sign3A_607 = arith.extui %sign3A_606 : i1 to i32
          %sign3A_608 = arith.subi %sign3A_604, %sign3A_607 : i32
          %ne3A_609 = arith.cmpi ne, %sign3A_601, %sign3A_608 : i32
          %rem3A_610 = arith.remsi %and3A_588, %jit3A_593 : i32
          %ne3A_611 = arith.constant 0 : i32
          %ne3A_612 = arith.cmpi ne, %rem3A_610, %ne3A_611 : i32
          %and3A_613 = arith.andi %ne3A_609, %ne3A_612 : i1
          %sub3A_614 = arith.constant 1 : i32
          %sub3A_615 = arith.subi %div3A_594, %sub3A_614 : i32
          %select_n3A_616 = arith.select %and3A_613, %sub3A_615, %div3A_594 : i32
          %jit3A_617 = arith.constant 2 : i32
          %div3A_618 = arith.divsi %and3A_588, %jit3A_617 : i32
          %sign3A_619 = arith.constant 0 : i32
          %sign3A_620 = arith.cmpi sgt, %and3A_588, %sign3A_619 : i32
          %sign3A_621 = arith.extui %sign3A_620 : i1 to i32
          %sign3A_622 = arith.constant 0 : i32
          %sign3A_623 = arith.cmpi slt, %and3A_588, %sign3A_622 : i32
          %sign3A_624 = arith.extui %sign3A_623 : i1 to i32
          %sign3A_625 = arith.subi %sign3A_621, %sign3A_624 : i32
          %sign3A_626 = arith.constant 0 : i32
          %sign3A_627 = arith.cmpi sgt, %jit3A_617, %sign3A_626 : i32
          %sign3A_628 = arith.extui %sign3A_627 : i1 to i32
          %sign3A_629 = arith.constant 0 : i32
          %sign3A_630 = arith.cmpi slt, %jit3A_617, %sign3A_629 : i32
          %sign3A_631 = arith.extui %sign3A_630 : i1 to i32
          %sign3A_632 = arith.subi %sign3A_628, %sign3A_631 : i32
          %ne3A_633 = arith.cmpi ne, %sign3A_625, %sign3A_632 : i32
          %rem3A_634 = arith.remsi %and3A_588, %jit3A_617 : i32
          %ne3A_635 = arith.constant 0 : i32
          %ne3A_636 = arith.cmpi ne, %rem3A_634, %ne3A_635 : i32
          %and3A_637 = arith.andi %ne3A_633, %ne3A_636 : i1
          %sub3A_638 = arith.constant 1 : i32
          %sub3A_639 = arith.subi %div3A_618, %sub3A_638 : i32
          %select_n3A_640 = arith.select %and3A_637, %sub3A_639, %div3A_618 : i32
          %jit3A_641 = arith.constant 8 : i32
          %eq3A_642 = arith.constant 0 : i32
          %eq3A_643 = arith.cmpi eq, %jit3A_641, %eq3A_642 : i32
          %jit3A_644 = arith.constant 1 : i32
          %select_n3A_645 = arith.select %eq3A_643, %jit3A_644, %jit3A_641 : i32
          %rem3A_646 = arith.remsi %select_n3A_640, %select_n3A_645 : i32
          %ne3A_647 = arith.constant 0 : i32
          %ne3A_648 = arith.cmpi ne, %rem3A_646, %ne3A_647 : i32
          %lt3A = arith.constant 0 : i32
          %lt3A_649 = arith.cmpi slt, %rem3A_646, %lt3A : i32
          %lt3A_650 = arith.constant 0 : i32
          %lt3A_651 = arith.cmpi slt, %select_n3A_645, %lt3A_650 : i32
          %ne3A_652 = arith.xori %lt3A_649, %lt3A_651 : i1
          %and3A_653 = arith.andi %ne3A_652, %ne3A_648 : i1
          %add3A_654 = arith.addi %rem3A_646, %select_n3A_645 : i32
          %select_n3A_655 = arith.select %and3A_653, %add3A_654, %rem3A_646 : i32
          "tpu.region"() ({
            %run_scoped3A = tpu.sem_alloc : memref<!tpu.dma_semaphore, #tpu.memory_space<semaphore_mem>>
            %dma_start3A_717 = arith.constant 0 : i32
            %dma_start3A_718 = tpu.memref_slice %arg19[%select_n3A_616, %select_n3A_655, %dma_start3A_717] : memref<1024x8x128xf32, #tpu.memory_space<vmem_shared>> -> memref<1x1x128xf32, #tpu.memory_space<vmem_shared>>
            %dma_start3A_719 = tpu.memref_squeeze %dma_start3A_718 : memref<1x1x128xf32, #tpu.memory_space<vmem_shared>> -> memref<128xf32, #tpu.memory_space<vmem_shared>>
            %dma_start3A_720 = arith.constant 0 : i32
            %dma_start3A_721 = tpu.memref_slice %arg19[%select_n3A_616, %select_n3A_655, %dma_start3A_720] : memref<1024x8x128xf32, #tpu.memory_space<vmem_shared>> -> memref<1x1x128xf32, #tpu.memory_space<vmem_shared>>
            %dma_start3A_722 = tpu.memref_squeeze %dma_start3A_721 : memref<1x1x128xf32, #tpu.memory_space<vmem_shared>> -> memref<128xf32, #tpu.memory_space<vmem_shared>>
            tpu.enqueue_dma source(%dma_start3A_722 : memref<128xf32, #tpu.memory_space<vmem_shared>>) target(%arg17 : memref<128xf32, #tpu.memory_space<vmem>>) target_semaphore(%run_scoped3A : memref<!tpu.dma_semaphore, #tpu.memory_space<semaphore_mem>>)
            %dma_wait3A_723 = arith.constant 0 : i32
            %dma_wait3A_724 = tpu.memref_slice %arg19[%select_n3A_616, %select_n3A_655, %dma_wait3A_723] : memref<1024x8x128xf32, #tpu.memory_space<vmem_shared>> -> memref<1x1x128xf32, #tpu.memory_space<vmem_shared>>
            %dma_wait3A_725 = tpu.memref_squeeze %dma_wait3A_724 : memref<1x1x128xf32, #tpu.memory_space<vmem_shared>> -> memref<128xf32, #tpu.memory_space<vmem_shared>>
            %dma_wait3A_726 = arith.constant 0 : i32
            %dma_wait3A_727 = tpu.memref_slice %arg19[%select_n3A_616, %select_n3A_655, %dma_wait3A_726] : memref<1024x8x128xf32, #tpu.memory_space<vmem_shared>> -> memref<1x1x128xf32, #tpu.memory_space<vmem_shared>>
            %dma_wait3A_728 = tpu.memref_squeeze %dma_wait3A_727 : memref<1x1x128xf32, #tpu.memory_space<vmem_shared>> -> memref<128xf32, #tpu.memory_space<vmem_shared>>
            tpu.wait_dma2 semaphore(%run_scoped3A : memref<!tpu.dma_semaphore, #tpu.memory_space<semaphore_mem>>) src(%dma_wait3A_728 : memref<128xf32, #tpu.memory_space<vmem_shared>>) dst(%arg17 : memref<128xf32, #tpu.memory_space<vmem>>)
            tpu.yield
          }) : () -> ()
          %jit3A_656 = arith.constant 2 : i32
          %eq3A_657 = arith.constant 0 : i32
          %eq3A_658 = arith.cmpi eq, %jit3A_656, %eq3A_657 : i32
          %jit3A_659 = arith.constant 1 : i32
          %select_n3A_660 = arith.select %eq3A_658, %jit3A_659, %jit3A_656 : i32
          %rem3A_661 = arith.remsi %and3A_588, %select_n3A_660 : i32
          %ne3A_662 = arith.constant 0 : i32
          %ne3A_663 = arith.cmpi ne, %rem3A_661, %ne3A_662 : i32
          %lt3A_664 = arith.constant 0 : i32
          %lt3A_665 = arith.cmpi slt, %rem3A_661, %lt3A_664 : i32
          %lt3A_666 = arith.constant 0 : i32
          %lt3A_667 = arith.cmpi slt, %select_n3A_660, %lt3A_666 : i32
          %ne3A_668 = arith.xori %lt3A_665, %lt3A_667 : i1
          %and3A_669 = arith.andi %ne3A_668, %ne3A_663 : i1
          %add3A_670 = arith.addi %rem3A_661, %select_n3A_660 : i32
          %select_n3A_671 = arith.select %and3A_669, %add3A_670, %rem3A_661 : i32
          %mul3A_672 = arith.constant 64 : i32
          %mul3A_673 = arith.muli %select_n3A_671, %mul3A_672 : i32
          %add3A_674 = arith.constant 0 : i32
          %add3A_675 = vector.broadcast %add3A_674 : i32 to vector<16xi32>
          %add3A_676 = arith.addi %iota3A, %add3A_675 : vector<16xi32>
          %gather3A = tpu.vector_load_idx %arg12[%add3A_676, %broadcast_in_dim3A_592] : memref<64x128xf32, #tpu.memory_space<vmem>>[vector<16xi32>, vector<16xi32>], vector<16xf32>,
          %add3A_677 = arith.constant 0 : i32
          %add3A_678 = arith.addi %mul3A_673, %add3A_677 : i32
          %get3A_679 = arith.index_cast %add3A_678 : i32 to index
          %get3A_680 = tpu.vector_load %arg17[%get3A_679] {strides = array<i32>} : memref<128xf32, #tpu.memory_space<vmem>>, vector<16xf32>,
          %sub3A_681 = arith.subf %get3A_680, %gather3A : vector<16xf32>
          %mul3A_682 = arith.mulf %sub3A_681, %sub3A_681 : vector<16xf32>
          %add3A_683 = arith.addf %while3A_581, %mul3A_682 : vector<16xf32>
          %add3A_684 = arith.constant 16 : i32
          %add3A_685 = vector.broadcast %add3A_684 : i32 to vector<16xi32>
          %add3A_686 = arith.addi %iota3A, %add3A_685 : vector<16xi32>
          %gather3A_687 = tpu.vector_load_idx %arg12[%add3A_686, %broadcast_in_dim3A_592] : memref<64x128xf32, #tpu.memory_space<vmem>>[vector<16xi32>, vector<16xi32>], vector<16xf32>,
          %add3A_688 = arith.constant 16 : i32
          %add3A_689 = arith.addi %mul3A_673, %add3A_688 : i32
          %get3A_690 = arith.index_cast %add3A_689 : i32 to index
          %get3A_691 = tpu.vector_load %arg17[%get3A_690] {strides = array<i32>} : memref<128xf32, #tpu.memory_space<vmem>>, vector<16xf32>,
          %sub3A_692 = arith.subf %get3A_691, %gather3A_687 : vector<16xf32>
          %mul3A_693 = arith.mulf %sub3A_692, %sub3A_692 : vector<16xf32>
          %add3A_694 = arith.addf %while3A_582, %mul3A_693 : vector<16xf32>
          %add3A_695 = arith.constant 32 : i32
          %add3A_696 = vector.broadcast %add3A_695 : i32 to vector<16xi32>
          %add3A_697 = arith.addi %iota3A, %add3A_696 : vector<16xi32>
          %gather3A_698 = tpu.vector_load_idx %arg12[%add3A_697, %broadcast_in_dim3A_592] : memref<64x128xf32, #tpu.memory_space<vmem>>[vector<16xi32>, vector<16xi32>], vector<16xf32>,
          %add3A_699 = arith.constant 32 : i32
          %add3A_700 = arith.addi %mul3A_673, %add3A_699 : i32
          %get3A_701 = arith.index_cast %add3A_700 : i32 to index
          %get3A_702 = tpu.vector_load %arg17[%get3A_701] {strides = array<i32>} : memref<128xf32, #tpu.memory_space<vmem>>, vector<16xf32>,
          %sub3A_703 = arith.subf %get3A_702, %gather3A_698 : vector<16xf32>
          %mul3A_704 = arith.mulf %sub3A_703, %sub3A_703 : vector<16xf32>
          %add3A_705 = arith.addf %while3A_583, %mul3A_704 : vector<16xf32>
          %add3A_706 = arith.constant 48 : i32
          %add3A_707 = vector.broadcast %add3A_706 : i32 to vector<16xi32>
          %add3A_708 = arith.addi %iota3A, %add3A_707 : vector<16xi32>
          %gather3A_709 = tpu.vector_load_idx %arg12[%add3A_708, %broadcast_in_dim3A_592] : memref<64x128xf32, #tpu.memory_space<vmem>>[vector<16xi32>, vector<16xi32>], vector<16xf32>,
          %add3A_710 = arith.constant 48 : i32
          %add3A_711 = arith.addi %mul3A_673, %add3A_710 : i32
          %get3A_712 = arith.index_cast %add3A_711 : i32 to index
          %get3A_713 = tpu.vector_load %arg17[%get3A_712] {strides = array<i32>} : memref<128xf32, #tpu.memory_space<vmem>>, vector<16xf32>,
          %sub3A_714 = arith.subf %get3A_713, %gather3A_709 : vector<16xf32>
          %mul3A_715 = arith.mulf %sub3A_714, %sub3A_714 : vector<16xf32>
          %add3A_716 = arith.addf %while3A_584, %mul3A_715 : vector<16xf32>
          scf.yield %add3A_683, %add3A_694, %add3A_705, %add3A_716 : vector<16xf32>, vector<16xf32>, vector<16xf32>, vector<16xf32>
        }
        %add3A_365 = arith.constant 1 : i32
        %add3A_366 = arith.addi %mul3A_285, %add3A_365 : i32
        %add3A_367 = arith.constant 6 : i32
        %add3A_368 = arith.addi %add3A_366, %add3A_367 : i32
        %sub3A_369 = arith.constant 1 : i32
        %sub3A_370 = arith.subi %max3A_88, %sub3A_369 : i32
        %min3A_371 = arith.minsi %add3A_368, %sub3A_370 : i32
        %get3A_372 = arith.index_cast %min3A_371 : i32 to index
        %get3A_373 = memref.load %arg10[%get3A_372] : memref<253xi32, #tpu.memory_space<smem>>
        %add3A_374 = arith.addi %mul3A_7, %get3A_373 : i32
        %min3A_375 = arith.constant 7812 : i32
        %min3A_376 = arith.minsi %add3A_374, %min3A_375 : i32
        %mul3A_377 = arith.constant 128 : i32
        %mul3A_378 = arith.muli %min3A_376, %mul3A_377 : i32
        %multiple_of3A_379 = tpu.assume_multiple %mul3A_378, 128 : i32
        %dma_start3A_380 = arith.constant 0 : i32
        %dma_start3A_381 = tpu.memref_slice %arg4[%dma_start3A_380, %multiple_of3A_379] : memref<64x1000000xf32, #tpu.memory_space<hbm>> -> memref<64x128xf32, #tpu.memory_space<hbm>>
        %dma_start3A_382 = arith.constant 0 : i32
        %dma_start3A_383 = tpu.memref_slice %arg4[%dma_start3A_382, %multiple_of3A_379] : memref<64x1000000xf32, #tpu.memory_space<hbm>> -> memref<64x128xf32, #tpu.memory_space<hbm>>
        tpu.enqueue_dma source(%dma_start3A_383 : memref<64x128xf32, #tpu.memory_space<hbm>>) target(%arg12 : memref<64x128xf32, #tpu.memory_space<vmem>>) target_semaphore(%arg20 : memref<!tpu.dma_semaphore, #tpu.memory_space<semaphore_mem>>)
        %add3A_384 = arith.constant 0 : i32
        %add3A_385 = arith.addi %mul3A_7, %add3A_384 : i32
        %min3A_386 = arith.constant 7812 : i32
        %min3A_387 = arith.minsi %add3A_385, %min3A_386 : i32
        %mul3A_388 = arith.constant 128 : i32
        %mul3A_389 = arith.muli %min3A_387, %mul3A_388 : i32
        %multiple_of3A_390 = tpu.assume_multiple %mul3A_389, 128 : i32
        %dma_wait3A_391 = arith.constant 0 : i32
        %dma_wait3A_392 = tpu.memref_slice %arg4[%dma_wait3A_391, %multiple_of3A_390] : memref<64x1000000xf32, #tpu.memory_space<hbm>> -> memref<64x128xf32, #tpu.memory_space<hbm>>
        %dma_wait3A_393 = arith.constant 0 : i32
        %dma_wait3A_394 = tpu.memref_slice %arg4[%dma_wait3A_393, %multiple_of3A_390] : memref<64x1000000xf32, #tpu.memory_space<hbm>> -> memref<64x128xf32, #tpu.memory_space<hbm>>
        tpu.wait_dma2 semaphore(%arg20 : memref<!tpu.dma_semaphore, #tpu.memory_space<semaphore_mem>>) src(%dma_wait3A_394 : memref<64x128xf32, #tpu.memory_space<hbm>>) dst(%arg13 : memref<64x128xf32, #tpu.memory_space<vmem>>)
        %add3A_395 = arith.constant 2 : i32
        %add3A_396 = arith.addi %mul3A_285, %add3A_395 : i32
        %sub3A_397 = arith.constant 1 : i32
        %sub3A_398 = arith.subi %max3A_88, %sub3A_397 : i32
        %min3A_399 = arith.minsi %add3A_396, %sub3A_398 : i32
        %get3A_400 = arith.index_cast %min3A_399 : i32 to index
        %get3A_401 = memref.load %arg10[%get3A_400] : memref<253xi32, #tpu.memory_space<smem>>
        %get3A_402 = arith.index_cast %get3A_401 : i32 to index
        %get3A_403 = memref.load %arg9[%get3A_402] : memref<253xi32, #tpu.memory_space<smem>>
        %while3A_404 = arith.subi %get3A_403, %get3A_354 : i32
        %while3A_405 = arith.addi %get3A_354, %while3A_404 : i32
        %while3A_406 = arith.constant 1 : i32
        %while3A_407 = arith.divsi %while3A_404, %while3A_406 : i32
        %while3A_408 = arith.muli %while3A_407, %while3A_406 : i32
        %while3A_409 = arith.addi %get3A_354, %while3A_408 : i32
        %while3A_410 = arith.constant 1 : i32
        %while3A_411:4 = scf.for %while3A_580 = %get3A_354 to %while3A_409 step %while3A_410 iter_args(%while3A_581 = %while3A_364#0, %while3A_582 = %while3A_364#1, %while3A_583 = %while3A_364#2, %while3A_584 = %while3A_364#3) -> (vector<16xf32>, vector<16xf32>, vector<16xf32>, vector<16xf32>)  : i32 {
          %get3A_585 = arith.index_cast %while3A_580 : i32 to index
          %get3A_586 = tpu.vector_load %arg8[%get3A_585] {strides = array<i32>} : memref<4096xi32, #tpu.memory_space<vmem>>, vector<16xi32>,
          %slice3A = vector.extract_strided_slice %get3A_586 {offsets = [0], sizes = [1], strides = [1]} : vector<16xi32> to vector<1xi32>
          %squeeze3A = vector.extract %slice3A[0] : i32 from vector<1xi32>
          %and3A_587 = arith.constant 16383 : i32
          %and3A_588 = arith.andi %squeeze3A, %and3A_587 : i32
          %shift_right_arithmetic3A = arith.constant 14 : i32
          %shift_right_arithmetic3A_589 = arith.shrsi %squeeze3A, %shift_right_arithmetic3A : i32
          %and3A_590 = arith.constant 127 : i32
          %and3A_591 = arith.andi %shift_right_arithmetic3A_589, %and3A_590 : i32
          %broadcast_in_dim3A_592 = vector.broadcast %and3A_591 : i32 to vector<16xi32>
          %jit3A_593 = arith.constant 16 : i32
          %div3A_594 = arith.divsi %and3A_588, %jit3A_593 : i32
          %sign3A_595 = arith.constant 0 : i32
          %sign3A_596 = arith.cmpi sgt, %and3A_588, %sign3A_595 : i32
          %sign3A_597 = arith.extui %sign3A_596 : i1 to i32
          %sign3A_598 = arith.constant 0 : i32
          %sign3A_599 = arith.cmpi slt, %and3A_588, %sign3A_598 : i32
          %sign3A_600 = arith.extui %sign3A_599 : i1 to i32
          %sign3A_601 = arith.subi %sign3A_597, %sign3A_600 : i32
          %sign3A_602 = arith.constant 0 : i32
          %sign3A_603 = arith.cmpi sgt, %jit3A_593, %sign3A_602 : i32
          %sign3A_604 = arith.extui %sign3A_603 : i1 to i32
          %sign3A_605 = arith.constant 0 : i32
          %sign3A_606 = arith.cmpi slt, %jit3A_593, %sign3A_605 : i32
          %sign3A_607 = arith.extui %sign3A_606 : i1 to i32
          %sign3A_608 = arith.subi %sign3A_604, %sign3A_607 : i32
          %ne3A_609 = arith.cmpi ne, %sign3A_601, %sign3A_608 : i32
          %rem3A_610 = arith.remsi %and3A_588, %jit3A_593 : i32
          %ne3A_611 = arith.constant 0 : i32
          %ne3A_612 = arith.cmpi ne, %rem3A_610, %ne3A_611 : i32
          %and3A_613 = arith.andi %ne3A_609, %ne3A_612 : i1
          %sub3A_614 = arith.constant 1 : i32
          %sub3A_615 = arith.subi %div3A_594, %sub3A_614 : i32
          %select_n3A_616 = arith.select %and3A_613, %sub3A_615, %div3A_594 : i32
          %jit3A_617 = arith.constant 2 : i32
          %div3A_618 = arith.divsi %and3A_588, %jit3A_617 : i32
          %sign3A_619 = arith.constant 0 : i32
          %sign3A_620 = arith.cmpi sgt, %and3A_588, %sign3A_619 : i32
          %sign3A_621 = arith.extui %sign3A_620 : i1 to i32
          %sign3A_622 = arith.constant 0 : i32
          %sign3A_623 = arith.cmpi slt, %and3A_588, %sign3A_622 : i32
          %sign3A_624 = arith.extui %sign3A_623 : i1 to i32
          %sign3A_625 = arith.subi %sign3A_621, %sign3A_624 : i32
          %sign3A_626 = arith.constant 0 : i32
          %sign3A_627 = arith.cmpi sgt, %jit3A_617, %sign3A_626 : i32
          %sign3A_628 = arith.extui %sign3A_627 : i1 to i32
          %sign3A_629 = arith.constant 0 : i32
          %sign3A_630 = arith.cmpi slt, %jit3A_617, %sign3A_629 : i32
          %sign3A_631 = arith.extui %sign3A_630 : i1 to i32
          %sign3A_632 = arith.subi %sign3A_628, %sign3A_631 : i32
          %ne3A_633 = arith.cmpi ne, %sign3A_625, %sign3A_632 : i32
          %rem3A_634 = arith.remsi %and3A_588, %jit3A_617 : i32
          %ne3A_635 = arith.constant 0 : i32
          %ne3A_636 = arith.cmpi ne, %rem3A_634, %ne3A_635 : i32
          %and3A_637 = arith.andi %ne3A_633, %ne3A_636 : i1
          %sub3A_638 = arith.constant 1 : i32
          %sub3A_639 = arith.subi %div3A_618, %sub3A_638 : i32
          %select_n3A_640 = arith.select %and3A_637, %sub3A_639, %div3A_618 : i32
          %jit3A_641 = arith.constant 8 : i32
          %eq3A_642 = arith.constant 0 : i32
          %eq3A_643 = arith.cmpi eq, %jit3A_641, %eq3A_642 : i32
          %jit3A_644 = arith.constant 1 : i32
          %select_n3A_645 = arith.select %eq3A_643, %jit3A_644, %jit3A_641 : i32
          %rem3A_646 = arith.remsi %select_n3A_640, %select_n3A_645 : i32
          %ne3A_647 = arith.constant 0 : i32
          %ne3A_648 = arith.cmpi ne, %rem3A_646, %ne3A_647 : i32
          %lt3A = arith.constant 0 : i32
          %lt3A_649 = arith.cmpi slt, %rem3A_646, %lt3A : i32
          %lt3A_650 = arith.constant 0 : i32
          %lt3A_651 = arith.cmpi slt, %select_n3A_645, %lt3A_650 : i32
          %ne3A_652 = arith.xori %lt3A_649, %lt3A_651 : i1
          %and3A_653 = arith.andi %ne3A_652, %ne3A_648 : i1
          %add3A_654 = arith.addi %rem3A_646, %select_n3A_645 : i32
          %select_n3A_655 = arith.select %and3A_653, %add3A_654, %rem3A_646 : i32
          "tpu.region"() ({
            %run_scoped3A = tpu.sem_alloc : memref<!tpu.dma_semaphore, #tpu.memory_space<semaphore_mem>>
            %dma_start3A_717 = arith.constant 0 : i32
            %dma_start3A_718 = tpu.memref_slice %arg19[%select_n3A_616, %select_n3A_655, %dma_start3A_717] : memref<1024x8x128xf32, #tpu.memory_space<vmem_shared>> -> memref<1x1x128xf32, #tpu.memory_space<vmem_shared>>
            %dma_start3A_719 = tpu.memref_squeeze %dma_start3A_718 : memref<1x1x128xf32, #tpu.memory_space<vmem_shared>> -> memref<128xf32, #tpu.memory_space<vmem_shared>>
            %dma_start3A_720 = arith.constant 0 : i32
            %dma_start3A_721 = tpu.memref_slice %arg19[%select_n3A_616, %select_n3A_655, %dma_start3A_720] : memref<1024x8x128xf32, #tpu.memory_space<vmem_shared>> -> memref<1x1x128xf32, #tpu.memory_space<vmem_shared>>
            %dma_start3A_722 = tpu.memref_squeeze %dma_start3A_721 : memref<1x1x128xf32, #tpu.memory_space<vmem_shared>> -> memref<128xf32, #tpu.memory_space<vmem_shared>>
            tpu.enqueue_dma source(%dma_start3A_722 : memref<128xf32, #tpu.memory_space<vmem_shared>>) target(%arg17 : memref<128xf32, #tpu.memory_space<vmem>>) target_semaphore(%run_scoped3A : memref<!tpu.dma_semaphore, #tpu.memory_space<semaphore_mem>>)
            %dma_wait3A_723 = arith.constant 0 : i32
            %dma_wait3A_724 = tpu.memref_slice %arg19[%select_n3A_616, %select_n3A_655, %dma_wait3A_723] : memref<1024x8x128xf32, #tpu.memory_space<vmem_shared>> -> memref<1x1x128xf32, #tpu.memory_space<vmem_shared>>
            %dma_wait3A_725 = tpu.memref_squeeze %dma_wait3A_724 : memref<1x1x128xf32, #tpu.memory_space<vmem_shared>> -> memref<128xf32, #tpu.memory_space<vmem_shared>>
            %dma_wait3A_726 = arith.constant 0 : i32
            %dma_wait3A_727 = tpu.memref_slice %arg19[%select_n3A_616, %select_n3A_655, %dma_wait3A_726] : memref<1024x8x128xf32, #tpu.memory_space<vmem_shared>> -> memref<1x1x128xf32, #tpu.memory_space<vmem_shared>>
            %dma_wait3A_728 = tpu.memref_squeeze %dma_wait3A_727 : memref<1x1x128xf32, #tpu.memory_space<vmem_shared>> -> memref<128xf32, #tpu.memory_space<vmem_shared>>
            tpu.wait_dma2 semaphore(%run_scoped3A : memref<!tpu.dma_semaphore, #tpu.memory_space<semaphore_mem>>) src(%dma_wait3A_728 : memref<128xf32, #tpu.memory_space<vmem_shared>>) dst(%arg17 : memref<128xf32, #tpu.memory_space<vmem>>)
            tpu.yield
          }) : () -> ()
          %jit3A_656 = arith.constant 2 : i32
          %eq3A_657 = arith.constant 0 : i32
          %eq3A_658 = arith.cmpi eq, %jit3A_656, %eq3A_657 : i32
          %jit3A_659 = arith.constant 1 : i32
          %select_n3A_660 = arith.select %eq3A_658, %jit3A_659, %jit3A_656 : i32
          %rem3A_661 = arith.remsi %and3A_588, %select_n3A_660 : i32
          %ne3A_662 = arith.constant 0 : i32
          %ne3A_663 = arith.cmpi ne, %rem3A_661, %ne3A_662 : i32
          %lt3A_664 = arith.constant 0 : i32
          %lt3A_665 = arith.cmpi slt, %rem3A_661, %lt3A_664 : i32
          %lt3A_666 = arith.constant 0 : i32
          %lt3A_667 = arith.cmpi slt, %select_n3A_660, %lt3A_666 : i32
          %ne3A_668 = arith.xori %lt3A_665, %lt3A_667 : i1
          %and3A_669 = arith.andi %ne3A_668, %ne3A_663 : i1
          %add3A_670 = arith.addi %rem3A_661, %select_n3A_660 : i32
          %select_n3A_671 = arith.select %and3A_669, %add3A_670, %rem3A_661 : i32
          %mul3A_672 = arith.constant 64 : i32
          %mul3A_673 = arith.muli %select_n3A_671, %mul3A_672 : i32
          %add3A_674 = arith.constant 0 : i32
          %add3A_675 = vector.broadcast %add3A_674 : i32 to vector<16xi32>
          %add3A_676 = arith.addi %iota3A, %add3A_675 : vector<16xi32>
          %gather3A = tpu.vector_load_idx %arg13[%add3A_676, %broadcast_in_dim3A_592] : memref<64x128xf32, #tpu.memory_space<vmem>>[vector<16xi32>, vector<16xi32>], vector<16xf32>,
          %add3A_677 = arith.constant 0 : i32
          %add3A_678 = arith.addi %mul3A_673, %add3A_677 : i32
          %get3A_679 = arith.index_cast %add3A_678 : i32 to index
          %get3A_680 = tpu.vector_load %arg17[%get3A_679] {strides = array<i32>} : memref<128xf32, #tpu.memory_space<vmem>>, vector<16xf32>,
          %sub3A_681 = arith.subf %get3A_680, %gather3A : vector<16xf32>
          %mul3A_682 = arith.mulf %sub3A_681, %sub3A_681 : vector<16xf32>
          %add3A_683 = arith.addf %while3A_581, %mul3A_682 : vector<16xf32>
          %add3A_684 = arith.constant 16 : i32
          %add3A_685 = vector.broadcast %add3A_684 : i32 to vector<16xi32>
          %add3A_686 = arith.addi %iota3A, %add3A_685 : vector<16xi32>
          %gather3A_687 = tpu.vector_load_idx %arg13[%add3A_686, %broadcast_in_dim3A_592] : memref<64x128xf32, #tpu.memory_space<vmem>>[vector<16xi32>, vector<16xi32>], vector<16xf32>,
          %add3A_688 = arith.constant 16 : i32
          %add3A_689 = arith.addi %mul3A_673, %add3A_688 : i32
          %get3A_690 = arith.index_cast %add3A_689 : i32 to index
          %get3A_691 = tpu.vector_load %arg17[%get3A_690] {strides = array<i32>} : memref<128xf32, #tpu.memory_space<vmem>>, vector<16xf32>,
          %sub3A_692 = arith.subf %get3A_691, %gather3A_687 : vector<16xf32>
          %mul3A_693 = arith.mulf %sub3A_692, %sub3A_692 : vector<16xf32>
          %add3A_694 = arith.addf %while3A_582, %mul3A_693 : vector<16xf32>
          %add3A_695 = arith.constant 32 : i32
          %add3A_696 = vector.broadcast %add3A_695 : i32 to vector<16xi32>
          %add3A_697 = arith.addi %iota3A, %add3A_696 : vector<16xi32>
          %gather3A_698 = tpu.vector_load_idx %arg13[%add3A_697, %broadcast_in_dim3A_592] : memref<64x128xf32, #tpu.memory_space<vmem>>[vector<16xi32>, vector<16xi32>], vector<16xf32>,
          %add3A_699 = arith.constant 32 : i32
          %add3A_700 = arith.addi %mul3A_673, %add3A_699 : i32
          %get3A_701 = arith.index_cast %add3A_700 : i32 to index
          %get3A_702 = tpu.vector_load %arg17[%get3A_701] {strides = array<i32>} : memref<128xf32, #tpu.memory_space<vmem>>, vector<16xf32>,
          %sub3A_703 = arith.subf %get3A_702, %gather3A_698 : vector<16xf32>
          %mul3A_704 = arith.mulf %sub3A_703, %sub3A_703 : vector<16xf32>
          %add3A_705 = arith.addf %while3A_583, %mul3A_704 : vector<16xf32>
          %add3A_706 = arith.constant 48 : i32
          %add3A_707 = vector.broadcast %add3A_706 : i32 to vector<16xi32>
          %add3A_708 = arith.addi %iota3A, %add3A_707 : vector<16xi32>
          %gather3A_709 = tpu.vector_load_idx %arg13[%add3A_708, %broadcast_in_dim3A_592] : memref<64x128xf32, #tpu.memory_space<vmem>>[vector<16xi32>, vector<16xi32>], vector<16xf32>,
          %add3A_710 = arith.constant 48 : i32
          %add3A_711 = arith.addi %mul3A_673, %add3A_710 : i32
          %get3A_712 = arith.index_cast %add3A_711 : i32 to index
          %get3A_713 = tpu.vector_load %arg17[%get3A_712] {strides = array<i32>} : memref<128xf32, #tpu.memory_space<vmem>>, vector<16xf32>,
          %sub3A_714 = arith.subf %get3A_713, %gather3A_709 : vector<16xf32>
          %mul3A_715 = arith.mulf %sub3A_714, %sub3A_714 : vector<16xf32>
          %add3A_716 = arith.addf %while3A_584, %mul3A_715 : vector<16xf32>
          scf.yield %add3A_683, %add3A_694, %add3A_705, %add3A_716 : vector<16xf32>, vector<16xf32>, vector<16xf32>, vector<16xf32>
        }
        %while3A_412 = arith.constant 1 : i32
        %while3A_413:4 = scf.for %while3A_580 = %while3A_409 to %while3A_405 step %while3A_412 iter_args(%while3A_581 = %while3A_411#0, %while3A_582 = %while3A_411#1, %while3A_583 = %while3A_411#2, %while3A_584 = %while3A_411#3) -> (vector<16xf32>, vector<16xf32>, vector<16xf32>, vector<16xf32>)  : i32 {
          %get3A_585 = arith.index_cast %while3A_580 : i32 to index
          %get3A_586 = tpu.vector_load %arg8[%get3A_585] {strides = array<i32>} : memref<4096xi32, #tpu.memory_space<vmem>>, vector<16xi32>,
          %slice3A = vector.extract_strided_slice %get3A_586 {offsets = [0], sizes = [1], strides = [1]} : vector<16xi32> to vector<1xi32>
          %squeeze3A = vector.extract %slice3A[0] : i32 from vector<1xi32>
          %and3A_587 = arith.constant 16383 : i32
          %and3A_588 = arith.andi %squeeze3A, %and3A_587 : i32
          %shift_right_arithmetic3A = arith.constant 14 : i32
          %shift_right_arithmetic3A_589 = arith.shrsi %squeeze3A, %shift_right_arithmetic3A : i32
          %and3A_590 = arith.constant 127 : i32
          %and3A_591 = arith.andi %shift_right_arithmetic3A_589, %and3A_590 : i32
          %broadcast_in_dim3A_592 = vector.broadcast %and3A_591 : i32 to vector<16xi32>
          %jit3A_593 = arith.constant 16 : i32
          %div3A_594 = arith.divsi %and3A_588, %jit3A_593 : i32
          %sign3A_595 = arith.constant 0 : i32
          %sign3A_596 = arith.cmpi sgt, %and3A_588, %sign3A_595 : i32
          %sign3A_597 = arith.extui %sign3A_596 : i1 to i32
          %sign3A_598 = arith.constant 0 : i32
          %sign3A_599 = arith.cmpi slt, %and3A_588, %sign3A_598 : i32
          %sign3A_600 = arith.extui %sign3A_599 : i1 to i32
          %sign3A_601 = arith.subi %sign3A_597, %sign3A_600 : i32
          %sign3A_602 = arith.constant 0 : i32
          %sign3A_603 = arith.cmpi sgt, %jit3A_593, %sign3A_602 : i32
          %sign3A_604 = arith.extui %sign3A_603 : i1 to i32
          %sign3A_605 = arith.constant 0 : i32
          %sign3A_606 = arith.cmpi slt, %jit3A_593, %sign3A_605 : i32
          %sign3A_607 = arith.extui %sign3A_606 : i1 to i32
          %sign3A_608 = arith.subi %sign3A_604, %sign3A_607 : i32
          %ne3A_609 = arith.cmpi ne, %sign3A_601, %sign3A_608 : i32
          %rem3A_610 = arith.remsi %and3A_588, %jit3A_593 : i32
          %ne3A_611 = arith.constant 0 : i32
          %ne3A_612 = arith.cmpi ne, %rem3A_610, %ne3A_611 : i32
          %and3A_613 = arith.andi %ne3A_609, %ne3A_612 : i1
          %sub3A_614 = arith.constant 1 : i32
          %sub3A_615 = arith.subi %div3A_594, %sub3A_614 : i32
          %select_n3A_616 = arith.select %and3A_613, %sub3A_615, %div3A_594 : i32
          %jit3A_617 = arith.constant 2 : i32
          %div3A_618 = arith.divsi %and3A_588, %jit3A_617 : i32
          %sign3A_619 = arith.constant 0 : i32
          %sign3A_620 = arith.cmpi sgt, %and3A_588, %sign3A_619 : i32
          %sign3A_621 = arith.extui %sign3A_620 : i1 to i32
          %sign3A_622 = arith.constant 0 : i32
          %sign3A_623 = arith.cmpi slt, %and3A_588, %sign3A_622 : i32
          %sign3A_624 = arith.extui %sign3A_623 : i1 to i32
          %sign3A_625 = arith.subi %sign3A_621, %sign3A_624 : i32
          %sign3A_626 = arith.constant 0 : i32
          %sign3A_627 = arith.cmpi sgt, %jit3A_617, %sign3A_626 : i32
          %sign3A_628 = arith.extui %sign3A_627 : i1 to i32
          %sign3A_629 = arith.constant 0 : i32
          %sign3A_630 = arith.cmpi slt, %jit3A_617, %sign3A_629 : i32
          %sign3A_631 = arith.extui %sign3A_630 : i1 to i32
          %sign3A_632 = arith.subi %sign3A_628, %sign3A_631 : i32
          %ne3A_633 = arith.cmpi ne, %sign3A_625, %sign3A_632 : i32
          %rem3A_634 = arith.remsi %and3A_588, %jit3A_617 : i32
          %ne3A_635 = arith.constant 0 : i32
          %ne3A_636 = arith.cmpi ne, %rem3A_634, %ne3A_635 : i32
          %and3A_637 = arith.andi %ne3A_633, %ne3A_636 : i1
          %sub3A_638 = arith.constant 1 : i32
          %sub3A_639 = arith.subi %div3A_618, %sub3A_638 : i32
          %select_n3A_640 = arith.select %and3A_637, %sub3A_639, %div3A_618 : i32
          %jit3A_641 = arith.constant 8 : i32
          %eq3A_642 = arith.constant 0 : i32
          %eq3A_643 = arith.cmpi eq, %jit3A_641, %eq3A_642 : i32
          %jit3A_644 = arith.constant 1 : i32
          %select_n3A_645 = arith.select %eq3A_643, %jit3A_644, %jit3A_641 : i32
          %rem3A_646 = arith.remsi %select_n3A_640, %select_n3A_645 : i32
          %ne3A_647 = arith.constant 0 : i32
          %ne3A_648 = arith.cmpi ne, %rem3A_646, %ne3A_647 : i32
          %lt3A = arith.constant 0 : i32
          %lt3A_649 = arith.cmpi slt, %rem3A_646, %lt3A : i32
          %lt3A_650 = arith.constant 0 : i32
          %lt3A_651 = arith.cmpi slt, %select_n3A_645, %lt3A_650 : i32
          %ne3A_652 = arith.xori %lt3A_649, %lt3A_651 : i1
          %and3A_653 = arith.andi %ne3A_652, %ne3A_648 : i1
          %add3A_654 = arith.addi %rem3A_646, %select_n3A_645 : i32
          %select_n3A_655 = arith.select %and3A_653, %add3A_654, %rem3A_646 : i32
          "tpu.region"() ({
            %run_scoped3A = tpu.sem_alloc : memref<!tpu.dma_semaphore, #tpu.memory_space<semaphore_mem>>
            %dma_start3A_717 = arith.constant 0 : i32
            %dma_start3A_718 = tpu.memref_slice %arg19[%select_n3A_616, %select_n3A_655, %dma_start3A_717] : memref<1024x8x128xf32, #tpu.memory_space<vmem_shared>> -> memref<1x1x128xf32, #tpu.memory_space<vmem_shared>>
            %dma_start3A_719 = tpu.memref_squeeze %dma_start3A_718 : memref<1x1x128xf32, #tpu.memory_space<vmem_shared>> -> memref<128xf32, #tpu.memory_space<vmem_shared>>
            %dma_start3A_720 = arith.constant 0 : i32
            %dma_start3A_721 = tpu.memref_slice %arg19[%select_n3A_616, %select_n3A_655, %dma_start3A_720] : memref<1024x8x128xf32, #tpu.memory_space<vmem_shared>> -> memref<1x1x128xf32, #tpu.memory_space<vmem_shared>>
            %dma_start3A_722 = tpu.memref_squeeze %dma_start3A_721 : memref<1x1x128xf32, #tpu.memory_space<vmem_shared>> -> memref<128xf32, #tpu.memory_space<vmem_shared>>
            tpu.enqueue_dma source(%dma_start3A_722 : memref<128xf32, #tpu.memory_space<vmem_shared>>) target(%arg17 : memref<128xf32, #tpu.memory_space<vmem>>) target_semaphore(%run_scoped3A : memref<!tpu.dma_semaphore, #tpu.memory_space<semaphore_mem>>)
            %dma_wait3A_723 = arith.constant 0 : i32
            %dma_wait3A_724 = tpu.memref_slice %arg19[%select_n3A_616, %select_n3A_655, %dma_wait3A_723] : memref<1024x8x128xf32, #tpu.memory_space<vmem_shared>> -> memref<1x1x128xf32, #tpu.memory_space<vmem_shared>>
            %dma_wait3A_725 = tpu.memref_squeeze %dma_wait3A_724 : memref<1x1x128xf32, #tpu.memory_space<vmem_shared>> -> memref<128xf32, #tpu.memory_space<vmem_shared>>
            %dma_wait3A_726 = arith.constant 0 : i32
            %dma_wait3A_727 = tpu.memref_slice %arg19[%select_n3A_616, %select_n3A_655, %dma_wait3A_726] : memref<1024x8x128xf32, #tpu.memory_space<vmem_shared>> -> memref<1x1x128xf32, #tpu.memory_space<vmem_shared>>
            %dma_wait3A_728 = tpu.memref_squeeze %dma_wait3A_727 : memref<1x1x128xf32, #tpu.memory_space<vmem_shared>> -> memref<128xf32, #tpu.memory_space<vmem_shared>>
            tpu.wait_dma2 semaphore(%run_scoped3A : memref<!tpu.dma_semaphore, #tpu.memory_space<semaphore_mem>>) src(%dma_wait3A_728 : memref<128xf32, #tpu.memory_space<vmem_shared>>) dst(%arg17 : memref<128xf32, #tpu.memory_space<vmem>>)
            tpu.yield
          }) : () -> ()
          %jit3A_656 = arith.constant 2 : i32
          %eq3A_657 = arith.constant 0 : i32
          %eq3A_658 = arith.cmpi eq, %jit3A_656, %eq3A_657 : i32
          %jit3A_659 = arith.constant 1 : i32
          %select_n3A_660 = arith.select %eq3A_658, %jit3A_659, %jit3A_656 : i32
          %rem3A_661 = arith.remsi %and3A_588, %select_n3A_660 : i32
          %ne3A_662 = arith.constant 0 : i32
          %ne3A_663 = arith.cmpi ne, %rem3A_661, %ne3A_662 : i32
          %lt3A_664 = arith.constant 0 : i32
          %lt3A_665 = arith.cmpi slt, %rem3A_661, %lt3A_664 : i32
          %lt3A_666 = arith.constant 0 : i32
          %lt3A_667 = arith.cmpi slt, %select_n3A_660, %lt3A_666 : i32
          %ne3A_668 = arith.xori %lt3A_665, %lt3A_667 : i1
          %and3A_669 = arith.andi %ne3A_668, %ne3A_663 : i1
          %add3A_670 = arith.addi %rem3A_661, %select_n3A_660 : i32
          %select_n3A_671 = arith.select %and3A_669, %add3A_670, %rem3A_661 : i32
          %mul3A_672 = arith.constant 64 : i32
          %mul3A_673 = arith.muli %select_n3A_671, %mul3A_672 : i32
          %add3A_674 = arith.constant 0 : i32
          %add3A_675 = vector.broadcast %add3A_674 : i32 to vector<16xi32>
          %add3A_676 = arith.addi %iota3A, %add3A_675 : vector<16xi32>
          %gather3A = tpu.vector_load_idx %arg13[%add3A_676, %broadcast_in_dim3A_592] : memref<64x128xf32, #tpu.memory_space<vmem>>[vector<16xi32>, vector<16xi32>], vector<16xf32>,
          %add3A_677 = arith.constant 0 : i32
          %add3A_678 = arith.addi %mul3A_673, %add3A_677 : i32
          %get3A_679 = arith.index_cast %add3A_678 : i32 to index
          %get3A_680 = tpu.vector_load %arg17[%get3A_679] {strides = array<i32>} : memref<128xf32, #tpu.memory_space<vmem>>, vector<16xf32>,
          %sub3A_681 = arith.subf %get3A_680, %gather3A : vector<16xf32>
          %mul3A_682 = arith.mulf %sub3A_681, %sub3A_681 : vector<16xf32>
          %add3A_683 = arith.addf %while3A_581, %mul3A_682 : vector<16xf32>
          %add3A_684 = arith.constant 16 : i32
          %add3A_685 = vector.broadcast %add3A_684 : i32 to vector<16xi32>
          %add3A_686 = arith.addi %iota3A, %add3A_685 : vector<16xi32>
          %gather3A_687 = tpu.vector_load_idx %arg13[%add3A_686, %broadcast_in_dim3A_592] : memref<64x128xf32, #tpu.memory_space<vmem>>[vector<16xi32>, vector<16xi32>], vector<16xf32>,
          %add3A_688 = arith.constant 16 : i32
          %add3A_689 = arith.addi %mul3A_673, %add3A_688 : i32
          %get3A_690 = arith.index_cast %add3A_689 : i32 to index
          %get3A_691 = tpu.vector_load %arg17[%get3A_690] {strides = array<i32>} : memref<128xf32, #tpu.memory_space<vmem>>, vector<16xf32>,
          %sub3A_692 = arith.subf %get3A_691, %gather3A_687 : vector<16xf32>
          %mul3A_693 = arith.mulf %sub3A_692, %sub3A_692 : vector<16xf32>
          %add3A_694 = arith.addf %while3A_582, %mul3A_693 : vector<16xf32>
          %add3A_695 = arith.constant 32 : i32
          %add3A_696 = vector.broadcast %add3A_695 : i32 to vector<16xi32>
          %add3A_697 = arith.addi %iota3A, %add3A_696 : vector<16xi32>
          %gather3A_698 = tpu.vector_load_idx %arg13[%add3A_697, %broadcast_in_dim3A_592] : memref<64x128xf32, #tpu.memory_space<vmem>>[vector<16xi32>, vector<16xi32>], vector<16xf32>,
          %add3A_699 = arith.constant 32 : i32
          %add3A_700 = arith.addi %mul3A_673, %add3A_699 : i32
          %get3A_701 = arith.index_cast %add3A_700 : i32 to index
          %get3A_702 = tpu.vector_load %arg17[%get3A_701] {strides = array<i32>} : memref<128xf32, #tpu.memory_space<vmem>>, vector<16xf32>,
          %sub3A_703 = arith.subf %get3A_702, %gather3A_698 : vector<16xf32>
          %mul3A_704 = arith.mulf %sub3A_703, %sub3A_703 : vector<16xf32>
          %add3A_705 = arith.addf %while3A_583, %mul3A_704 : vector<16xf32>
          %add3A_706 = arith.constant 48 : i32
          %add3A_707 = vector.broadcast %add3A_706 : i32 to vector<16xi32>
          %add3A_708 = arith.addi %iota3A, %add3A_707 : vector<16xi32>
          %gather3A_709 = tpu.vector_load_idx %arg13[%add3A_708, %broadcast_in_dim3A_592] : memref<64x128xf32, #tpu.memory_space<vmem>>[vector<16xi32>, vector<16xi32>], vector<16xf32>,
          %add3A_710 = arith.constant 48 : i32
          %add3A_711 = arith.addi %mul3A_673, %add3A_710 : i32
          %get3A_712 = arith.index_cast %add3A_711 : i32 to index
          %get3A_713 = tpu.vector_load %arg17[%get3A_712] {strides = array<i32>} : memref<128xf32, #tpu.memory_space<vmem>>, vector<16xf32>,
          %sub3A_714 = arith.subf %get3A_713, %gather3A_709 : vector<16xf32>
          %mul3A_715 = arith.mulf %sub3A_714, %sub3A_714 : vector<16xf32>
          %add3A_716 = arith.addf %while3A_584, %mul3A_715 : vector<16xf32>
          scf.yield %add3A_683, %add3A_694, %add3A_705, %add3A_716 : vector<16xf32>, vector<16xf32>, vector<16xf32>, vector<16xf32>
        }
        %add3A_414 = arith.constant 2 : i32
        %add3A_415 = arith.addi %mul3A_285, %add3A_414 : i32
        %add3A_416 = arith.constant 6 : i32
        %add3A_417 = arith.addi %add3A_415, %add3A_416 : i32
        %sub3A_418 = arith.constant 1 : i32
        %sub3A_419 = arith.subi %max3A_88, %sub3A_418 : i32
        %min3A_420 = arith.minsi %add3A_417, %sub3A_419 : i32
        %get3A_421 = arith.index_cast %min3A_420 : i32 to index
        %get3A_422 = memref.load %arg10[%get3A_421] : memref<253xi32, #tpu.memory_space<smem>>
        %add3A_423 = arith.addi %mul3A_7, %get3A_422 : i32
        %min3A_424 = arith.constant 7812 : i32
        %min3A_425 = arith.minsi %add3A_423, %min3A_424 : i32
        %mul3A_426 = arith.constant 128 : i32
        %mul3A_427 = arith.muli %min3A_425, %mul3A_426 : i32
        %multiple_of3A_428 = tpu.assume_multiple %mul3A_427, 128 : i32
        %dma_start3A_429 = arith.constant 0 : i32
        %dma_start3A_430 = tpu.memref_slice %arg4[%dma_start3A_429, %multiple_of3A_428] : memref<64x1000000xf32, #tpu.memory_space<hbm>> -> memref<64x128xf32, #tpu.memory_space<hbm>>
        %dma_start3A_431 = arith.constant 0 : i32
        %dma_start3A_432 = tpu.memref_slice %arg4[%dma_start3A_431, %multiple_of3A_428] : memref<64x1000000xf32, #tpu.memory_space<hbm>> -> memref<64x128xf32, #tpu.memory_space<hbm>>
        tpu.enqueue_dma source(%dma_start3A_432 : memref<64x128xf32, #tpu.memory_space<hbm>>) target(%arg13 : memref<64x128xf32, #tpu.memory_space<vmem>>) target_semaphore(%arg20 : memref<!tpu.dma_semaphore, #tpu.memory_space<semaphore_mem>>)
        %add3A_433 = arith.constant 0 : i32
        %add3A_434 = arith.addi %mul3A_7, %add3A_433 : i32
        %min3A_435 = arith.constant 7812 : i32
        %min3A_436 = arith.minsi %add3A_434, %min3A_435 : i32
        %mul3A_437 = arith.constant 128 : i32
        %mul3A_438 = arith.muli %min3A_436, %mul3A_437 : i32
        %multiple_of3A_439 = tpu.assume_multiple %mul3A_438, 128 : i32
        %dma_wait3A_440 = arith.constant 0 : i32
        %dma_wait3A_441 = tpu.memref_slice %arg4[%dma_wait3A_440, %multiple_of3A_439] : memref<64x1000000xf32, #tpu.memory_space<hbm>> -> memref<64x128xf32, #tpu.memory_space<hbm>>
        %dma_wait3A_442 = arith.constant 0 : i32
        %dma_wait3A_443 = tpu.memref_slice %arg4[%dma_wait3A_442, %multiple_of3A_439] : memref<64x1000000xf32, #tpu.memory_space<hbm>> -> memref<64x128xf32, #tpu.memory_space<hbm>>
        tpu.wait_dma2 semaphore(%arg20 : memref<!tpu.dma_semaphore, #tpu.memory_space<semaphore_mem>>) src(%dma_wait3A_443 : memref<64x128xf32, #tpu.memory_space<hbm>>) dst(%arg14 : memref<64x128xf32, #tpu.memory_space<vmem>>)
        %add3A_444 = arith.constant 3 : i32
        %add3A_445 = arith.addi %mul3A_285, %add3A_444 : i32
        %sub3A_446 = arith.constant 1 : i32
        %sub3A_447 = arith.subi %max3A_88, %sub3A_446 : i32
        %min3A_448 = arith.minsi %add3A_445, %sub3A_447 : i32
        %get3A_449 = arith.index_cast %min3A_448 : i32 to index
        %get3A_450 = memref.load %arg10[%get3A_449] : memref<253xi32, #tpu.memory_space<smem>>
        %get3A_451 = arith.index_cast %get3A_450 : i32 to index
        %get3A_452 = memref.load %arg9[%get3A_451] : memref<253xi32, #tpu.memory_space<smem>>
        %while3A_453 = arith.subi %get3A_452, %get3A_403 : i32
        %while3A_454 = arith.addi %get3A_403, %while3A_453 : i32
        %while3A_455 = arith.constant 1 : i32
        %while3A_456 = arith.divsi %while3A_453, %while3A_455 : i32
        %while3A_457 = arith.muli %while3A_456, %while3A_455 : i32
        %while3A_458 = arith.addi %get3A_403, %while3A_457 : i32
        %while3A_459 = arith.constant 1 : i32
        %while3A_460:4 = scf.for %while3A_580 = %get3A_403 to %while3A_458 step %while3A_459 iter_args(%while3A_581 = %while3A_413#0, %while3A_582 = %while3A_413#1, %while3A_583 = %while3A_413#2, %while3A_584 = %while3A_413#3) -> (vector<16xf32>, vector<16xf32>, vector<16xf32>, vector<16xf32>)  : i32 {
          %get3A_585 = arith.index_cast %while3A_580 : i32 to index
          %get3A_586 = tpu.vector_load %arg8[%get3A_585] {strides = array<i32>} : memref<4096xi32, #tpu.memory_space<vmem>>, vector<16xi32>,
          %slice3A = vector.extract_strided_slice %get3A_586 {offsets = [0], sizes = [1], strides = [1]} : vector<16xi32> to vector<1xi32>
          %squeeze3A = vector.extract %slice3A[0] : i32 from vector<1xi32>
          %and3A_587 = arith.constant 16383 : i32
          %and3A_588 = arith.andi %squeeze3A, %and3A_587 : i32
          %shift_right_arithmetic3A = arith.constant 14 : i32
          %shift_right_arithmetic3A_589 = arith.shrsi %squeeze3A, %shift_right_arithmetic3A : i32
          %and3A_590 = arith.constant 127 : i32
          %and3A_591 = arith.andi %shift_right_arithmetic3A_589, %and3A_590 : i32
          %broadcast_in_dim3A_592 = vector.broadcast %and3A_591 : i32 to vector<16xi32>
          %jit3A_593 = arith.constant 16 : i32
          %div3A_594 = arith.divsi %and3A_588, %jit3A_593 : i32
          %sign3A_595 = arith.constant 0 : i32
          %sign3A_596 = arith.cmpi sgt, %and3A_588, %sign3A_595 : i32
          %sign3A_597 = arith.extui %sign3A_596 : i1 to i32
          %sign3A_598 = arith.constant 0 : i32
          %sign3A_599 = arith.cmpi slt, %and3A_588, %sign3A_598 : i32
          %sign3A_600 = arith.extui %sign3A_599 : i1 to i32
          %sign3A_601 = arith.subi %sign3A_597, %sign3A_600 : i32
          %sign3A_602 = arith.constant 0 : i32
          %sign3A_603 = arith.cmpi sgt, %jit3A_593, %sign3A_602 : i32
          %sign3A_604 = arith.extui %sign3A_603 : i1 to i32
          %sign3A_605 = arith.constant 0 : i32
          %sign3A_606 = arith.cmpi slt, %jit3A_593, %sign3A_605 : i32
          %sign3A_607 = arith.extui %sign3A_606 : i1 to i32
          %sign3A_608 = arith.subi %sign3A_604, %sign3A_607 : i32
          %ne3A_609 = arith.cmpi ne, %sign3A_601, %sign3A_608 : i32
          %rem3A_610 = arith.remsi %and3A_588, %jit3A_593 : i32
          %ne3A_611 = arith.constant 0 : i32
          %ne3A_612 = arith.cmpi ne, %rem3A_610, %ne3A_611 : i32
          %and3A_613 = arith.andi %ne3A_609, %ne3A_612 : i1
          %sub3A_614 = arith.constant 1 : i32
          %sub3A_615 = arith.subi %div3A_594, %sub3A_614 : i32
          %select_n3A_616 = arith.select %and3A_613, %sub3A_615, %div3A_594 : i32
          %jit3A_617 = arith.constant 2 : i32
          %div3A_618 = arith.divsi %and3A_588, %jit3A_617 : i32
          %sign3A_619 = arith.constant 0 : i32
          %sign3A_620 = arith.cmpi sgt, %and3A_588, %sign3A_619 : i32
          %sign3A_621 = arith.extui %sign3A_620 : i1 to i32
          %sign3A_622 = arith.constant 0 : i32
          %sign3A_623 = arith.cmpi slt, %and3A_588, %sign3A_622 : i32
          %sign3A_624 = arith.extui %sign3A_623 : i1 to i32
          %sign3A_625 = arith.subi %sign3A_621, %sign3A_624 : i32
          %sign3A_626 = arith.constant 0 : i32
          %sign3A_627 = arith.cmpi sgt, %jit3A_617, %sign3A_626 : i32
          %sign3A_628 = arith.extui %sign3A_627 : i1 to i32
          %sign3A_629 = arith.constant 0 : i32
          %sign3A_630 = arith.cmpi slt, %jit3A_617, %sign3A_629 : i32
          %sign3A_631 = arith.extui %sign3A_630 : i1 to i32
          %sign3A_632 = arith.subi %sign3A_628, %sign3A_631 : i32
          %ne3A_633 = arith.cmpi ne, %sign3A_625, %sign3A_632 : i32
          %rem3A_634 = arith.remsi %and3A_588, %jit3A_617 : i32
          %ne3A_635 = arith.constant 0 : i32
          %ne3A_636 = arith.cmpi ne, %rem3A_634, %ne3A_635 : i32
          %and3A_637 = arith.andi %ne3A_633, %ne3A_636 : i1
          %sub3A_638 = arith.constant 1 : i32
          %sub3A_639 = arith.subi %div3A_618, %sub3A_638 : i32
          %select_n3A_640 = arith.select %and3A_637, %sub3A_639, %div3A_618 : i32
          %jit3A_641 = arith.constant 8 : i32
          %eq3A_642 = arith.constant 0 : i32
          %eq3A_643 = arith.cmpi eq, %jit3A_641, %eq3A_642 : i32
          %jit3A_644 = arith.constant 1 : i32
          %select_n3A_645 = arith.select %eq3A_643, %jit3A_644, %jit3A_641 : i32
          %rem3A_646 = arith.remsi %select_n3A_640, %select_n3A_645 : i32
          %ne3A_647 = arith.constant 0 : i32
          %ne3A_648 = arith.cmpi ne, %rem3A_646, %ne3A_647 : i32
          %lt3A = arith.constant 0 : i32
          %lt3A_649 = arith.cmpi slt, %rem3A_646, %lt3A : i32
          %lt3A_650 = arith.constant 0 : i32
          %lt3A_651 = arith.cmpi slt, %select_n3A_645, %lt3A_650 : i32
          %ne3A_652 = arith.xori %lt3A_649, %lt3A_651 : i1
          %and3A_653 = arith.andi %ne3A_652, %ne3A_648 : i1
          %add3A_654 = arith.addi %rem3A_646, %select_n3A_645 : i32
          %select_n3A_655 = arith.select %and3A_653, %add3A_654, %rem3A_646 : i32
          "tpu.region"() ({
            %run_scoped3A = tpu.sem_alloc : memref<!tpu.dma_semaphore, #tpu.memory_space<semaphore_mem>>
            %dma_start3A_717 = arith.constant 0 : i32
            %dma_start3A_718 = tpu.memref_slice %arg19[%select_n3A_616, %select_n3A_655, %dma_start3A_717] : memref<1024x8x128xf32, #tpu.memory_space<vmem_shared>> -> memref<1x1x128xf32, #tpu.memory_space<vmem_shared>>
            %dma_start3A_719 = tpu.memref_squeeze %dma_start3A_718 : memref<1x1x128xf32, #tpu.memory_space<vmem_shared>> -> memref<128xf32, #tpu.memory_space<vmem_shared>>
            %dma_start3A_720 = arith.constant 0 : i32
            %dma_start3A_721 = tpu.memref_slice %arg19[%select_n3A_616, %select_n3A_655, %dma_start3A_720] : memref<1024x8x128xf32, #tpu.memory_space<vmem_shared>> -> memref<1x1x128xf32, #tpu.memory_space<vmem_shared>>
            %dma_start3A_722 = tpu.memref_squeeze %dma_start3A_721 : memref<1x1x128xf32, #tpu.memory_space<vmem_shared>> -> memref<128xf32, #tpu.memory_space<vmem_shared>>
            tpu.enqueue_dma source(%dma_start3A_722 : memref<128xf32, #tpu.memory_space<vmem_shared>>) target(%arg17 : memref<128xf32, #tpu.memory_space<vmem>>) target_semaphore(%run_scoped3A : memref<!tpu.dma_semaphore, #tpu.memory_space<semaphore_mem>>)
            %dma_wait3A_723 = arith.constant 0 : i32
            %dma_wait3A_724 = tpu.memref_slice %arg19[%select_n3A_616, %select_n3A_655, %dma_wait3A_723] : memref<1024x8x128xf32, #tpu.memory_space<vmem_shared>> -> memref<1x1x128xf32, #tpu.memory_space<vmem_shared>>
            %dma_wait3A_725 = tpu.memref_squeeze %dma_wait3A_724 : memref<1x1x128xf32, #tpu.memory_space<vmem_shared>> -> memref<128xf32, #tpu.memory_space<vmem_shared>>
            %dma_wait3A_726 = arith.constant 0 : i32
            %dma_wait3A_727 = tpu.memref_slice %arg19[%select_n3A_616, %select_n3A_655, %dma_wait3A_726] : memref<1024x8x128xf32, #tpu.memory_space<vmem_shared>> -> memref<1x1x128xf32, #tpu.memory_space<vmem_shared>>
            %dma_wait3A_728 = tpu.memref_squeeze %dma_wait3A_727 : memref<1x1x128xf32, #tpu.memory_space<vmem_shared>> -> memref<128xf32, #tpu.memory_space<vmem_shared>>
            tpu.wait_dma2 semaphore(%run_scoped3A : memref<!tpu.dma_semaphore, #tpu.memory_space<semaphore_mem>>) src(%dma_wait3A_728 : memref<128xf32, #tpu.memory_space<vmem_shared>>) dst(%arg17 : memref<128xf32, #tpu.memory_space<vmem>>)
            tpu.yield
          }) : () -> ()
          %jit3A_656 = arith.constant 2 : i32
          %eq3A_657 = arith.constant 0 : i32
          %eq3A_658 = arith.cmpi eq, %jit3A_656, %eq3A_657 : i32
          %jit3A_659 = arith.constant 1 : i32
          %select_n3A_660 = arith.select %eq3A_658, %jit3A_659, %jit3A_656 : i32
          %rem3A_661 = arith.remsi %and3A_588, %select_n3A_660 : i32
          %ne3A_662 = arith.constant 0 : i32
          %ne3A_663 = arith.cmpi ne, %rem3A_661, %ne3A_662 : i32
          %lt3A_664 = arith.constant 0 : i32
          %lt3A_665 = arith.cmpi slt, %rem3A_661, %lt3A_664 : i32
          %lt3A_666 = arith.constant 0 : i32
          %lt3A_667 = arith.cmpi slt, %select_n3A_660, %lt3A_666 : i32
          %ne3A_668 = arith.xori %lt3A_665, %lt3A_667 : i1
          %and3A_669 = arith.andi %ne3A_668, %ne3A_663 : i1
          %add3A_670 = arith.addi %rem3A_661, %select_n3A_660 : i32
          %select_n3A_671 = arith.select %and3A_669, %add3A_670, %rem3A_661 : i32
          %mul3A_672 = arith.constant 64 : i32
          %mul3A_673 = arith.muli %select_n3A_671, %mul3A_672 : i32
          %add3A_674 = arith.constant 0 : i32
          %add3A_675 = vector.broadcast %add3A_674 : i32 to vector<16xi32>
          %add3A_676 = arith.addi %iota3A, %add3A_675 : vector<16xi32>
          %gather3A = tpu.vector_load_idx %arg14[%add3A_676, %broadcast_in_dim3A_592] : memref<64x128xf32, #tpu.memory_space<vmem>>[vector<16xi32>, vector<16xi32>], vector<16xf32>,
          %add3A_677 = arith.constant 0 : i32
          %add3A_678 = arith.addi %mul3A_673, %add3A_677 : i32
          %get3A_679 = arith.index_cast %add3A_678 : i32 to index
          %get3A_680 = tpu.vector_load %arg17[%get3A_679] {strides = array<i32>} : memref<128xf32, #tpu.memory_space<vmem>>, vector<16xf32>,
          %sub3A_681 = arith.subf %get3A_680, %gather3A : vector<16xf32>
          %mul3A_682 = arith.mulf %sub3A_681, %sub3A_681 : vector<16xf32>
          %add3A_683 = arith.addf %while3A_581, %mul3A_682 : vector<16xf32>
          %add3A_684 = arith.constant 16 : i32
          %add3A_685 = vector.broadcast %add3A_684 : i32 to vector<16xi32>
          %add3A_686 = arith.addi %iota3A, %add3A_685 : vector<16xi32>
          %gather3A_687 = tpu.vector_load_idx %arg14[%add3A_686, %broadcast_in_dim3A_592] : memref<64x128xf32, #tpu.memory_space<vmem>>[vector<16xi32>, vector<16xi32>], vector<16xf32>,
          %add3A_688 = arith.constant 16 : i32
          %add3A_689 = arith.addi %mul3A_673, %add3A_688 : i32
          %get3A_690 = arith.index_cast %add3A_689 : i32 to index
          %get3A_691 = tpu.vector_load %arg17[%get3A_690] {strides = array<i32>} : memref<128xf32, #tpu.memory_space<vmem>>, vector<16xf32>,
          %sub3A_692 = arith.subf %get3A_691, %gather3A_687 : vector<16xf32>
          %mul3A_693 = arith.mulf %sub3A_692, %sub3A_692 : vector<16xf32>
          %add3A_694 = arith.addf %while3A_582, %mul3A_693 : vector<16xf32>
          %add3A_695 = arith.constant 32 : i32
          %add3A_696 = vector.broadcast %add3A_695 : i32 to vector<16xi32>
          %add3A_697 = arith.addi %iota3A, %add3A_696 : vector<16xi32>
          %gather3A_698 = tpu.vector_load_idx %arg14[%add3A_697, %broadcast_in_dim3A_592] : memref<64x128xf32, #tpu.memory_space<vmem>>[vector<16xi32>, vector<16xi32>], vector<16xf32>,
          %add3A_699 = arith.constant 32 : i32
          %add3A_700 = arith.addi %mul3A_673, %add3A_699 : i32
          %get3A_701 = arith.index_cast %add3A_700 : i32 to index
          %get3A_702 = tpu.vector_load %arg17[%get3A_701] {strides = array<i32>} : memref<128xf32, #tpu.memory_space<vmem>>, vector<16xf32>,
          %sub3A_703 = arith.subf %get3A_702, %gather3A_698 : vector<16xf32>
          %mul3A_704 = arith.mulf %sub3A_703, %sub3A_703 : vector<16xf32>
          %add3A_705 = arith.addf %while3A_583, %mul3A_704 : vector<16xf32>
          %add3A_706 = arith.constant 48 : i32
          %add3A_707 = vector.broadcast %add3A_706 : i32 to vector<16xi32>
          %add3A_708 = arith.addi %iota3A, %add3A_707 : vector<16xi32>
          %gather3A_709 = tpu.vector_load_idx %arg14[%add3A_708, %broadcast_in_dim3A_592] : memref<64x128xf32, #tpu.memory_space<vmem>>[vector<16xi32>, vector<16xi32>], vector<16xf32>,
          %add3A_710 = arith.constant 48 : i32
          %add3A_711 = arith.addi %mul3A_673, %add3A_710 : i32
          %get3A_712 = arith.index_cast %add3A_711 : i32 to index
          %get3A_713 = tpu.vector_load %arg17[%get3A_712] {strides = array<i32>} : memref<128xf32, #tpu.memory_space<vmem>>, vector<16xf32>,
          %sub3A_714 = arith.subf %get3A_713, %gather3A_709 : vector<16xf32>
          %mul3A_715 = arith.mulf %sub3A_714, %sub3A_714 : vector<16xf32>
          %add3A_716 = arith.addf %while3A_584, %mul3A_715 : vector<16xf32>
          scf.yield %add3A_683, %add3A_694, %add3A_705, %add3A_716 : vector<16xf32>, vector<16xf32>, vector<16xf32>, vector<16xf32>
        }
        %while3A_461 = arith.constant 1 : i32
        %while3A_462:4 = scf.for %while3A_580 = %while3A_458 to %while3A_454 step %while3A_461 iter_args(%while3A_581 = %while3A_460#0, %while3A_582 = %while3A_460#1, %while3A_583 = %while3A_460#2, %while3A_584 = %while3A_460#3) -> (vector<16xf32>, vector<16xf32>, vector<16xf32>, vector<16xf32>)  : i32 {
          %get3A_585 = arith.index_cast %while3A_580 : i32 to index
          %get3A_586 = tpu.vector_load %arg8[%get3A_585] {strides = array<i32>} : memref<4096xi32, #tpu.memory_space<vmem>>, vector<16xi32>,
          %slice3A = vector.extract_strided_slice %get3A_586 {offsets = [0], sizes = [1], strides = [1]} : vector<16xi32> to vector<1xi32>
          %squeeze3A = vector.extract %slice3A[0] : i32 from vector<1xi32>
          %and3A_587 = arith.constant 16383 : i32
          %and3A_588 = arith.andi %squeeze3A, %and3A_587 : i32
          %shift_right_arithmetic3A = arith.constant 14 : i32
          %shift_right_arithmetic3A_589 = arith.shrsi %squeeze3A, %shift_right_arithmetic3A : i32
          %and3A_590 = arith.constant 127 : i32
          %and3A_591 = arith.andi %shift_right_arithmetic3A_589, %and3A_590 : i32
          %broadcast_in_dim3A_592 = vector.broadcast %and3A_591 : i32 to vector<16xi32>
          %jit3A_593 = arith.constant 16 : i32
          %div3A_594 = arith.divsi %and3A_588, %jit3A_593 : i32
          %sign3A_595 = arith.constant 0 : i32
          %sign3A_596 = arith.cmpi sgt, %and3A_588, %sign3A_595 : i32
          %sign3A_597 = arith.extui %sign3A_596 : i1 to i32
          %sign3A_598 = arith.constant 0 : i32
          %sign3A_599 = arith.cmpi slt, %and3A_588, %sign3A_598 : i32
          %sign3A_600 = arith.extui %sign3A_599 : i1 to i32
          %sign3A_601 = arith.subi %sign3A_597, %sign3A_600 : i32
          %sign3A_602 = arith.constant 0 : i32
          %sign3A_603 = arith.cmpi sgt, %jit3A_593, %sign3A_602 : i32
          %sign3A_604 = arith.extui %sign3A_603 : i1 to i32
          %sign3A_605 = arith.constant 0 : i32
          %sign3A_606 = arith.cmpi slt, %jit3A_593, %sign3A_605 : i32
          %sign3A_607 = arith.extui %sign3A_606 : i1 to i32
          %sign3A_608 = arith.subi %sign3A_604, %sign3A_607 : i32
          %ne3A_609 = arith.cmpi ne, %sign3A_601, %sign3A_608 : i32
          %rem3A_610 = arith.remsi %and3A_588, %jit3A_593 : i32
          %ne3A_611 = arith.constant 0 : i32
          %ne3A_612 = arith.cmpi ne, %rem3A_610, %ne3A_611 : i32
          %and3A_613 = arith.andi %ne3A_609, %ne3A_612 : i1
          %sub3A_614 = arith.constant 1 : i32
          %sub3A_615 = arith.subi %div3A_594, %sub3A_614 : i32
          %select_n3A_616 = arith.select %and3A_613, %sub3A_615, %div3A_594 : i32
          %jit3A_617 = arith.constant 2 : i32
          %div3A_618 = arith.divsi %and3A_588, %jit3A_617 : i32
          %sign3A_619 = arith.constant 0 : i32
          %sign3A_620 = arith.cmpi sgt, %and3A_588, %sign3A_619 : i32
          %sign3A_621 = arith.extui %sign3A_620 : i1 to i32
          %sign3A_622 = arith.constant 0 : i32
          %sign3A_623 = arith.cmpi slt, %and3A_588, %sign3A_622 : i32
          %sign3A_624 = arith.extui %sign3A_623 : i1 to i32
          %sign3A_625 = arith.subi %sign3A_621, %sign3A_624 : i32
          %sign3A_626 = arith.constant 0 : i32
          %sign3A_627 = arith.cmpi sgt, %jit3A_617, %sign3A_626 : i32
          %sign3A_628 = arith.extui %sign3A_627 : i1 to i32
          %sign3A_629 = arith.constant 0 : i32
          %sign3A_630 = arith.cmpi slt, %jit3A_617, %sign3A_629 : i32
          %sign3A_631 = arith.extui %sign3A_630 : i1 to i32
          %sign3A_632 = arith.subi %sign3A_628, %sign3A_631 : i32
          %ne3A_633 = arith.cmpi ne, %sign3A_625, %sign3A_632 : i32
          %rem3A_634 = arith.remsi %and3A_588, %jit3A_617 : i32
          %ne3A_635 = arith.constant 0 : i32
          %ne3A_636 = arith.cmpi ne, %rem3A_634, %ne3A_635 : i32
          %and3A_637 = arith.andi %ne3A_633, %ne3A_636 : i1
          %sub3A_638 = arith.constant 1 : i32
          %sub3A_639 = arith.subi %div3A_618, %sub3A_638 : i32
          %select_n3A_640 = arith.select %and3A_637, %sub3A_639, %div3A_618 : i32
          %jit3A_641 = arith.constant 8 : i32
          %eq3A_642 = arith.constant 0 : i32
          %eq3A_643 = arith.cmpi eq, %jit3A_641, %eq3A_642 : i32
          %jit3A_644 = arith.constant 1 : i32
          %select_n3A_645 = arith.select %eq3A_643, %jit3A_644, %jit3A_641 : i32
          %rem3A_646 = arith.remsi %select_n3A_640, %select_n3A_645 : i32
          %ne3A_647 = arith.constant 0 : i32
          %ne3A_648 = arith.cmpi ne, %rem3A_646, %ne3A_647 : i32
          %lt3A = arith.constant 0 : i32
          %lt3A_649 = arith.cmpi slt, %rem3A_646, %lt3A : i32
          %lt3A_650 = arith.constant 0 : i32
          %lt3A_651 = arith.cmpi slt, %select_n3A_645, %lt3A_650 : i32
          %ne3A_652 = arith.xori %lt3A_649, %lt3A_651 : i1
          %and3A_653 = arith.andi %ne3A_652, %ne3A_648 : i1
          %add3A_654 = arith.addi %rem3A_646, %select_n3A_645 : i32
          %select_n3A_655 = arith.select %and3A_653, %add3A_654, %rem3A_646 : i32
          "tpu.region"() ({
            %run_scoped3A = tpu.sem_alloc : memref<!tpu.dma_semaphore, #tpu.memory_space<semaphore_mem>>
            %dma_start3A_717 = arith.constant 0 : i32
            %dma_start3A_718 = tpu.memref_slice %arg19[%select_n3A_616, %select_n3A_655, %dma_start3A_717] : memref<1024x8x128xf32, #tpu.memory_space<vmem_shared>> -> memref<1x1x128xf32, #tpu.memory_space<vmem_shared>>
            %dma_start3A_719 = tpu.memref_squeeze %dma_start3A_718 : memref<1x1x128xf32, #tpu.memory_space<vmem_shared>> -> memref<128xf32, #tpu.memory_space<vmem_shared>>
            %dma_start3A_720 = arith.constant 0 : i32
            %dma_start3A_721 = tpu.memref_slice %arg19[%select_n3A_616, %select_n3A_655, %dma_start3A_720] : memref<1024x8x128xf32, #tpu.memory_space<vmem_shared>> -> memref<1x1x128xf32, #tpu.memory_space<vmem_shared>>
            %dma_start3A_722 = tpu.memref_squeeze %dma_start3A_721 : memref<1x1x128xf32, #tpu.memory_space<vmem_shared>> -> memref<128xf32, #tpu.memory_space<vmem_shared>>
            tpu.enqueue_dma source(%dma_start3A_722 : memref<128xf32, #tpu.memory_space<vmem_shared>>) target(%arg17 : memref<128xf32, #tpu.memory_space<vmem>>) target_semaphore(%run_scoped3A : memref<!tpu.dma_semaphore, #tpu.memory_space<semaphore_mem>>)
            %dma_wait3A_723 = arith.constant 0 : i32
            %dma_wait3A_724 = tpu.memref_slice %arg19[%select_n3A_616, %select_n3A_655, %dma_wait3A_723] : memref<1024x8x128xf32, #tpu.memory_space<vmem_shared>> -> memref<1x1x128xf32, #tpu.memory_space<vmem_shared>>
            %dma_wait3A_725 = tpu.memref_squeeze %dma_wait3A_724 : memref<1x1x128xf32, #tpu.memory_space<vmem_shared>> -> memref<128xf32, #tpu.memory_space<vmem_shared>>
            %dma_wait3A_726 = arith.constant 0 : i32
            %dma_wait3A_727 = tpu.memref_slice %arg19[%select_n3A_616, %select_n3A_655, %dma_wait3A_726] : memref<1024x8x128xf32, #tpu.memory_space<vmem_shared>> -> memref<1x1x128xf32, #tpu.memory_space<vmem_shared>>
            %dma_wait3A_728 = tpu.memref_squeeze %dma_wait3A_727 : memref<1x1x128xf32, #tpu.memory_space<vmem_shared>> -> memref<128xf32, #tpu.memory_space<vmem_shared>>
            tpu.wait_dma2 semaphore(%run_scoped3A : memref<!tpu.dma_semaphore, #tpu.memory_space<semaphore_mem>>) src(%dma_wait3A_728 : memref<128xf32, #tpu.memory_space<vmem_shared>>) dst(%arg17 : memref<128xf32, #tpu.memory_space<vmem>>)
            tpu.yield
          }) : () -> ()
          %jit3A_656 = arith.constant 2 : i32
          %eq3A_657 = arith.constant 0 : i32
          %eq3A_658 = arith.cmpi eq, %jit3A_656, %eq3A_657 : i32
          %jit3A_659 = arith.constant 1 : i32
          %select_n3A_660 = arith.select %eq3A_658, %jit3A_659, %jit3A_656 : i32
          %rem3A_661 = arith.remsi %and3A_588, %select_n3A_660 : i32
          %ne3A_662 = arith.constant 0 : i32
          %ne3A_663 = arith.cmpi ne, %rem3A_661, %ne3A_662 : i32
          %lt3A_664 = arith.constant 0 : i32
          %lt3A_665 = arith.cmpi slt, %rem3A_661, %lt3A_664 : i32
          %lt3A_666 = arith.constant 0 : i32
          %lt3A_667 = arith.cmpi slt, %select_n3A_660, %lt3A_666 : i32
          %ne3A_668 = arith.xori %lt3A_665, %lt3A_667 : i1
          %and3A_669 = arith.andi %ne3A_668, %ne3A_663 : i1
          %add3A_670 = arith.addi %rem3A_661, %select_n3A_660 : i32
          %select_n3A_671 = arith.select %and3A_669, %add3A_670, %rem3A_661 : i32
          %mul3A_672 = arith.constant 64 : i32
          %mul3A_673 = arith.muli %select_n3A_671, %mul3A_672 : i32
          %add3A_674 = arith.constant 0 : i32
          %add3A_675 = vector.broadcast %add3A_674 : i32 to vector<16xi32>
          %add3A_676 = arith.addi %iota3A, %add3A_675 : vector<16xi32>
          %gather3A = tpu.vector_load_idx %arg14[%add3A_676, %broadcast_in_dim3A_592] : memref<64x128xf32, #tpu.memory_space<vmem>>[vector<16xi32>, vector<16xi32>], vector<16xf32>,
          %add3A_677 = arith.constant 0 : i32
          %add3A_678 = arith.addi %mul3A_673, %add3A_677 : i32
          %get3A_679 = arith.index_cast %add3A_678 : i32 to index
          %get3A_680 = tpu.vector_load %arg17[%get3A_679] {strides = array<i32>} : memref<128xf32, #tpu.memory_space<vmem>>, vector<16xf32>,
          %sub3A_681 = arith.subf %get3A_680, %gather3A : vector<16xf32>
          %mul3A_682 = arith.mulf %sub3A_681, %sub3A_681 : vector<16xf32>
          %add3A_683 = arith.addf %while3A_581, %mul3A_682 : vector<16xf32>
          %add3A_684 = arith.constant 16 : i32
          %add3A_685 = vector.broadcast %add3A_684 : i32 to vector<16xi32>
          %add3A_686 = arith.addi %iota3A, %add3A_685 : vector<16xi32>
          %gather3A_687 = tpu.vector_load_idx %arg14[%add3A_686, %broadcast_in_dim3A_592] : memref<64x128xf32, #tpu.memory_space<vmem>>[vector<16xi32>, vector<16xi32>], vector<16xf32>,
          %add3A_688 = arith.constant 16 : i32
          %add3A_689 = arith.addi %mul3A_673, %add3A_688 : i32
          %get3A_690 = arith.index_cast %add3A_689 : i32 to index
          %get3A_691 = tpu.vector_load %arg17[%get3A_690] {strides = array<i32>} : memref<128xf32, #tpu.memory_space<vmem>>, vector<16xf32>,
          %sub3A_692 = arith.subf %get3A_691, %gather3A_687 : vector<16xf32>
          %mul3A_693 = arith.mulf %sub3A_692, %sub3A_692 : vector<16xf32>
          %add3A_694 = arith.addf %while3A_582, %mul3A_693 : vector<16xf32>
          %add3A_695 = arith.constant 32 : i32
          %add3A_696 = vector.broadcast %add3A_695 : i32 to vector<16xi32>
          %add3A_697 = arith.addi %iota3A, %add3A_696 : vector<16xi32>
          %gather3A_698 = tpu.vector_load_idx %arg14[%add3A_697, %broadcast_in_dim3A_592] : memref<64x128xf32, #tpu.memory_space<vmem>>[vector<16xi32>, vector<16xi32>], vector<16xf32>,
          %add3A_699 = arith.constant 32 : i32
          %add3A_700 = arith.addi %mul3A_673, %add3A_699 : i32
          %get3A_701 = arith.index_cast %add3A_700 : i32 to index
          %get3A_702 = tpu.vector_load %arg17[%get3A_701] {strides = array<i32>} : memref<128xf32, #tpu.memory_space<vmem>>, vector<16xf32>,
          %sub3A_703 = arith.subf %get3A_702, %gather3A_698 : vector<16xf32>
          %mul3A_704 = arith.mulf %sub3A_703, %sub3A_703 : vector<16xf32>
          %add3A_705 = arith.addf %while3A_583, %mul3A_704 : vector<16xf32>
          %add3A_706 = arith.constant 48 : i32
          %add3A_707 = vector.broadcast %add3A_706 : i32 to vector<16xi32>
          %add3A_708 = arith.addi %iota3A, %add3A_707 : vector<16xi32>
          %gather3A_709 = tpu.vector_load_idx %arg14[%add3A_708, %broadcast_in_dim3A_592] : memref<64x128xf32, #tpu.memory_space<vmem>>[vector<16xi32>, vector<16xi32>], vector<16xf32>,
          %add3A_710 = arith.constant 48 : i32
          %add3A_711 = arith.addi %mul3A_673, %add3A_710 : i32
          %get3A_712 = arith.index_cast %add3A_711 : i32 to index
          %get3A_713 = tpu.vector_load %arg17[%get3A_712] {strides = array<i32>} : memref<128xf32, #tpu.memory_space<vmem>>, vector<16xf32>,
          %sub3A_714 = arith.subf %get3A_713, %gather3A_709 : vector<16xf32>
          %mul3A_715 = arith.mulf %sub3A_714, %sub3A_714 : vector<16xf32>
          %add3A_716 = arith.addf %while3A_584, %mul3A_715 : vector<16xf32>
          scf.yield %add3A_683, %add3A_694, %add3A_705, %add3A_716 : vector<16xf32>, vector<16xf32>, vector<16xf32>, vector<16xf32>
        }
        %add3A_463 = arith.constant 3 : i32
        %add3A_464 = arith.addi %mul3A_285, %add3A_463 : i32
        %add3A_465 = arith.constant 6 : i32
        %add3A_466 = arith.addi %add3A_464, %add3A_465 : i32
        %sub3A_467 = arith.constant 1 : i32
        %sub3A_468 = arith.subi %max3A_88, %sub3A_467 : i32
        %min3A_469 = arith.minsi %add3A_466, %sub3A_468 : i32
        %get3A_470 = arith.index_cast %min3A_469 : i32 to index
        %get3A_471 = memref.load %arg10[%get3A_470] : memref<253xi32, #tpu.memory_space<smem>>
        %add3A_472 = arith.addi %mul3A_7, %get3A_471 : i32
        %min3A_473 = arith.constant 7812 : i32
        %min3A_474 = arith.minsi %add3A_472, %min3A_473 : i32
        %mul3A_475 = arith.constant 128 : i32
        %mul3A_476 = arith.muli %min3A_474, %mul3A_475 : i32
        %multiple_of3A_477 = tpu.assume_multiple %mul3A_476, 128 : i32
        %dma_start3A_478 = arith.constant 0 : i32
        %dma_start3A_479 = tpu.memref_slice %arg4[%dma_start3A_478, %multiple_of3A_477] : memref<64x1000000xf32, #tpu.memory_space<hbm>> -> memref<64x128xf32, #tpu.memory_space<hbm>>
        %dma_start3A_480 = arith.constant 0 : i32
        %dma_start3A_481 = tpu.memref_slice %arg4[%dma_start3A_480, %multiple_of3A_477] : memref<64x1000000xf32, #tpu.memory_space<hbm>> -> memref<64x128xf32, #tpu.memory_space<hbm>>
        tpu.enqueue_dma source(%dma_start3A_481 : memref<64x128xf32, #tpu.memory_space<hbm>>) target(%arg14 : memref<64x128xf32, #tpu.memory_space<vmem>>) target_semaphore(%arg20 : memref<!tpu.dma_semaphore, #tpu.memory_space<semaphore_mem>>)
        %add3A_482 = arith.constant 0 : i32
        %add3A_483 = arith.addi %mul3A_7, %add3A_482 : i32
        %min3A_484 = arith.constant 7812 : i32
        %min3A_485 = arith.minsi %add3A_483, %min3A_484 : i32
        %mul3A_486 = arith.constant 128 : i32
        %mul3A_487 = arith.muli %min3A_485, %mul3A_486 : i32
        %multiple_of3A_488 = tpu.assume_multiple %mul3A_487, 128 : i32
        %dma_wait3A_489 = arith.constant 0 : i32
        %dma_wait3A_490 = tpu.memref_slice %arg4[%dma_wait3A_489, %multiple_of3A_488] : memref<64x1000000xf32, #tpu.memory_space<hbm>> -> memref<64x128xf32, #tpu.memory_space<hbm>>
        %dma_wait3A_491 = arith.constant 0 : i32
        %dma_wait3A_492 = tpu.memref_slice %arg4[%dma_wait3A_491, %multiple_of3A_488] : memref<64x1000000xf32, #tpu.memory_space<hbm>> -> memref<64x128xf32, #tpu.memory_space<hbm>>
        tpu.wait_dma2 semaphore(%arg20 : memref<!tpu.dma_semaphore, #tpu.memory_space<semaphore_mem>>) src(%dma_wait3A_492 : memref<64x128xf32, #tpu.memory_space<hbm>>) dst(%arg15 : memref<64x128xf32, #tpu.memory_space<vmem>>)
        %add3A_493 = arith.constant 4 : i32
        %add3A_494 = arith.addi %mul3A_285, %add3A_493 : i32
        %sub3A_495 = arith.constant 1 : i32
        %sub3A_496 = arith.subi %max3A_88, %sub3A_495 : i32
        %min3A_497 = arith.minsi %add3A_494, %sub3A_496 : i32
        %get3A_498 = arith.index_cast %min3A_497 : i32 to index
        %get3A_499 = memref.load %arg10[%get3A_498] : memref<253xi32, #tpu.memory_space<smem>>
        %get3A_500 = arith.index_cast %get3A_499 : i32 to index
        %get3A_501 = memref.load %arg9[%get3A_500] : memref<253xi32, #tpu.memory_space<smem>>
        %while3A_502 = arith.subi %get3A_501, %get3A_452 : i32
        %while3A_503 = arith.addi %get3A_452, %while3A_502 : i32
        %while3A_504 = arith.constant 1 : i32
        %while3A_505 = arith.divsi %while3A_502, %while3A_504 : i32
        %while3A_506 = arith.muli %while3A_505, %while3A_504 : i32
        %while3A_507 = arith.addi %get3A_452, %while3A_506 : i32
        %while3A_508 = arith.constant 1 : i32
        %while3A_509:4 = scf.for %while3A_580 = %get3A_452 to %while3A_507 step %while3A_508 iter_args(%while3A_581 = %while3A_462#0, %while3A_582 = %while3A_462#1, %while3A_583 = %while3A_462#2, %while3A_584 = %while3A_462#3) -> (vector<16xf32>, vector<16xf32>, vector<16xf32>, vector<16xf32>)  : i32 {
          %get3A_585 = arith.index_cast %while3A_580 : i32 to index
          %get3A_586 = tpu.vector_load %arg8[%get3A_585] {strides = array<i32>} : memref<4096xi32, #tpu.memory_space<vmem>>, vector<16xi32>,
          %slice3A = vector.extract_strided_slice %get3A_586 {offsets = [0], sizes = [1], strides = [1]} : vector<16xi32> to vector<1xi32>
          %squeeze3A = vector.extract %slice3A[0] : i32 from vector<1xi32>
          %and3A_587 = arith.constant 16383 : i32
          %and3A_588 = arith.andi %squeeze3A, %and3A_587 : i32
          %shift_right_arithmetic3A = arith.constant 14 : i32
          %shift_right_arithmetic3A_589 = arith.shrsi %squeeze3A, %shift_right_arithmetic3A : i32
          %and3A_590 = arith.constant 127 : i32
          %and3A_591 = arith.andi %shift_right_arithmetic3A_589, %and3A_590 : i32
          %broadcast_in_dim3A_592 = vector.broadcast %and3A_591 : i32 to vector<16xi32>
          %jit3A_593 = arith.constant 16 : i32
          %div3A_594 = arith.divsi %and3A_588, %jit3A_593 : i32
          %sign3A_595 = arith.constant 0 : i32
          %sign3A_596 = arith.cmpi sgt, %and3A_588, %sign3A_595 : i32
          %sign3A_597 = arith.extui %sign3A_596 : i1 to i32
          %sign3A_598 = arith.constant 0 : i32
          %sign3A_599 = arith.cmpi slt, %and3A_588, %sign3A_598 : i32
          %sign3A_600 = arith.extui %sign3A_599 : i1 to i32
          %sign3A_601 = arith.subi %sign3A_597, %sign3A_600 : i32
          %sign3A_602 = arith.constant 0 : i32
          %sign3A_603 = arith.cmpi sgt, %jit3A_593, %sign3A_602 : i32
          %sign3A_604 = arith.extui %sign3A_603 : i1 to i32
          %sign3A_605 = arith.constant 0 : i32
          %sign3A_606 = arith.cmpi slt, %jit3A_593, %sign3A_605 : i32
          %sign3A_607 = arith.extui %sign3A_606 : i1 to i32
          %sign3A_608 = arith.subi %sign3A_604, %sign3A_607 : i32
          %ne3A_609 = arith.cmpi ne, %sign3A_601, %sign3A_608 : i32
          %rem3A_610 = arith.remsi %and3A_588, %jit3A_593 : i32
          %ne3A_611 = arith.constant 0 : i32
          %ne3A_612 = arith.cmpi ne, %rem3A_610, %ne3A_611 : i32
          %and3A_613 = arith.andi %ne3A_609, %ne3A_612 : i1
          %sub3A_614 = arith.constant 1 : i32
          %sub3A_615 = arith.subi %div3A_594, %sub3A_614 : i32
          %select_n3A_616 = arith.select %and3A_613, %sub3A_615, %div3A_594 : i32
          %jit3A_617 = arith.constant 2 : i32
          %div3A_618 = arith.divsi %and3A_588, %jit3A_617 : i32
          %sign3A_619 = arith.constant 0 : i32
          %sign3A_620 = arith.cmpi sgt, %and3A_588, %sign3A_619 : i32
          %sign3A_621 = arith.extui %sign3A_620 : i1 to i32
          %sign3A_622 = arith.constant 0 : i32
          %sign3A_623 = arith.cmpi slt, %and3A_588, %sign3A_622 : i32
          %sign3A_624 = arith.extui %sign3A_623 : i1 to i32
          %sign3A_625 = arith.subi %sign3A_621, %sign3A_624 : i32
          %sign3A_626 = arith.constant 0 : i32
          %sign3A_627 = arith.cmpi sgt, %jit3A_617, %sign3A_626 : i32
          %sign3A_628 = arith.extui %sign3A_627 : i1 to i32
          %sign3A_629 = arith.constant 0 : i32
          %sign3A_630 = arith.cmpi slt, %jit3A_617, %sign3A_629 : i32
          %sign3A_631 = arith.extui %sign3A_630 : i1 to i32
          %sign3A_632 = arith.subi %sign3A_628, %sign3A_631 : i32
          %ne3A_633 = arith.cmpi ne, %sign3A_625, %sign3A_632 : i32
          %rem3A_634 = arith.remsi %and3A_588, %jit3A_617 : i32
          %ne3A_635 = arith.constant 0 : i32
          %ne3A_636 = arith.cmpi ne, %rem3A_634, %ne3A_635 : i32
          %and3A_637 = arith.andi %ne3A_633, %ne3A_636 : i1
          %sub3A_638 = arith.constant 1 : i32
          %sub3A_639 = arith.subi %div3A_618, %sub3A_638 : i32
          %select_n3A_640 = arith.select %and3A_637, %sub3A_639, %div3A_618 : i32
          %jit3A_641 = arith.constant 8 : i32
          %eq3A_642 = arith.constant 0 : i32
          %eq3A_643 = arith.cmpi eq, %jit3A_641, %eq3A_642 : i32
          %jit3A_644 = arith.constant 1 : i32
          %select_n3A_645 = arith.select %eq3A_643, %jit3A_644, %jit3A_641 : i32
          %rem3A_646 = arith.remsi %select_n3A_640, %select_n3A_645 : i32
          %ne3A_647 = arith.constant 0 : i32
          %ne3A_648 = arith.cmpi ne, %rem3A_646, %ne3A_647 : i32
          %lt3A = arith.constant 0 : i32
          %lt3A_649 = arith.cmpi slt, %rem3A_646, %lt3A : i32
          %lt3A_650 = arith.constant 0 : i32
          %lt3A_651 = arith.cmpi slt, %select_n3A_645, %lt3A_650 : i32
          %ne3A_652 = arith.xori %lt3A_649, %lt3A_651 : i1
          %and3A_653 = arith.andi %ne3A_652, %ne3A_648 : i1
          %add3A_654 = arith.addi %rem3A_646, %select_n3A_645 : i32
          %select_n3A_655 = arith.select %and3A_653, %add3A_654, %rem3A_646 : i32
          "tpu.region"() ({
            %run_scoped3A = tpu.sem_alloc : memref<!tpu.dma_semaphore, #tpu.memory_space<semaphore_mem>>
            %dma_start3A_717 = arith.constant 0 : i32
            %dma_start3A_718 = tpu.memref_slice %arg19[%select_n3A_616, %select_n3A_655, %dma_start3A_717] : memref<1024x8x128xf32, #tpu.memory_space<vmem_shared>> -> memref<1x1x128xf32, #tpu.memory_space<vmem_shared>>
            %dma_start3A_719 = tpu.memref_squeeze %dma_start3A_718 : memref<1x1x128xf32, #tpu.memory_space<vmem_shared>> -> memref<128xf32, #tpu.memory_space<vmem_shared>>
            %dma_start3A_720 = arith.constant 0 : i32
            %dma_start3A_721 = tpu.memref_slice %arg19[%select_n3A_616, %select_n3A_655, %dma_start3A_720] : memref<1024x8x128xf32, #tpu.memory_space<vmem_shared>> -> memref<1x1x128xf32, #tpu.memory_space<vmem_shared>>
            %dma_start3A_722 = tpu.memref_squeeze %dma_start3A_721 : memref<1x1x128xf32, #tpu.memory_space<vmem_shared>> -> memref<128xf32, #tpu.memory_space<vmem_shared>>
            tpu.enqueue_dma source(%dma_start3A_722 : memref<128xf32, #tpu.memory_space<vmem_shared>>) target(%arg17 : memref<128xf32, #tpu.memory_space<vmem>>) target_semaphore(%run_scoped3A : memref<!tpu.dma_semaphore, #tpu.memory_space<semaphore_mem>>)
            %dma_wait3A_723 = arith.constant 0 : i32
            %dma_wait3A_724 = tpu.memref_slice %arg19[%select_n3A_616, %select_n3A_655, %dma_wait3A_723] : memref<1024x8x128xf32, #tpu.memory_space<vmem_shared>> -> memref<1x1x128xf32, #tpu.memory_space<vmem_shared>>
            %dma_wait3A_725 = tpu.memref_squeeze %dma_wait3A_724 : memref<1x1x128xf32, #tpu.memory_space<vmem_shared>> -> memref<128xf32, #tpu.memory_space<vmem_shared>>
            %dma_wait3A_726 = arith.constant 0 : i32
            %dma_wait3A_727 = tpu.memref_slice %arg19[%select_n3A_616, %select_n3A_655, %dma_wait3A_726] : memref<1024x8x128xf32, #tpu.memory_space<vmem_shared>> -> memref<1x1x128xf32, #tpu.memory_space<vmem_shared>>
            %dma_wait3A_728 = tpu.memref_squeeze %dma_wait3A_727 : memref<1x1x128xf32, #tpu.memory_space<vmem_shared>> -> memref<128xf32, #tpu.memory_space<vmem_shared>>
            tpu.wait_dma2 semaphore(%run_scoped3A : memref<!tpu.dma_semaphore, #tpu.memory_space<semaphore_mem>>) src(%dma_wait3A_728 : memref<128xf32, #tpu.memory_space<vmem_shared>>) dst(%arg17 : memref<128xf32, #tpu.memory_space<vmem>>)
            tpu.yield
          }) : () -> ()
          %jit3A_656 = arith.constant 2 : i32
          %eq3A_657 = arith.constant 0 : i32
          %eq3A_658 = arith.cmpi eq, %jit3A_656, %eq3A_657 : i32
          %jit3A_659 = arith.constant 1 : i32
          %select_n3A_660 = arith.select %eq3A_658, %jit3A_659, %jit3A_656 : i32
          %rem3A_661 = arith.remsi %and3A_588, %select_n3A_660 : i32
          %ne3A_662 = arith.constant 0 : i32
          %ne3A_663 = arith.cmpi ne, %rem3A_661, %ne3A_662 : i32
          %lt3A_664 = arith.constant 0 : i32
          %lt3A_665 = arith.cmpi slt, %rem3A_661, %lt3A_664 : i32
          %lt3A_666 = arith.constant 0 : i32
          %lt3A_667 = arith.cmpi slt, %select_n3A_660, %lt3A_666 : i32
          %ne3A_668 = arith.xori %lt3A_665, %lt3A_667 : i1
          %and3A_669 = arith.andi %ne3A_668, %ne3A_663 : i1
          %add3A_670 = arith.addi %rem3A_661, %select_n3A_660 : i32
          %select_n3A_671 = arith.select %and3A_669, %add3A_670, %rem3A_661 : i32
          %mul3A_672 = arith.constant 64 : i32
          %mul3A_673 = arith.muli %select_n3A_671, %mul3A_672 : i32
          %add3A_674 = arith.constant 0 : i32
          %add3A_675 = vector.broadcast %add3A_674 : i32 to vector<16xi32>
          %add3A_676 = arith.addi %iota3A, %add3A_675 : vector<16xi32>
          %gather3A = tpu.vector_load_idx %arg15[%add3A_676, %broadcast_in_dim3A_592] : memref<64x128xf32, #tpu.memory_space<vmem>>[vector<16xi32>, vector<16xi32>], vector<16xf32>,
          %add3A_677 = arith.constant 0 : i32
          %add3A_678 = arith.addi %mul3A_673, %add3A_677 : i32
          %get3A_679 = arith.index_cast %add3A_678 : i32 to index
          %get3A_680 = tpu.vector_load %arg17[%get3A_679] {strides = array<i32>} : memref<128xf32, #tpu.memory_space<vmem>>, vector<16xf32>,
          %sub3A_681 = arith.subf %get3A_680, %gather3A : vector<16xf32>
          %mul3A_682 = arith.mulf %sub3A_681, %sub3A_681 : vector<16xf32>
          %add3A_683 = arith.addf %while3A_581, %mul3A_682 : vector<16xf32>
          %add3A_684 = arith.constant 16 : i32
          %add3A_685 = vector.broadcast %add3A_684 : i32 to vector<16xi32>
          %add3A_686 = arith.addi %iota3A, %add3A_685 : vector<16xi32>
          %gather3A_687 = tpu.vector_load_idx %arg15[%add3A_686, %broadcast_in_dim3A_592] : memref<64x128xf32, #tpu.memory_space<vmem>>[vector<16xi32>, vector<16xi32>], vector<16xf32>,
          %add3A_688 = arith.constant 16 : i32
          %add3A_689 = arith.addi %mul3A_673, %add3A_688 : i32
          %get3A_690 = arith.index_cast %add3A_689 : i32 to index
          %get3A_691 = tpu.vector_load %arg17[%get3A_690] {strides = array<i32>} : memref<128xf32, #tpu.memory_space<vmem>>, vector<16xf32>,
          %sub3A_692 = arith.subf %get3A_691, %gather3A_687 : vector<16xf32>
          %mul3A_693 = arith.mulf %sub3A_692, %sub3A_692 : vector<16xf32>
          %add3A_694 = arith.addf %while3A_582, %mul3A_693 : vector<16xf32>
          %add3A_695 = arith.constant 32 : i32
          %add3A_696 = vector.broadcast %add3A_695 : i32 to vector<16xi32>
          %add3A_697 = arith.addi %iota3A, %add3A_696 : vector<16xi32>
          %gather3A_698 = tpu.vector_load_idx %arg15[%add3A_697, %broadcast_in_dim3A_592] : memref<64x128xf32, #tpu.memory_space<vmem>>[vector<16xi32>, vector<16xi32>], vector<16xf32>,
          %add3A_699 = arith.constant 32 : i32
          %add3A_700 = arith.addi %mul3A_673, %add3A_699 : i32
          %get3A_701 = arith.index_cast %add3A_700 : i32 to index
          %get3A_702 = tpu.vector_load %arg17[%get3A_701] {strides = array<i32>} : memref<128xf32, #tpu.memory_space<vmem>>, vector<16xf32>,
          %sub3A_703 = arith.subf %get3A_702, %gather3A_698 : vector<16xf32>
          %mul3A_704 = arith.mulf %sub3A_703, %sub3A_703 : vector<16xf32>
          %add3A_705 = arith.addf %while3A_583, %mul3A_704 : vector<16xf32>
          %add3A_706 = arith.constant 48 : i32
          %add3A_707 = vector.broadcast %add3A_706 : i32 to vector<16xi32>
          %add3A_708 = arith.addi %iota3A, %add3A_707 : vector<16xi32>
          %gather3A_709 = tpu.vector_load_idx %arg15[%add3A_708, %broadcast_in_dim3A_592] : memref<64x128xf32, #tpu.memory_space<vmem>>[vector<16xi32>, vector<16xi32>], vector<16xf32>,
          %add3A_710 = arith.constant 48 : i32
          %add3A_711 = arith.addi %mul3A_673, %add3A_710 : i32
          %get3A_712 = arith.index_cast %add3A_711 : i32 to index
          %get3A_713 = tpu.vector_load %arg17[%get3A_712] {strides = array<i32>} : memref<128xf32, #tpu.memory_space<vmem>>, vector<16xf32>,
          %sub3A_714 = arith.subf %get3A_713, %gather3A_709 : vector<16xf32>
          %mul3A_715 = arith.mulf %sub3A_714, %sub3A_714 : vector<16xf32>
          %add3A_716 = arith.addf %while3A_584, %mul3A_715 : vector<16xf32>
          scf.yield %add3A_683, %add3A_694, %add3A_705, %add3A_716 : vector<16xf32>, vector<16xf32>, vector<16xf32>, vector<16xf32>
        }
        %while3A_510 = arith.constant 1 : i32
        %while3A_511:4 = scf.for %while3A_580 = %while3A_507 to %while3A_503 step %while3A_510 iter_args(%while3A_581 = %while3A_509#0, %while3A_582 = %while3A_509#1, %while3A_583 = %while3A_509#2, %while3A_584 = %while3A_509#3) -> (vector<16xf32>, vector<16xf32>, vector<16xf32>, vector<16xf32>)  : i32 {
          %get3A_585 = arith.index_cast %while3A_580 : i32 to index
          %get3A_586 = tpu.vector_load %arg8[%get3A_585] {strides = array<i32>} : memref<4096xi32, #tpu.memory_space<vmem>>, vector<16xi32>,
          %slice3A = vector.extract_strided_slice %get3A_586 {offsets = [0], sizes = [1], strides = [1]} : vector<16xi32> to vector<1xi32>
          %squeeze3A = vector.extract %slice3A[0] : i32 from vector<1xi32>
          %and3A_587 = arith.constant 16383 : i32
          %and3A_588 = arith.andi %squeeze3A, %and3A_587 : i32
          %shift_right_arithmetic3A = arith.constant 14 : i32
          %shift_right_arithmetic3A_589 = arith.shrsi %squeeze3A, %shift_right_arithmetic3A : i32
          %and3A_590 = arith.constant 127 : i32
          %and3A_591 = arith.andi %shift_right_arithmetic3A_589, %and3A_590 : i32
          %broadcast_in_dim3A_592 = vector.broadcast %and3A_591 : i32 to vector<16xi32>
          %jit3A_593 = arith.constant 16 : i32
          %div3A_594 = arith.divsi %and3A_588, %jit3A_593 : i32
          %sign3A_595 = arith.constant 0 : i32
          %sign3A_596 = arith.cmpi sgt, %and3A_588, %sign3A_595 : i32
          %sign3A_597 = arith.extui %sign3A_596 : i1 to i32
          %sign3A_598 = arith.constant 0 : i32
          %sign3A_599 = arith.cmpi slt, %and3A_588, %sign3A_598 : i32
          %sign3A_600 = arith.extui %sign3A_599 : i1 to i32
          %sign3A_601 = arith.subi %sign3A_597, %sign3A_600 : i32
          %sign3A_602 = arith.constant 0 : i32
          %sign3A_603 = arith.cmpi sgt, %jit3A_593, %sign3A_602 : i32
          %sign3A_604 = arith.extui %sign3A_603 : i1 to i32
          %sign3A_605 = arith.constant 0 : i32
          %sign3A_606 = arith.cmpi slt, %jit3A_593, %sign3A_605 : i32
          %sign3A_607 = arith.extui %sign3A_606 : i1 to i32
          %sign3A_608 = arith.subi %sign3A_604, %sign3A_607 : i32
          %ne3A_609 = arith.cmpi ne, %sign3A_601, %sign3A_608 : i32
          %rem3A_610 = arith.remsi %and3A_588, %jit3A_593 : i32
          %ne3A_611 = arith.constant 0 : i32
          %ne3A_612 = arith.cmpi ne, %rem3A_610, %ne3A_611 : i32
          %and3A_613 = arith.andi %ne3A_609, %ne3A_612 : i1
          %sub3A_614 = arith.constant 1 : i32
          %sub3A_615 = arith.subi %div3A_594, %sub3A_614 : i32
          %select_n3A_616 = arith.select %and3A_613, %sub3A_615, %div3A_594 : i32
          %jit3A_617 = arith.constant 2 : i32
          %div3A_618 = arith.divsi %and3A_588, %jit3A_617 : i32
          %sign3A_619 = arith.constant 0 : i32
          %sign3A_620 = arith.cmpi sgt, %and3A_588, %sign3A_619 : i32
          %sign3A_621 = arith.extui %sign3A_620 : i1 to i32
          %sign3A_622 = arith.constant 0 : i32
          %sign3A_623 = arith.cmpi slt, %and3A_588, %sign3A_622 : i32
          %sign3A_624 = arith.extui %sign3A_623 : i1 to i32
          %sign3A_625 = arith.subi %sign3A_621, %sign3A_624 : i32
          %sign3A_626 = arith.constant 0 : i32
          %sign3A_627 = arith.cmpi sgt, %jit3A_617, %sign3A_626 : i32
          %sign3A_628 = arith.extui %sign3A_627 : i1 to i32
          %sign3A_629 = arith.constant 0 : i32
          %sign3A_630 = arith.cmpi slt, %jit3A_617, %sign3A_629 : i32
          %sign3A_631 = arith.extui %sign3A_630 : i1 to i32
          %sign3A_632 = arith.subi %sign3A_628, %sign3A_631 : i32
          %ne3A_633 = arith.cmpi ne, %sign3A_625, %sign3A_632 : i32
          %rem3A_634 = arith.remsi %and3A_588, %jit3A_617 : i32
          %ne3A_635 = arith.constant 0 : i32
          %ne3A_636 = arith.cmpi ne, %rem3A_634, %ne3A_635 : i32
          %and3A_637 = arith.andi %ne3A_633, %ne3A_636 : i1
          %sub3A_638 = arith.constant 1 : i32
          %sub3A_639 = arith.subi %div3A_618, %sub3A_638 : i32
          %select_n3A_640 = arith.select %and3A_637, %sub3A_639, %div3A_618 : i32
          %jit3A_641 = arith.constant 8 : i32
          %eq3A_642 = arith.constant 0 : i32
          %eq3A_643 = arith.cmpi eq, %jit3A_641, %eq3A_642 : i32
          %jit3A_644 = arith.constant 1 : i32
          %select_n3A_645 = arith.select %eq3A_643, %jit3A_644, %jit3A_641 : i32
          %rem3A_646 = arith.remsi %select_n3A_640, %select_n3A_645 : i32
          %ne3A_647 = arith.constant 0 : i32
          %ne3A_648 = arith.cmpi ne, %rem3A_646, %ne3A_647 : i32
          %lt3A = arith.constant 0 : i32
          %lt3A_649 = arith.cmpi slt, %rem3A_646, %lt3A : i32
          %lt3A_650 = arith.constant 0 : i32
          %lt3A_651 = arith.cmpi slt, %select_n3A_645, %lt3A_650 : i32
          %ne3A_652 = arith.xori %lt3A_649, %lt3A_651 : i1
          %and3A_653 = arith.andi %ne3A_652, %ne3A_648 : i1
          %add3A_654 = arith.addi %rem3A_646, %select_n3A_645 : i32
          %select_n3A_655 = arith.select %and3A_653, %add3A_654, %rem3A_646 : i32
          "tpu.region"() ({
            %run_scoped3A = tpu.sem_alloc : memref<!tpu.dma_semaphore, #tpu.memory_space<semaphore_mem>>
            %dma_start3A_717 = arith.constant 0 : i32
            %dma_start3A_718 = tpu.memref_slice %arg19[%select_n3A_616, %select_n3A_655, %dma_start3A_717] : memref<1024x8x128xf32, #tpu.memory_space<vmem_shared>> -> memref<1x1x128xf32, #tpu.memory_space<vmem_shared>>
            %dma_start3A_719 = tpu.memref_squeeze %dma_start3A_718 : memref<1x1x128xf32, #tpu.memory_space<vmem_shared>> -> memref<128xf32, #tpu.memory_space<vmem_shared>>
            %dma_start3A_720 = arith.constant 0 : i32
            %dma_start3A_721 = tpu.memref_slice %arg19[%select_n3A_616, %select_n3A_655, %dma_start3A_720] : memref<1024x8x128xf32, #tpu.memory_space<vmem_shared>> -> memref<1x1x128xf32, #tpu.memory_space<vmem_shared>>
            %dma_start3A_722 = tpu.memref_squeeze %dma_start3A_721 : memref<1x1x128xf32, #tpu.memory_space<vmem_shared>> -> memref<128xf32, #tpu.memory_space<vmem_shared>>
            tpu.enqueue_dma source(%dma_start3A_722 : memref<128xf32, #tpu.memory_space<vmem_shared>>) target(%arg17 : memref<128xf32, #tpu.memory_space<vmem>>) target_semaphore(%run_scoped3A : memref<!tpu.dma_semaphore, #tpu.memory_space<semaphore_mem>>)
            %dma_wait3A_723 = arith.constant 0 : i32
            %dma_wait3A_724 = tpu.memref_slice %arg19[%select_n3A_616, %select_n3A_655, %dma_wait3A_723] : memref<1024x8x128xf32, #tpu.memory_space<vmem_shared>> -> memref<1x1x128xf32, #tpu.memory_space<vmem_shared>>
            %dma_wait3A_725 = tpu.memref_squeeze %dma_wait3A_724 : memref<1x1x128xf32, #tpu.memory_space<vmem_shared>> -> memref<128xf32, #tpu.memory_space<vmem_shared>>
            %dma_wait3A_726 = arith.constant 0 : i32
            %dma_wait3A_727 = tpu.memref_slice %arg19[%select_n3A_616, %select_n3A_655, %dma_wait3A_726] : memref<1024x8x128xf32, #tpu.memory_space<vmem_shared>> -> memref<1x1x128xf32, #tpu.memory_space<vmem_shared>>
            %dma_wait3A_728 = tpu.memref_squeeze %dma_wait3A_727 : memref<1x1x128xf32, #tpu.memory_space<vmem_shared>> -> memref<128xf32, #tpu.memory_space<vmem_shared>>
            tpu.wait_dma2 semaphore(%run_scoped3A : memref<!tpu.dma_semaphore, #tpu.memory_space<semaphore_mem>>) src(%dma_wait3A_728 : memref<128xf32, #tpu.memory_space<vmem_shared>>) dst(%arg17 : memref<128xf32, #tpu.memory_space<vmem>>)
            tpu.yield
          }) : () -> ()
          %jit3A_656 = arith.constant 2 : i32
          %eq3A_657 = arith.constant 0 : i32
          %eq3A_658 = arith.cmpi eq, %jit3A_656, %eq3A_657 : i32
          %jit3A_659 = arith.constant 1 : i32
          %select_n3A_660 = arith.select %eq3A_658, %jit3A_659, %jit3A_656 : i32
          %rem3A_661 = arith.remsi %and3A_588, %select_n3A_660 : i32
          %ne3A_662 = arith.constant 0 : i32
          %ne3A_663 = arith.cmpi ne, %rem3A_661, %ne3A_662 : i32
          %lt3A_664 = arith.constant 0 : i32
          %lt3A_665 = arith.cmpi slt, %rem3A_661, %lt3A_664 : i32
          %lt3A_666 = arith.constant 0 : i32
          %lt3A_667 = arith.cmpi slt, %select_n3A_660, %lt3A_666 : i32
          %ne3A_668 = arith.xori %lt3A_665, %lt3A_667 : i1
          %and3A_669 = arith.andi %ne3A_668, %ne3A_663 : i1
          %add3A_670 = arith.addi %rem3A_661, %select_n3A_660 : i32
          %select_n3A_671 = arith.select %and3A_669, %add3A_670, %rem3A_661 : i32
          %mul3A_672 = arith.constant 64 : i32
          %mul3A_673 = arith.muli %select_n3A_671, %mul3A_672 : i32
          %add3A_674 = arith.constant 0 : i32
          %add3A_675 = vector.broadcast %add3A_674 : i32 to vector<16xi32>
          %add3A_676 = arith.addi %iota3A, %add3A_675 : vector<16xi32>
          %gather3A = tpu.vector_load_idx %arg15[%add3A_676, %broadcast_in_dim3A_592] : memref<64x128xf32, #tpu.memory_space<vmem>>[vector<16xi32>, vector<16xi32>], vector<16xf32>,
          %add3A_677 = arith.constant 0 : i32
          %add3A_678 = arith.addi %mul3A_673, %add3A_677 : i32
          %get3A_679 = arith.index_cast %add3A_678 : i32 to index
          %get3A_680 = tpu.vector_load %arg17[%get3A_679] {strides = array<i32>} : memref<128xf32, #tpu.memory_space<vmem>>, vector<16xf32>,
          %sub3A_681 = arith.subf %get3A_680, %gather3A : vector<16xf32>
          %mul3A_682 = arith.mulf %sub3A_681, %sub3A_681 : vector<16xf32>
          %add3A_683 = arith.addf %while3A_581, %mul3A_682 : vector<16xf32>
          %add3A_684 = arith.constant 16 : i32
          %add3A_685 = vector.broadcast %add3A_684 : i32 to vector<16xi32>
          %add3A_686 = arith.addi %iota3A, %add3A_685 : vector<16xi32>
          %gather3A_687 = tpu.vector_load_idx %arg15[%add3A_686, %broadcast_in_dim3A_592] : memref<64x128xf32, #tpu.memory_space<vmem>>[vector<16xi32>, vector<16xi32>], vector<16xf32>,
          %add3A_688 = arith.constant 16 : i32
          %add3A_689 = arith.addi %mul3A_673, %add3A_688 : i32
          %get3A_690 = arith.index_cast %add3A_689 : i32 to index
          %get3A_691 = tpu.vector_load %arg17[%get3A_690] {strides = array<i32>} : memref<128xf32, #tpu.memory_space<vmem>>, vector<16xf32>,
          %sub3A_692 = arith.subf %get3A_691, %gather3A_687 : vector<16xf32>
          %mul3A_693 = arith.mulf %sub3A_692, %sub3A_692 : vector<16xf32>
          %add3A_694 = arith.addf %while3A_582, %mul3A_693 : vector<16xf32>
          %add3A_695 = arith.constant 32 : i32
          %add3A_696 = vector.broadcast %add3A_695 : i32 to vector<16xi32>
          %add3A_697 = arith.addi %iota3A, %add3A_696 : vector<16xi32>
          %gather3A_698 = tpu.vector_load_idx %arg15[%add3A_697, %broadcast_in_dim3A_592] : memref<64x128xf32, #tpu.memory_space<vmem>>[vector<16xi32>, vector<16xi32>], vector<16xf32>,
          %add3A_699 = arith.constant 32 : i32
          %add3A_700 = arith.addi %mul3A_673, %add3A_699 : i32
          %get3A_701 = arith.index_cast %add3A_700 : i32 to index
          %get3A_702 = tpu.vector_load %arg17[%get3A_701] {strides = array<i32>} : memref<128xf32, #tpu.memory_space<vmem>>, vector<16xf32>,
          %sub3A_703 = arith.subf %get3A_702, %gather3A_698 : vector<16xf32>
          %mul3A_704 = arith.mulf %sub3A_703, %sub3A_703 : vector<16xf32>
          %add3A_705 = arith.addf %while3A_583, %mul3A_704 : vector<16xf32>
          %add3A_706 = arith.constant 48 : i32
          %add3A_707 = vector.broadcast %add3A_706 : i32 to vector<16xi32>
          %add3A_708 = arith.addi %iota3A, %add3A_707 : vector<16xi32>
          %gather3A_709 = tpu.vector_load_idx %arg15[%add3A_708, %broadcast_in_dim3A_592] : memref<64x128xf32, #tpu.memory_space<vmem>>[vector<16xi32>, vector<16xi32>], vector<16xf32>,
          %add3A_710 = arith.constant 48 : i32
          %add3A_711 = arith.addi %mul3A_673, %add3A_710 : i32
          %get3A_712 = arith.index_cast %add3A_711 : i32 to index
          %get3A_713 = tpu.vector_load %arg17[%get3A_712] {strides = array<i32>} : memref<128xf32, #tpu.memory_space<vmem>>, vector<16xf32>,
          %sub3A_714 = arith.subf %get3A_713, %gather3A_709 : vector<16xf32>
          %mul3A_715 = arith.mulf %sub3A_714, %sub3A_714 : vector<16xf32>
          %add3A_716 = arith.addf %while3A_584, %mul3A_715 : vector<16xf32>
          scf.yield %add3A_683, %add3A_694, %add3A_705, %add3A_716 : vector<16xf32>, vector<16xf32>, vector<16xf32>, vector<16xf32>
        }
        %add3A_512 = arith.constant 4 : i32
        %add3A_513 = arith.addi %mul3A_285, %add3A_512 : i32
        %add3A_514 = arith.constant 6 : i32
        %add3A_515 = arith.addi %add3A_513, %add3A_514 : i32
        %sub3A_516 = arith.constant 1 : i32
        %sub3A_517 = arith.subi %max3A_88, %sub3A_516 : i32
        %min3A_518 = arith.minsi %add3A_515, %sub3A_517 : i32
        %get3A_519 = arith.index_cast %min3A_518 : i32 to index
        %get3A_520 = memref.load %arg10[%get3A_519] : memref<253xi32, #tpu.memory_space<smem>>
        %add3A_521 = arith.addi %mul3A_7, %get3A_520 : i32
        %min3A_522 = arith.constant 7812 : i32
        %min3A_523 = arith.minsi %add3A_521, %min3A_522 : i32
        %mul3A_524 = arith.constant 128 : i32
        %mul3A_525 = arith.muli %min3A_523, %mul3A_524 : i32
        %multiple_of3A_526 = tpu.assume_multiple %mul3A_525, 128 : i32
        %dma_start3A_527 = arith.constant 0 : i32
        %dma_start3A_528 = tpu.memref_slice %arg4[%dma_start3A_527, %multiple_of3A_526] : memref<64x1000000xf32, #tpu.memory_space<hbm>> -> memref<64x128xf32, #tpu.memory_space<hbm>>
        %dma_start3A_529 = arith.constant 0 : i32
        %dma_start3A_530 = tpu.memref_slice %arg4[%dma_start3A_529, %multiple_of3A_526] : memref<64x1000000xf32, #tpu.memory_space<hbm>> -> memref<64x128xf32, #tpu.memory_space<hbm>>
        tpu.enqueue_dma source(%dma_start3A_530 : memref<64x128xf32, #tpu.memory_space<hbm>>) target(%arg15 : memref<64x128xf32, #tpu.memory_space<vmem>>) target_semaphore(%arg20 : memref<!tpu.dma_semaphore, #tpu.memory_space<semaphore_mem>>)
        %add3A_531 = arith.constant 0 : i32
        %add3A_532 = arith.addi %mul3A_7, %add3A_531 : i32
        %min3A_533 = arith.constant 7812 : i32
        %min3A_534 = arith.minsi %add3A_532, %min3A_533 : i32
        %mul3A_535 = arith.constant 128 : i32
        %mul3A_536 = arith.muli %min3A_534, %mul3A_535 : i32
        %multiple_of3A_537 = tpu.assume_multiple %mul3A_536, 128 : i32
        %dma_wait3A_538 = arith.constant 0 : i32
        %dma_wait3A_539 = tpu.memref_slice %arg4[%dma_wait3A_538, %multiple_of3A_537] : memref<64x1000000xf32, #tpu.memory_space<hbm>> -> memref<64x128xf32, #tpu.memory_space<hbm>>
        %dma_wait3A_540 = arith.constant 0 : i32
        %dma_wait3A_541 = tpu.memref_slice %arg4[%dma_wait3A_540, %multiple_of3A_537] : memref<64x1000000xf32, #tpu.memory_space<hbm>> -> memref<64x128xf32, #tpu.memory_space<hbm>>
        tpu.wait_dma2 semaphore(%arg20 : memref<!tpu.dma_semaphore, #tpu.memory_space<semaphore_mem>>) src(%dma_wait3A_541 : memref<64x128xf32, #tpu.memory_space<hbm>>) dst(%arg16 : memref<64x128xf32, #tpu.memory_space<vmem>>)
        %add3A_542 = arith.constant 5 : i32
        %add3A_543 = arith.addi %mul3A_285, %add3A_542 : i32
        %sub3A_544 = arith.constant 1 : i32
        %sub3A_545 = arith.subi %max3A_88, %sub3A_544 : i32
        %min3A_546 = arith.minsi %add3A_543, %sub3A_545 : i32
        %get3A_547 = arith.index_cast %min3A_546 : i32 to index
        %get3A_548 = memref.load %arg10[%get3A_547] : memref<253xi32, #tpu.memory_space<smem>>
        %get3A_549 = arith.index_cast %get3A_548 : i32 to index
        %get3A_550 = memref.load %arg9[%get3A_549] : memref<253xi32, #tpu.memory_space<smem>>
        %while3A_551 = arith.subi %get3A_550, %get3A_501 : i32
        %while3A_552 = arith.addi %get3A_501, %while3A_551 : i32
        %while3A_553 = arith.constant 1 : i32
        %while3A_554 = arith.divsi %while3A_551, %while3A_553 : i32
        %while3A_555 = arith.muli %while3A_554, %while3A_553 : i32
        %while3A_556 = arith.addi %get3A_501, %while3A_555 : i32
        %while3A_557 = arith.constant 1 : i32
        %while3A_558:4 = scf.for %while3A_580 = %get3A_501 to %while3A_556 step %while3A_557 iter_args(%while3A_581 = %while3A_511#0, %while3A_582 = %while3A_511#1, %while3A_583 = %while3A_511#2, %while3A_584 = %while3A_511#3) -> (vector<16xf32>, vector<16xf32>, vector<16xf32>, vector<16xf32>)  : i32 {
          %get3A_585 = arith.index_cast %while3A_580 : i32 to index
          %get3A_586 = tpu.vector_load %arg8[%get3A_585] {strides = array<i32>} : memref<4096xi32, #tpu.memory_space<vmem>>, vector<16xi32>,
          %slice3A = vector.extract_strided_slice %get3A_586 {offsets = [0], sizes = [1], strides = [1]} : vector<16xi32> to vector<1xi32>
          %squeeze3A = vector.extract %slice3A[0] : i32 from vector<1xi32>
          %and3A_587 = arith.constant 16383 : i32
          %and3A_588 = arith.andi %squeeze3A, %and3A_587 : i32
          %shift_right_arithmetic3A = arith.constant 14 : i32
          %shift_right_arithmetic3A_589 = arith.shrsi %squeeze3A, %shift_right_arithmetic3A : i32
          %and3A_590 = arith.constant 127 : i32
          %and3A_591 = arith.andi %shift_right_arithmetic3A_589, %and3A_590 : i32
          %broadcast_in_dim3A_592 = vector.broadcast %and3A_591 : i32 to vector<16xi32>
          %jit3A_593 = arith.constant 16 : i32
          %div3A_594 = arith.divsi %and3A_588, %jit3A_593 : i32
          %sign3A_595 = arith.constant 0 : i32
          %sign3A_596 = arith.cmpi sgt, %and3A_588, %sign3A_595 : i32
          %sign3A_597 = arith.extui %sign3A_596 : i1 to i32
          %sign3A_598 = arith.constant 0 : i32
          %sign3A_599 = arith.cmpi slt, %and3A_588, %sign3A_598 : i32
          %sign3A_600 = arith.extui %sign3A_599 : i1 to i32
          %sign3A_601 = arith.subi %sign3A_597, %sign3A_600 : i32
          %sign3A_602 = arith.constant 0 : i32
          %sign3A_603 = arith.cmpi sgt, %jit3A_593, %sign3A_602 : i32
          %sign3A_604 = arith.extui %sign3A_603 : i1 to i32
          %sign3A_605 = arith.constant 0 : i32
          %sign3A_606 = arith.cmpi slt, %jit3A_593, %sign3A_605 : i32
          %sign3A_607 = arith.extui %sign3A_606 : i1 to i32
          %sign3A_608 = arith.subi %sign3A_604, %sign3A_607 : i32
          %ne3A_609 = arith.cmpi ne, %sign3A_601, %sign3A_608 : i32
          %rem3A_610 = arith.remsi %and3A_588, %jit3A_593 : i32
          %ne3A_611 = arith.constant 0 : i32
          %ne3A_612 = arith.cmpi ne, %rem3A_610, %ne3A_611 : i32
          %and3A_613 = arith.andi %ne3A_609, %ne3A_612 : i1
          %sub3A_614 = arith.constant 1 : i32
          %sub3A_615 = arith.subi %div3A_594, %sub3A_614 : i32
          %select_n3A_616 = arith.select %and3A_613, %sub3A_615, %div3A_594 : i32
          %jit3A_617 = arith.constant 2 : i32
          %div3A_618 = arith.divsi %and3A_588, %jit3A_617 : i32
          %sign3A_619 = arith.constant 0 : i32
          %sign3A_620 = arith.cmpi sgt, %and3A_588, %sign3A_619 : i32
          %sign3A_621 = arith.extui %sign3A_620 : i1 to i32
          %sign3A_622 = arith.constant 0 : i32
          %sign3A_623 = arith.cmpi slt, %and3A_588, %sign3A_622 : i32
          %sign3A_624 = arith.extui %sign3A_623 : i1 to i32
          %sign3A_625 = arith.subi %sign3A_621, %sign3A_624 : i32
          %sign3A_626 = arith.constant 0 : i32
          %sign3A_627 = arith.cmpi sgt, %jit3A_617, %sign3A_626 : i32
          %sign3A_628 = arith.extui %sign3A_627 : i1 to i32
          %sign3A_629 = arith.constant 0 : i32
          %sign3A_630 = arith.cmpi slt, %jit3A_617, %sign3A_629 : i32
          %sign3A_631 = arith.extui %sign3A_630 : i1 to i32
          %sign3A_632 = arith.subi %sign3A_628, %sign3A_631 : i32
          %ne3A_633 = arith.cmpi ne, %sign3A_625, %sign3A_632 : i32
          %rem3A_634 = arith.remsi %and3A_588, %jit3A_617 : i32
          %ne3A_635 = arith.constant 0 : i32
          %ne3A_636 = arith.cmpi ne, %rem3A_634, %ne3A_635 : i32
          %and3A_637 = arith.andi %ne3A_633, %ne3A_636 : i1
          %sub3A_638 = arith.constant 1 : i32
          %sub3A_639 = arith.subi %div3A_618, %sub3A_638 : i32
          %select_n3A_640 = arith.select %and3A_637, %sub3A_639, %div3A_618 : i32
          %jit3A_641 = arith.constant 8 : i32
          %eq3A_642 = arith.constant 0 : i32
          %eq3A_643 = arith.cmpi eq, %jit3A_641, %eq3A_642 : i32
          %jit3A_644 = arith.constant 1 : i32
          %select_n3A_645 = arith.select %eq3A_643, %jit3A_644, %jit3A_641 : i32
          %rem3A_646 = arith.remsi %select_n3A_640, %select_n3A_645 : i32
          %ne3A_647 = arith.constant 0 : i32
          %ne3A_648 = arith.cmpi ne, %rem3A_646, %ne3A_647 : i32
          %lt3A = arith.constant 0 : i32
          %lt3A_649 = arith.cmpi slt, %rem3A_646, %lt3A : i32
          %lt3A_650 = arith.constant 0 : i32
          %lt3A_651 = arith.cmpi slt, %select_n3A_645, %lt3A_650 : i32
          %ne3A_652 = arith.xori %lt3A_649, %lt3A_651 : i1
          %and3A_653 = arith.andi %ne3A_652, %ne3A_648 : i1
          %add3A_654 = arith.addi %rem3A_646, %select_n3A_645 : i32
          %select_n3A_655 = arith.select %and3A_653, %add3A_654, %rem3A_646 : i32
          "tpu.region"() ({
            %run_scoped3A = tpu.sem_alloc : memref<!tpu.dma_semaphore, #tpu.memory_space<semaphore_mem>>
            %dma_start3A_717 = arith.constant 0 : i32
            %dma_start3A_718 = tpu.memref_slice %arg19[%select_n3A_616, %select_n3A_655, %dma_start3A_717] : memref<1024x8x128xf32, #tpu.memory_space<vmem_shared>> -> memref<1x1x128xf32, #tpu.memory_space<vmem_shared>>
            %dma_start3A_719 = tpu.memref_squeeze %dma_start3A_718 : memref<1x1x128xf32, #tpu.memory_space<vmem_shared>> -> memref<128xf32, #tpu.memory_space<vmem_shared>>
            %dma_start3A_720 = arith.constant 0 : i32
            %dma_start3A_721 = tpu.memref_slice %arg19[%select_n3A_616, %select_n3A_655, %dma_start3A_720] : memref<1024x8x128xf32, #tpu.memory_space<vmem_shared>> -> memref<1x1x128xf32, #tpu.memory_space<vmem_shared>>
            %dma_start3A_722 = tpu.memref_squeeze %dma_start3A_721 : memref<1x1x128xf32, #tpu.memory_space<vmem_shared>> -> memref<128xf32, #tpu.memory_space<vmem_shared>>
            tpu.enqueue_dma source(%dma_start3A_722 : memref<128xf32, #tpu.memory_space<vmem_shared>>) target(%arg17 : memref<128xf32, #tpu.memory_space<vmem>>) target_semaphore(%run_scoped3A : memref<!tpu.dma_semaphore, #tpu.memory_space<semaphore_mem>>)
            %dma_wait3A_723 = arith.constant 0 : i32
            %dma_wait3A_724 = tpu.memref_slice %arg19[%select_n3A_616, %select_n3A_655, %dma_wait3A_723] : memref<1024x8x128xf32, #tpu.memory_space<vmem_shared>> -> memref<1x1x128xf32, #tpu.memory_space<vmem_shared>>
            %dma_wait3A_725 = tpu.memref_squeeze %dma_wait3A_724 : memref<1x1x128xf32, #tpu.memory_space<vmem_shared>> -> memref<128xf32, #tpu.memory_space<vmem_shared>>
            %dma_wait3A_726 = arith.constant 0 : i32
            %dma_wait3A_727 = tpu.memref_slice %arg19[%select_n3A_616, %select_n3A_655, %dma_wait3A_726] : memref<1024x8x128xf32, #tpu.memory_space<vmem_shared>> -> memref<1x1x128xf32, #tpu.memory_space<vmem_shared>>
            %dma_wait3A_728 = tpu.memref_squeeze %dma_wait3A_727 : memref<1x1x128xf32, #tpu.memory_space<vmem_shared>> -> memref<128xf32, #tpu.memory_space<vmem_shared>>
            tpu.wait_dma2 semaphore(%run_scoped3A : memref<!tpu.dma_semaphore, #tpu.memory_space<semaphore_mem>>) src(%dma_wait3A_728 : memref<128xf32, #tpu.memory_space<vmem_shared>>) dst(%arg17 : memref<128xf32, #tpu.memory_space<vmem>>)
            tpu.yield
          }) : () -> ()
          %jit3A_656 = arith.constant 2 : i32
          %eq3A_657 = arith.constant 0 : i32
          %eq3A_658 = arith.cmpi eq, %jit3A_656, %eq3A_657 : i32
          %jit3A_659 = arith.constant 1 : i32
          %select_n3A_660 = arith.select %eq3A_658, %jit3A_659, %jit3A_656 : i32
          %rem3A_661 = arith.remsi %and3A_588, %select_n3A_660 : i32
          %ne3A_662 = arith.constant 0 : i32
          %ne3A_663 = arith.cmpi ne, %rem3A_661, %ne3A_662 : i32
          %lt3A_664 = arith.constant 0 : i32
          %lt3A_665 = arith.cmpi slt, %rem3A_661, %lt3A_664 : i32
          %lt3A_666 = arith.constant 0 : i32
          %lt3A_667 = arith.cmpi slt, %select_n3A_660, %lt3A_666 : i32
          %ne3A_668 = arith.xori %lt3A_665, %lt3A_667 : i1
          %and3A_669 = arith.andi %ne3A_668, %ne3A_663 : i1
          %add3A_670 = arith.addi %rem3A_661, %select_n3A_660 : i32
          %select_n3A_671 = arith.select %and3A_669, %add3A_670, %rem3A_661 : i32
          %mul3A_672 = arith.constant 64 : i32
          %mul3A_673 = arith.muli %select_n3A_671, %mul3A_672 : i32
          %add3A_674 = arith.constant 0 : i32
          %add3A_675 = vector.broadcast %add3A_674 : i32 to vector<16xi32>
          %add3A_676 = arith.addi %iota3A, %add3A_675 : vector<16xi32>
          %gather3A = tpu.vector_load_idx %arg16[%add3A_676, %broadcast_in_dim3A_592] : memref<64x128xf32, #tpu.memory_space<vmem>>[vector<16xi32>, vector<16xi32>], vector<16xf32>,
          %add3A_677 = arith.constant 0 : i32
          %add3A_678 = arith.addi %mul3A_673, %add3A_677 : i32
          %get3A_679 = arith.index_cast %add3A_678 : i32 to index
          %get3A_680 = tpu.vector_load %arg17[%get3A_679] {strides = array<i32>} : memref<128xf32, #tpu.memory_space<vmem>>, vector<16xf32>,
          %sub3A_681 = arith.subf %get3A_680, %gather3A : vector<16xf32>
          %mul3A_682 = arith.mulf %sub3A_681, %sub3A_681 : vector<16xf32>
          %add3A_683 = arith.addf %while3A_581, %mul3A_682 : vector<16xf32>
          %add3A_684 = arith.constant 16 : i32
          %add3A_685 = vector.broadcast %add3A_684 : i32 to vector<16xi32>
          %add3A_686 = arith.addi %iota3A, %add3A_685 : vector<16xi32>
          %gather3A_687 = tpu.vector_load_idx %arg16[%add3A_686, %broadcast_in_dim3A_592] : memref<64x128xf32, #tpu.memory_space<vmem>>[vector<16xi32>, vector<16xi32>], vector<16xf32>,
          %add3A_688 = arith.constant 16 : i32
          %add3A_689 = arith.addi %mul3A_673, %add3A_688 : i32
          %get3A_690 = arith.index_cast %add3A_689 : i32 to index
          %get3A_691 = tpu.vector_load %arg17[%get3A_690] {strides = array<i32>} : memref<128xf32, #tpu.memory_space<vmem>>, vector<16xf32>,
          %sub3A_692 = arith.subf %get3A_691, %gather3A_687 : vector<16xf32>
          %mul3A_693 = arith.mulf %sub3A_692, %sub3A_692 : vector<16xf32>
          %add3A_694 = arith.addf %while3A_582, %mul3A_693 : vector<16xf32>
          %add3A_695 = arith.constant 32 : i32
          %add3A_696 = vector.broadcast %add3A_695 : i32 to vector<16xi32>
          %add3A_697 = arith.addi %iota3A, %add3A_696 : vector<16xi32>
          %gather3A_698 = tpu.vector_load_idx %arg16[%add3A_697, %broadcast_in_dim3A_592] : memref<64x128xf32, #tpu.memory_space<vmem>>[vector<16xi32>, vector<16xi32>], vector<16xf32>,
          %add3A_699 = arith.constant 32 : i32
          %add3A_700 = arith.addi %mul3A_673, %add3A_699 : i32
          %get3A_701 = arith.index_cast %add3A_700 : i32 to index
          %get3A_702 = tpu.vector_load %arg17[%get3A_701] {strides = array<i32>} : memref<128xf32, #tpu.memory_space<vmem>>, vector<16xf32>,
          %sub3A_703 = arith.subf %get3A_702, %gather3A_698 : vector<16xf32>
          %mul3A_704 = arith.mulf %sub3A_703, %sub3A_703 : vector<16xf32>
          %add3A_705 = arith.addf %while3A_583, %mul3A_704 : vector<16xf32>
          %add3A_706 = arith.constant 48 : i32
          %add3A_707 = vector.broadcast %add3A_706 : i32 to vector<16xi32>
          %add3A_708 = arith.addi %iota3A, %add3A_707 : vector<16xi32>
          %gather3A_709 = tpu.vector_load_idx %arg16[%add3A_708, %broadcast_in_dim3A_592] : memref<64x128xf32, #tpu.memory_space<vmem>>[vector<16xi32>, vector<16xi32>], vector<16xf32>,
          %add3A_710 = arith.constant 48 : i32
          %add3A_711 = arith.addi %mul3A_673, %add3A_710 : i32
          %get3A_712 = arith.index_cast %add3A_711 : i32 to index
          %get3A_713 = tpu.vector_load %arg17[%get3A_712] {strides = array<i32>} : memref<128xf32, #tpu.memory_space<vmem>>, vector<16xf32>,
          %sub3A_714 = arith.subf %get3A_713, %gather3A_709 : vector<16xf32>
          %mul3A_715 = arith.mulf %sub3A_714, %sub3A_714 : vector<16xf32>
          %add3A_716 = arith.addf %while3A_584, %mul3A_715 : vector<16xf32>
          scf.yield %add3A_683, %add3A_694, %add3A_705, %add3A_716 : vector<16xf32>, vector<16xf32>, vector<16xf32>, vector<16xf32>
        }
        %while3A_559 = arith.constant 1 : i32
        %while3A_560:4 = scf.for %while3A_580 = %while3A_556 to %while3A_552 step %while3A_559 iter_args(%while3A_581 = %while3A_558#0, %while3A_582 = %while3A_558#1, %while3A_583 = %while3A_558#2, %while3A_584 = %while3A_558#3) -> (vector<16xf32>, vector<16xf32>, vector<16xf32>, vector<16xf32>)  : i32 {
          %get3A_585 = arith.index_cast %while3A_580 : i32 to index
          %get3A_586 = tpu.vector_load %arg8[%get3A_585] {strides = array<i32>} : memref<4096xi32, #tpu.memory_space<vmem>>, vector<16xi32>,
          %slice3A = vector.extract_strided_slice %get3A_586 {offsets = [0], sizes = [1], strides = [1]} : vector<16xi32> to vector<1xi32>
          %squeeze3A = vector.extract %slice3A[0] : i32 from vector<1xi32>
          %and3A_587 = arith.constant 16383 : i32
          %and3A_588 = arith.andi %squeeze3A, %and3A_587 : i32
          %shift_right_arithmetic3A = arith.constant 14 : i32
          %shift_right_arithmetic3A_589 = arith.shrsi %squeeze3A, %shift_right_arithmetic3A : i32
          %and3A_590 = arith.constant 127 : i32
          %and3A_591 = arith.andi %shift_right_arithmetic3A_589, %and3A_590 : i32
          %broadcast_in_dim3A_592 = vector.broadcast %and3A_591 : i32 to vector<16xi32>
          %jit3A_593 = arith.constant 16 : i32
          %div3A_594 = arith.divsi %and3A_588, %jit3A_593 : i32
          %sign3A_595 = arith.constant 0 : i32
          %sign3A_596 = arith.cmpi sgt, %and3A_588, %sign3A_595 : i32
          %sign3A_597 = arith.extui %sign3A_596 : i1 to i32
          %sign3A_598 = arith.constant 0 : i32
          %sign3A_599 = arith.cmpi slt, %and3A_588, %sign3A_598 : i32
          %sign3A_600 = arith.extui %sign3A_599 : i1 to i32
          %sign3A_601 = arith.subi %sign3A_597, %sign3A_600 : i32
          %sign3A_602 = arith.constant 0 : i32
          %sign3A_603 = arith.cmpi sgt, %jit3A_593, %sign3A_602 : i32
          %sign3A_604 = arith.extui %sign3A_603 : i1 to i32
          %sign3A_605 = arith.constant 0 : i32
          %sign3A_606 = arith.cmpi slt, %jit3A_593, %sign3A_605 : i32
          %sign3A_607 = arith.extui %sign3A_606 : i1 to i32
          %sign3A_608 = arith.subi %sign3A_604, %sign3A_607 : i32
          %ne3A_609 = arith.cmpi ne, %sign3A_601, %sign3A_608 : i32
          %rem3A_610 = arith.remsi %and3A_588, %jit3A_593 : i32
          %ne3A_611 = arith.constant 0 : i32
          %ne3A_612 = arith.cmpi ne, %rem3A_610, %ne3A_611 : i32
          %and3A_613 = arith.andi %ne3A_609, %ne3A_612 : i1
          %sub3A_614 = arith.constant 1 : i32
          %sub3A_615 = arith.subi %div3A_594, %sub3A_614 : i32
          %select_n3A_616 = arith.select %and3A_613, %sub3A_615, %div3A_594 : i32
          %jit3A_617 = arith.constant 2 : i32
          %div3A_618 = arith.divsi %and3A_588, %jit3A_617 : i32
          %sign3A_619 = arith.constant 0 : i32
          %sign3A_620 = arith.cmpi sgt, %and3A_588, %sign3A_619 : i32
          %sign3A_621 = arith.extui %sign3A_620 : i1 to i32
          %sign3A_622 = arith.constant 0 : i32
          %sign3A_623 = arith.cmpi slt, %and3A_588, %sign3A_622 : i32
          %sign3A_624 = arith.extui %sign3A_623 : i1 to i32
          %sign3A_625 = arith.subi %sign3A_621, %sign3A_624 : i32
          %sign3A_626 = arith.constant 0 : i32
          %sign3A_627 = arith.cmpi sgt, %jit3A_617, %sign3A_626 : i32
          %sign3A_628 = arith.extui %sign3A_627 : i1 to i32
          %sign3A_629 = arith.constant 0 : i32
          %sign3A_630 = arith.cmpi slt, %jit3A_617, %sign3A_629 : i32
          %sign3A_631 = arith.extui %sign3A_630 : i1 to i32
          %sign3A_632 = arith.subi %sign3A_628, %sign3A_631 : i32
          %ne3A_633 = arith.cmpi ne, %sign3A_625, %sign3A_632 : i32
          %rem3A_634 = arith.remsi %and3A_588, %jit3A_617 : i32
          %ne3A_635 = arith.constant 0 : i32
          %ne3A_636 = arith.cmpi ne, %rem3A_634, %ne3A_635 : i32
          %and3A_637 = arith.andi %ne3A_633, %ne3A_636 : i1
          %sub3A_638 = arith.constant 1 : i32
          %sub3A_639 = arith.subi %div3A_618, %sub3A_638 : i32
          %select_n3A_640 = arith.select %and3A_637, %sub3A_639, %div3A_618 : i32
          %jit3A_641 = arith.constant 8 : i32
          %eq3A_642 = arith.constant 0 : i32
          %eq3A_643 = arith.cmpi eq, %jit3A_641, %eq3A_642 : i32
          %jit3A_644 = arith.constant 1 : i32
          %select_n3A_645 = arith.select %eq3A_643, %jit3A_644, %jit3A_641 : i32
          %rem3A_646 = arith.remsi %select_n3A_640, %select_n3A_645 : i32
          %ne3A_647 = arith.constant 0 : i32
          %ne3A_648 = arith.cmpi ne, %rem3A_646, %ne3A_647 : i32
          %lt3A = arith.constant 0 : i32
          %lt3A_649 = arith.cmpi slt, %rem3A_646, %lt3A : i32
          %lt3A_650 = arith.constant 0 : i32
          %lt3A_651 = arith.cmpi slt, %select_n3A_645, %lt3A_650 : i32
          %ne3A_652 = arith.xori %lt3A_649, %lt3A_651 : i1
          %and3A_653 = arith.andi %ne3A_652, %ne3A_648 : i1
          %add3A_654 = arith.addi %rem3A_646, %select_n3A_645 : i32
          %select_n3A_655 = arith.select %and3A_653, %add3A_654, %rem3A_646 : i32
          "tpu.region"() ({
            %run_scoped3A = tpu.sem_alloc : memref<!tpu.dma_semaphore, #tpu.memory_space<semaphore_mem>>
            %dma_start3A_717 = arith.constant 0 : i32
            %dma_start3A_718 = tpu.memref_slice %arg19[%select_n3A_616, %select_n3A_655, %dma_start3A_717] : memref<1024x8x128xf32, #tpu.memory_space<vmem_shared>> -> memref<1x1x128xf32, #tpu.memory_space<vmem_shared>>
            %dma_start3A_719 = tpu.memref_squeeze %dma_start3A_718 : memref<1x1x128xf32, #tpu.memory_space<vmem_shared>> -> memref<128xf32, #tpu.memory_space<vmem_shared>>
            %dma_start3A_720 = arith.constant 0 : i32
            %dma_start3A_721 = tpu.memref_slice %arg19[%select_n3A_616, %select_n3A_655, %dma_start3A_720] : memref<1024x8x128xf32, #tpu.memory_space<vmem_shared>> -> memref<1x1x128xf32, #tpu.memory_space<vmem_shared>>
            %dma_start3A_722 = tpu.memref_squeeze %dma_start3A_721 : memref<1x1x128xf32, #tpu.memory_space<vmem_shared>> -> memref<128xf32, #tpu.memory_space<vmem_shared>>
            tpu.enqueue_dma source(%dma_start3A_722 : memref<128xf32, #tpu.memory_space<vmem_shared>>) target(%arg17 : memref<128xf32, #tpu.memory_space<vmem>>) target_semaphore(%run_scoped3A : memref<!tpu.dma_semaphore, #tpu.memory_space<semaphore_mem>>)
            %dma_wait3A_723 = arith.constant 0 : i32
            %dma_wait3A_724 = tpu.memref_slice %arg19[%select_n3A_616, %select_n3A_655, %dma_wait3A_723] : memref<1024x8x128xf32, #tpu.memory_space<vmem_shared>> -> memref<1x1x128xf32, #tpu.memory_space<vmem_shared>>
            %dma_wait3A_725 = tpu.memref_squeeze %dma_wait3A_724 : memref<1x1x128xf32, #tpu.memory_space<vmem_shared>> -> memref<128xf32, #tpu.memory_space<vmem_shared>>
            %dma_wait3A_726 = arith.constant 0 : i32
            %dma_wait3A_727 = tpu.memref_slice %arg19[%select_n3A_616, %select_n3A_655, %dma_wait3A_726] : memref<1024x8x128xf32, #tpu.memory_space<vmem_shared>> -> memref<1x1x128xf32, #tpu.memory_space<vmem_shared>>
            %dma_wait3A_728 = tpu.memref_squeeze %dma_wait3A_727 : memref<1x1x128xf32, #tpu.memory_space<vmem_shared>> -> memref<128xf32, #tpu.memory_space<vmem_shared>>
            tpu.wait_dma2 semaphore(%run_scoped3A : memref<!tpu.dma_semaphore, #tpu.memory_space<semaphore_mem>>) src(%dma_wait3A_728 : memref<128xf32, #tpu.memory_space<vmem_shared>>) dst(%arg17 : memref<128xf32, #tpu.memory_space<vmem>>)
            tpu.yield
          }) : () -> ()
          %jit3A_656 = arith.constant 2 : i32
          %eq3A_657 = arith.constant 0 : i32
          %eq3A_658 = arith.cmpi eq, %jit3A_656, %eq3A_657 : i32
          %jit3A_659 = arith.constant 1 : i32
          %select_n3A_660 = arith.select %eq3A_658, %jit3A_659, %jit3A_656 : i32
          %rem3A_661 = arith.remsi %and3A_588, %select_n3A_660 : i32
          %ne3A_662 = arith.constant 0 : i32
          %ne3A_663 = arith.cmpi ne, %rem3A_661, %ne3A_662 : i32
          %lt3A_664 = arith.constant 0 : i32
          %lt3A_665 = arith.cmpi slt, %rem3A_661, %lt3A_664 : i32
          %lt3A_666 = arith.constant 0 : i32
          %lt3A_667 = arith.cmpi slt, %select_n3A_660, %lt3A_666 : i32
          %ne3A_668 = arith.xori %lt3A_665, %lt3A_667 : i1
          %and3A_669 = arith.andi %ne3A_668, %ne3A_663 : i1
          %add3A_670 = arith.addi %rem3A_661, %select_n3A_660 : i32
          %select_n3A_671 = arith.select %and3A_669, %add3A_670, %rem3A_661 : i32
          %mul3A_672 = arith.constant 64 : i32
          %mul3A_673 = arith.muli %select_n3A_671, %mul3A_672 : i32
          %add3A_674 = arith.constant 0 : i32
          %add3A_675 = vector.broadcast %add3A_674 : i32 to vector<16xi32>
          %add3A_676 = arith.addi %iota3A, %add3A_675 : vector<16xi32>
          %gather3A = tpu.vector_load_idx %arg16[%add3A_676, %broadcast_in_dim3A_592] : memref<64x128xf32, #tpu.memory_space<vmem>>[vector<16xi32>, vector<16xi32>], vector<16xf32>,
          %add3A_677 = arith.constant 0 : i32
          %add3A_678 = arith.addi %mul3A_673, %add3A_677 : i32
          %get3A_679 = arith.index_cast %add3A_678 : i32 to index
          %get3A_680 = tpu.vector_load %arg17[%get3A_679] {strides = array<i32>} : memref<128xf32, #tpu.memory_space<vmem>>, vector<16xf32>,
          %sub3A_681 = arith.subf %get3A_680, %gather3A : vector<16xf32>
          %mul3A_682 = arith.mulf %sub3A_681, %sub3A_681 : vector<16xf32>
          %add3A_683 = arith.addf %while3A_581, %mul3A_682 : vector<16xf32>
          %add3A_684 = arith.constant 16 : i32
          %add3A_685 = vector.broadcast %add3A_684 : i32 to vector<16xi32>
          %add3A_686 = arith.addi %iota3A, %add3A_685 : vector<16xi32>
          %gather3A_687 = tpu.vector_load_idx %arg16[%add3A_686, %broadcast_in_dim3A_592] : memref<64x128xf32, #tpu.memory_space<vmem>>[vector<16xi32>, vector<16xi32>], vector<16xf32>,
          %add3A_688 = arith.constant 16 : i32
          %add3A_689 = arith.addi %mul3A_673, %add3A_688 : i32
          %get3A_690 = arith.index_cast %add3A_689 : i32 to index
          %get3A_691 = tpu.vector_load %arg17[%get3A_690] {strides = array<i32>} : memref<128xf32, #tpu.memory_space<vmem>>, vector<16xf32>,
          %sub3A_692 = arith.subf %get3A_691, %gather3A_687 : vector<16xf32>
          %mul3A_693 = arith.mulf %sub3A_692, %sub3A_692 : vector<16xf32>
          %add3A_694 = arith.addf %while3A_582, %mul3A_693 : vector<16xf32>
          %add3A_695 = arith.constant 32 : i32
          %add3A_696 = vector.broadcast %add3A_695 : i32 to vector<16xi32>
          %add3A_697 = arith.addi %iota3A, %add3A_696 : vector<16xi32>
          %gather3A_698 = tpu.vector_load_idx %arg16[%add3A_697, %broadcast_in_dim3A_592] : memref<64x128xf32, #tpu.memory_space<vmem>>[vector<16xi32>, vector<16xi32>], vector<16xf32>,
          %add3A_699 = arith.constant 32 : i32
          %add3A_700 = arith.addi %mul3A_673, %add3A_699 : i32
          %get3A_701 = arith.index_cast %add3A_700 : i32 to index
          %get3A_702 = tpu.vector_load %arg17[%get3A_701] {strides = array<i32>} : memref<128xf32, #tpu.memory_space<vmem>>, vector<16xf32>,
          %sub3A_703 = arith.subf %get3A_702, %gather3A_698 : vector<16xf32>
          %mul3A_704 = arith.mulf %sub3A_703, %sub3A_703 : vector<16xf32>
          %add3A_705 = arith.addf %while3A_583, %mul3A_704 : vector<16xf32>
          %add3A_706 = arith.constant 48 : i32
          %add3A_707 = vector.broadcast %add3A_706 : i32 to vector<16xi32>
          %add3A_708 = arith.addi %iota3A, %add3A_707 : vector<16xi32>
          %gather3A_709 = tpu.vector_load_idx %arg16[%add3A_708, %broadcast_in_dim3A_592] : memref<64x128xf32, #tpu.memory_space<vmem>>[vector<16xi32>, vector<16xi32>], vector<16xf32>,
          %add3A_710 = arith.constant 48 : i32
          %add3A_711 = arith.addi %mul3A_673, %add3A_710 : i32
          %get3A_712 = arith.index_cast %add3A_711 : i32 to index
          %get3A_713 = tpu.vector_load %arg17[%get3A_712] {strides = array<i32>} : memref<128xf32, #tpu.memory_space<vmem>>, vector<16xf32>,
          %sub3A_714 = arith.subf %get3A_713, %gather3A_709 : vector<16xf32>
          %mul3A_715 = arith.mulf %sub3A_714, %sub3A_714 : vector<16xf32>
          %add3A_716 = arith.addf %while3A_584, %mul3A_715 : vector<16xf32>
          scf.yield %add3A_683, %add3A_694, %add3A_705, %add3A_716 : vector<16xf32>, vector<16xf32>, vector<16xf32>, vector<16xf32>
        }
        %add3A_561 = arith.constant 5 : i32
        %add3A_562 = arith.addi %mul3A_285, %add3A_561 : i32
        %add3A_563 = arith.constant 6 : i32
        %add3A_564 = arith.addi %add3A_562, %add3A_563 : i32
        %sub3A_565 = arith.constant 1 : i32
        %sub3A_566 = arith.subi %max3A_88, %sub3A_565 : i32
        %min3A_567 = arith.minsi %add3A_564, %sub3A_566 : i32
        %get3A_568 = arith.index_cast %min3A_567 : i32 to index
        %get3A_569 = memref.load %arg10[%get3A_568] : memref<253xi32, #tpu.memory_space<smem>>
        %add3A_570 = arith.addi %mul3A_7, %get3A_569 : i32
        %min3A_571 = arith.constant 7812 : i32
        %min3A_572 = arith.minsi %add3A_570, %min3A_571 : i32
        %mul3A_573 = arith.constant 128 : i32
        %mul3A_574 = arith.muli %min3A_572, %mul3A_573 : i32
        %multiple_of3A_575 = tpu.assume_multiple %mul3A_574, 128 : i32
        %dma_start3A_576 = arith.constant 0 : i32
        %dma_start3A_577 = tpu.memref_slice %arg4[%dma_start3A_576, %multiple_of3A_575] : memref<64x1000000xf32, #tpu.memory_space<hbm>> -> memref<64x128xf32, #tpu.memory_space<hbm>>
        %dma_start3A_578 = arith.constant 0 : i32
        %dma_start3A_579 = tpu.memref_slice %arg4[%dma_start3A_578, %multiple_of3A_575] : memref<64x1000000xf32, #tpu.memory_space<hbm>> -> memref<64x128xf32, #tpu.memory_space<hbm>>
        tpu.enqueue_dma source(%dma_start3A_579 : memref<64x128xf32, #tpu.memory_space<hbm>>) target(%arg16 : memref<64x128xf32, #tpu.memory_space<vmem>>) target_semaphore(%arg20 : memref<!tpu.dma_semaphore, #tpu.memory_space<semaphore_mem>>)
        scf.yield %get3A_550, %while3A_560#0, %while3A_560#1, %while3A_560#2, %while3A_560#3 : i32, vector<16xf32>, vector<16xf32>, vector<16xf32>, vector<16xf32>
      }
      %add3A_213 = arith.constant 0 : i32
      %add3A_214 = arith.addi %mul3A_7, %add3A_213 : i32
      %min3A_215 = arith.constant 7812 : i32
      %min3A_216 = arith.minsi %add3A_214, %min3A_215 : i32
      %mul3A_217 = arith.constant 128 : i32
      %mul3A_218 = arith.muli %min3A_216, %mul3A_217 : i32
      %multiple_of3A_219 = tpu.assume_multiple %mul3A_218, 128 : i32
      %dma_wait3A = arith.constant 0 : i32
      %dma_wait3A_220 = tpu.memref_slice %arg4[%dma_wait3A, %multiple_of3A_219] : memref<64x1000000xf32, #tpu.memory_space<hbm>> -> memref<64x128xf32, #tpu.memory_space<hbm>>
      %dma_wait3A_221 = arith.constant 0 : i32
      %dma_wait3A_222 = tpu.memref_slice %arg4[%dma_wait3A_221, %multiple_of3A_219] : memref<64x1000000xf32, #tpu.memory_space<hbm>> -> memref<64x128xf32, #tpu.memory_space<hbm>>
      tpu.wait_dma2 semaphore(%arg20 : memref<!tpu.dma_semaphore, #tpu.memory_space<semaphore_mem>>) src(%dma_wait3A_222 : memref<64x128xf32, #tpu.memory_space<hbm>>) dst(%arg11 : memref<64x128xf32, #tpu.memory_space<vmem>>)
      %add3A_223 = arith.constant 0 : i32
      %add3A_224 = arith.addi %mul3A_7, %add3A_223 : i32
      %min3A_225 = arith.constant 7812 : i32
      %min3A_226 = arith.minsi %add3A_224, %min3A_225 : i32
      %mul3A_227 = arith.constant 128 : i32
      %mul3A_228 = arith.muli %min3A_226, %mul3A_227 : i32
      %multiple_of3A_229 = tpu.assume_multiple %mul3A_228, 128 : i32
      %dma_wait3A_230 = arith.constant 0 : i32
      %dma_wait3A_231 = tpu.memref_slice %arg4[%dma_wait3A_230, %multiple_of3A_229] : memref<64x1000000xf32, #tpu.memory_space<hbm>> -> memref<64x128xf32, #tpu.memory_space<hbm>>
      %dma_wait3A_232 = arith.constant 0 : i32
      %dma_wait3A_233 = tpu.memref_slice %arg4[%dma_wait3A_232, %multiple_of3A_229] : memref<64x1000000xf32, #tpu.memory_space<hbm>> -> memref<64x128xf32, #tpu.memory_space<hbm>>
      tpu.wait_dma2 semaphore(%arg20 : memref<!tpu.dma_semaphore, #tpu.memory_space<semaphore_mem>>) src(%dma_wait3A_233 : memref<64x128xf32, #tpu.memory_space<hbm>>) dst(%arg12 : memref<64x128xf32, #tpu.memory_space<vmem>>)
      %add3A_234 = arith.constant 0 : i32
      %add3A_235 = arith.addi %mul3A_7, %add3A_234 : i32
      %min3A_236 = arith.constant 7812 : i32
      %min3A_237 = arith.minsi %add3A_235, %min3A_236 : i32
      %mul3A_238 = arith.constant 128 : i32
      %mul3A_239 = arith.muli %min3A_237, %mul3A_238 : i32
      %multiple_of3A_240 = tpu.assume_multiple %mul3A_239, 128 : i32
      %dma_wait3A_241 = arith.constant 0 : i32
      %dma_wait3A_242 = tpu.memref_slice %arg4[%dma_wait3A_241, %multiple_of3A_240] : memref<64x1000000xf32, #tpu.memory_space<hbm>> -> memref<64x128xf32, #tpu.memory_space<hbm>>
      %dma_wait3A_243 = arith.constant 0 : i32
      %dma_wait3A_244 = tpu.memref_slice %arg4[%dma_wait3A_243, %multiple_of3A_240] : memref<64x1000000xf32, #tpu.memory_space<hbm>> -> memref<64x128xf32, #tpu.memory_space<hbm>>
      tpu.wait_dma2 semaphore(%arg20 : memref<!tpu.dma_semaphore, #tpu.memory_space<semaphore_mem>>) src(%dma_wait3A_244 : memref<64x128xf32, #tpu.memory_space<hbm>>) dst(%arg13 : memref<64x128xf32, #tpu.memory_space<vmem>>)
      %add3A_245 = arith.constant 0 : i32
      %add3A_246 = arith.addi %mul3A_7, %add3A_245 : i32
      %min3A_247 = arith.constant 7812 : i32
      %min3A_248 = arith.minsi %add3A_246, %min3A_247 : i32
      %mul3A_249 = arith.constant 128 : i32
      %mul3A_250 = arith.muli %min3A_248, %mul3A_249 : i32
      %multiple_of3A_251 = tpu.assume_multiple %mul3A_250, 128 : i32
      %dma_wait3A_252 = arith.constant 0 : i32
      %dma_wait3A_253 = tpu.memref_slice %arg4[%dma_wait3A_252, %multiple_of3A_251] : memref<64x1000000xf32, #tpu.memory_space<hbm>> -> memref<64x128xf32, #tpu.memory_space<hbm>>
      %dma_wait3A_254 = arith.constant 0 : i32
      %dma_wait3A_255 = tpu.memref_slice %arg4[%dma_wait3A_254, %multiple_of3A_251] : memref<64x1000000xf32, #tpu.memory_space<hbm>> -> memref<64x128xf32, #tpu.memory_space<hbm>>
      tpu.wait_dma2 semaphore(%arg20 : memref<!tpu.dma_semaphore, #tpu.memory_space<semaphore_mem>>) src(%dma_wait3A_255 : memref<64x128xf32, #tpu.memory_space<hbm>>) dst(%arg14 : memref<64x128xf32, #tpu.memory_space<vmem>>)
      %add3A_256 = arith.constant 0 : i32
      %add3A_257 = arith.addi %mul3A_7, %add3A_256 : i32
      %min3A_258 = arith.constant 7812 : i32
      %min3A_259 = arith.minsi %add3A_257, %min3A_258 : i32
      %mul3A_260 = arith.constant 128 : i32
      %mul3A_261 = arith.muli %min3A_259, %mul3A_260 : i32
      %multiple_of3A_262 = tpu.assume_multiple %mul3A_261, 128 : i32
      %dma_wait3A_263 = arith.constant 0 : i32
      %dma_wait3A_264 = tpu.memref_slice %arg4[%dma_wait3A_263, %multiple_of3A_262] : memref<64x1000000xf32, #tpu.memory_space<hbm>> -> memref<64x128xf32, #tpu.memory_space<hbm>>
      %dma_wait3A_265 = arith.constant 0 : i32
      %dma_wait3A_266 = tpu.memref_slice %arg4[%dma_wait3A_265, %multiple_of3A_262] : memref<64x1000000xf32, #tpu.memory_space<hbm>> -> memref<64x128xf32, #tpu.memory_space<hbm>>
      tpu.wait_dma2 semaphore(%arg20 : memref<!tpu.dma_semaphore, #tpu.memory_space<semaphore_mem>>) src(%dma_wait3A_266 : memref<64x128xf32, #tpu.memory_space<hbm>>) dst(%arg15 : memref<64x128xf32, #tpu.memory_space<vmem>>)
      %add3A_267 = arith.constant 0 : i32
      %add3A_268 = arith.addi %mul3A_7, %add3A_267 : i32
      %min3A_269 = arith.constant 7812 : i32
      %min3A_270 = arith.minsi %add3A_268, %min3A_269 : i32
      %mul3A_271 = arith.constant 128 : i32
      %mul3A_272 = arith.muli %min3A_270, %mul3A_271 : i32
      %multiple_of3A_273 = tpu.assume_multiple %mul3A_272, 128 : i32
      %dma_wait3A_274 = arith.constant 0 : i32
      %dma_wait3A_275 = tpu.memref_slice %arg4[%dma_wait3A_274, %multiple_of3A_273] : memref<64x1000000xf32, #tpu.memory_space<hbm>> -> memref<64x128xf32, #tpu.memory_space<hbm>>
      %dma_wait3A_276 = arith.constant 0 : i32
      %dma_wait3A_277 = tpu.memref_slice %arg4[%dma_wait3A_276, %multiple_of3A_273] : memref<64x1000000xf32, #tpu.memory_space<hbm>> -> memref<64x128xf32, #tpu.memory_space<hbm>>
      tpu.wait_dma2 semaphore(%arg20 : memref<!tpu.dma_semaphore, #tpu.memory_space<semaphore_mem>>) src(%dma_wait3A_277 : memref<64x128xf32, #tpu.memory_space<hbm>>) dst(%arg16 : memref<64x128xf32, #tpu.memory_space<vmem>>)
      scf.yield %while3A_42#0, %while3A_212#1, %while3A_212#2, %while3A_212#3, %while3A_212#4 : i32, vector<16xf32>, vector<16xf32>, vector<16xf32>, vector<16xf32>
    }
    %broadcast_in_dim3A_14 = arith.constant 0.000000e+00 : f32
    %broadcast_in_dim3A_15 = vector.broadcast %broadcast_in_dim3A_14 : f32 to vector<16xf32>
    %swap3A = arith.constant 0 : index
    %swap3A_16 = tpu.vector_load %arg18[%swap3A] {strides = array<i32>} : memref<128xf32, #tpu.memory_space<vmem>>, vector<16xf32>,
    tpu.vector_store %arg18[%swap3A], %broadcast_in_dim3A_15 {strides = array<i32>} : memref<128xf32, #tpu.memory_space<vmem>>, vector<16xf32>,
    %swap3A_17 = arith.constant 16 : index
    %swap3A_18 = tpu.vector_load %arg18[%swap3A_17] {strides = array<i32>} : memref<128xf32, #tpu.memory_space<vmem>>, vector<16xf32>,
    tpu.vector_store %arg18[%swap3A_17], %broadcast_in_dim3A_15 {strides = array<i32>} : memref<128xf32, #tpu.memory_space<vmem>>, vector<16xf32>,
    %swap3A_19 = arith.constant 32 : index
    %swap3A_20 = tpu.vector_load %arg18[%swap3A_19] {strides = array<i32>} : memref<128xf32, #tpu.memory_space<vmem>>, vector<16xf32>,
    tpu.vector_store %arg18[%swap3A_19], %broadcast_in_dim3A_15 {strides = array<i32>} : memref<128xf32, #tpu.memory_space<vmem>>, vector<16xf32>,
    %swap3A_21 = arith.constant 48 : index
    %swap3A_22 = tpu.vector_load %arg18[%swap3A_21] {strides = array<i32>} : memref<128xf32, #tpu.memory_space<vmem>>, vector<16xf32>,
    tpu.vector_store %arg18[%swap3A_21], %broadcast_in_dim3A_15 {strides = array<i32>} : memref<128xf32, #tpu.memory_space<vmem>>, vector<16xf32>,
    %swap3A_23 = arith.constant 64 : index
    %swap3A_24 = tpu.vector_load %arg18[%swap3A_23] {strides = array<i32>} : memref<128xf32, #tpu.memory_space<vmem>>, vector<16xf32>,
    tpu.vector_store %arg18[%swap3A_23], %broadcast_in_dim3A_15 {strides = array<i32>} : memref<128xf32, #tpu.memory_space<vmem>>, vector<16xf32>,
    %swap3A_25 = arith.constant 80 : index
    %swap3A_26 = tpu.vector_load %arg18[%swap3A_25] {strides = array<i32>} : memref<128xf32, #tpu.memory_space<vmem>>, vector<16xf32>,
    tpu.vector_store %arg18[%swap3A_25], %broadcast_in_dim3A_15 {strides = array<i32>} : memref<128xf32, #tpu.memory_space<vmem>>, vector<16xf32>,
    %swap3A_27 = arith.constant 96 : index
    %swap3A_28 = tpu.vector_load %arg18[%swap3A_27] {strides = array<i32>} : memref<128xf32, #tpu.memory_space<vmem>>, vector<16xf32>,
    tpu.vector_store %arg18[%swap3A_27], %broadcast_in_dim3A_15 {strides = array<i32>} : memref<128xf32, #tpu.memory_space<vmem>>, vector<16xf32>,
    %swap3A_29 = arith.constant 112 : index
    %swap3A_30 = tpu.vector_load %arg18[%swap3A_29] {strides = array<i32>} : memref<128xf32, #tpu.memory_space<vmem>>, vector<16xf32>,
    tpu.vector_store %arg18[%swap3A_29], %broadcast_in_dim3A_15 {strides = array<i32>} : memref<128xf32, #tpu.memory_space<vmem>>, vector<16xf32>,
    %add3A_31 = arith.addf %while3A_13#1, %while3A_13#2 : vector<16xf32>
    %add3A_32 = arith.addf %while3A_13#3, %while3A_13#4 : vector<16xf32>
    %add3A_33 = arith.addf %add3A_31, %add3A_32 : vector<16xf32>
    %swap3A_34 = arith.constant 0 : index
    %swap3A_35 = tpu.vector_load %arg18[%swap3A_34] {strides = array<i32>} : memref<128xf32, #tpu.memory_space<vmem>>, vector<16xf32>,
    tpu.vector_store %arg18[%swap3A_34], %add3A_33 {strides = array<i32>} : memref<128xf32, #tpu.memory_space<vmem>>, vector<16xf32>,
    "tpu.region"() ({
      %run_scoped3A = tpu.sem_alloc : memref<!tpu.dma_semaphore, #tpu.memory_space<semaphore_mem>>
      %dma_start3A = arith.constant 0 : i32
      %dma_start3A_36 = tpu.memref_slice %arg5[%add3A, %dma_start3A] : memref<32x128xf32, #tpu.memory_space<hbm>> -> memref<1x128xf32, #tpu.memory_space<hbm>>
      %dma_start3A_37 = tpu.memref_squeeze %dma_start3A_36 : memref<1x128xf32, #tpu.memory_space<hbm>> -> memref<128xf32, #tpu.memory_space<hbm>>
      %dma_start3A_38 = arith.constant 0 : i32
      %dma_start3A_39 = tpu.memref_slice %arg5[%add3A, %dma_start3A_38] : memref<32x128xf32, #tpu.memory_space<hbm>> -> memref<1x128xf32, #tpu.memory_space<hbm>>
      %dma_start3A_40 = tpu.memref_squeeze %dma_start3A_39 : memref<1x128xf32, #tpu.memory_space<hbm>> -> memref<128xf32, #tpu.memory_space<hbm>>
      tpu.enqueue_dma source(%arg18 : memref<128xf32, #tpu.memory_space<vmem>>) target(%dma_start3A_40 : memref<128xf32, #tpu.memory_space<hbm>>) target_semaphore(%run_scoped3A : memref<!tpu.dma_semaphore, #tpu.memory_space<semaphore_mem>>)
      %dma_wait3A = arith.constant 0 : i32
      %dma_wait3A_41 = tpu.memref_slice %arg5[%add3A, %dma_wait3A] : memref<32x128xf32, #tpu.memory_space<hbm>> -> memref<1x128xf32, #tpu.memory_space<hbm>>
      %dma_wait3A_42 = tpu.memref_squeeze %dma_wait3A_41 : memref<1x128xf32, #tpu.memory_space<hbm>> -> memref<128xf32, #tpu.memory_space<hbm>>
      %dma_wait3A_43 = arith.constant 0 : i32
      %dma_wait3A_44 = tpu.memref_slice %arg5[%add3A, %dma_wait3A_43] : memref<32x128xf32, #tpu.memory_space<hbm>> -> memref<1x128xf32, #tpu.memory_space<hbm>>
      %dma_wait3A_45 = tpu.memref_squeeze %dma_wait3A_44 : memref<1x128xf32, #tpu.memory_space<hbm>> -> memref<128xf32, #tpu.memory_space<hbm>>
      tpu.wait_dma2 semaphore(%run_scoped3A : memref<!tpu.dma_semaphore, #tpu.memory_space<semaphore_mem>>) src(%arg18 : memref<128xf32, #tpu.memory_space<vmem>>) dst(%dma_wait3A_45 : memref<128xf32, #tpu.memory_space<hbm>>)
      tpu.yield
    }) : () -> ()
    return
  }
}

</mosaic_0001>

<sc_bundles>
// kernel: kernel.3.cloned.1.call-start
scs
__scs_entry_jumppad:
0x0: {  	(pc) =	sbr.rel $0x88, $3  }
0x1: {  	(tag) =	ssettag $0x0;
	lr =	simm.s32 $0x1  }
0x2: {  	[smem:$0x3F9E] =	sst lr;
	_ =	strace $0xD0000000  }
0x3: {  	_ = 	snop  }
0x4: {  	_ = 	snop  }
0x5: {  	_ = 	snop  }
0x6: {  	_ = 	snop  }
0x7: {  	_ = 	snop  }
__scs_overlays_trampoline_lowered:
0x8: {  	[smem:$0x3FAD] =	sst s0  }
0x9: {  	[smem:$0x3FAE] =	sst s1  }
0xa: {  	[smem:$0x3FAF] =	sst s2  }
0xb: {  	[smem:$0x3FB0] =	sst s3  }
0xc: {  	[smem:$0x3FB1] =	sst s4  }
0xd: {  	[smem:$0x3FB2] =	sst s5  }
0xe: {  	[smem:$0x3FB3] =	sst s6  }
0xf: {  	[smem:$0x3FB4] =	sst s7  }
0x10: {  	[smem:$0x3FB5] =	sst s8  }
0x11: {  	[smem:$0x3FB6] =	sst s9;
	s0 =	simm.s32 @!p0 $0x0  }
0x12: {  	s1 =	sld [smem:$0x3F9C];
	s0 =	simm.s32 @p0 $0x1  }
0x13: {  	[smem:$0x3FB7] =	sst s0;
	s0 =	simm.s32 @!p1 $0x0  }
0x14: {  	s2 =	sld [smem:$0x3F9B];
	s0 =	simm.s32 @p1 $0x1  }
0x15: {  	[smem:$0x3FB8] =	sst s0;
	s0 =	simm.s32 @!p2 $0x0  }
0x16: {  	s3 =	sld [smem:$0x3FDB];
	s0 =	simm.s32 @p2 $0x1  }
0x17: {  	s4 =	simm.s32 $0x1BF5;
	[smem:$0x3FBA] =	sst s0  }
0x18: {  	s0 =	sld [smem:$0x3F9D];
	_ =	swait.ge [sflag:s4], $0x0  }
0x19: {  	s7 =	sld [smem:$0x3F9E]  }
0x1a: {  	s8 =	sadd.s32 $0xFFFFE003, lr  }
0x1b: {  	s9 =	sadd.s32 $0xFFFFFEF7, lr;
	s5 =	simm.s32 $0xFFFFFFFF;
	p2 =	slt.u32 s8, $0xFFFFF086  }
0x1c: {  	p1 =	slt.u32 s9, $0xF7A;
	s5 =	simm.s32 @!p2 $0x0  }
0x1d: {  	s5 =	simm.s32 @p1 $0x1;
	p0 =	seq.s32 s7, s2  }
0x1e: {  	s7 =	smul.u32 @!p0 $0xF7A, s2;
	p2 =	seq.s32 @!p0 s5, $0x0  }
0x1f: {  	s9 =	smul.u32 $0xF7A, s1;
	s8 =	simm.s32 @!p0 $0x1BF5;
	p2 =	por !p2, p0  }
0x20: {  	[sflag:s8] =	ssyncset.s32 @!p0 $0xFFFFF086;
	s6 =	sadd.s32 @!p0 s3, s7;
	s7 =	simm.s32 @!p0 $0x108  }
0x21: {  	s3 =	sadd.s32 s3, s9;
	s6 =	sadd.s32 @!p0 $0x88, s6;
	s7 =	simm.s32 @p2 $0x1082  }
0x22: {  	[simem:s7], [sflag:s8] =	dma.local @!p0 [hbm:s6], $0xF7A  }
0x23: {  	s9 =	sor.u32 $0xD0000000, s2;
	s6 =	simm.s32 $0x108;
	_ =	swait.ge @!p0 [sflag:s8], $0x0  }
0x24: {  	s3 =	sadd.s32 $0x88, s3;
	s6 =	simm.s32 @!p1 $0x1082;
	[sflag:s4] =	ssyncset.s32 $0xFFFFF086  }
0x25: {  	[simem:s6], [sflag:s4] =	dma.local [hbm:s3], $0xF7A  }
0x26: {  	[smem:$0x3F9E] =	sst s1;
	(tag) =	ssettag s2;
	_ =	strace s9  }
0x27: {  	s1 =	sld [smem:$0x3FAE]  }
0x28: {  	s2 =	sld [smem:$0x3FAF]  }
0x29: {  	s4 =	sld [smem:$0x3FB1]  }
0x2a: {  	p0 =	seq.s32 s5, $0x0;
	s5 =	sld [smem:$0x3FB2]  }
0x2b: {  	s6 =	sld [smem:$0x3FB3]  }
0x2c: {  	s7 =	sld [smem:$0x3FB4]  }
0x2d: {  	s3 =	simm.s32 $0x108;
	s8 =	sld [smem:$0x3FB5]  }
0x2e: {  	s3 =	simm.s32 @!p0 $0x1082;
	s9 =	sld [smem:$0x3FB6]  }
0x2f: {  	lr =	sadd.s32 s0, s3;
	s0 =	sld [smem:$0x3FAD]  }
0x30: {  	s3 =	sld [smem:$0x3FB0]  }
0x31: {  	[smem:$0x3FB9] =	sst s10  }
0x32: {  	s10 =	sld [smem:$0x3FB7];
	_ =	sdelay $0x3  }
0x33: {  	p0 =	seq.s32 s10, $0x1;
	s10 =	sld [smem:$0x3FB9];
	_ =	sdelay $0x3  }
0x34: {  	[smem:$0x3FB9] =	sst s10  }
0x35: {  	s10 =	sld [smem:$0x3FB8];
	_ =	sdelay $0x3  }
0x36: {  	p1 =	seq.s32 s10, $0x1;
	s10 =	sld [smem:$0x3FB9];
	_ =	sdelay $0x3  }
0x37: {  	[smem:$0x3FB9] =	sst s10  }
0x38: {  	s10 =	sld [smem:$0x3FBA]  }
0x39: {  	_ = 	snop;
	(pc) =	sbr.ind lr, $3  }
0x3a: {  	_ = 	snop  }
0x3b: {  	_ = 	snop  }
0x3c: {  	p2 =	seq.s32 s10, $0x1;
	s10 =	sld [smem:$0x3FB9]  }
0x3d: {  	_ =	shalt  }
0x3e: {  	_ =	shalt  }
0x3f: {  	_ =	shalt  }
0x40: {  	_ =	shalt  }
0x41: {  	_ =	shalt  }
0x42: {  	_ =	shalt  }
0x43: {  	_ =	shalt  }
0x44: {  	_ =	shalt  }
0x45: {  	_ =	shalt  }
0x46: {  	_ =	shalt  }
0x47: {  	_ =	shalt  }
0x48: {  	_ =	shalt  }
0x49: {  	_ =	shalt  }
0x4a: {  	_ =	shalt  }
0x4b: {  	_ =	shalt  }
0x4c: {  	_ =	shalt  }
0x4d: {  	_ =	shalt  }
0x4e: {  	_ =	shalt  }
0x4f: {  	_ =	shalt  }
0x50: {  	_ =	shalt  }
0x51: {  	_ =	shalt  }
0x52: {  	_ =	shalt  }
0x53: {  	_ =	shalt  }
0x54: {  	_ =	shalt  }
0x55: {  	_ =	shalt  }
0x56: {  	_ =	shalt  }
0x57: {  	_ =	shalt  }
0x58: {  	_ =	shalt  }
0x59: {  	_ =	shalt  }
0x5a: {  	_ =	shalt  }
0x5b: {  	_ =	shalt  }
0x5c: {  	_ =	shalt  }
0x5d: {  	_ =	shalt  }
0x5e: {  	_ =	shalt  }
0x5f: {  	_ =	shalt  }
0x60: {  	_ =	shalt  }
0x61: {  	_ =	shalt  }
0x62: {  	_ =	shalt  }
0x63: {  	_ =	shalt  }
0x64: {  	_ =	shalt  }
0x65: {  	_ =	shalt  }
0x66: {  	_ =	shalt  }
0x67: {  	_ =	shalt  }
0x68: {  	_ =	shalt  }
0x69: {  	_ =	shalt  }
0x6a: {  	_ =	shalt  }
0x6b: {  	_ =	shalt  }
0x6c: {  	_ =	shalt  }
0x6d: {  	_ =	shalt  }
0x6e: {  	_ =	shalt  }
0x6f: {  	_ =	shalt  }
0x70: {  	_ =	shalt  }
0x71: {  	_ =	shalt  }
0x72: {  	_ =	shalt  }
0x73: {  	_ =	shalt  }
0x74: {  	_ =	shalt  }
0x75: {  	_ =	shalt  }
0x76: {  	_ =	shalt  }
0x77: {  	_ =	shalt  }
0x78: {  	_ =	shalt  }
0x79: {  	_ =	shalt  }
0x7a: {  	_ =	shalt  }
0x7b: {  	_ =	shalt  }
0x7c: {  	_ =	shalt  }
0x7d: {  	_ =	shalt  }
0x7e: {  	_ =	shalt  }
0x7f: {  	_ =	shalt  }
0x80: {  	_ =	shalt  }
0x81: {  	_ =	shalt  }
0x82: {  	_ =	shalt  }
0x83: {  	_ =	shalt  }
0x84: {  	_ =	shalt  }
0x85: {  	_ =	shalt  }
0x86: {  	_ =	shalt  }
0x87: {  	_ =	shalt  }
.Lfunc_end0:
.L_simem_size_0:
called_computation_lowered:
.L_overlay_start_0:
0x88: {  	s2 =	sld [smem:$0x3FD9]  }
0x89: {  	s3 =	sld [smem:$0x3FFE];
	_ =	sdelay $0x1  }
0x8a: {  	s1 =	srdreg.scid  }
0x8b: {  	s0 =	sand.u32 $0x1, s1  }
0x8c: {  	s17 =	sshll.u32 s0, $0xA;
	s2 =	sadd.s32 s3, s2  }
0x8d: {  	s2 =	sadd.s32 s2, s17  }
0x8e: {  	[smem:$0x3FC5] =	sst s2  }
0x8f: {  	_ = 	snop  }
0x90: {  	s2 =	sld [smem:$0x3FC9]  }
0x91: {  	s18 =	sld [smem:$0x3FC7];
	(tm) =	ssettm $0x1  }
0x92: {  	s4 =	sld [smem:$0x3FFB];
	_ =	sdelay $0x3  }
0x93: {  	_ =	strace s4  }
0x94: {  	s4 =	sld [smem:$0x3FFC];
	_ =	sdelay $0x3  }
0x95: {  	_ =	strace s4  }
0x96: {  	s4 =	sld [smem:$0x3FFD];
	_ =	sdelay $0x3  }
0x97: {  	_ =	strace s4  }
0x98: {  	_ =	strace $0x8FFFFFFF  }
0x99: {  	s19 =	sld [smem:$0x3FDB];
	_ =	sdelay $0x1  }
0x9a: {  	s5 =	simm.s32 $_scs_section_size  }
0x9b: {  	s6 =	simm.s32 $_size__tile_overlayer_lowered;
	s7 =	simm.s32 $_tile_overlayer_lowered  }
0x9c: {  	s22 =	simm.s32 $0x1BFF;
	s21 =	sshll.u32 s7, $0x1;
	s4 =	sadd.s32 s5, s19  }
0x9d: {  	s8 =	simm.s32 $0x0;
	s20 =	sshll.u32 s6, $0x1;
	s6 =	sadd.s32 s21, s4  }
0x9e: {  	[timem:s8], [sflag:s22] =	dma.local [hbm:s6], s20  }
0x9f: {  	_ =	swait.ge [sflag:s22], s20  }
0xa0: {  	s5 =	ssub.s32 $0x0, s20;
	[sflag:s22] =	ssyncset.done $0x0  }
0xa1: {  	[sflag:s22] =	ssyncadd.s32 s5;
	_ =	sdelay $0x1  }
0xa2: {  	s23 =	simm.s32 $0x1B8B  }
0xa3: {  	_ =	swait.ge [sflag:s23], $0x1  }
0xa4: {  	[sflag:s23] =	ssyncset.done $0x0  }
0xa5: {  	s25 =	simm.s32 $0x1B8E;
	s24 =	sld [smem:$0x3FFE];
	[sflag:s23] =	ssyncadd.s32 $0xFFFFFFFF  }
0xa6: {  	s26 =	simm.s32 $execute0_lowered;
	[smem:$0x3FD2] =	sst s25  }
0xa7: {  	s6 =	sshll.u32 s26, $0x1;
	_ =	strace $0x80000046;
	[dreg:$0x1] =	wrdreg $0xFFFFFFFF  }
0xa8: {  	s28 =	simm.s32 $_size_execute0_lowered;
	s4 =	sadd.s32 s4, s6;
	[dreg:$0x0] =	wrdreg $0x0  }
0xa9: {  	s6 =	sshll.u32 s28, $0x1;
	[dreg:$0x2] =	wrdreg s4  }
0xaa: {  	[dreg:$0x3] =	wrdreg s6  }
0xab: {  	[dreg:$0x4] =	wrdreg $0xC0  }
0xac: {  	_ =	task [dreg:s8], $0x5FFFF  }
0xad: {  	[dreg:$0x1] =	wrdreg $0xFFFFFFFF  }
0xae: {  	[dreg:$0x0] =	wrdreg $0x60  }
0xaf: {  	[dreg:$0x2] =	wrdreg s2  }
0xb0: {  	[dreg:$0x3] =	wrdreg s24  }
0xb1: {  	[dreg:$0x4] =	wrdreg s18  }
0xb2: {  	[dreg:$0x5] =	wrdreg $0xE9000  }
0xb3: {  	[dreg:$0x6] =	wrdreg $0x9  }
0xb4: {  	_ =	task.clear_ibuf [dreg:s8], $0x7FFFF;
	_ =	strace $0x90000046  }
0xb5: {  	s29 =	simm.s32 $0x9;
	_ =	strace $0x80000048  }
0xb6: {  	_ =	swait.ge [sflag:s29], $0x1  }
0xb7: {  	[sflag:s29] =	ssyncadd.s32 $0xFFFFFFFF  }
0xb8: {  	_ =	strace $0x90000048  }
0xb9: {  	_ =	sfence  }
0xba: {  	s30 =	sld [smem:$0x0];
	_ =	sdelay $0x2  }
0xbb: {  	s31 =	sshll.u32 s1, $0xD;
	s1 =	sshrl.u32 s1, $0x2  }
0xbc: {  	s3 =	sand.u32 $0x4000, s31;
	s1 =	sadd.s32 s1, s30  }
0xbd: {  	s0 =	sor.u32 s3, s0;
	s1 =	sshll.u32 s1, $0x11  }
0xbe: {  	s0 =	sor.u32 s1, s0  }
0xbf: {  	s0 =	sadd.s32 $0x8F2B, s0  }
0xc0: {  	[sflag:s0] =	ssyncadd.remote.s32 $0x1  }
0xc1: {  	_ =	sfence.sel $0xFFFF  }
0xc2: {  	[dreg:$0x0] =	wrdreg $0xFFFFFFFF;
	(pc) =	sbr.abs _section_cstart, $3  }
0xc3: {  	[dreg:$0x1] =	wrdreg $0xFFFFFFFF  }
0xc4: {  	_ =	task.clear_ibuf [dreg:s8], $0x2FFFF;
	_ =	strace $0x9FFFFFFF  }
0xc5: {  	(tm) =	ssettm $0x7FFFFFFF  }
tec
execute0_lowered:
.L_overlay_start_1:
0x0: {  	(tag) =	ssettag $0x1  }
0x1: {  	s1 =	rddreg [dreg:$0x0]  }
0x2: {  	s8 =	rddreg [dreg:$0x1]  }
0x3: {  	s3 =	rddreg [dreg:$0x2]  }
0x4: {  	s4 =	rddreg [dreg:$0x3];
	s0 =	srdreg.scid  }
0x5: {  	s2 =	stileid.u32;
	s5 =	simm.s32 $0x0;
	s10 =	simm.s32 $0x2  }
0x6: {  	s11 =	simm.s32 $0x1800;
	s12 =	simm.s32 $0x1;
	s13 =	simm.s32 $0x400  }
0x7: {  	s14 =	simm.s32 $0x7A1400;
	s15 =	simm.s32 $0x2800;
	s16 =	simm.s32 $0x4800  }
0x8: {  	s17 =	simm.s32 $0x6800;
	s20 =	simm.s32 $0xC800;
	s21 =	simm.s32 $0xE800  }
0x9: {  	s23 =	simm.s32 $0x0;
	s0 =	sand.u32 $0x1, s0;
	s6 =	sshll.u32 s2, $0x1  }
0xa: {  	[smem:$0x7FF] =	sst s5;
	p0 =	sne.s32 s2, $0x0;
	s6 =	sor.u32 s0, s6  }
0xb: {  	s0 =	ssub.s32 $0x2, s0;
	_ =	strace $0x80000047;
	s7 =	sshll.u32 s6, $0x4  }
.Ltmp0:
0xc: {  	v0 =	vlaneseq.u32;
	s31 =	sshrl.u32 s0, $0x1;
	s7 =	sadd.s32 s7, s8;
	(pc) =	sbr.rel .LBB2_1-.Ltmp0, $4  }
0xd: {  	v1 =	vmul.u32 $0x80, v0;
	s18 =	smul.u32 $0x7A80, s6;
	s0 =	ssub.s32 s0, s31;
	s7 =	sadd.s32 $0x20000, s7  }
0xe: {  	s6 =	smul.u32 $0xF5, s6;
	s0 =	smax.u32 s0, $0x1;
	[dreg:$0x5] =	wrdreg s7  }
0xf: {  	v7 =	vimm.f32 $0.0e+00;
	v4 =	vor.u32 $0x800, v1;
	v5 =	vor.u32 $0x1000, v1;
	s19 =	sadd.s32 $0x7A80, s18;
	[dreg:$0x6] =	wrdreg s0;
	s0 =	sshrl.u32 @!p0 s4, $0x3  }
0x10: {  	v6 =	vor.u32 $0x1800, v1;
	v2 =	vmov s18;
	s18 =	simm.s32 $0x8800;
	v3 =	vmov s19;
	s19 =	simm.s32 $0xA800;
	[dreg:$0x7] =	wrdreg s0  }
.LBB2_73:
0x11: {  	[tilespmem:$0xE890] =	vst v7  }
0x12: {  	[tilespmem:$0xE8A0] =	vst v7  }
0x13: {  	[tilespmem:$0xE8B0] =	vst v7  }
0x14: {  	[tilespmem:$0xE8C0] =	vst v7;
	v8 =	vadd.f32 v9, v8;
	v63 =	vadd.f32 v10, v11  }
0x15: {  	[tilespmem:$0xE8D0] =	vst v7  }
0x16: {  	[tilespmem:$0xE8E0] =	vst v7;
	v8 =	vadd.f32 v63, v8  }
0x17: {  	[tilespmem:$0xE8F0] =	vst v7  }
0x18: {  	s0 =	rddreg [dreg:$0x5];
	s2 =	simm.s32 $0xE880;
	[tilespmem:$0xE880] =	vst v8  }
0x19: {  	[hbm4b:s0+s5] =	stream.linear.scatter [tilespmem:s2], [sflag:$0x2], $0x80, $0x38;
	[tilespmem:$0x1E900] =	vst v63  }
0x1a: {  	_ =	swait.ge [sflag:s10], $0x80  }
0x1b: {  	s23 =	sadd.s32 $0x1, s23;
	s31 =	rddreg [dreg:$0x6]  }
0x1c: {  	p1 =	sne.s32 s23, s31  }
.Ltmp1:
0x1d: {  	_ = 	snop;
	(pc) =	sbr.rel @!p1 .LBB2_74-.Ltmp1, $3  }
0x1e: {  	_ =	sdelay $0x1  }
0x1f: {  	[sflag:s10] =	ssyncset.done $0x0  }
0x20: {  	[sflag:s10] =	ssyncadd.s32 $0xFFFFFF80  }
.LBB2_1:
0x21: {  	s2 =	rddreg [dreg:$0x1]  }
0x22: {  	s0 =	simm.s32 @!p0 $0x1C02;
	s7 =	rddreg [dreg:$0x7]  }
0x23: {  	[spmem:s7], [sflag:s0] =	dma.local @!p0 [hbm:s2], $0x20000  }
0x24: {  	s0 =	simm.s32 @!p0 $0x2  }
.Ltmp2:
0x25: {  	_ =	swait.ge @!p0 [sflag:s0], $0x20000;
	(pc) =	sbr.rel .LBB2_2-.Ltmp2, $4  }
0x26: {  	[sflag:s0] =	ssyncset.done @!p0 $0x0  }
0x27: {  	[sflag:s0] =	ssyncadd.s32 @!p0 $0xFFFE0000  }
0x28: {  	v10 =	vimm.f32 $0.0e+00;
	[bflag:$0x0] =	sbarrier.arrive $0xFFFF  }
0x29: {  	v11 =	vimm.f32 $0.0e+00;
	v9 =	vimm.f32 $0.0e+00;
	v8 =	vimm.f32 $0.0e+00;
	s25 =	simm.s32 $0x0  }
.LBB2_72:
0x2a: {  	_ =	swait.ge [sflag:s12], $0x2000  }
0x2b: {  	[sflag:s12] =	ssyncset.done $0x0  }
0x2c: {  	[sflag:s12] =	ssyncadd.s32 $0xFFFFE000  }
0x2d: {  	_ =	swait.ge [sflag:s12], $0x2000  }
0x2e: {  	[sflag:s12] =	ssyncset.done $0x0  }
0x2f: {  	[sflag:s12] =	ssyncadd.s32 $0xFFFFE000  }
0x30: {  	_ =	swait.ge [sflag:s12], $0x2000  }
0x31: {  	[sflag:s12] =	ssyncset.done $0x0  }
0x32: {  	[sflag:s12] =	ssyncadd.s32 $0xFFFFE000  }
0x33: {  	_ =	swait.ge [sflag:s12], $0x2000  }
0x34: {  	[sflag:s12] =	ssyncset.done $0x0  }
0x35: {  	[sflag:s12] =	ssyncadd.s32 $0xFFFFE000  }
0x36: {  	p1 =	slt.s32 s24, $0x7;
	_ =	swait.ge [sflag:s12], $0x2000  }
.Ltmp3:
0x37: {  	[sflag:s12] =	ssyncset.done $0x0;
	(pc) =	sbr.rel @!p1 .LBB2_73-.Ltmp3, $4  }
0x38: {  	[sflag:s12] =	ssyncadd.s32 $0xFFFFE000  }
0x39: {  	_ =	swait.ge [sflag:s12], $0x2000  }
0x3a: {  	[sflag:s12] =	ssyncset.done $0x0  }
0x3b: {  	[sflag:s12] =	ssyncadd.s32 $0xFFFFE000  }
.LBB2_2:
0x3c: {  	s26 =	sshll.u32 s25, $0xB;
	s28 =	simm.s32 $0x0;
	s0 =	simm.s32 $0x0  }
.LBB2_3:
0x3d: {  	s2 =	sshll.u32 s25, $0x8  }
0x3e: {  	s2 =	sand.u32 $0x1FFFFF00, s2  }
0x3f: {  	s2 =	sadd.s32 s1, s2  }
0x40: {  	[tilespmem:s28], [sflag:$0x2] =	stream.linear.gather [hbm4b:s2+s28], $0x800, $0x38;
	[tilespmem:$0x1E900] =	vst v63  }
0x41: {  	_ =	swait.ge [sflag:s10], $0x800  }
0x42: {  	[sflag:s10] =	ssyncset.done $0x0  }
0x43: {  	s30 =	simm.s32 $0x0;
	[sflag:s10] =	ssyncadd.s32 $0xFFFFF800  }
0x44: {  	v12 =	vld [tilespmem:s30+$0x0];
	_ =	sdelay $0x4  }
0x45: {  	vm0 =	vge.s32 v12, v2;
	vm1 =	vlt.s32 v12, v3  }
0x46: {  	vm0 =	vmand vm0, vm1  }
0x47: {  	v13 =	vmpcnt.ones.xlane vm0;
	_ =	sdelay $0x1  }
0x48: {  	(v2sf) =	vpush v13, $0x0  }
0x49: {  	v12 =	vsub.s32 v12, v2  }
0x4a: {  	v12 =	vshll.u32 v12, $0xE  }
0x4b: {  	v12 =	vor.u32 s26, v12  }
0x4c: {  	v12 =	vor.u32 v0, v12  }
0x4d: {  	s31 =	simm.s32 $0x10;
	[tilespmem:s0+$0x800] =	vst.msk vm0, v12  }
0x4e: {  	v12 =	vld [tilespmem:s31+$0x0];
	_ =	sdelay $0x4  }
0x4f: {  	vm0 =	vge.s32 v12, v2;
	vm1 =	vlt.s32 v12, v3  }
0x50: {  	v12 =	vsub.s32 v12, v2;
	vm0 =	vmand vm0, vm1  }
0x51: {  	s22 =	sadd.s32 $0x10, s26;
	v12 =	vshll.u32 v12, $0xE;
	v13 =	vmpcnt.ones.xlane vm0  }
0x52: {  	v12 =	vor.u32 s22, v12  }
0x53: {  	s24 =	smov.u32 s25;
	s25 =	simm.s32 $0x80;
	v12 =	vor.u32 v0, v12;
	(v2sf) =	vpush v13, $0x0;
	s2 =	spop (v2sf)  }
.LBB2_4:
0x54: {  	p1 =	sne.s32 s25, $0x1FC0  }
0x55: {  	s0 =	sadd.s32 s0, s2;
	s2 =	smov.u32 s25;
	s25 =	sadd.s32 $0x40, s25  }
0x56: {  	[tilespmem:s0+$0x800] =	vst.msk vm0, v12  }
0x57: {  	s2 =	sshra.s32 s2, $0x2  }
0x58: {  	v12 =	vld [tilespmem:s2+$0x0];
	_ =	sdelay $0x4  }
0x59: {  	vm0 =	vge.s32 v12, v2;
	vm1 =	vlt.s32 v12, v3;
	v12 =	vsub.s32 v12, v2  }
.Ltmp4:
0x5a: {  	s22 =	sadd.s32 $0x10, s22;
	vm0 =	vmand vm0, vm1;
	v12 =	vshll.u32 v12, $0xE;
	(pc) =	sbr.rel @p1 .LBB2_4-.Ltmp4, $4  }
0x5b: {  	v12 =	vor.u32 s22, v12;
	v13 =	vmpcnt.ones.xlane vm0  }
0x5c: {  	v12 =	vor.u32 v0, v12  }
0x5d: {  	(v2sf) =	vpush v13, $0x0  }
0x5e: {  	s2 =	spop (v2sf)  }
0x5f: {  	_ =	sdelay $0xc  }
0x60: {  	s22 =	sadd.s32 s0, s2;
	s29 =	spop (v2sf)  }
0x61: {  	p1 =	sgt.s32 s24, $0x6;
	s0 =	sadd.s32 s22, s29  }
0x62: {  	p2 =	slt.s32 @!p1 s0, $0x801  }
0x63: {  	p2 =	por p1, !p2  }
.Ltmp5:
0x64: {  	_ = 	snop;
	(pc) =	sbr.rel @!p2 .LBB2_3-.Ltmp5, $2  }
0x65: {  	_ =	sdelay $0x2  }
0x66: {  	s25 =	sadd.s32 $0x1, s24;
	s26 =	sadd.s32 $0x800, s26;
	[tilespmem:s22+$0x800] =	vst.msk vm0, v12  }
0x67: {  	s26 =	simm.s32 $0x0  }
0x68: {  	s26 =	simm.s32 @p1 $0x0  }
0x69: {  	p1 =	seq.s32 s26, $0x3D4  }
.Ltmp6:
0x6a: {  	_ = 	snop;
	(pc) =	sbr.rel @p1 .LBB2_8-.Ltmp6, $2  }
0x6b: {  	_ =	sdelay $0x2  }
0x6c: {  	s2 =	sadd.s32 $0x4, s26;
	s26 =	sshra.s32 s26, $0x2  }
.LBB2_7:
0x6d: {  	p1 =	seq.s32 s2, $0x3D4  }
0x6e: {  	[smem:s26] =	sst s5;
	s26 =	smov.u32 s2;
	s2 =	sadd.s32 $0x4, s2  }
.Ltmp7:
0x6f: {  	(pc) =	sbr.rel @!p1 .LBB2_7-.Ltmp7, $2  }
0x70: {  	_ =	sdelay $0x2  }
0x71: {  	s26 =	sshra.s32 s26, $0x2  }
.LBB2_8:
0x72: {  	p1 =	slt.s32 s0, $0x1  }
.Ltmp8:
0x73: {  	_ = 	snop;
	(pc) =	sbr.rel @p1 .LBB2_20-.Ltmp8, $2  }
0x74: {  	_ =	sdelay $0x2  }
0x75: {  	[smem:s26] =	sst s5;
	s0 =	sadd.s32 s22, s29  }
0x76: {  	s2 =	simm.s32 $0x800  }
0x77: {  	p5 =	seq.s32 s0, $0x1;
	v12 =	vld [tilespmem:s2+$0x0]  }
.Ltmp9:
0x78: {  	_ = 	snop;
	(pc) =	sbr.rel @p5 .LBB2_10-.Ltmp9, $3  }
0x79: {  	_ =	sdelay $0x1  }
0x7a: {  	s22 =	simm.s32 $0x801;
	p2 =	por $0x0, $0x0  }
0x7b: {  	p3 =	por $0x0, $0x0;
	p4 =	por $0x0, $0x0;
	s2 =	sadd.s32 $0xFFFFFFFF, s0;
	(v2sf) =	vpush v12, $0x0  }
0x7c: {  	v12 =	vld [tilespmem:s22+$0x0];
	_ =	sdelay $0x4  }
0x7d: {  	(v2sf) =	vpush v12, $0x0;
	_ =	sdelay $0x6  }
0x7e: {  	p5 =	seq.s32 s2, $0x1  }
.Ltmp10:
0x7f: {  	_ = 	snop;
	(pc) =	sbr.rel @p5 .LBB2_12-.Ltmp10, $2  }
0x80: {  	_ =	sdelay $0x2  }
0x81: {  	s2 =	sadd.s32 $0xFFFFFFFF, s2;
	s22 =	simm.s32 $0x802;
	p2 =	por $0x1, $0x1  }
0x82: {  	v12 =	vld [tilespmem:s22+$0x0];
	_ =	sdelay $0x4  }
0x83: {  	(v2sf) =	vpush v12, $0x0;
	_ =	sdelay $0x3  }
0x84: {  	p5 =	seq.s32 s2, $0x1  }
.Ltmp11:
0x85: {  	_ = 	snop;
	(pc) =	sbr.rel @p5 .LBB2_14-.Ltmp11, $2  }
0x86: {  	_ =	sdelay $0x2  }
0x87: {  	s2 =	sadd.s32 $0xFFFFFFFF, s2;
	s22 =	simm.s32 $0x803;
	p3 =	por $0x1, $0x1  }
0x88: {  	v12 =	vld [tilespmem:s22+$0x0];
	_ =	sdelay $0x4  }
0x89: {  	(v2sf) =	vpush v12, $0x0;
	_ =	sdelay $0x3  }
0x8a: {  	p5 =	seq.s32 s2, $0x1  }
.Ltmp12:
0x8b: {  	_ = 	snop;
	(pc) =	sbr.rel @p5 .LBB2_16-.Ltmp12, $4  }
0x8c: {  	s31 =	spop (v2sf)  }
0x8d: {  	s26 =	sshra.s32 s31, $0x15  }
0x8e: {  	s22 =	sld [smem:s26+$0x0]  }
0x8f: {  	s28 =	sadd.s32 $0xFFFFFFFF, s2;
	s2 =	simm.s32 $0x804;
	p4 =	por $0x1, $0x1  }
.LBB2_17:
0x90: {  	v12 =	vld [tilespmem:s2+$0x0];
	p5 =	seq.s32 s28, $0x1;
	s28 =	sadd.s32 $0xFFFFFFFF, s28  }
.Ltmp13:
0x91: {  	s22 =	sadd.s32 $0x1, s22;
	(pc) =	sbr.rel @!p5 .LBB2_17-.Ltmp13, $4  }
0x92: {  	s29 =	spop (v2sf);
	[smem:s26] =	sst s22  }
0x93: {  	s26 =	sshra.s32 s29, $0x15  }
0x94: {  	s22 =	sld [smem:s26+$0x0]  }
0x95: {  	s2 =	sadd.s32 $0x1, s2;
	(v2sf) =	vpush v12, $0x0  }
0x96: {  	_ = 	snop  }
.LBB2_19:
0x97: {  	_ = 	snop  }
0x98: {  	s2 =	sadd.s32 @p4 $0x1, s22;
	s22 =	spop @p3 (v2sf)  }
0x99: {  	[smem:s26] =	sst @p4 s2;
	s2 =	sshra.s32 @p3 s22, $0x15  }
0x9a: {  	s22 =	sld @p3 [smem:s2+$0x0];
	_ =	sdelay $0x2  }
0x9b: {  	s22 =	smov.u32 @p3 s22  }
0x9c: {  	s26 =	spop @p2 (v2sf);
	s2 =	smov.u32 @p3 s2;
	s22 =	sadd.s32 @p3 $0x1, s22  }
0x9d: {  	[smem:s2] =	sst @p3 s22;
	s2 =	sshra.s32 @p2 s26, $0x15  }
0x9e: {  	s22 =	sld @p2 [smem:s2+$0x0];
	_ =	sdelay $0x2  }
0x9f: {  	s22 =	smov.u32 @p2 s22  }
0xa0: {  	s2 =	smov.u32 @p2 s2;
	s22 =	sadd.s32 @p2 $0x1, s22;
	s30 =	spop (v2sf)  }
0xa1: {  	[smem:s2] =	sst @p2 s22;
	s31 =	sshra.s32 s30, $0x15  }
0xa2: {  	s22 =	sld [smem:s31+$0x0];
	_ =	sdelay $0x2  }
0xa3: {  	s22 =	sadd.s32 $0x1, s22  }
0xa4: {  	[smem:s31] =	sst s22  }
.LBB2_20:
0xa5: {  	s2 =	simm.s32 $0x0;
	s28 =	simm.s32 $0x0;
	s26 =	sld [smem:$0x0]  }
0xa6: {  	s22 =	simm.s32 $0x4;
	[smem:s28] =	sst s2  }
.LBB2_21:
0xa7: {  	_ = 	snop  }
0xa8: {  	p2 =	seq.s32 s22, $0x3D4;
	s2 =	sadd.s32 s2, s26  }
.Ltmp14:
0xa9: {  	s26 =	smov.u32 s22;
	s22 =	sadd.s32 $0x4, s22;
	(pc) =	sbr.rel @!p2 .LBB2_21-.Ltmp14, $4  }
0xaa: {  	_ = 	snop  }
0xab: {  	s28 =	sshra.s32 s26, $0x2  }
0xac: {  	s26 =	sld [smem:s28+$0x0]  }
0xad: {  	[smem:s28] =	sst s2  }
.Ltmp15:
0xae: {  	(pc) =	sbr.rel @p1 .LBB2_26-.Ltmp15, $1  }
0xaf: {  	_ =	sdelay $0x3  }
0xb0: {  	p1 =	sne.s32 s0, $0x1  }
.Ltmp16:
0xb1: {  	_ = 	snop;
	(pc) =	sbr.rel @!p1 .LBB2_25-.Ltmp16, $3  }
0xb2: {  	_ =	sdelay $0x1  }
0xb3: {  	s22 =	simm.s32 $0x800  }
0xb4: {  	s0 =	sadd.s32 $0xFFFFFFFF, s0;
	v12 =	vld [tilespmem:s22+$0x0]  }
.LBB2_24:
0xb5: {  	p1 =	sne.s32 s0, $0x1;
	_ =	sdelay $0x3  }
0xb6: {  	(v2sf) =	vpush v12, $0x0;
	_ =	sdelay $0xe  }
0xb7: {  	s2 =	spop (v2sf)  }
0xb8: {  	s2 =	sshra.s32 s2, $0x15  }
0xb9: {  	s26 =	sld [smem:s2+$0x0];
	_ =	sdelay $0x2  }
0xba: {  	s28 =	sadd.s32 $0x1, s26;
	v13 =	vmov s26  }
0xbb: {  	[smem:s2] =	sst s28  }
.Ltmp17:
0xbc: {  	(pc) =	sbr.rel @p1 .LBB2_24-.Ltmp17, $3  }
0xbd: {  	v12 =	vbroadcast v12, $0x0;
	_ =	sdelay $0x1  }
0xbe: {  	s22 =	sadd.s32 $0x1, s22;
	[tilespmem:v13+s11+$0x0] =	vst.idx.msk $0x1, v12  }
0xbf: {  	s0 =	sadd.s32 $0xFFFFFFFF, s0;
	v12 =	vld [tilespmem:s22+$0x0]  }
.LBB2_25:
0xc0: {  	_ =	sdelay $0x3  }
0xc1: {  	(v2sf) =	vpush v12, $0x0;
	_ =	sdelay $0xe  }
0xc2: {  	s0 =	spop (v2sf)  }
0xc3: {  	s0 =	sshra.s32 s0, $0x15  }
0xc4: {  	s2 =	sld [smem:s0+$0x0];
	_ =	sdelay $0x2  }
0xc5: {  	v13 =	vmov s2;
	_ =	sdelay $0x2  }
0xc6: {  	v63 =	vbroadcast v12, $0x0  }
0xc7: {  	s2 =	sadd.s32 $0x1, s2  }
0xc8: {  	[smem:s0] =	sst s2;
	[tilespmem:v13+s11+$0x0] =	vst.idx.msk $0x1, v63  }
.LBB2_26:
0xc9: {  	s26 =	sld [smem:$0x0];
	_ =	sdelay $0x1  }
0xca: {  	s0 =	simm.s32 $0x0;
	s22 =	simm.s32 $0x1  }
0xcb: {  	s28 =	simm.s32 $0x1;
	p1 =	sle.s32 s26, $0x0;
	p2 =	sgt.s32 s26, $0x0  }
0xcc: {  	s2 =	simm.s32 $0x0;
	[smem:$0x100] =	sst @!p1 s0;
	s28 =	simm.s32 @!p2 $0x0  }
.LBB2_27:
0xcd: {  	s0 =	sadd.s32 s28, s0;
	s2 =	sadd.s32 $0x1, s2  }
0xce: {  	s28 =	smov.u32 s22;
	s22 =	sadd.s32 $0x1, s22;
	s29 =	smov.u32 s26  }
0xcf: {  	s26 =	sld [smem:s2+$0x0];
	p1 =	sne.s32 s22, $0xF5  }
.Ltmp18:
0xd0: {  	(pc) =	sbr.rel @p1 .LBB2_27-.Ltmp18, $4  }
0xd1: {  	_ = 	snop  }
0xd2: {  	p2 =	sle.s32 s26, s29;
	p3 =	sgt.s32 s26, s29  }
0xd3: {  	[smem:s0+$0x100] =	sst @!p2 s28;
	s28 =	simm.s32 $0x1  }
0xd4: {  	s28 =	simm.s32 @!p3 $0x0  }
0xd5: {  	s0 =	sadd.s32 s28, s0  }
0xd6: {  	p1 =	sne.s32 s0, $0x0  }
0xd7: {  	s2 =	simm.s32 @!p1 $0x0  }
0xd8: {  	[smem:$0x100] =	sst @!p1 s2  }
0xd9: {  	s2 =	sld [smem:$0x100]  }
0xda: {  	p1 =	sgt.s32 s0, $0x1  }
0xdb: {  	s0 =	simm.s32 @!p1 $0x1  }
0xdc: {  	s26 =	sadd.s32 $0xFFFFFFFF, s0;
	s2 =	sadd.s32 s6, s2  }
0xdd: {  	s22 =	simm.s32 $0x1;
	p2 =	sne.s32 s26, $0x0;
	p1 =	slt.s32 s2, $0x1E84  }
0xde: {  	s22 =	simm.s32 @!p2 $0x0;
	s2 =	simm.s32 @!p1 $0x1E84  }
0xdf: {  	s22 =	sor.u32 $0x100, s22;
	s2 =	sshll.u32 s2, $0x7  }
0xe0: {  	s22 =	sld [smem:s22+$0x0];
	s2 =	sand.u32 $0x1FFFFF80, s2  }
0xe1: {  	s2 =	sadd.s32 s3, s2  }
0xe2: {  	[tilespmem:s15], [sflag:$0x1] =	stream.strided.gather [hbm4b:s2+s13], $0x2000, s14, s13, $0x38;
	[tilespmem:$0x1E900] =	vst v63  }
0xe3: {  	s2 =	sadd.s32 s6, s22  }
0xe4: {  	p1 =	slt.s32 s2, $0x1E84  }
0xe5: {  	s9 =	smin.u32 s26, $0x2;
	s2 =	simm.s32 @!p1 $0x1E84  }
0xe6: {  	s22 =	sor.u32 $0x100, s9;
	s2 =	sshll.u32 s2, $0x7  }
0xe7: {  	s22 =	sld [smem:s22+$0x0];
	s2 =	sand.u32 $0x1FFFFF80, s2  }
0xe8: {  	s2 =	sadd.s32 s3, s2  }
0xe9: {  	[tilespmem:s16], [sflag:$0x1] =	stream.strided.gather [hbm4b:s2+s13], $0x2000, s14, s13, $0x38;
	[tilespmem:$0x1E900] =	vst v63  }
0xea: {  	s2 =	sadd.s32 s6, s22  }
0xeb: {  	p1 =	slt.s32 s2, $0x1E84  }
0xec: {  	s30 =	smin.u32 s26, $0x3;
	s2 =	simm.s32 @!p1 $0x1E84  }
0xed: {  	s22 =	sor.u32 $0x100, s30;
	s2 =	sshll.u32 s2, $0x7  }
0xee: {  	s22 =	sld [smem:s22+$0x0];
	s2 =	sand.u32 $0x1FFFFF80, s2  }
0xef: {  	s2 =	sadd.s32 s3, s2  }
0xf0: {  	[tilespmem:s17], [sflag:$0x1] =	stream.strided.gather [hbm4b:s2+s13], $0x2000, s14, s13, $0x38;
	[tilespmem:$0x1E900] =	vst v63  }
0xf1: {  	s2 =	sadd.s32 s6, s22  }
0xf2: {  	p1 =	slt.s32 s2, $0x1E84  }
0xf3: {  	s7 =	smin.u32 s26, $0x4;
	s2 =	simm.s32 @!p1 $0x1E84  }
0xf4: {  	s22 =	sor.u32 $0x100, s7;
	s2 =	sshll.u32 s2, $0x7  }
0xf5: {  	s22 =	sld [smem:s22+$0x0];
	s2 =	sand.u32 $0x1FFFFF80, s2  }
0xf6: {  	s2 =	sadd.s32 s3, s2  }
0xf7: {  	[tilespmem:s18], [sflag:$0x1] =	stream.strided.gather [hbm4b:s2+s13], $0x2000, s14, s13, $0x38;
	[tilespmem:$0x1E900] =	vst v63  }
0xf8: {  	s2 =	sadd.s32 s6, s22  }
0xf9: {  	p1 =	slt.s32 s2, $0x1E84  }
0xfa: {  	s8 =	smin.u32 s26, $0x5;
	s2 =	simm.s32 @!p1 $0x1E84  }
0xfb: {  	s22 =	sor.u32 $0x100, s8;
	s2 =	sshll.u32 s2, $0x7  }
0xfc: {  	s22 =	sld [smem:s22+$0x0];
	s2 =	sand.u32 $0x1FFFFF80, s2  }
0xfd: {  	s2 =	sadd.s32 s3, s2  }
0xfe: {  	[tilespmem:s19], [sflag:$0x1] =	stream.strided.gather [hbm4b:s2+s13], $0x2000, s14, s13, $0x38;
	[tilespmem:$0x1E900] =	vst v63  }
0xff: {  	s9 =	sadd.s32 $0x5, s0;
	s2 =	sadd.s32 s6, s22  }
0x100: {  	s28 =	smulhi.u32 $0x2AAAAAAB, s9;
	s29 =	sshra.s32 s9, $0x1F;
	p1 =	slt.s32 s2, $0x1E84  }
0x101: {  	s29 =	smul.u32 $0x2AAAAAAB, s29;
	s2 =	simm.s32 @!p1 $0x1E84  }
0x102: {  	s2 =	sshll.u32 s2, $0x7  }
0x103: {  	s30 =	sadd.s32 s29, s28;
	s2 =	sand.u32 $0x1FFFFF80, s2  }
0x104: {  	s28 =	sshrl.u32 s30, $0x1F;
	s2 =	sadd.s32 s3, s2  }
0x105: {  	[tilespmem:s20], [sflag:$0x1] =	stream.strided.gather [hbm4b:s2+s13], $0x2000, s14, s13, $0x38;
	[tilespmem:$0x1E900] =	vst v63  }
0x106: {  	s2 =	sadd.s32 s28, s30  }
0x107: {  	s28 =	smul.u32 $0xFFFFFFFA, s2  }
0x108: {  	s0 =	ssub.s32 $0xFFFFFFFB, s0  }
0x109: {  	p5 =	slt.s32 s9, $0x0;
	p6 =	sne.s32 s28, s0  }
0x10a: {  	p1 =	por !p5, !p6  }
0x10b: {  	s0 =	simm.s32 $0x1;
	p1 =	por !p1, !p1  }
0x10c: {  	s0 =	simm.s32 @!p1 $0x0  }
0x10d: {  	s28 =	ssub.s32 s2, s0  }
0x10e: {  	p1 =	slt.s32 s28, $0x1  }
.Ltmp19:
0x10f: {  	_ = 	snop;
	(pc) =	sbr.rel @!p1 .LBB2_29-.Ltmp19, $4  }
.Ltmp20:
0x110: {  	_ = 	snop;
	(pc) =	sbr.rel @p1 .LBB2_72-.Ltmp20, $4  }
0x111: {  	_ = 	snop  }
0x112: {  	_ = 	snop  }
0x113: {  	s31 =	simm.s32 $0x0;
	s29 =	simm.s32 $0x0  }
0x114: {  	_ = 	snop  }
.LBB2_66:
0x115: {  	v12 =	vmovc v11;
	v13 =	vmov v10;
	v14 =	vmov v9;
	v15 =	vmov v8  }
.LBB2_70:
0x116: {  	_ =	sdelay $0x8  }
0x117: {  	s0 =	spop (v2sf)  }
0x118: {  	s2 =	sshll.u32 s0, $0x6  }
0x119: {  	s7 =	sand.u32 $0xFFC00, s2  }
0x11a: {  	s8 =	sand.u32 $0x380, s2;
	s7 =	sadd.s32 s7, s4  }
0x11b: {  	s7 =	sadd.s32 s8, s7  }
0x11c: {  	[tilespmem:s21], [sflag:$0x2] =	stream.linear.gather [spmem:s7], $0x80, $0x38;
	[tilespmem:$0x1E900] =	vst v63  }
0x11d: {  	s0 =	sshrl.u32 s0, $0xE;
	_ =	swait.ge [sflag:s10], $0x80  }
0x11e: {  	s0 =	sand.u32 $0x7F, s0;
	[sflag:s10] =	ssyncset.done $0x0  }
0x11f: {  	s2 =	sand.u32 $0x40, s2;
	v24 =	vor.u32 s0, v6;
	[sflag:s10] =	ssyncadd.s32 $0xFFFFFF80  }
0x120: {  	v25 =	vor.u32 s0, v5;
	v26 =	vld [tilespmem:s2+$0xE800]  }
0x121: {  	v27 =	vor.u32 s0, v4;
	v28 =	vld [tilespmem:s2+$0xE820]  }
0x122: {  	v29 =	vor.u32 s0, v1;
	v30 =	vld [tilespmem:s2+$0xE810]  }
0x123: {  	v31 =	vld [tilespmem:s2+$0xE830]  }
0x124: {  	v24 =	vld.idx.msk [tilespmem:v24+s20+$0x0], $0xffff  }
0x125: {  	v17 =	vsub.f32 @p1 v17, v21;
	v19 =	vsub.f32 @p1 v19, v20;
	v54 =	vld.idx.msk [tilespmem:v25+s20+$0x0], $0xffff  }
0x126: {  	v18 =	vsub.f32 @p1 v18, v22;
	v16 =	vsub.f32 @p1 v16, v23;
	v55 =	vld.idx.msk [tilespmem:v27+s20+$0x0], $0xffff  }
0x127: {  	v17 =	vmul.f32 @p1 v17, v17;
	v19 =	vmul.f32 @p1 v19, v19;
	v56 =	vld.idx.msk [tilespmem:v29+s20+$0x0], $0xffff  }
0x128: {  	v18 =	vmul.f32 @p1 v18, v18;
	v16 =	vmul.f32 @p1 v16, v16  }
0x129: {  	v12 =	vadd.f32 @p1 v17, v12;
	v13 =	vadd.f32 @p1 v19, v13  }
0x12a: {  	v14 =	vadd.f32 @p1 v18, v14;
	v15 =	vadd.f32 @p1 v16, v15  }
0x12b: {  	v57 =	vsub.f32 v28, v54;
	v58 =	vsub.f32 v31, v24  }
0x12c: {  	v11 =	vpsel p1, v12, v11;
	v59 =	vsub.f32 v30, v55;
	v60 =	vsub.f32 v26, v56  }
0x12d: {  	v10 =	vpsel p1, v13, v10;
	v61 =	vmul.f32 v57, v57;
	v62 =	vmul.f32 v58, v58  }
0x12e: {  	v9 =	vpsel p1, v14, v9;
	v12 =	vmul.f32 v59, v59;
	v63 =	vmul.f32 v60, v60  }
0x12f: {  	v8 =	vpsel p1, v15, v8;
	v11 =	vadd.f32 v61, v11;
	v10 =	vadd.f32 v62, v10  }
0x130: {  	v9 =	vadd.f32 v12, v9;
	v8 =	vadd.f32 v63, v8  }
.LBB2_71:
0x131: {  	s0 =	sadd.s32 $0xB, s30  }
0x132: {  	s2 =	smov.u32 s26;
	p1 =	slt.s32 s0, s26  }
0x133: {  	s2 =	smov.u32 @p1 s0  }
0x134: {  	s0 =	sld [smem:s2+$0x100];
	_ =	sdelay $0x2  }
0x135: {  	s0 =	sadd.s32 s6, s0  }
0x136: {  	s29 =	sadd.s32 $0x1, s29;
	p1 =	slt.s32 s0, $0x1E84  }
0x137: {  	s0 =	simm.s32 @!p1 $0x1E84;
	p1 =	sne.s32 s29, s28  }
.Ltmp21:
0x138: {  	_ = 	snop;
	(pc) =	sbr.rel @!p1 .LBB2_72-.Ltmp21, $4  }
0x139: {  	s0 =	sshll.u32 s0, $0x7  }
0x13a: {  	s0 =	sand.u32 $0x1FFFFF80, s0  }
0x13b: {  	s0 =	sadd.s32 s3, s0  }
0x13c: {  	[tilespmem:s20], [sflag:$0x1] =	stream.strided.gather [hbm4b:s0+s13], $0x2000, s14, s13, $0x38;
	[tilespmem:$0x1E900] =	vst v63  }
.LBB2_29:
0x13d: {  	s30 =	smul.u32 $0x6, s29  }
0x13e: {  	_ =	swait.ge [sflag:s12], $0x2000  }
0x13f: {  	s0 =	smov.u32 s26;
	[sflag:s12] =	ssyncset.done $0x0;
	p1 =	slt.s32 s30, s26  }
0x140: {  	[sflag:s12] =	ssyncadd.s32 $0xFFFFE000;
	s0 =	smov.u32 @p1 s30  }
0x141: {  	s0 =	sld [smem:s0+$0x100];
	_ =	sdelay $0x2  }
0x142: {  	s0 =	sld [smem:s0+$0x0];
	_ =	sdelay $0x2  }
0x143: {  	p1 =	sle.s32 s0, s31  }
.Ltmp22:
0x144: {  	_ = 	snop;
	(pc) =	sbr.rel @p1 .LBB2_36-.Ltmp22, $1  }
0x145: {  	_ =	sdelay $0x3  }
0x146: {  	s2 =	sshll.u32 s31, $0x2  }
0x147: {  	s2 =	sshra.s32 s2, $0x2  }
0x148: {  	s22 =	ssub.s32 s0, s31;
	s2 =	sadd.s32 $0x1800, s2  }
0x149: {  	p2 =	sne.s32 s22, $0x1;
	v12 =	vld [tilespmem:s2+$0x0]  }
.Ltmp23:
0x14a: {  	_ = 	snop;
	(pc) =	sbr.rel @!p2 .LBB2_31-.Ltmp23, $2  }
0x14b: {  	_ =	sdelay $0x2  }
0x14c: {  	p1 =	por $0x0, $0x0;
	s22 =	sadd.s32 $0xFFFFFFFF, s22;
	(v2sf) =	vpush v12, $0x0  }
0x14d: {  	_ =	sdelay $0xd  }
0x14e: {  	s31 =	spop (v2sf)  }
0x14f: {  	s7 =	sshll.u32 s31, $0x6  }
0x150: {  	s8 =	sand.u32 $0xFFC00, s7  }
0x151: {  	s9 =	sand.u32 $0x380, s7;
	s8 =	sadd.s32 s8, s4  }
0x152: {  	s8 =	sadd.s32 s9, s8  }
0x153: {  	[tilespmem:s21], [sflag:$0x2] =	stream.linear.gather [spmem:s8], $0x80, $0x38;
	[tilespmem:$0x1E900] =	vst v63  }
0x154: {  	_ =	swait.ge [sflag:s10], $0x80  }
0x155: {  	s9 =	sshrl.u32 s31, $0xE;
	[sflag:s10] =	ssyncset.done $0x0  }
0x156: {  	s7 =	sand.u32 $0x40, s7;
	s8 =	sand.u32 $0x7F, s9;
	[sflag:s10] =	ssyncadd.s32 $0xFFFFFF80  }
0x157: {  	v12 =	vor.u32 s8, v6;
	v16 =	vld [tilespmem:s7+$0xE800]  }
0x158: {  	v13 =	vor.u32 s8, v5;
	v17 =	vld [tilespmem:s7+$0xE820]  }
0x159: {  	s31 =	sadd.s32 $0x1, s2;
	v14 =	vor.u32 s8, v4;
	v18 =	vld [tilespmem:s7+$0xE810]  }
0x15a: {  	p2 =	sne.s32 s22, $0x1;
	v15 =	vor.u32 s8, v1;
	v23 =	vld [tilespmem:s31+$0x0]  }
.Ltmp24:
0x15b: {  	v19 =	vld [tilespmem:s7+$0xE830];
	(pc) =	sbr.rel @!p2 .LBB2_33-.Ltmp24, $4  }
0x15c: {  	v20 =	vld.idx.msk [tilespmem:v12+s15+$0x0], $0xffff  }
0x15d: {  	v21 =	vld.idx.msk [tilespmem:v13+s15+$0x0], $0xffff  }
0x15e: {  	v22 =	vld.idx.msk [tilespmem:v14+s15+$0x0], $0xffff  }
0x15f: {  	s22 =	sadd.s32 $0xFFFFFFFF, s22;
	p1 =	por $0x1, $0x1;
	v12 =	vmovc v11;
	v13 =	vmovc v10;
	v14 =	vmov v9;
	(v2sf) =	vpush v23, $0x0;
	v23 =	vld.idx.msk [tilespmem:v15+s15+$0x0], $0xffff;
	v15 =	vmov v8  }
.LBB2_34:
0x160: {  	_ = 	snop  }
0x161: {  	p2 =	sne.s32 s22, $0x1;
	s22 =	sadd.s32 $0xFFFFFFFF, s22;
	_ =	sdelay $0x1  }
0x162: {  	v19 =	vsub.f32 v19, v20;
	v17 =	vsub.f32 v17, v21  }
0x163: {  	v18 =	vsub.f32 v18, v22  }
0x164: {  	v19 =	vmul.f32 v19, v19;
	v16 =	vsub.f32 v16, v23;
	v17 =	vmul.f32 v17, v17  }
0x165: {  	v18 =	vmul.f32 v18, v18  }
0x166: {  	v13 =	vadd.f32 v19, v13;
	v16 =	vmul.f32 v16, v16;
	v12 =	vadd.f32 v17, v12  }
0x167: {  	v14 =	vadd.f32 v18, v14  }
0x168: {  	v15 =	vadd.f32 v16, v15;
	_ =	sdelay $0x4  }
0x169: {  	s2 =	spop (v2sf)  }
0x16a: {  	s7 =	sshrl.u32 s2, $0xE;
	s2 =	sshll.u32 s2, $0x6  }
0x16b: {  	s7 =	sand.u32 $0x7F, s7;
	s8 =	sand.u32 $0xFFC00, s2  }
0x16c: {  	s9 =	sand.u32 $0x380, s2;
	s8 =	sadd.s32 s8, s4  }
0x16d: {  	v20 =	vor.u32 s7, v6;
	s8 =	sadd.s32 s9, s8  }
0x16e: {  	[tilespmem:s21], [sflag:$0x2] =	stream.linear.gather [spmem:s8], $0x80, $0x38;
	[tilespmem:$0x1E900] =	vst v63  }
0x16f: {  	_ =	swait.ge [sflag:s10], $0x80  }
0x170: {  	v22 =	vor.u32 s7, v4;
	v21 =	vor.u32 s7, v5;
	[sflag:s10] =	ssyncset.done $0x0  }
0x171: {  	s31 =	sadd.s32 $0x1, s31;
	s2 =	sand.u32 $0x40, s2;
	[sflag:s10] =	ssyncadd.s32 $0xFFFFFF80  }
0x172: {  	v23 =	vor.u32 s7, v1;
	v16 =	vld [tilespmem:s2+$0xE800]  }
0x173: {  	v17 =	vld [tilespmem:s2+$0xE820]  }
0x174: {  	v18 =	vld [tilespmem:s2+$0xE810]  }
0x175: {  	v24 =	vld [tilespmem:s31+$0x0]  }
.Ltmp25:
0x176: {  	v19 =	vld [tilespmem:s2+$0xE830];
	(pc) =	sbr.rel @p2 .LBB2_34-.Ltmp25, $4  }
0x177: {  	v20 =	vld.idx.msk [tilespmem:v20+s15+$0x0], $0xffff  }
0x178: {  	v21 =	vld.idx.msk [tilespmem:v21+s15+$0x0], $0xffff  }
0x179: {  	v22 =	vld.idx.msk [tilespmem:v22+s15+$0x0], $0xffff  }
0x17a: {  	(v2sf) =	vpush v24, $0x0;
	v23 =	vld.idx.msk [tilespmem:v23+s15+$0x0], $0xffff  }
.LBB2_35:
0x17b: {  	_ =	sdelay $0xd  }
0x17c: {  	s2 =	spop (v2sf)  }
0x17d: {  	s7 =	sshll.u32 s2, $0x6  }
0x17e: {  	s8 =	sand.u32 $0xFFC00, s7  }
0x17f: {  	s9 =	sand.u32 $0x380, s7;
	s8 =	sadd.s32 s8, s4  }
0x180: {  	s8 =	sadd.s32 s9, s8  }
0x181: {  	[tilespmem:s21], [sflag:$0x2] =	stream.linear.gather [spmem:s8], $0x80, $0x38;
	[tilespmem:$0x1E900] =	vst v63  }
0x182: {  	s2 =	sshrl.u32 s2, $0xE;
	_ =	swait.ge [sflag:s10], $0x80  }
0x183: {  	s2 =	sand.u32 $0x7F, s2;
	[sflag:s10] =	ssyncset.done $0x0  }
0x184: {  	s7 =	sand.u32 $0x40, s7;
	v24 =	vor.u32 s2, v6;
	[sflag:s10] =	ssyncadd.s32 $0xFFFFFF80  }
0x185: {  	v25 =	vor.u32 s2, v5;
	v26 =	vld [tilespmem:s7+$0xE800]  }
0x186: {  	v27 =	vor.u32 s2, v4;
	v28 =	vld [tilespmem:s7+$0xE820]  }
0x187: {  	v29 =	vor.u32 s2, v1;
	v30 =	vld [tilespmem:s7+$0xE810]  }
0x188: {  	v31 =	vld [tilespmem:s7+$0xE830]  }
0x189: {  	v24 =	vld.idx.msk [tilespmem:v24+s15+$0x0], $0xffff  }
0x18a: {  	v19 =	vsub.f32 @p1 v19, v20;
	v17 =	vsub.f32 @p1 v17, v21;
	v54 =	vld.idx.msk [tilespmem:v25+s15+$0x0], $0xffff  }
0x18b: {  	v18 =	vsub.f32 @p1 v18, v22;
	v16 =	vsub.f32 @p1 v16, v23;
	v55 =	vld.idx.msk [tilespmem:v27+s15+$0x0], $0xffff  }
0x18c: {  	v19 =	vmul.f32 @p1 v19, v19;
	v17 =	vmul.f32 @p1 v17, v17;
	v56 =	vld.idx.msk [tilespmem:v29+s15+$0x0], $0xffff  }
0x18d: {  	v18 =	vmul.f32 @p1 v18, v18;
	v16 =	vmul.f32 @p1 v16, v16  }
0x18e: {  	v13 =	vadd.f32 @p1 v19, v13;
	v12 =	vadd.f32 @p1 v17, v12  }
0x18f: {  	v14 =	vadd.f32 @p1 v18, v14;
	v15 =	vadd.f32 @p1 v16, v15  }
0x190: {  	v57 =	vsub.f32 v28, v54;
	v58 =	vsub.f32 v31, v24  }
0x191: {  	v10 =	vpsel p1, v13, v10;
	v59 =	vsub.f32 v30, v55;
	v60 =	vsub.f32 v26, v56  }
0x192: {  	v11 =	vpsel p1, v12, v11;
	v61 =	vmul.f32 v57, v57;
	v62 =	vmul.f32 v58, v58  }
0x193: {  	v9 =	vpsel p1, v14, v9;
	v12 =	vmul.f32 v59, v59;
	v63 =	vmul.f32 v60, v60  }
0x194: {  	v8 =	vpsel p1, v15, v8;
	v11 =	vadd.f32 v61, v11;
	v10 =	vadd.f32 v62, v10  }
0x195: {  	v9 =	vadd.f32 v12, v9;
	v8 =	vadd.f32 v63, v8  }
.LBB2_36:
0x196: {  	s2 =	sadd.s32 $0x6, s30  }
0x197: {  	s7 =	smov.u32 s26;
	p1 =	slt.s32 s2, s26  }
0x198: {  	s7 =	smov.u32 @p1 s2  }
0x199: {  	s2 =	sld [smem:s7+$0x100];
	_ =	sdelay $0x2  }
0x19a: {  	s2 =	sadd.s32 s6, s2  }
0x19b: {  	p1 =	slt.s32 s2, $0x1E84  }
0x19c: {  	s2 =	simm.s32 @!p1 $0x1E84  }
0x19d: {  	s2 =	sshll.u32 s2, $0x7  }
0x19e: {  	s2 =	sand.u32 $0x1FFFFF80, s2  }
0x19f: {  	s2 =	sadd.s32 s3, s2  }
0x1a0: {  	[tilespmem:s15], [sflag:$0x1] =	stream.strided.gather [hbm4b:s2+s13], $0x2000, s14, s13, $0x38;
	[tilespmem:$0x1E900] =	vst v63  }
0x1a1: {  	s2 =	sor.u32 $0x1, s30;
	_ =	swait.ge [sflag:s12], $0x2000  }
0x1a2: {  	s7 =	smov.u32 s26;
	p1 =	slt.s32 s2, s26;
	[sflag:s12] =	ssyncset.done $0x0  }
0x1a3: {  	s7 =	smov.u32 @p1 s2;
	[sflag:s12] =	ssyncadd.s32 $0xFFFFE000  }
0x1a4: {  	s2 =	sld [smem:s7+$0x100];
	_ =	sdelay $0x2  }
0x1a5: {  	s31 =	sld [smem:s2+$0x0];
	_ =	sdelay $0x2  }
0x1a6: {  	p1 =	sle.s32 s31, s0  }
.Ltmp26:
0x1a7: {  	_ = 	snop;
	(pc) =	sbr.rel @p1 .LBB2_43-.Ltmp26, $1  }
0x1a8: {  	_ =	sdelay $0x3  }
0x1a9: {  	s2 =	sshll.u32 s0, $0x2  }
0x1aa: {  	s2 =	sshra.s32 s2, $0x2  }
0x1ab: {  	s22 =	ssub.s32 s31, s0;
	s2 =	sadd.s32 $0x1800, s2  }
0x1ac: {  	p2 =	sne.s32 s22, $0x1;
	v12 =	vld [tilespmem:s2+$0x0]  }
.Ltmp27:
0x1ad: {  	_ = 	snop;
	(pc) =	sbr.rel @!p2 .LBB2_38-.Ltmp27, $2  }
0x1ae: {  	_ =	sdelay $0x2  }
0x1af: {  	p1 =	por $0x0, $0x0;
	s22 =	sadd.s32 $0xFFFFFFFF, s22;
	(v2sf) =	vpush v12, $0x0  }
0x1b0: {  	_ =	sdelay $0xd  }
0x1b1: {  	s0 =	spop (v2sf)  }
0x1b2: {  	s7 =	sshll.u32 s0, $0x6  }
0x1b3: {  	s8 =	sand.u32 $0xFFC00, s7  }
0x1b4: {  	s9 =	sand.u32 $0x380, s7;
	s8 =	sadd.s32 s8, s4  }
0x1b5: {  	s8 =	sadd.s32 s9, s8  }
0x1b6: {  	[tilespmem:s21], [sflag:$0x2] =	stream.linear.gather [spmem:s8], $0x80, $0x38;
	[tilespmem:$0x1E900] =	vst v63  }
0x1b7: {  	_ =	swait.ge [sflag:s10], $0x80  }
0x1b8: {  	s0 =	sshrl.u32 s0, $0xE;
	[sflag:s10] =	ssyncset.done $0x0  }
0x1b9: {  	s7 =	sand.u32 $0x40, s7;
	s9 =	sand.u32 $0x7F, s0;
	[sflag:s10] =	ssyncadd.s32 $0xFFFFFF80  }
0x1ba: {  	v12 =	vor.u32 s9, v6;
	v16 =	vld [tilespmem:s7+$0xE800]  }
0x1bb: {  	v13 =	vor.u32 s9, v5;
	v17 =	vld [tilespmem:s7+$0xE820]  }
0x1bc: {  	s0 =	sadd.s32 $0x1, s2;
	v14 =	vor.u32 s9, v4;
	v18 =	vld [tilespmem:s7+$0xE810]  }
0x1bd: {  	p2 =	sne.s32 s22, $0x1;
	v15 =	vor.u32 s9, v1;
	v23 =	vld [tilespmem:s0+$0x0]  }
.Ltmp28:
0x1be: {  	v19 =	vld [tilespmem:s7+$0xE830];
	(pc) =	sbr.rel @!p2 .LBB2_40-.Ltmp28, $4  }
0x1bf: {  	v20 =	vld.idx.msk [tilespmem:v12+s16+$0x0], $0xffff  }
0x1c0: {  	v21 =	vld.idx.msk [tilespmem:v13+s16+$0x0], $0xffff  }
0x1c1: {  	v22 =	vld.idx.msk [tilespmem:v14+s16+$0x0], $0xffff  }
0x1c2: {  	s22 =	sadd.s32 $0xFFFFFFFF, s22;
	p1 =	por $0x1, $0x1;
	v12 =	vmovc v11;
	v13 =	vmovc v10;
	v14 =	vmov v9;
	(v2sf) =	vpush v23, $0x0;
	v23 =	vld.idx.msk [tilespmem:v15+s16+$0x0], $0xffff;
	v15 =	vmov v8  }
.LBB2_41:
0x1c3: {  	_ = 	snop  }
0x1c4: {  	p2 =	sne.s32 s22, $0x1;
	s22 =	sadd.s32 $0xFFFFFFFF, s22;
	_ =	sdelay $0x1  }
0x1c5: {  	v19 =	vsub.f32 v19, v20;
	v17 =	vsub.f32 v17, v21  }
0x1c6: {  	v18 =	vsub.f32 v18, v22  }
0x1c7: {  	v19 =	vmul.f32 v19, v19;
	v16 =	vsub.f32 v16, v23;
	v17 =	vmul.f32 v17, v17  }
0x1c8: {  	v18 =	vmul.f32 v18, v18  }
0x1c9: {  	v13 =	vadd.f32 v19, v13;
	v16 =	vmul.f32 v16, v16;
	v12 =	vadd.f32 v17, v12  }
0x1ca: {  	v14 =	vadd.f32 v18, v14  }
0x1cb: {  	v15 =	vadd.f32 v16, v15;
	_ =	sdelay $0x4  }
0x1cc: {  	s2 =	spop (v2sf)  }
0x1cd: {  	s7 =	sshrl.u32 s2, $0xE;
	s2 =	sshll.u32 s2, $0x6  }
0x1ce: {  	s7 =	sand.u32 $0x7F, s7;
	s8 =	sand.u32 $0xFFC00, s2  }
0x1cf: {  	s9 =	sand.u32 $0x380, s2;
	s8 =	sadd.s32 s8, s4  }
0x1d0: {  	v20 =	vor.u32 s7, v6;
	s8 =	sadd.s32 s9, s8  }
0x1d1: {  	[tilespmem:s21], [sflag:$0x2] =	stream.linear.gather [spmem:s8], $0x80, $0x38;
	[tilespmem:$0x1E900] =	vst v63  }
0x1d2: {  	_ =	swait.ge [sflag:s10], $0x80  }
0x1d3: {  	v22 =	vor.u32 s7, v4;
	v21 =	vor.u32 s7, v5;
	[sflag:s10] =	ssyncset.done $0x0  }
0x1d4: {  	s0 =	sadd.s32 $0x1, s0;
	s2 =	sand.u32 $0x40, s2;
	[sflag:s10] =	ssyncadd.s32 $0xFFFFFF80  }
0x1d5: {  	v23 =	vor.u32 s7, v1;
	v16 =	vld [tilespmem:s2+$0xE800]  }
0x1d6: {  	v17 =	vld [tilespmem:s2+$0xE820]  }
0x1d7: {  	v18 =	vld [tilespmem:s2+$0xE810]  }
0x1d8: {  	v24 =	vld [tilespmem:s0+$0x0]  }
.Ltmp29:
0x1d9: {  	v19 =	vld [tilespmem:s2+$0xE830];
	(pc) =	sbr.rel @p2 .LBB2_41-.Ltmp29, $4  }
0x1da: {  	v20 =	vld.idx.msk [tilespmem:v20+s16+$0x0], $0xffff  }
0x1db: {  	v21 =	vld.idx.msk [tilespmem:v21+s16+$0x0], $0xffff  }
0x1dc: {  	v22 =	vld.idx.msk [tilespmem:v22+s16+$0x0], $0xffff  }
0x1dd: {  	(v2sf) =	vpush v24, $0x0;
	v23 =	vld.idx.msk [tilespmem:v23+s16+$0x0], $0xffff  }
.LBB2_42:
0x1de: {  	_ =	sdelay $0xd  }
0x1df: {  	s0 =	spop (v2sf)  }
0x1e0: {  	s2 =	sshll.u32 s0, $0x6  }
0x1e1: {  	s7 =	sand.u32 $0xFFC00, s2  }
0x1e2: {  	s8 =	sand.u32 $0x380, s2;
	s7 =	sadd.s32 s7, s4  }
0x1e3: {  	s7 =	sadd.s32 s8, s7  }
0x1e4: {  	[tilespmem:s21], [sflag:$0x2] =	stream.linear.gather [spmem:s7], $0x80, $0x38;
	[tilespmem:$0x1E900] =	vst v63  }
0x1e5: {  	s0 =	sshrl.u32 s0, $0xE;
	_ =	swait.ge [sflag:s10], $0x80  }
0x1e6: {  	s0 =	sand.u32 $0x7F, s0;
	[sflag:s10] =	ssyncset.done $0x0  }
0x1e7: {  	s2 =	sand.u32 $0x40, s2;
	v24 =	vor.u32 s0, v6;
	[sflag:s10] =	ssyncadd.s32 $0xFFFFFF80  }
0x1e8: {  	v25 =	vor.u32 s0, v5;
	v26 =	vld [tilespmem:s2+$0xE800]  }
0x1e9: {  	v27 =	vor.u32 s0, v4;
	v28 =	vld [tilespmem:s2+$0xE820]  }
0x1ea: {  	v29 =	vor.u32 s0, v1;
	v30 =	vld [tilespmem:s2+$0xE810]  }
0x1eb: {  	v31 =	vld [tilespmem:s2+$0xE830]  }
0x1ec: {  	v24 =	vld.idx.msk [tilespmem:v24+s16+$0x0], $0xffff  }
0x1ed: {  	v19 =	vsub.f32 @p1 v19, v20;
	v17 =	vsub.f32 @p1 v17, v21;
	v54 =	vld.idx.msk [tilespmem:v25+s16+$0x0], $0xffff  }
0x1ee: {  	v18 =	vsub.f32 @p1 v18, v22;
	v16 =	vsub.f32 @p1 v16, v23;
	v55 =	vld.idx.msk [tilespmem:v27+s16+$0x0], $0xffff  }
0x1ef: {  	v19 =	vmul.f32 @p1 v19, v19;
	v17 =	vmul.f32 @p1 v17, v17;
	v56 =	vld.idx.msk [tilespmem:v29+s16+$0x0], $0xffff  }
0x1f0: {  	v18 =	vmul.f32 @p1 v18, v18;
	v16 =	vmul.f32 @p1 v16, v16  }
0x1f1: {  	v13 =	vadd.f32 @p1 v19, v13;
	v12 =	vadd.f32 @p1 v17, v12  }
0x1f2: {  	v14 =	vadd.f32 @p1 v18, v14;
	v15 =	vadd.f32 @p1 v16, v15  }
0x1f3: {  	v57 =	vsub.f32 v28, v54;
	v58 =	vsub.f32 v31, v24  }
0x1f4: {  	v10 =	vpsel p1, v13, v10;
	v59 =	vsub.f32 v30, v55;
	v60 =	vsub.f32 v26, v56  }
0x1f5: {  	v11 =	vpsel p1, v12, v11;
	v61 =	vmul.f32 v57, v57;
	v62 =	vmul.f32 v58, v58  }
0x1f6: {  	v9 =	vpsel p1, v14, v9;
	v12 =	vmul.f32 v59, v59;
	v63 =	vmul.f32 v60, v60  }
0x1f7: {  	v8 =	vpsel p1, v15, v8;
	v11 =	vadd.f32 v61, v11;
	v10 =	vadd.f32 v62, v10  }
0x1f8: {  	v9 =	vadd.f32 v12, v9;
	v8 =	vadd.f32 v63, v8  }
.LBB2_43:
0x1f9: {  	s0 =	sadd.s32 $0x7, s30  }
0x1fa: {  	s2 =	smov.u32 s26;
	p1 =	slt.s32 s0, s26  }
0x1fb: {  	s2 =	smov.u32 @p1 s0  }
0x1fc: {  	s0 =	sld [smem:s2+$0x100];
	_ =	sdelay $0x2  }
0x1fd: {  	s0 =	sadd.s32 s6, s0  }
0x1fe: {  	p1 =	slt.s32 s0, $0x1E84  }
0x1ff: {  	s0 =	simm.s32 @!p1 $0x1E84  }
0x200: {  	s0 =	sshll.u32 s0, $0x7  }
0x201: {  	s0 =	sand.u32 $0x1FFFFF80, s0  }
0x202: {  	s0 =	sadd.s32 s3, s0  }
0x203: {  	[tilespmem:s16], [sflag:$0x1] =	stream.strided.gather [hbm4b:s0+s13], $0x2000, s14, s13, $0x38;
	[tilespmem:$0x1E900] =	vst v63  }
0x204: {  	s0 =	sadd.s32 $0x2, s30;
	_ =	swait.ge [sflag:s12], $0x2000  }
0x205: {  	s2 =	smov.u32 s26;
	p1 =	slt.s32 s0, s26;
	[sflag:s12] =	ssyncset.done $0x0  }
0x206: {  	s2 =	smov.u32 @p1 s0;
	[sflag:s12] =	ssyncadd.s32 $0xFFFFE000  }
0x207: {  	s0 =	sld [smem:s2+$0x100];
	_ =	sdelay $0x2  }
0x208: {  	s0 =	sld [smem:s0+$0x0];
	_ =	sdelay $0x2  }
0x209: {  	p1 =	sle.s32 s0, s31  }
.Ltmp30:
0x20a: {  	_ = 	snop;
	(pc) =	sbr.rel @p1 .LBB2_50-.Ltmp30, $1  }
0x20b: {  	_ =	sdelay $0x3  }
0x20c: {  	s2 =	sshll.u32 s31, $0x2  }
0x20d: {  	s2 =	sshra.s32 s2, $0x2  }
0x20e: {  	s7 =	ssub.s32 s0, s31;
	s2 =	sadd.s32 $0x1800, s2  }
0x20f: {  	p2 =	sne.s32 s7, $0x1;
	v12 =	vld [tilespmem:s2+$0x0]  }
.Ltmp31:
0x210: {  	_ = 	snop;
	(pc) =	sbr.rel @!p2 .LBB2_45-.Ltmp31, $2  }
0x211: {  	_ =	sdelay $0x2  }
0x212: {  	p1 =	por $0x0, $0x0;
	s22 =	sadd.s32 $0xFFFFFFFF, s7;
	(v2sf) =	vpush v12, $0x0  }
0x213: {  	_ =	sdelay $0xd  }
0x214: {  	s7 =	spop (v2sf)  }
0x215: {  	s8 =	sshll.u32 s7, $0x6  }
0x216: {  	s9 =	sand.u32 $0xFFC00, s8  }
0x217: {  	s31 =	sand.u32 $0x380, s8;
	s9 =	sadd.s32 s9, s4  }
0x218: {  	s9 =	sadd.s32 s31, s9  }
0x219: {  	[tilespmem:s21], [sflag:$0x2] =	stream.linear.gather [spmem:s9], $0x80, $0x38;
	[tilespmem:$0x1E900] =	vst v63  }
0x21a: {  	_ =	swait.ge [sflag:s10], $0x80  }
0x21b: {  	s7 =	sshrl.u32 s7, $0xE;
	[sflag:s10] =	ssyncset.done $0x0  }
0x21c: {  	s7 =	sand.u32 $0x7F, s7;
	s8 =	sand.u32 $0x40, s8;
	[sflag:s10] =	ssyncadd.s32 $0xFFFFFF80  }
0x21d: {  	v12 =	vor.u32 s7, v6;
	v16 =	vld [tilespmem:s8+$0xE800]  }
0x21e: {  	v13 =	vor.u32 s7, v5;
	v17 =	vld [tilespmem:s8+$0xE820]  }
0x21f: {  	v14 =	vor.u32 s7, v4;
	s31 =	sadd.s32 $0x1, s2;
	v18 =	vld [tilespmem:s8+$0xE810]  }
0x220: {  	p2 =	sne.s32 s22, $0x1;
	v15 =	vor.u32 s7, v1;
	v23 =	vld [tilespmem:s31+$0x0]  }
.Ltmp32:
0x221: {  	v19 =	vld [tilespmem:s8+$0xE830];
	(pc) =	sbr.rel @!p2 .LBB2_47-.Ltmp32, $4  }
0x222: {  	v20 =	vld.idx.msk [tilespmem:v12+s17+$0x0], $0xffff  }
0x223: {  	v21 =	vld.idx.msk [tilespmem:v13+s17+$0x0], $0xffff  }
0x224: {  	v22 =	vld.idx.msk [tilespmem:v14+s17+$0x0], $0xffff  }
0x225: {  	s22 =	sadd.s32 $0xFFFFFFFF, s22;
	p1 =	por $0x1, $0x1;
	v12 =	vmovc v11;
	v13 =	vmovc v10;
	v14 =	vmov v9;
	(v2sf) =	vpush v23, $0x0;
	v23 =	vld.idx.msk [tilespmem:v15+s17+$0x0], $0xffff;
	v15 =	vmov v8  }
.LBB2_48:
0x226: {  	_ = 	snop  }
0x227: {  	p2 =	sne.s32 s22, $0x1;
	s22 =	sadd.s32 $0xFFFFFFFF, s22;
	_ =	sdelay $0x1  }
0x228: {  	v19 =	vsub.f32 v19, v20;
	v17 =	vsub.f32 v17, v21  }
0x229: {  	v18 =	vsub.f32 v18, v22  }
0x22a: {  	v19 =	vmul.f32 v19, v19;
	v16 =	vsub.f32 v16, v23;
	v17 =	vmul.f32 v17, v17  }
0x22b: {  	v18 =	vmul.f32 v18, v18  }
0x22c: {  	v13 =	vadd.f32 v19, v13;
	v16 =	vmul.f32 v16, v16;
	v12 =	vadd.f32 v17, v12  }
0x22d: {  	v14 =	vadd.f32 v18, v14  }
0x22e: {  	v15 =	vadd.f32 v16, v15;
	_ =	sdelay $0x4  }
0x22f: {  	s2 =	spop (v2sf)  }
0x230: {  	s7 =	sshrl.u32 s2, $0xE;
	s2 =	sshll.u32 s2, $0x6  }
0x231: {  	s7 =	sand.u32 $0x7F, s7;
	s8 =	sand.u32 $0xFFC00, s2  }
0x232: {  	s9 =	sand.u32 $0x380, s2;
	s8 =	sadd.s32 s8, s4  }
0x233: {  	v20 =	vor.u32 s7, v6;
	s8 =	sadd.s32 s9, s8  }
0x234: {  	[tilespmem:s21], [sflag:$0x2] =	stream.linear.gather [spmem:s8], $0x80, $0x38;
	[tilespmem:$0x1E900] =	vst v63  }
0x235: {  	_ =	swait.ge [sflag:s10], $0x80  }
0x236: {  	v22 =	vor.u32 s7, v4;
	v21 =	vor.u32 s7, v5;
	[sflag:s10] =	ssyncset.done $0x0  }
0x237: {  	s31 =	sadd.s32 $0x1, s31;
	s2 =	sand.u32 $0x40, s2;
	[sflag:s10] =	ssyncadd.s32 $0xFFFFFF80  }
0x238: {  	v23 =	vor.u32 s7, v1;
	v16 =	vld [tilespmem:s2+$0xE800]  }
0x239: {  	v17 =	vld [tilespmem:s2+$0xE820]  }
0x23a: {  	v18 =	vld [tilespmem:s2+$0xE810]  }
0x23b: {  	v24 =	vld [tilespmem:s31+$0x0]  }
.Ltmp33:
0x23c: {  	v19 =	vld [tilespmem:s2+$0xE830];
	(pc) =	sbr.rel @p2 .LBB2_48-.Ltmp33, $4  }
0x23d: {  	v20 =	vld.idx.msk [tilespmem:v20+s17+$0x0], $0xffff  }
0x23e: {  	v21 =	vld.idx.msk [tilespmem:v21+s17+$0x0], $0xffff  }
0x23f: {  	v22 =	vld.idx.msk [tilespmem:v22+s17+$0x0], $0xffff  }
0x240: {  	(v2sf) =	vpush v24, $0x0;
	v23 =	vld.idx.msk [tilespmem:v23+s17+$0x0], $0xffff  }
.LBB2_49:
0x241: {  	_ =	sdelay $0xd  }
0x242: {  	s2 =	spop (v2sf)  }
0x243: {  	s7 =	sshll.u32 s2, $0x6  }
0x244: {  	s8 =	sand.u32 $0xFFC00, s7  }
0x245: {  	s9 =	sand.u32 $0x380, s7;
	s8 =	sadd.s32 s8, s4  }
0x246: {  	s8 =	sadd.s32 s9, s8  }
0x247: {  	[tilespmem:s21], [sflag:$0x2] =	stream.linear.gather [spmem:s8], $0x80, $0x38;
	[tilespmem:$0x1E900] =	vst v63  }
0x248: {  	s2 =	sshrl.u32 s2, $0xE;
	_ =	swait.ge [sflag:s10], $0x80  }
0x249: {  	s2 =	sand.u32 $0x7F, s2;
	[sflag:s10] =	ssyncset.done $0x0  }
0x24a: {  	s7 =	sand.u32 $0x40, s7;
	v24 =	vor.u32 s2, v6;
	[sflag:s10] =	ssyncadd.s32 $0xFFFFFF80  }
0x24b: {  	v25 =	vor.u32 s2, v5;
	v26 =	vld [tilespmem:s7+$0xE800]  }
0x24c: {  	v27 =	vor.u32 s2, v4;
	v28 =	vld [tilespmem:s7+$0xE820]  }
0x24d: {  	v29 =	vor.u32 s2, v1;
	v30 =	vld [tilespmem:s7+$0xE810]  }
0x24e: {  	v31 =	vld [tilespmem:s7+$0xE830]  }
0x24f: {  	v24 =	vld.idx.msk [tilespmem:v24+s17+$0x0], $0xffff  }
0x250: {  	v19 =	vsub.f32 @p1 v19, v20;
	v17 =	vsub.f32 @p1 v17, v21;
	v54 =	vld.idx.msk [tilespmem:v25+s17+$0x0], $0xffff  }
0x251: {  	v18 =	vsub.f32 @p1 v18, v22;
	v16 =	vsub.f32 @p1 v16, v23;
	v55 =	vld.idx.msk [tilespmem:v27+s17+$0x0], $0xffff  }
0x252: {  	v19 =	vmul.f32 @p1 v19, v19;
	v17 =	vmul.f32 @p1 v17, v17;
	v56 =	vld.idx.msk [tilespmem:v29+s17+$0x0], $0xffff  }
0x253: {  	v18 =	vmul.f32 @p1 v18, v18;
	v16 =	vmul.f32 @p1 v16, v16  }
0x254: {  	v13 =	vadd.f32 @p1 v19, v13;
	v12 =	vadd.f32 @p1 v17, v12  }
0x255: {  	v14 =	vadd.f32 @p1 v18, v14;
	v15 =	vadd.f32 @p1 v16, v15  }
0x256: {  	v57 =	vsub.f32 v28, v54;
	v58 =	vsub.f32 v31, v24  }
0x257: {  	v10 =	vpsel p1, v13, v10;
	v59 =	vsub.f32 v30, v55;
	v60 =	vsub.f32 v26, v56  }
0x258: {  	v11 =	vpsel p1, v12, v11;
	v61 =	vmul.f32 v57, v57;
	v62 =	vmul.f32 v58, v58  }
0x259: {  	v9 =	vpsel p1, v14, v9;
	v12 =	vmul.f32 v59, v59;
	v63 =	vmul.f32 v60, v60  }
0x25a: {  	v8 =	vpsel p1, v15, v8;
	v11 =	vadd.f32 v61, v11;
	v10 =	vadd.f32 v62, v10  }
0x25b: {  	v9 =	vadd.f32 v12, v9;
	v8 =	vadd.f32 v63, v8  }
.LBB2_50:
0x25c: {  	s2 =	sadd.s32 $0x8, s30  }
0x25d: {  	s7 =	smov.u32 s26;
	p1 =	slt.s32 s2, s26  }
0x25e: {  	s7 =	smov.u32 @p1 s2  }
0x25f: {  	s2 =	sld [smem:s7+$0x100];
	_ =	sdelay $0x2  }
0x260: {  	s2 =	sadd.s32 s6, s2  }
0x261: {  	p1 =	slt.s32 s2, $0x1E84  }
0x262: {  	s2 =	simm.s32 @!p1 $0x1E84  }
0x263: {  	s2 =	sshll.u32 s2, $0x7  }
0x264: {  	s2 =	sand.u32 $0x1FFFFF80, s2  }
0x265: {  	s2 =	sadd.s32 s3, s2  }
0x266: {  	[tilespmem:s17], [sflag:$0x1] =	stream.strided.gather [hbm4b:s2+s13], $0x2000, s14, s13, $0x38;
	[tilespmem:$0x1E900] =	vst v63  }
0x267: {  	s2 =	sadd.s32 $0x3, s30;
	_ =	swait.ge [sflag:s12], $0x2000  }
0x268: {  	s7 =	smov.u32 s26;
	p1 =	slt.s32 s2, s26;
	[sflag:s12] =	ssyncset.done $0x0  }
0x269: {  	s7 =	smov.u32 @p1 s2;
	[sflag:s12] =	ssyncadd.s32 $0xFFFFE000  }
0x26a: {  	s2 =	sld [smem:s7+$0x100];
	_ =	sdelay $0x2  }
0x26b: {  	s31 =	sld [smem:s2+$0x0];
	_ =	sdelay $0x2  }
0x26c: {  	p1 =	sle.s32 s31, s0  }
.Ltmp34:
0x26d: {  	_ = 	snop;
	(pc) =	sbr.rel @p1 .LBB2_57-.Ltmp34, $1  }
0x26e: {  	_ =	sdelay $0x3  }
0x26f: {  	s2 =	sshll.u32 s0, $0x2  }
0x270: {  	s2 =	sshra.s32 s2, $0x2  }
0x271: {  	s22 =	ssub.s32 s31, s0;
	s2 =	sadd.s32 $0x1800, s2  }
0x272: {  	p2 =	sne.s32 s22, $0x1;
	v12 =	vld [tilespmem:s2+$0x0]  }
.Ltmp35:
0x273: {  	_ = 	snop;
	(pc) =	sbr.rel @!p2 .LBB2_52-.Ltmp35, $2  }
0x274: {  	_ =	sdelay $0x2  }
0x275: {  	p1 =	por $0x0, $0x0;
	s22 =	sadd.s32 $0xFFFFFFFF, s22;
	(v2sf) =	vpush v12, $0x0  }
0x276: {  	_ =	sdelay $0xd  }
0x277: {  	s0 =	spop (v2sf)  }
0x278: {  	s7 =	sshll.u32 s0, $0x6  }
0x279: {  	s8 =	sand.u32 $0xFFC00, s7  }
0x27a: {  	s9 =	sand.u32 $0x380, s7;
	s8 =	sadd.s32 s8, s4  }
0x27b: {  	s8 =	sadd.s32 s9, s8  }
0x27c: {  	[tilespmem:s21], [sflag:$0x2] =	stream.linear.gather [spmem:s8], $0x80, $0x38;
	[tilespmem:$0x1E900] =	vst v63  }
0x27d: {  	_ =	swait.ge [sflag:s10], $0x80  }
0x27e: {  	s0 =	sshrl.u32 s0, $0xE;
	[sflag:s10] =	ssyncset.done $0x0  }
0x27f: {  	s7 =	sand.u32 $0x40, s7;
	s9 =	sand.u32 $0x7F, s0;
	[sflag:s10] =	ssyncadd.s32 $0xFFFFFF80  }
0x280: {  	v12 =	vor.u32 s9, v6;
	v16 =	vld [tilespmem:s7+$0xE800]  }
0x281: {  	v13 =	vor.u32 s9, v5;
	v17 =	vld [tilespmem:s7+$0xE820]  }
0x282: {  	s0 =	sadd.s32 $0x1, s2;
	v14 =	vor.u32 s9, v4;
	v18 =	vld [tilespmem:s7+$0xE810]  }
0x283: {  	p2 =	sne.s32 s22, $0x1;
	v15 =	vor.u32 s9, v1;
	v23 =	vld [tilespmem:s0+$0x0]  }
.Ltmp36:
0x284: {  	v19 =	vld [tilespmem:s7+$0xE830];
	(pc) =	sbr.rel @!p2 .LBB2_54-.Ltmp36, $4  }
0x285: {  	v20 =	vld.idx.msk [tilespmem:v12+s18+$0x0], $0xffff  }
0x286: {  	v21 =	vld.idx.msk [tilespmem:v13+s18+$0x0], $0xffff  }
0x287: {  	v22 =	vld.idx.msk [tilespmem:v14+s18+$0x0], $0xffff  }
0x288: {  	s22 =	sadd.s32 $0xFFFFFFFF, s22;
	p1 =	por $0x1, $0x1;
	v12 =	vmovc v11;
	v13 =	vmovc v10;
	v14 =	vmov v9;
	(v2sf) =	vpush v23, $0x0;
	v23 =	vld.idx.msk [tilespmem:v15+s18+$0x0], $0xffff;
	v15 =	vmov v8  }
.LBB2_55:
0x289: {  	_ = 	snop  }
0x28a: {  	p2 =	sne.s32 s22, $0x1;
	s22 =	sadd.s32 $0xFFFFFFFF, s22;
	_ =	sdelay $0x1  }
0x28b: {  	v19 =	vsub.f32 v19, v20;
	v17 =	vsub.f32 v17, v21  }
0x28c: {  	v18 =	vsub.f32 v18, v22  }
0x28d: {  	v19 =	vmul.f32 v19, v19;
	v16 =	vsub.f32 v16, v23;
	v17 =	vmul.f32 v17, v17  }
0x28e: {  	v18 =	vmul.f32 v18, v18  }
0x28f: {  	v13 =	vadd.f32 v19, v13;
	v16 =	vmul.f32 v16, v16;
	v12 =	vadd.f32 v17, v12  }
0x290: {  	v14 =	vadd.f32 v18, v14  }
0x291: {  	v15 =	vadd.f32 v16, v15;
	_ =	sdelay $0x4  }
0x292: {  	s2 =	spop (v2sf)  }
0x293: {  	s7 =	sshrl.u32 s2, $0xE;
	s2 =	sshll.u32 s2, $0x6  }
0x294: {  	s7 =	sand.u32 $0x7F, s7;
	s8 =	sand.u32 $0xFFC00, s2  }
0x295: {  	s9 =	sand.u32 $0x380, s2;
	s8 =	sadd.s32 s8, s4  }
0x296: {  	v20 =	vor.u32 s7, v6;
	s8 =	sadd.s32 s9, s8  }
0x297: {  	[tilespmem:s21], [sflag:$0x2] =	stream.linear.gather [spmem:s8], $0x80, $0x38;
	[tilespmem:$0x1E900] =	vst v63  }
0x298: {  	_ =	swait.ge [sflag:s10], $0x80  }
0x299: {  	v22 =	vor.u32 s7, v4;
	v21 =	vor.u32 s7, v5;
	[sflag:s10] =	ssyncset.done $0x0  }
0x29a: {  	s0 =	sadd.s32 $0x1, s0;
	s2 =	sand.u32 $0x40, s2;
	[sflag:s10] =	ssyncadd.s32 $0xFFFFFF80  }
0x29b: {  	v23 =	vor.u32 s7, v1;
	v16 =	vld [tilespmem:s2+$0xE800]  }
0x29c: {  	v17 =	vld [tilespmem:s2+$0xE820]  }
0x29d: {  	v18 =	vld [tilespmem:s2+$0xE810]  }
0x29e: {  	v24 =	vld [tilespmem:s0+$0x0]  }
.Ltmp37:
0x29f: {  	v19 =	vld [tilespmem:s2+$0xE830];
	(pc) =	sbr.rel @p2 .LBB2_55-.Ltmp37, $4  }
0x2a0: {  	v20 =	vld.idx.msk [tilespmem:v20+s18+$0x0], $0xffff  }
0x2a1: {  	v21 =	vld.idx.msk [tilespmem:v21+s18+$0x0], $0xffff  }
0x2a2: {  	v22 =	vld.idx.msk [tilespmem:v22+s18+$0x0], $0xffff  }
0x2a3: {  	(v2sf) =	vpush v24, $0x0;
	v23 =	vld.idx.msk [tilespmem:v23+s18+$0x0], $0xffff  }
.LBB2_56:
0x2a4: {  	_ =	sdelay $0xd  }
0x2a5: {  	s0 =	spop (v2sf)  }
0x2a6: {  	s2 =	sshll.u32 s0, $0x6  }
0x2a7: {  	s7 =	sand.u32 $0xFFC00, s2  }
0x2a8: {  	s8 =	sand.u32 $0x380, s2;
	s7 =	sadd.s32 s7, s4  }
0x2a9: {  	s7 =	sadd.s32 s8, s7  }
0x2aa: {  	[tilespmem:s21], [sflag:$0x2] =	stream.linear.gather [spmem:s7], $0x80, $0x38;
	[tilespmem:$0x1E900] =	vst v63  }
0x2ab: {  	s0 =	sshrl.u32 s0, $0xE;
	_ =	swait.ge [sflag:s10], $0x80  }
0x2ac: {  	s0 =	sand.u32 $0x7F, s0;
	[sflag:s10] =	ssyncset.done $0x0  }
0x2ad: {  	s2 =	sand.u32 $0x40, s2;
	v24 =	vor.u32 s0, v6;
	[sflag:s10] =	ssyncadd.s32 $0xFFFFFF80  }
0x2ae: {  	v25 =	vor.u32 s0, v5;
	v26 =	vld [tilespmem:s2+$0xE800]  }
0x2af: {  	v27 =	vor.u32 s0, v4;
	v28 =	vld [tilespmem:s2+$0xE820]  }
0x2b0: {  	v29 =	vor.u32 s0, v1;
	v30 =	vld [tilespmem:s2+$0xE810]  }
0x2b1: {  	v31 =	vld [tilespmem:s2+$0xE830]  }
0x2b2: {  	v24 =	vld.idx.msk [tilespmem:v24+s18+$0x0], $0xffff  }
0x2b3: {  	v19 =	vsub.f32 @p1 v19, v20;
	v17 =	vsub.f32 @p1 v17, v21;
	v54 =	vld.idx.msk [tilespmem:v25+s18+$0x0], $0xffff  }
0x2b4: {  	v18 =	vsub.f32 @p1 v18, v22;
	v16 =	vsub.f32 @p1 v16, v23;
	v55 =	vld.idx.msk [tilespmem:v27+s18+$0x0], $0xffff  }
0x2b5: {  	v19 =	vmul.f32 @p1 v19, v19;
	v17 =	vmul.f32 @p1 v17, v17;
	v56 =	vld.idx.msk [tilespmem:v29+s18+$0x0], $0xffff  }
0x2b6: {  	v18 =	vmul.f32 @p1 v18, v18;
	v16 =	vmul.f32 @p1 v16, v16  }
0x2b7: {  	v13 =	vadd.f32 @p1 v19, v13;
	v12 =	vadd.f32 @p1 v17, v12  }
0x2b8: {  	v14 =	vadd.f32 @p1 v18, v14;
	v15 =	vadd.f32 @p1 v16, v15  }
0x2b9: {  	v57 =	vsub.f32 v28, v54;
	v58 =	vsub.f32 v31, v24  }
0x2ba: {  	v10 =	vpsel p1, v13, v10;
	v59 =	vsub.f32 v30, v55;
	v60 =	vsub.f32 v26, v56  }
0x2bb: {  	v11 =	vpsel p1, v12, v11;
	v61 =	vmul.f32 v57, v57;
	v62 =	vmul.f32 v58, v58  }
0x2bc: {  	v9 =	vpsel p1, v14, v9;
	v12 =	vmul.f32 v59, v59;
	v63 =	vmul.f32 v60, v60  }
0x2bd: {  	v8 =	vpsel p1, v15, v8;
	v11 =	vadd.f32 v61, v11;
	v10 =	vadd.f32 v62, v10  }
0x2be: {  	v9 =	vadd.f32 v12, v9;
	v8 =	vadd.f32 v63, v8  }
.LBB2_57:
0x2bf: {  	s0 =	sadd.s32 $0x9, s30  }
0x2c0: {  	s2 =	smov.u32 s26;
	p1 =	slt.s32 s0, s26  }
0x2c1: {  	s2 =	smov.u32 @p1 s0  }
0x2c2: {  	s0 =	sld [smem:s2+$0x100];
	_ =	sdelay $0x2  }
0x2c3: {  	s0 =	sadd.s32 s6, s0  }
0x2c4: {  	p1 =	slt.s32 s0, $0x1E84  }
0x2c5: {  	s0 =	simm.s32 @!p1 $0x1E84  }
0x2c6: {  	s0 =	sshll.u32 s0, $0x7  }
0x2c7: {  	s0 =	sand.u32 $0x1FFFFF80, s0  }
0x2c8: {  	s0 =	sadd.s32 s3, s0  }
0x2c9: {  	[tilespmem:s18], [sflag:$0x1] =	stream.strided.gather [hbm4b:s0+s13], $0x2000, s14, s13, $0x38;
	[tilespmem:$0x1E900] =	vst v63  }
0x2ca: {  	s0 =	sadd.s32 $0x4, s30;
	_ =	swait.ge [sflag:s12], $0x2000  }
0x2cb: {  	s2 =	smov.u32 s26;
	p1 =	slt.s32 s0, s26;
	[sflag:s12] =	ssyncset.done $0x0  }
0x2cc: {  	s2 =	smov.u32 @p1 s0;
	[sflag:s12] =	ssyncadd.s32 $0xFFFFE000  }
0x2cd: {  	s0 =	sld [smem:s2+$0x100];
	_ =	sdelay $0x2  }
0x2ce: {  	s0 =	sld [smem:s0+$0x0];
	_ =	sdelay $0x2  }
0x2cf: {  	p1 =	sle.s32 s0, s31  }
.Ltmp38:
0x2d0: {  	_ = 	snop;
	(pc) =	sbr.rel @p1 .LBB2_64-.Ltmp38, $1  }
0x2d1: {  	_ =	sdelay $0x3  }
0x2d2: {  	s2 =	sshll.u32 s31, $0x2  }
0x2d3: {  	s2 =	sshra.s32 s2, $0x2  }
0x2d4: {  	s7 =	ssub.s32 s0, s31;
	s2 =	sadd.s32 $0x1800, s2  }
0x2d5: {  	p2 =	sne.s32 s7, $0x1;
	v12 =	vld [tilespmem:s2+$0x0]  }
.Ltmp39:
0x2d6: {  	_ = 	snop;
	(pc) =	sbr.rel @!p2 .LBB2_59-.Ltmp39, $2  }
0x2d7: {  	_ =	sdelay $0x2  }
0x2d8: {  	p1 =	por $0x0, $0x0;
	s22 =	sadd.s32 $0xFFFFFFFF, s7;
	(v2sf) =	vpush v12, $0x0  }
0x2d9: {  	_ =	sdelay $0xd  }
0x2da: {  	s7 =	spop (v2sf)  }
0x2db: {  	s8 =	sshll.u32 s7, $0x6  }
0x2dc: {  	s9 =	sand.u32 $0xFFC00, s8  }
0x2dd: {  	s31 =	sand.u32 $0x380, s8;
	s9 =	sadd.s32 s9, s4  }
0x2de: {  	s9 =	sadd.s32 s31, s9  }
0x2df: {  	[tilespmem:s21], [sflag:$0x2] =	stream.linear.gather [spmem:s9], $0x80, $0x38;
	[tilespmem:$0x1E900] =	vst v63  }
0x2e0: {  	_ =	swait.ge [sflag:s10], $0x80  }
0x2e1: {  	s7 =	sshrl.u32 s7, $0xE;
	[sflag:s10] =	ssyncset.done $0x0  }
0x2e2: {  	s7 =	sand.u32 $0x7F, s7;
	s8 =	sand.u32 $0x40, s8;
	[sflag:s10] =	ssyncadd.s32 $0xFFFFFF80  }
0x2e3: {  	v12 =	vor.u32 s7, v6;
	v16 =	vld [tilespmem:s8+$0xE800]  }
0x2e4: {  	v13 =	vor.u32 s7, v5;
	v17 =	vld [tilespmem:s8+$0xE820]  }
0x2e5: {  	v14 =	vor.u32 s7, v4;
	s31 =	sadd.s32 $0x1, s2;
	v18 =	vld [tilespmem:s8+$0xE810]  }
0x2e6: {  	p2 =	sne.s32 s22, $0x1;
	v15 =	vor.u32 s7, v1;
	v23 =	vld [tilespmem:s31+$0x0]  }
.Ltmp40:
0x2e7: {  	v19 =	vld [tilespmem:s8+$0xE830];
	(pc) =	sbr.rel @!p2 .LBB2_61-.Ltmp40, $4  }
0x2e8: {  	v20 =	vld.idx.msk [tilespmem:v12+s19+$0x0], $0xffff  }
0x2e9: {  	v21 =	vld.idx.msk [tilespmem:v13+s19+$0x0], $0xffff  }
0x2ea: {  	v22 =	vld.idx.msk [tilespmem:v14+s19+$0x0], $0xffff  }
0x2eb: {  	s22 =	sadd.s32 $0xFFFFFFFF, s22;
	p1 =	por $0x1, $0x1;
	v12 =	vmovc v11;
	v13 =	vmovc v10;
	v14 =	vmov v9;
	(v2sf) =	vpush v23, $0x0;
	v23 =	vld.idx.msk [tilespmem:v15+s19+$0x0], $0xffff;
	v15 =	vmov v8  }
.LBB2_62:
0x2ec: {  	_ = 	snop  }
0x2ed: {  	p2 =	sne.s32 s22, $0x1;
	s22 =	sadd.s32 $0xFFFFFFFF, s22;
	_ =	sdelay $0x1  }
0x2ee: {  	v19 =	vsub.f32 v19, v20;
	v17 =	vsub.f32 v17, v21  }
0x2ef: {  	v18 =	vsub.f32 v18, v22  }
0x2f0: {  	v19 =	vmul.f32 v19, v19;
	v16 =	vsub.f32 v16, v23;
	v17 =	vmul.f32 v17, v17  }
0x2f1: {  	v18 =	vmul.f32 v18, v18  }
0x2f2: {  	v13 =	vadd.f32 v19, v13;
	v16 =	vmul.f32 v16, v16;
	v12 =	vadd.f32 v17, v12  }
0x2f3: {  	v14 =	vadd.f32 v18, v14  }
0x2f4: {  	v15 =	vadd.f32 v16, v15;
	_ =	sdelay $0x4  }
0x2f5: {  	s2 =	spop (v2sf)  }
0x2f6: {  	s7 =	sshrl.u32 s2, $0xE;
	s2 =	sshll.u32 s2, $0x6  }
0x2f7: {  	s7 =	sand.u32 $0x7F, s7;
	s8 =	sand.u32 $0xFFC00, s2  }
0x2f8: {  	s9 =	sand.u32 $0x380, s2;
	s8 =	sadd.s32 s8, s4  }
0x2f9: {  	v20 =	vor.u32 s7, v6;
	s8 =	sadd.s32 s9, s8  }
0x2fa: {  	[tilespmem:s21], [sflag:$0x2] =	stream.linear.gather [spmem:s8], $0x80, $0x38;
	[tilespmem:$0x1E900] =	vst v63  }
0x2fb: {  	_ =	swait.ge [sflag:s10], $0x80  }
0x2fc: {  	v22 =	vor.u32 s7, v4;
	v21 =	vor.u32 s7, v5;
	[sflag:s10] =	ssyncset.done $0x0  }
0x2fd: {  	s31 =	sadd.s32 $0x1, s31;
	s2 =	sand.u32 $0x40, s2;
	[sflag:s10] =	ssyncadd.s32 $0xFFFFFF80  }
0x2fe: {  	v23 =	vor.u32 s7, v1;
	v16 =	vld [tilespmem:s2+$0xE800]  }
0x2ff: {  	v17 =	vld [tilespmem:s2+$0xE820]  }
0x300: {  	v18 =	vld [tilespmem:s2+$0xE810]  }
0x301: {  	v24 =	vld [tilespmem:s31+$0x0]  }
.Ltmp41:
0x302: {  	v19 =	vld [tilespmem:s2+$0xE830];
	(pc) =	sbr.rel @p2 .LBB2_62-.Ltmp41, $4  }
0x303: {  	v20 =	vld.idx.msk [tilespmem:v20+s19+$0x0], $0xffff  }
0x304: {  	v21 =	vld.idx.msk [tilespmem:v21+s19+$0x0], $0xffff  }
0x305: {  	v22 =	vld.idx.msk [tilespmem:v22+s19+$0x0], $0xffff  }
0x306: {  	(v2sf) =	vpush v24, $0x0;
	v23 =	vld.idx.msk [tilespmem:v23+s19+$0x0], $0xffff  }
.LBB2_63:
0x307: {  	_ =	sdelay $0xd  }
0x308: {  	s2 =	spop (v2sf)  }
0x309: {  	s7 =	sshll.u32 s2, $0x6  }
0x30a: {  	s8 =	sand.u32 $0xFFC00, s7  }
0x30b: {  	s9 =	sand.u32 $0x380, s7;
	s8 =	sadd.s32 s8, s4  }
0x30c: {  	s8 =	sadd.s32 s9, s8  }
0x30d: {  	[tilespmem:s21], [sflag:$0x2] =	stream.linear.gather [spmem:s8], $0x80, $0x38;
	[tilespmem:$0x1E900] =	vst v63  }
0x30e: {  	s2 =	sshrl.u32 s2, $0xE;
	_ =	swait.ge [sflag:s10], $0x80  }
0x30f: {  	s2 =	sand.u32 $0x7F, s2;
	[sflag:s10] =	ssyncset.done $0x0  }
0x310: {  	s7 =	sand.u32 $0x40, s7;
	v24 =	vor.u32 s2, v6;
	[sflag:s10] =	ssyncadd.s32 $0xFFFFFF80  }
0x311: {  	v25 =	vor.u32 s2, v5;
	v26 =	vld [tilespmem:s7+$0xE800]  }
0x312: {  	v27 =	vor.u32 s2, v4;
	v28 =	vld [tilespmem:s7+$0xE820]  }
0x313: {  	v29 =	vor.u32 s2, v1;
	v30 =	vld [tilespmem:s7+$0xE810]  }
0x314: {  	v31 =	vld [tilespmem:s7+$0xE830]  }
0x315: {  	v24 =	vld.idx.msk [tilespmem:v24+s19+$0x0], $0xffff  }
0x316: {  	v19 =	vsub.f32 @p1 v19, v20;
	v17 =	vsub.f32 @p1 v17, v21;
	v54 =	vld.idx.msk [tilespmem:v25+s19+$0x0], $0xffff  }
0x317: {  	v18 =	vsub.f32 @p1 v18, v22;
	v16 =	vsub.f32 @p1 v16, v23;
	v55 =	vld.idx.msk [tilespmem:v27+s19+$0x0], $0xffff  }
0x318: {  	v19 =	vmul.f32 @p1 v19, v19;
	v17 =	vmul.f32 @p1 v17, v17;
	v56 =	vld.idx.msk [tilespmem:v29+s19+$0x0], $0xffff  }
0x319: {  	v18 =	vmul.f32 @p1 v18, v18;
	v16 =	vmul.f32 @p1 v16, v16  }
0x31a: {  	v13 =	vadd.f32 @p1 v19, v13;
	v12 =	vadd.f32 @p1 v17, v12  }
0x31b: {  	v14 =	vadd.f32 @p1 v18, v14;
	v15 =	vadd.f32 @p1 v16, v15  }
0x31c: {  	v57 =	vsub.f32 v28, v54;
	v58 =	vsub.f32 v31, v24  }
0x31d: {  	v10 =	vpsel p1, v13, v10;
	v59 =	vsub.f32 v30, v55;
	v60 =	vsub.f32 v26, v56  }
0x31e: {  	v11 =	vpsel p1, v12, v11;
	v61 =	vmul.f32 v57, v57;
	v62 =	vmul.f32 v58, v58  }
0x31f: {  	v9 =	vpsel p1, v14, v9;
	v12 =	vmul.f32 v59, v59;
	v63 =	vmul.f32 v60, v60  }
0x320: {  	v8 =	vpsel p1, v15, v8;
	v11 =	vadd.f32 v61, v11;
	v10 =	vadd.f32 v62, v10  }
0x321: {  	v9 =	vadd.f32 v12, v9;
	v8 =	vadd.f32 v63, v8  }
.LBB2_64:
0x322: {  	s2 =	sadd.s32 $0xA, s30  }
0x323: {  	s7 =	smov.u32 s26;
	p1 =	slt.s32 s2, s26  }
0x324: {  	s7 =	smov.u32 @p1 s2  }
0x325: {  	s2 =	sld [smem:s7+$0x100];
	_ =	sdelay $0x2  }
0x326: {  	s2 =	sadd.s32 s6, s2  }
0x327: {  	p1 =	slt.s32 s2, $0x1E84  }
0x328: {  	s2 =	simm.s32 @!p1 $0x1E84  }
0x329: {  	s2 =	sshll.u32 s2, $0x7  }
0x32a: {  	s2 =	sand.u32 $0x1FFFFF80, s2  }
0x32b: {  	s2 =	sadd.s32 s3, s2  }
0x32c: {  	[tilespmem:s19], [sflag:$0x1] =	stream.strided.gather [hbm4b:s2+s13], $0x2000, s14, s13, $0x38;
	[tilespmem:$0x1E900] =	vst v63  }
0x32d: {  	s2 =	sadd.s32 $0x5, s30;
	_ =	swait.ge [sflag:s12], $0x2000  }
0x32e: {  	s7 =	smov.u32 s26;
	p1 =	slt.s32 s2, s26;
	[sflag:s12] =	ssyncset.done $0x0  }
0x32f: {  	s7 =	smov.u32 @p1 s2;
	[sflag:s12] =	ssyncadd.s32 $0xFFFFE000  }
0x330: {  	s2 =	sld [smem:s7+$0x100];
	_ =	sdelay $0x2  }
0x331: {  	s31 =	sld [smem:s2+$0x0];
	_ =	sdelay $0x2  }
0x332: {  	p1 =	sle.s32 s31, s0  }
.Ltmp42:
0x333: {  	_ = 	snop;
	(pc) =	sbr.rel @p1 .LBB2_71-.Ltmp42, $1  }
0x334: {  	_ =	sdelay $0x3  }
0x335: {  	s2 =	sshll.u32 s0, $0x2  }
0x336: {  	s2 =	sshra.s32 s2, $0x2  }
0x337: {  	s2 =	sadd.s32 $0x1800, s2  }
0x338: {  	v12 =	vld [tilespmem:s2+$0x0];
	_ =	sdelay $0x3  }
0x339: {  	s22 =	ssub.s32 s31, s0  }
0x33a: {  	p2 =	sne.s32 s22, $0x1;
	(v2sf) =	vpush v12, $0x0  }
.Ltmp43:
0x33b: {  	_ = 	snop;
	(pc) =	sbr.rel @!p2 .LBB2_66-.Ltmp43, $2  }
0x33c: {  	_ =	sdelay $0x2  }
0x33d: {  	p1 =	por $0x0, $0x0;
	s22 =	sadd.s32 $0xFFFFFFFF, s22  }
0x33e: {  	_ =	sdelay $0x8  }
0x33f: {  	s0 =	spop (v2sf)  }
0x340: {  	s7 =	sshll.u32 s0, $0x6  }
0x341: {  	s8 =	sand.u32 $0xFFC00, s7  }
0x342: {  	s9 =	sand.u32 $0x380, s7;
	s8 =	sadd.s32 s8, s4  }
0x343: {  	s8 =	sadd.s32 s9, s8  }
0x344: {  	[tilespmem:s21], [sflag:$0x2] =	stream.linear.gather [spmem:s8], $0x80, $0x38;
	[tilespmem:$0x1E900] =	vst v63  }
0x345: {  	_ =	swait.ge [sflag:s10], $0x80  }
0x346: {  	s0 =	sshrl.u32 s0, $0xE;
	[sflag:s10] =	ssyncset.done $0x0  }
0x347: {  	s9 =	sand.u32 $0x7F, s0;
	s0 =	sadd.s32 $0x1, s2;
	[sflag:s10] =	ssyncadd.s32 $0xFFFFFF80  }
0x348: {  	v23 =	vld [tilespmem:s0+$0x0];
	_ =	sdelay $0x1  }
0x349: {  	s7 =	sand.u32 $0x40, s7;
	v12 =	vor.u32 s9, v6  }
0x34a: {  	v13 =	vor.u32 s9, v5;
	v16 =	vld [tilespmem:s7+$0xE800]  }
0x34b: {  	v14 =	vor.u32 s9, v4;
	v17 =	vld [tilespmem:s7+$0xE820]  }
0x34c: {  	p2 =	sne.s32 s22, $0x1;
	v15 =	vor.u32 s9, v1;
	v18 =	vld [tilespmem:s7+$0xE810];
	(v2sf) =	vpush v23, $0x0  }
.Ltmp44:
0x34d: {  	v19 =	vld [tilespmem:s7+$0xE830];
	(pc) =	sbr.rel @!p2 .LBB2_68-.Ltmp44, $4  }
0x34e: {  	v20 =	vld.idx.msk [tilespmem:v12+s20+$0x0], $0xffff  }
0x34f: {  	v21 =	vld.idx.msk [tilespmem:v13+s20+$0x0], $0xffff  }
0x350: {  	v22 =	vld.idx.msk [tilespmem:v14+s20+$0x0], $0xffff  }
0x351: {  	s22 =	sadd.s32 $0xFFFFFFFF, s22;
	p1 =	por $0x1, $0x1;
	v12 =	vmovc v11;
	v13 =	vmov v10;
	v14 =	vmov v9;
	v23 =	vld.idx.msk [tilespmem:v15+s20+$0x0], $0xffff;
	v15 =	vmov v8  }
.LBB2_69:
0x352: {  	p2 =	sne.s32 s22, $0x1;
	s22 =	sadd.s32 $0xFFFFFFFF, s22;
	_ =	sdelay $0x1  }
0x353: {  	v17 =	vsub.f32 v17, v21;
	v19 =	vsub.f32 v19, v20  }
0x354: {  	v18 =	vsub.f32 v18, v22  }
0x355: {  	v16 =	vsub.f32 v16, v23;
	v17 =	vmul.f32 v17, v17;
	v19 =	vmul.f32 v19, v19  }
0x356: {  	v18 =	vmul.f32 v18, v18  }
0x357: {  	v16 =	vmul.f32 v16, v16;
	v12 =	vadd.f32 v17, v12;
	v13 =	vadd.f32 v19, v13  }
0x358: {  	v14 =	vadd.f32 v18, v14  }
0x359: {  	v15 =	vadd.f32 v16, v15;
	_ =	sdelay $0x4  }
0x35a: {  	s2 =	spop (v2sf)  }
0x35b: {  	s7 =	sshrl.u32 s2, $0xE;
	s2 =	sshll.u32 s2, $0x6  }
0x35c: {  	s7 =	sand.u32 $0x7F, s7;
	s8 =	sand.u32 $0xFFC00, s2  }
0x35d: {  	s9 =	sand.u32 $0x380, s2;
	s8 =	sadd.s32 s8, s4  }
0x35e: {  	v20 =	vor.u32 s7, v6;
	s8 =	sadd.s32 s9, s8  }
0x35f: {  	[tilespmem:s21], [sflag:$0x2] =	stream.linear.gather [spmem:s8], $0x80, $0x38;
	[tilespmem:$0x1E900] =	vst v63  }
0x360: {  	_ =	swait.ge [sflag:s10], $0x80  }
0x361: {  	v22 =	vor.u32 s7, v4;
	v21 =	vor.u32 s7, v5;
	[sflag:s10] =	ssyncset.done $0x0  }
0x362: {  	s0 =	sadd.s32 $0x1, s0;
	s2 =	sand.u32 $0x40, s2;
	[sflag:s10] =	ssyncadd.s32 $0xFFFFFF80  }
0x363: {  	v23 =	vor.u32 s7, v1;
	v16 =	vld [tilespmem:s2+$0xE800]  }
0x364: {  	v17 =	vld [tilespmem:s2+$0xE820]  }
0x365: {  	v18 =	vld [tilespmem:s2+$0xE810]  }
0x366: {  	v24 =	vld [tilespmem:s0+$0x0]  }
.Ltmp45:
0x367: {  	v19 =	vld [tilespmem:s2+$0xE830];
	(pc) =	sbr.rel @p2 .LBB2_69-.Ltmp45, $4  }
0x368: {  	v20 =	vld.idx.msk [tilespmem:v20+s20+$0x0], $0xffff  }
0x369: {  	v21 =	vld.idx.msk [tilespmem:v21+s20+$0x0], $0xffff  }
0x36a: {  	v22 =	vld.idx.msk [tilespmem:v22+s20+$0x0], $0xffff  }
0x36b: {  	(v2sf) =	vpush v24, $0x0;
	v23 =	vld.idx.msk [tilespmem:v23+s20+$0x0], $0xffff  }
.Ltmp46:
0x36c: {  	_ = 	snop;
	(pc) =	sbr.rel .LBB2_70-.Ltmp46, $1  }
0x36d: {  	_ =	sdelay $0x3  }
.LBB2_31:
.Ltmp47:
0x36e: {  	(pc) =	sbr.rel .LBB2_35-.Ltmp47, $2  }
0x36f: {  	_ =	sdelay $0x2  }
0x370: {  	v12 =	vmovc v11;
	v13 =	vmov v10;
	v14 =	vmov v9;
	v15 =	vmov v8  }
.LBB2_38:
.Ltmp48:
0x371: {  	(pc) =	sbr.rel .LBB2_42-.Ltmp48, $2  }
0x372: {  	_ =	sdelay $0x2  }
0x373: {  	v12 =	vmovc v11;
	v13 =	vmov v10;
	v14 =	vmov v9;
	v15 =	vmov v8  }
.LBB2_45:
.Ltmp49:
0x374: {  	(pc) =	sbr.rel .LBB2_49-.Ltmp49, $2  }
0x375: {  	_ =	sdelay $0x2  }
0x376: {  	v12 =	vmovc v11;
	v13 =	vmov v10;
	v14 =	vmov v9;
	v15 =	vmov v8  }
.LBB2_52:
.Ltmp50:
0x377: {  	(pc) =	sbr.rel .LBB2_56-.Ltmp50, $2  }
0x378: {  	_ =	sdelay $0x2  }
0x379: {  	v12 =	vmovc v11;
	v13 =	vmov v10;
	v14 =	vmov v9;
	v15 =	vmov v8  }
.LBB2_59:
.Ltmp51:
0x37a: {  	(pc) =	sbr.rel .LBB2_63-.Ltmp51, $2  }
0x37b: {  	_ =	sdelay $0x2  }
0x37c: {  	v12 =	vmovc v11;
	v13 =	vmov v10;
	v14 =	vmov v9;
	v15 =	vmov v8  }
.LBB2_33:
.Ltmp52:
0x37d: {  	(pc) =	sbr.rel .LBB2_35-.Ltmp52, $2  }
0x37e: {  	_ =	sdelay $0x2  }
0x37f: {  	v12 =	vmovc v11;
	v13 =	vmov v10;
	v14 =	vmov v9;
	v15 =	vmov v8  }
.LBB2_40:
.Ltmp53:
0x380: {  	(pc) =	sbr.rel .LBB2_42-.Ltmp53, $2  }
0x381: {  	_ =	sdelay $0x2  }
0x382: {  	v12 =	vmovc v11;
	v13 =	vmov v10;
	v14 =	vmov v9;
	v15 =	vmov v8  }
.LBB2_47:
.Ltmp54:
0x383: {  	(pc) =	sbr.rel .LBB2_49-.Ltmp54, $2  }
0x384: {  	_ =	sdelay $0x2  }
0x385: {  	v12 =	vmovc v11;
	v13 =	vmov v10;
	v14 =	vmov v9;
	v15 =	vmov v8  }
.LBB2_54:
.Ltmp55:
0x386: {  	(pc) =	sbr.rel .LBB2_56-.Ltmp55, $2  }
0x387: {  	_ =	sdelay $0x2  }
0x388: {  	v12 =	vmovc v11;
	v13 =	vmov v10;
	v14 =	vmov v9;
	v15 =	vmov v8  }
.LBB2_61:
.Ltmp56:
0x389: {  	(pc) =	sbr.rel .LBB2_63-.Ltmp56, $2  }
0x38a: {  	_ =	sdelay $0x2  }
0x38b: {  	v12 =	vmovc v11;
	v13 =	vmov v10;
	v14 =	vmov v9;
	v15 =	vmov v8  }
.LBB2_68:
.Ltmp57:
0x38c: {  	(pc) =	sbr.rel .LBB2_70-.Ltmp57, $2  }
0x38d: {  	_ =	sdelay $0x2  }
0x38e: {  	v12 =	vmovc v11;
	v13 =	vmov v10;
	v14 =	vmov v9;
	v15 =	vmov v8  }
.LBB2_10:
.Ltmp58:
0x38f: {  	(pc) =	sbr.rel .LBB2_19-.Ltmp58, $2  }
0x390: {  	_ =	sdelay $0x2  }
0x391: {  	_ = 	snop  }
.LBB2_12:
.Ltmp59:
0x392: {  	(pc) =	sbr.rel .LBB2_19-.Ltmp59, $2  }
0x393: {  	_ =	sdelay $0x2  }
0x394: {  	_ = 	snop  }
.LBB2_14:
.Ltmp60:
0x395: {  	(pc) =	sbr.rel .LBB2_19-.Ltmp60, $2  }
0x396: {  	_ =	sdelay $0x3  }
0x397: {  	_ = 	snop  }
.LBB2_16:
.Ltmp61:
0x398: {  	(pc) =	sbr.rel .LBB2_19-.Ltmp61, $1  }
0x399: {  	_ =	sdelay $0x3  }
.LBB2_74:
0x39a: {  	_ =	sfence.sel $0x180000  }
0x39b: {  	[bflag:$0x0] =	sbarrier.arrive $0xFFFF  }
0x39c: {  	_ =	strace $0x90000047  }
0x39d: {  	[bflag:$0x2] =	sbarrier.arrive $0xFFFF  }
0x39e: {  	s0 =	rddreg [dreg:$0x4]  }
0x39f: {  	s0 =	sadd.s32 @!p0 $0x100000, s0  }
0x3a0: {  	[sflag:s0] =	ssyncadd.tile.s32 @!p0 $0x1;
	_ =	shalt  }
.Lfunc_end2:
_tile_overlayer_lowered:
.L_overlay_start_2:
0x3a1: {  	(tag) =	ssettag $0x2  }
0x3a2: {  	s0 =	rddreg [dreg:$0x0];
	s2 =	stileid.u32  }
0x3a3: {  	s1 =	rddreg [dreg:$0x1];
	p0 =	sne.s32 s2, $0x0  }
0x3a4: {  	s3 =	rddreg [dreg:$0x2];
	[bflag:$0x3] =	sbarrier.arrive $0xFFFF;
	s2 =	simm.s32 @!p0 $0x1C02  }
0x3a5: {  	[timem:s3], [sflag:s2] =	dma.local @!p0 [hbm:s0], s1  }
0x3a6: {  	s0 =	simm.s32 @!p0 $0x2  }
0x3a7: {  	_ =	swait.ge @!p0 [sflag:s0], s1  }
0x3a8: {  	s1 =	ssub.s32 @!p0 $0x0, s1;
	[sflag:s0] =	ssyncset.done @!p0 $0x0  }
0x3a9: {  	[sflag:s0] =	ssyncadd.s32 @!p0 s1  }
0x3aa: {  	[bflag:$0x3] =	sbarrier.arrive $0xFFFF  }
0x3ab: {  	_ =	shalt  }

</sc_bundles>
